<compile_context>
chip_gen: v7x
topology: tpu7x:2x2x1
jax: 0.10.2.dev20260603
libtpu: 0.0.44.dev20260713+nightly
codegen_flags: <defaults>
</compile_context>

<pallas_src>
import functools

import jax
import jax.numpy as jnp
import numpy as np
from jax import lax
from jax.experimental import pallas as pl
from jax.experimental.pallas import tpu as pltpu
from jax.experimental.pallas import tpu_sc as plsc

N_RADIAL = 5
N_ANGULAR = 8
RADIUS = 0.1
TEMPLATE_SCALE = 0.75
K = 16
V = 4096
B = 2
NT = N_RADIAL * N_ANGULAR * 3
BLK = 256
NUM_BLKS = V // BLK
NW = 32
VPW = V // NW


def _template_points():
    radius = TEMPLATE_SCALE * RADIUS
    radii = radius * (np.arange(1, N_RADIAL + 1, dtype=np.float32) / N_RADIAL)
    angles = np.linspace(0.0, 2.0 * np.pi, N_ANGULAR,
                         endpoint=False).astype(np.float32)
    r = radii[:, None]
    a = angles[None, :]
    t = np.stack([r * np.cos(a), r * np.sin(a)], axis=-1).astype(np.float32)
    return t.reshape(N_RADIAL * N_ANGULAR, 2)


def _knn_kernel(d2_ref, out_ref):
    d2 = d2_ref[0]
    iota0 = lax.broadcasted_iota(jnp.int32, (V, BLK), 0)
    inf = jnp.float32(jnp.inf)
    for k in range(K):
        m = jnp.min(d2, axis=0, keepdims=True)
        imin = jnp.min(jnp.where(d2 == m, iota0, V), axis=0, keepdims=True)
        out_ref[0, pl.ds(k, 1), :] = imin
        d2 = jnp.where(iota0 == imin, inf, d2)


def _run_knn(d2t):
    return pl.pallas_call(
        _knn_kernel,
        grid=(B, NUM_BLKS),
        in_specs=[pl.BlockSpec((1, V, BLK), lambda b, i: (b, 0, i))],
        out_specs=pl.BlockSpec((1, K, BLK), lambda b, i: (b, 0, i)),
        out_shape=jax.ShapeDtypeStruct((B, K, V), jnp.int32),
    )(d2t)


def _projections(nb):
    d = jnp.sqrt(jnp.sum(nb ** 2, axis=-1) + 1e-16)
    w = jax.nn.relu(RADIUS - d)
    cov = jnp.einsum('vn,vni,vnj->vij', w, nb, nb)
    cov = cov / (jnp.sum(w, axis=-1)[:, None, None] + 1e-12)
    cov = cov + 1e-8 * jnp.eye(3, dtype=cov.dtype)
    _, evecs = jnp.linalg.eigh(cov)
    normal = evecs[..., 0]
    x_ax = evecs[..., 2]
    y_ax = evecs[..., 1]
    lrfs = jnp.stack([normal, x_ax, y_ax], axis=1)
    normals = lrfs[:, 0, :]
    scaled = (nb @ normals[:, :, None]) * normals[:, None, :]
    proj = nb - scaled
    proj = jnp.einsum('vij,vnj->vni',
                      jnp.linalg.inv(jnp.transpose(lrfs, (0, 2, 1))),
                      proj)[:, :, 1:]
    nrm = jnp.sqrt(jnp.sum(nb ** 2, axis=-1) + 1e-16)[..., None]
    proj = proj / jnp.sqrt(jnp.maximum(
        jnp.sum(proj * proj, axis=-1, keepdims=True), 1e-12))
    return nrm * proj


def _match_kernel(px_ref, py_ref, out_ref):
    ppx = px_ref[0]
    ppy = py_ref[0]
    iota = lax.broadcasted_iota(jnp.int32, (BLK, K), 1)
    inf = jnp.float32(jnp.inf)
    tpl = _template_points()
    for p in range(tpl.shape[0]):
        tx = float(tpl[p, 0])
        ty = float(tpl[p, 1])
        dx = tx - ppx
        dy = ty - ppy
        dist = jnp.sqrt(dx * dx + dy * dy + 1e-16)
        for slot in range(3):
            m = jnp.min(dist, axis=1, keepdims=True)
            imin = jnp.min(jnp.where(dist == m, iota, K), axis=1,
                           keepdims=True)
            out_ref[0, :, pl.ds(p * 3 + slot, 1)] = imin
            dist = jnp.where(iota == imin, inf, dist)


def _run_match(px, py):
    return pl.pallas_call(
        _match_kernel,
        grid=(B, NUM_BLKS),
        in_specs=[
            pl.BlockSpec((1, BLK, K), lambda b, i: (b, i, 0)),
            pl.BlockSpec((1, BLK, K), lambda b, i: (b, i, 0)),
        ],
        out_specs=pl.BlockSpec((1, BLK, NT), lambda b, i: (b, i, 0)),
        out_shape=jax.ShapeDtypeStruct((B, V, NT), jnp.int32),
    )(px, py)


def _sc_pid_body(idx_hbm, cls_hbm, out_hbm, ibuf, cbuf, pbuf):
    wid = lax.axis_index("s") * 2 + lax.axis_index("c")
    lane = lax.iota(jnp.int32, 16)
    for b in range(B):
        pltpu.sync_copy(idx_hbm.at[pl.ds((b * V + wid * VPW) * K, VPW * K)],
                        ibuf)
        pltpu.sync_copy(cls_hbm.at[pl.ds((b * V + wid * VPW) * NT, VPW * NT)],
                        cbuf)

        def body(m, carry):
            base = m * NT
            tb = m * K
            for off in (0, 16, 32, 48, 64, 80, 96, NT - 16):
                cvec = cbuf[pl.ds(base + off, 16)]
                got = plsc.load_gather(ibuf, [cvec + tb])
                pbuf[pl.ds(base + off, 16)] = got
            return carry

        lax.fori_loop(0, VPW, body, 0)
        pltpu.sync_copy(pbuf,
                        out_hbm.at[pl.ds((b * V + wid * VPW) * NT, VPW * NT)])


def _run_sc_pid(idx_flat, cls_flat):
    mesh = plsc.VectorSubcoreMesh(core_axis_name="c", subcore_axis_name="s")
    kern = functools.partial(
        pl.kernel,
        mesh=mesh,
        compiler_params=pltpu.CompilerParams(needs_layout_passes=False),
        out_type=jax.ShapeDtypeStruct((B * V * NT,), jnp.int32),
        scratch_types=[
            pltpu.VMEM((VPW * K,), jnp.int32),
            pltpu.VMEM((VPW * NT,), jnp.int32),
            pltpu.VMEM((VPW * NT,), jnp.int32),
        ],
    )(_sc_pid_body)
    return kern(idx_flat, cls_flat)


def kernel(vertices):
    verts = vertices.astype(jnp.float32)

    def _d2(v):
        sq = jnp.sum(v * v, axis=-1)
        return sq[:, None] + sq[None, :] - 2.0 * (v @ v.T)

    d2t = jnp.transpose(jax.vmap(_d2)(verts), (0, 2, 1))
    idx = _run_knn(d2t)
    idx_vmaj = jnp.transpose(idx, (0, 2, 1))

    nb = jax.vmap(lambda v, i: v[i] - v[:, None, :])(verts, idx_vmaj)
    proj = jax.vmap(_projections)(nb)

    out120 = _run_match(proj[..., 0], proj[..., 1])
    closest = jnp.transpose(
        out120.reshape(B, V, N_RADIAL, N_ANGULAR, 3),
        (0, 1, 4, 2, 3))

    pid_flat = _run_sc_pid(idx_vmaj.reshape(B * V * K),
                           out120.reshape(B * V * NT))
    pid = pid_flat.reshape(B, V, N_RADIAL, N_ANGULAR, 3).astype(jnp.float32)

    template = jnp.asarray(
        _template_points().reshape(N_RADIAL, N_ANGULAR, 2))

    def _finish(projections, cls, pidv):
        vi = jnp.arange(V)[:, None, None, None]
        proj_g = projections[vi, cls]
        v0 = proj_g[:, 2] - proj_g[:, 0]
        v1 = proj_g[:, 1] - proj_g[:, 0]
        v2 = template[None] - proj_g[:, 0]
        dot00 = jnp.einsum('vrai,vrai->vra', v0, v0)
        dot01 = jnp.einsum('vrai,vrai->vra', v0, v1)
        dot02 = jnp.einsum('vrai,vrai->vra', v0, v2)
        dot11 = jnp.einsum('vrai,vrai->vra', v1, v1)
        dot12 = jnp.einsum('vrai,vrai->vra', v1, v2)
        denom = dot00 * dot11 - dot01 * dot01 + 1e-12
        p2 = (dot11 * dot02 - dot01 * dot12) / denom
        p1 = (dot00 * dot12 - dot01 * dot02) / denom
        p0 = 1.0 - p2 - p1
        weights = jnp.stack([p2, p1, p0], axis=-1)
        return jnp.stack([pidv, weights], axis=-1)

    return jax.vmap(_finish)(proj, closest, pid)

# --- scband reference (transcript-rebuilt; emitter-appended) ---
"""Pipeline reference for scband-barycentric-coordinates-2199023256226 (READ-ONLY COPY).

The authoritative reference and input builder live on the scoring server;
editing this copy changes nothing except your own understanding.
"""

import jax, jax.numpy as jnp
import numpy as np

N_RADIAL = 5
N_ANGULAR = 8
RADIUS = 0.1
TEMPLATE_SCALE = 0.75
K_NEIGHBORS = 16


def create_template_matrix(n_radial, n_angular, radius):
    radii = radius * (np.arange(1, n_radial + 1, dtype=np.float32) / n_radial)
    angles = np.linspace(0.0, 2.0 * np.pi, n_angular, endpoint=False).astype(np.float32)
    r = radii[:, None]
    a = angles[None, :]
    return np.stack([r * np.cos(a), r * np.sin(a)], axis=-1).astype(np.float32)


def l2_normalize(x, eps=1e-12):
    return x / jnp.sqrt(jnp.maximum(jnp.sum(x * x, axis=-1, keepdims=True), eps))


def group_neighborhoods(vertices, radius, k=K_NEIGHBORS):
    sq = jnp.sum(vertices * vertices, axis=-1)
    d2 = sq[:, None] + sq[None, :] - 2.0 * (vertices @ vertices.T)
    _, idx = jax.lax.top_k(-d2, k)
    neighborhoods = vertices[idx] - vertices[:, None, :]
    return neighborhoods, idx


def shot_lrf(neighborhoods, radius):
    d = jnp.sqrt(jnp.sum(neighborhoods ** 2, axis=-1) + 1e-16)
    w = jax.nn.relu(radius - d)
    cov = jnp.einsum('vn,vni,vnj->vij', w, neighborhoods, neighborhoods)
    cov = cov / (jnp.sum(w, axis=-1)[:, None, None] + 1e-12)
    cov = cov + 1e-8 * jnp.eye(3, dtype=cov.dtype)
    _, evecs = jnp.linalg.eigh(cov)
    normal = evecs[..., 0]
    x_ax = evecs[..., 2]
    y_ax = evecs[..., 1]
    return jnp.stack([normal, x_ax, y_ax], axis=1)


def logarithmic_map(lrfs, neighborhoods):
    normals = lrfs[:, 0, :]
    scaled = (neighborhoods @ normals[:, :, None]) * normals[:, None, :]
    proj = neighborhoods - scaled
    proj = jnp.einsum('vij,vnj->vni', jnp.linalg.inv(jnp.transpose(lrfs, (0, 2, 1))), proj)[:, :, 1:]
    nrm = jnp.sqrt(jnp.sum(neighborhoods ** 2, axis=-1) + 1e-16)[..., None]
    return nrm * l2_normalize(proj)


def call_helper(vertices, template, radius):
    neighborhoods, n_idx = group_neighborhoods(vertices, radius)
    lrfs = shot_lrf(neighborhoods, radius)
    projections = logarithmic_map(lrfs, neighborhoods)
    diff = template[None, None, :, :, :] - projections[:, :, None, None, :]
    dists = jnp.sqrt(jnp.sum(diff * diff, axis=-1) + 1e-16)
    closest = jnp.argsort(dists, axis=1)[:, :3]
    V = vertices.shape[0]
    vi = jnp.arange(V)[:, None, None, None]
    proj_g = projections[vi, closest]
    v0 = proj_g[:, 2] - proj_g[:, 0]
    v1 = proj_g[:, 1] - proj_g[:, 0]
    v2 = template[None] - proj_g[:, 0]
    dot00 = jnp.einsum('vrai,vrai->vra', v0, v0)
    dot01 = jnp.einsum('vrai,vrai->vra', v0, v1)
    dot02 = jnp.einsum('vrai,vrai->vra', v0, v2)
    dot11 = jnp.einsum('vrai,vrai->vra', v1, v1)
    dot12 = jnp.einsum('vrai,vrai->vra', v1, v2)
    denom = dot00 * dot11 - dot01 * dot01 + 1e-12
    p2 = (dot11 * dot02 - dot01 * dot12) / denom
    p1 = (dot00 * dot12 - dot01 * dot02) / denom
    p0 = 1.0 - p2 - p1
    weights = jnp.stack([p2, p1, p0], axis=-1)
    pid = n_idx[vi, closest].astype(jnp.float32)
    pid = jnp.transpose(pid, (0, 2, 3, 1))
    return jnp.stack([pid, weights], axis=-1)


def setup_inputs(seed: int = 0) -> dict:
    key = jax.random.key(seed)
    vertices = jax.random.uniform(key, (2, 4096, 3), dtype=jnp.float32)
    return {"vertices": vertices}


def reference(vertices):
    template = jnp.asarray(create_template_matrix(N_RADIAL, N_ANGULAR, TEMPLATE_SCALE * RADIUS))
    return jax.vmap(lambda v: call_helper(v, template, RADIUS))(vertices)

if __name__ == "__main__":
    import jax
    _d = setup_inputs()
    print(jax.jit(kernel)(*tuple(_d.values())))

</pallas_src>

<mosaic_0001>
#map = affine_map<(d0, d1) -> (0)>
module attributes {stable_mosaic.version = 14 : i64} {
  func.func @_sc_pid_body(%arg0: i32, %arg1: i32, %arg2: memref<131072xi32, #tpu.memory_space<hbm>>, %arg3: memref<983040xi32, #tpu.memory_space<hbm>>, %arg4: memref<983040xi32, #tpu.memory_space<hbm>>, %arg5: memref<2048xi32, #tpu.memory_space<vmem>>, %arg6: memref<15360xi32, #tpu.memory_space<vmem>>, %arg7: memref<15360xi32, #tpu.memory_space<vmem>>) attributes {dimension_semantics = [#tpu.dimension_semantics<core_parallel>, #tpu.dimension_semantics<subcore_parallel>], iteration_bounds = array<i64: 2, 16>, scalar_prefetch = 0 : i64, scratch_operands = 3 : i64, tpu.core_type = #tpu.core_type<sc_vector_subcore>, window_params = [{transform_indices = #map}, {transform_indices = #map}, {transform_indices = #map}]} {
    %mul3A = arith.constant 2 : i32
    %mul3A_0 = arith.muli %arg1, %mul3A : i32
    %add3A = arith.addi %mul3A_0, %arg0 : i32
    %iota3A = tpu.iota {dimensions = array<i32: 0>} : vector<16xi32>
    %mul3A_1 = arith.constant 128 : i32
    %mul3A_2 = arith.muli %add3A, %mul3A_1 : i32
    %add3A_3 = arith.constant 0 : i32
    %add3A_4 = arith.addi %add3A_3, %mul3A_2 : i32
    %mul3A_5 = arith.constant 16 : i32
    %mul3A_6 = arith.muli %add3A_4, %mul3A_5 : i32
    "tpu.region"() ({
      %run_scoped3A = tpu.sem_alloc : memref<!tpu.dma_semaphore, #tpu.memory_space<semaphore_mem>>
      %dma_start3A = tpu.memref_slice %arg2[%mul3A_6] : memref<131072xi32, #tpu.memory_space<hbm>> -> memref<2048xi32, #tpu.memory_space<hbm>>
      %dma_start3A_48 = tpu.memref_slice %arg2[%mul3A_6] : memref<131072xi32, #tpu.memory_space<hbm>> -> memref<2048xi32, #tpu.memory_space<hbm>>
      tpu.enqueue_dma source(%dma_start3A_48 : memref<2048xi32, #tpu.memory_space<hbm>>) target(%arg5 : memref<2048xi32, #tpu.memory_space<vmem>>) target_semaphore(%run_scoped3A : memref<!tpu.dma_semaphore, #tpu.memory_space<semaphore_mem>>)
      %dma_wait3A = tpu.memref_slice %arg2[%mul3A_6] : memref<131072xi32, #tpu.memory_space<hbm>> -> memref<2048xi32, #tpu.memory_space<hbm>>
      %dma_wait3A_49 = tpu.memref_slice %arg2[%mul3A_6] : memref<131072xi32, #tpu.memory_space<hbm>> -> memref<2048xi32, #tpu.memory_space<hbm>>
      tpu.wait_dma2 semaphore(%run_scoped3A : memref<!tpu.dma_semaphore, #tpu.memory_space<semaphore_mem>>) src(%dma_wait3A_49 : memref<2048xi32, #tpu.memory_space<hbm>>) dst(%arg5 : memref<2048xi32, #tpu.memory_space<vmem>>)
      tpu.yield
    }) : () -> ()
    %mul3A_7 = arith.constant 128 : i32
    %mul3A_8 = arith.muli %add3A, %mul3A_7 : i32
    %add3A_9 = arith.constant 0 : i32
    %add3A_10 = arith.addi %add3A_9, %mul3A_8 : i32
    %mul3A_11 = arith.constant 120 : i32
    %mul3A_12 = arith.muli %add3A_10, %mul3A_11 : i32
    "tpu.region"() ({
      %run_scoped3A = tpu.sem_alloc : memref<!tpu.dma_semaphore, #tpu.memory_space<semaphore_mem>>
      %dma_start3A = tpu.memref_slice %arg3[%mul3A_12] : memref<983040xi32, #tpu.memory_space<hbm>> -> memref<15360xi32, #tpu.memory_space<hbm>>
      %dma_start3A_48 = tpu.memref_slice %arg3[%mul3A_12] : memref<983040xi32, #tpu.memory_space<hbm>> -> memref<15360xi32, #tpu.memory_space<hbm>>
      tpu.enqueue_dma source(%dma_start3A_48 : memref<15360xi32, #tpu.memory_space<hbm>>) target(%arg6 : memref<15360xi32, #tpu.memory_space<vmem>>) target_semaphore(%run_scoped3A : memref<!tpu.dma_semaphore, #tpu.memory_space<semaphore_mem>>)
      %dma_wait3A = tpu.memref_slice %arg3[%mul3A_12] : memref<983040xi32, #tpu.memory_space<hbm>> -> memref<15360xi32, #tpu.memory_space<hbm>>
      %dma_wait3A_49 = tpu.memref_slice %arg3[%mul3A_12] : memref<983040xi32, #tpu.memory_space<hbm>> -> memref<15360xi32, #tpu.memory_space<hbm>>
      tpu.wait_dma2 semaphore(%run_scoped3A : memref<!tpu.dma_semaphore, #tpu.memory_space<semaphore_mem>>) src(%dma_wait3A_49 : memref<15360xi32, #tpu.memory_space<hbm>>) dst(%arg6 : memref<15360xi32, #tpu.memory_space<vmem>>)
      tpu.yield
    }) : () -> ()
    %scan3A = arith.constant 0 : i32
    %scan3A_13 = arith.constant 0 : i32
    %scan3A_14 = arith.constant 128 : i32
    %scan3A_15 = arith.addi %scan3A_13, %scan3A_14 : i32
    %scan3A_16 = arith.constant 1 : i32
    scf.for %scan3A_48 = %scan3A_13 to %scan3A_15 step %scan3A_16  : i32 {
      %mul3A_49 = arith.constant 120 : i32
      %mul3A_50 = arith.muli %scan3A_48, %mul3A_49 : i32
      %mul3A_51 = arith.constant 16 : i32
      %mul3A_52 = arith.muli %scan3A_48, %mul3A_51 : i32
      %add3A_53 = arith.constant 0 : i32
      %add3A_54 = arith.addi %mul3A_50, %add3A_53 : i32
      %get3A = arith.index_cast %add3A_54 : i32 to index
      %get3A_55 = tpu.vector_load %arg6[%get3A] {strides = array<i32>} : memref<15360xi32, #tpu.memory_space<vmem>>, vector<16xi32>,
      %add3A_56 = vector.broadcast %mul3A_52 : i32 to vector<16xi32>
      %add3A_57 = arith.addi %get3A_55, %add3A_56 : vector<16xi32>
      %gather3A = tpu.vector_load_idx %arg5[%add3A_57] : memref<2048xi32, #tpu.memory_space<vmem>>[vector<16xi32>], vector<16xi32>,
      %add3A_58 = arith.constant 0 : i32
      %add3A_59 = arith.addi %mul3A_50, %add3A_58 : i32
      %swap3A = arith.index_cast %add3A_59 : i32 to index
      %swap3A_60 = tpu.vector_load %arg7[%swap3A] {strides = array<i32>} : memref<15360xi32, #tpu.memory_space<vmem>>, vector<16xi32>,
      tpu.vector_store %arg7[%swap3A], %gather3A {strides = array<i32>} : memref<15360xi32, #tpu.memory_space<vmem>>, vector<16xi32>,
      %add3A_61 = arith.constant 16 : i32
      %add3A_62 = arith.addi %mul3A_50, %add3A_61 : i32
      %get3A_63 = arith.index_cast %add3A_62 : i32 to index
      %get3A_64 = tpu.vector_load %arg6[%get3A_63] {strides = array<i32>} : memref<15360xi32, #tpu.memory_space<vmem>>, vector<16xi32>,
      %add3A_65 = vector.broadcast %mul3A_52 : i32 to vector<16xi32>
      %add3A_66 = arith.addi %get3A_64, %add3A_65 : vector<16xi32>
      %gather3A_67 = tpu.vector_load_idx %arg5[%add3A_66] : memref<2048xi32, #tpu.memory_space<vmem>>[vector<16xi32>], vector<16xi32>,
      %add3A_68 = arith.constant 16 : i32
      %add3A_69 = arith.addi %mul3A_50, %add3A_68 : i32
      %swap3A_70 = arith.index_cast %add3A_69 : i32 to index
      %swap3A_71 = tpu.vector_load %arg7[%swap3A_70] {strides = array<i32>} : memref<15360xi32, #tpu.memory_space<vmem>>, vector<16xi32>,
      tpu.vector_store %arg7[%swap3A_70], %gather3A_67 {strides = array<i32>} : memref<15360xi32, #tpu.memory_space<vmem>>, vector<16xi32>,
      %add3A_72 = arith.constant 32 : i32
      %add3A_73 = arith.addi %mul3A_50, %add3A_72 : i32
      %get3A_74 = arith.index_cast %add3A_73 : i32 to index
      %get3A_75 = tpu.vector_load %arg6[%get3A_74] {strides = array<i32>} : memref<15360xi32, #tpu.memory_space<vmem>>, vector<16xi32>,
      %add3A_76 = vector.broadcast %mul3A_52 : i32 to vector<16xi32>
      %add3A_77 = arith.addi %get3A_75, %add3A_76 : vector<16xi32>
      %gather3A_78 = tpu.vector_load_idx %arg5[%add3A_77] : memref<2048xi32, #tpu.memory_space<vmem>>[vector<16xi32>], vector<16xi32>,
      %add3A_79 = arith.constant 32 : i32
      %add3A_80 = arith.addi %mul3A_50, %add3A_79 : i32
      %swap3A_81 = arith.index_cast %add3A_80 : i32 to index
      %swap3A_82 = tpu.vector_load %arg7[%swap3A_81] {strides = array<i32>} : memref<15360xi32, #tpu.memory_space<vmem>>, vector<16xi32>,
      tpu.vector_store %arg7[%swap3A_81], %gather3A_78 {strides = array<i32>} : memref<15360xi32, #tpu.memory_space<vmem>>, vector<16xi32>,
      %add3A_83 = arith.constant 48 : i32
      %add3A_84 = arith.addi %mul3A_50, %add3A_83 : i32
      %get3A_85 = arith.index_cast %add3A_84 : i32 to index
      %get3A_86 = tpu.vector_load %arg6[%get3A_85] {strides = array<i32>} : memref<15360xi32, #tpu.memory_space<vmem>>, vector<16xi32>,
      %add3A_87 = vector.broadcast %mul3A_52 : i32 to vector<16xi32>
      %add3A_88 = arith.addi %get3A_86, %add3A_87 : vector<16xi32>
      %gather3A_89 = tpu.vector_load_idx %arg5[%add3A_88] : memref<2048xi32, #tpu.memory_space<vmem>>[vector<16xi32>], vector<16xi32>,
      %add3A_90 = arith.constant 48 : i32
      %add3A_91 = arith.addi %mul3A_50, %add3A_90 : i32
      %swap3A_92 = arith.index_cast %add3A_91 : i32 to index
      %swap3A_93 = tpu.vector_load %arg7[%swap3A_92] {strides = array<i32>} : memref<15360xi32, #tpu.memory_space<vmem>>, vector<16xi32>,
      tpu.vector_store %arg7[%swap3A_92], %gather3A_89 {strides = array<i32>} : memref<15360xi32, #tpu.memory_space<vmem>>, vector<16xi32>,
      %add3A_94 = arith.constant 64 : i32
      %add3A_95 = arith.addi %mul3A_50, %add3A_94 : i32
      %get3A_96 = arith.index_cast %add3A_95 : i32 to index
      %get3A_97 = tpu.vector_load %arg6[%get3A_96] {strides = array<i32>} : memref<15360xi32, #tpu.memory_space<vmem>>, vector<16xi32>,
      %add3A_98 = vector.broadcast %mul3A_52 : i32 to vector<16xi32>
      %add3A_99 = arith.addi %get3A_97, %add3A_98 : vector<16xi32>
      %gather3A_100 = tpu.vector_load_idx %arg5[%add3A_99] : memref<2048xi32, #tpu.memory_space<vmem>>[vector<16xi32>], vector<16xi32>,
      %add3A_101 = arith.constant 64 : i32
      %add3A_102 = arith.addi %mul3A_50, %add3A_101 : i32
      %swap3A_103 = arith.index_cast %add3A_102 : i32 to index
      %swap3A_104 = tpu.vector_load %arg7[%swap3A_103] {strides = array<i32>} : memref<15360xi32, #tpu.memory_space<vmem>>, vector<16xi32>,
      tpu.vector_store %arg7[%swap3A_103], %gather3A_100 {strides = array<i32>} : memref<15360xi32, #tpu.memory_space<vmem>>, vector<16xi32>,
      %add3A_105 = arith.constant 80 : i32
      %add3A_106 = arith.addi %mul3A_50, %add3A_105 : i32
      %get3A_107 = arith.index_cast %add3A_106 : i32 to index
      %get3A_108 = tpu.vector_load %arg6[%get3A_107] {strides = array<i32>} : memref<15360xi32, #tpu.memory_space<vmem>>, vector<16xi32>,
      %add3A_109 = vector.broadcast %mul3A_52 : i32 to vector<16xi32>
      %add3A_110 = arith.addi %get3A_108, %add3A_109 : vector<16xi32>
      %gather3A_111 = tpu.vector_load_idx %arg5[%add3A_110] : memref<2048xi32, #tpu.memory_space<vmem>>[vector<16xi32>], vector<16xi32>,
      %add3A_112 = arith.constant 80 : i32
      %add3A_113 = arith.addi %mul3A_50, %add3A_112 : i32
      %swap3A_114 = arith.index_cast %add3A_113 : i32 to index
      %swap3A_115 = tpu.vector_load %arg7[%swap3A_114] {strides = array<i32>} : memref<15360xi32, #tpu.memory_space<vmem>>, vector<16xi32>,
      tpu.vector_store %arg7[%swap3A_114], %gather3A_111 {strides = array<i32>} : memref<15360xi32, #tpu.memory_space<vmem>>, vector<16xi32>,
      %add3A_116 = arith.constant 96 : i32
      %add3A_117 = arith.addi %mul3A_50, %add3A_116 : i32
      %get3A_118 = arith.index_cast %add3A_117 : i32 to index
      %get3A_119 = tpu.vector_load %arg6[%get3A_118] {strides = array<i32>} : memref<15360xi32, #tpu.memory_space<vmem>>, vector<16xi32>,
      %add3A_120 = vector.broadcast %mul3A_52 : i32 to vector<16xi32>
      %add3A_121 = arith.addi %get3A_119, %add3A_120 : vector<16xi32>
      %gather3A_122 = tpu.vector_load_idx %arg5[%add3A_121] : memref<2048xi32, #tpu.memory_space<vmem>>[vector<16xi32>], vector<16xi32>,
      %add3A_123 = arith.constant 96 : i32
      %add3A_124 = arith.addi %mul3A_50, %add3A_123 : i32
      %swap3A_125 = arith.index_cast %add3A_124 : i32 to index
      %swap3A_126 = tpu.vector_load %arg7[%swap3A_125] {strides = array<i32>} : memref<15360xi32, #tpu.memory_space<vmem>>, vector<16xi32>,
      tpu.vector_store %arg7[%swap3A_125], %gather3A_122 {strides = array<i32>} : memref<15360xi32, #tpu.memory_space<vmem>>, vector<16xi32>,
      %add3A_127 = arith.constant 104 : i32
      %add3A_128 = arith.addi %mul3A_50, %add3A_127 : i32
      %get3A_129 = arith.index_cast %add3A_128 : i32 to index
      %get3A_130 = tpu.vector_load %arg6[%get3A_129] {strides = array<i32>} : memref<15360xi32, #tpu.memory_space<vmem>>, vector<16xi32>,
      %add3A_131 = vector.broadcast %mul3A_52 : i32 to vector<16xi32>
      %add3A_132 = arith.addi %get3A_130, %add3A_131 : vector<16xi32>
      %gather3A_133 = tpu.vector_load_idx %arg5[%add3A_132] : memref<2048xi32, #tpu.memory_space<vmem>>[vector<16xi32>], vector<16xi32>,
      %add3A_134 = arith.constant 104 : i32
      %add3A_135 = arith.addi %mul3A_50, %add3A_134 : i32
      %swap3A_136 = arith.index_cast %add3A_135 : i32 to index
      %swap3A_137 = tpu.vector_load %arg7[%swap3A_136] {strides = array<i32>} : memref<15360xi32, #tpu.memory_space<vmem>>, vector<16xi32>,
      tpu.vector_store %arg7[%swap3A_136], %gather3A_133 {strides = array<i32>} : memref<15360xi32, #tpu.memory_space<vmem>>, vector<16xi32>,
    }
    %scan3A_17 = arith.constant 128 : i32
    %mul3A_18 = arith.constant 128 : i32
    %mul3A_19 = arith.muli %add3A, %mul3A_18 : i32
    %add3A_20 = arith.constant 0 : i32
    %add3A_21 = arith.addi %add3A_20, %mul3A_19 : i32
    %mul3A_22 = arith.constant 120 : i32
    %mul3A_23 = arith.muli %add3A_21, %mul3A_22 : i32
    "tpu.region"() ({
      %run_scoped3A = tpu.sem_alloc : memref<!tpu.dma_semaphore, #tpu.memory_space<semaphore_mem>>
      %dma_start3A = tpu.memref_slice %arg4[%mul3A_23] : memref<983040xi32, #tpu.memory_space<hbm>> -> memref<15360xi32, #tpu.memory_space<hbm>>
      %dma_start3A_48 = tpu.memref_slice %arg4[%mul3A_23] : memref<983040xi32, #tpu.memory_space<hbm>> -> memref<15360xi32, #tpu.memory_space<hbm>>
      tpu.enqueue_dma source(%arg7 : memref<15360xi32, #tpu.memory_space<vmem>>) target(%dma_start3A_48 : memref<15360xi32, #tpu.memory_space<hbm>>) target_semaphore(%run_scoped3A : memref<!tpu.dma_semaphore, #tpu.memory_space<semaphore_mem>>)
      %dma_wait3A = tpu.memref_slice %arg4[%mul3A_23] : memref<983040xi32, #tpu.memory_space<hbm>> -> memref<15360xi32, #tpu.memory_space<hbm>>
      %dma_wait3A_49 = tpu.memref_slice %arg4[%mul3A_23] : memref<983040xi32, #tpu.memory_space<hbm>> -> memref<15360xi32, #tpu.memory_space<hbm>>
      tpu.wait_dma2 semaphore(%run_scoped3A : memref<!tpu.dma_semaphore, #tpu.memory_space<semaphore_mem>>) src(%arg7 : memref<15360xi32, #tpu.memory_space<vmem>>) dst(%dma_wait3A_49 : memref<15360xi32, #tpu.memory_space<hbm>>)
      tpu.yield
    }) : () -> ()
    %mul3A_24 = arith.constant 128 : i32
    %mul3A_25 = arith.muli %add3A, %mul3A_24 : i32
    %add3A_26 = arith.constant 4096 : i32
    %add3A_27 = arith.addi %add3A_26, %mul3A_25 : i32
    %mul3A_28 = arith.constant 16 : i32
    %mul3A_29 = arith.muli %add3A_27, %mul3A_28 : i32
    "tpu.region"() ({
      %run_scoped3A = tpu.sem_alloc : memref<!tpu.dma_semaphore, #tpu.memory_space<semaphore_mem>>
      %dma_start3A = tpu.memref_slice %arg2[%mul3A_29] : memref<131072xi32, #tpu.memory_space<hbm>> -> memref<2048xi32, #tpu.memory_space<hbm>>
      %dma_start3A_48 = tpu.memref_slice %arg2[%mul3A_29] : memref<131072xi32, #tpu.memory_space<hbm>> -> memref<2048xi32, #tpu.memory_space<hbm>>
      tpu.enqueue_dma source(%dma_start3A_48 : memref<2048xi32, #tpu.memory_space<hbm>>) target(%arg5 : memref<2048xi32, #tpu.memory_space<vmem>>) target_semaphore(%run_scoped3A : memref<!tpu.dma_semaphore, #tpu.memory_space<semaphore_mem>>)
      %dma_wait3A = tpu.memref_slice %arg2[%mul3A_29] : memref<131072xi32, #tpu.memory_space<hbm>> -> memref<2048xi32, #tpu.memory_space<hbm>>
      %dma_wait3A_49 = tpu.memref_slice %arg2[%mul3A_29] : memref<131072xi32, #tpu.memory_space<hbm>> -> memref<2048xi32, #tpu.memory_space<hbm>>
      tpu.wait_dma2 semaphore(%run_scoped3A : memref<!tpu.dma_semaphore, #tpu.memory_space<semaphore_mem>>) src(%dma_wait3A_49 : memref<2048xi32, #tpu.memory_space<hbm>>) dst(%arg5 : memref<2048xi32, #tpu.memory_space<vmem>>)
      tpu.yield
    }) : () -> ()
    %mul3A_30 = arith.constant 128 : i32
    %mul3A_31 = arith.muli %add3A, %mul3A_30 : i32
    %add3A_32 = arith.constant 4096 : i32
    %add3A_33 = arith.addi %add3A_32, %mul3A_31 : i32
    %mul3A_34 = arith.constant 120 : i32
    %mul3A_35 = arith.muli %add3A_33, %mul3A_34 : i32
    "tpu.region"() ({
      %run_scoped3A = tpu.sem_alloc : memref<!tpu.dma_semaphore, #tpu.memory_space<semaphore_mem>>
      %dma_start3A = tpu.memref_slice %arg3[%mul3A_35] : memref<983040xi32, #tpu.memory_space<hbm>> -> memref<15360xi32, #tpu.memory_space<hbm>>
      %dma_start3A_48 = tpu.memref_slice %arg3[%mul3A_35] : memref<983040xi32, #tpu.memory_space<hbm>> -> memref<15360xi32, #tpu.memory_space<hbm>>
      tpu.enqueue_dma source(%dma_start3A_48 : memref<15360xi32, #tpu.memory_space<hbm>>) target(%arg6 : memref<15360xi32, #tpu.memory_space<vmem>>) target_semaphore(%run_scoped3A : memref<!tpu.dma_semaphore, #tpu.memory_space<semaphore_mem>>)
      %dma_wait3A = tpu.memref_slice %arg3[%mul3A_35] : memref<983040xi32, #tpu.memory_space<hbm>> -> memref<15360xi32, #tpu.memory_space<hbm>>
      %dma_wait3A_49 = tpu.memref_slice %arg3[%mul3A_35] : memref<983040xi32, #tpu.memory_space<hbm>> -> memref<15360xi32, #tpu.memory_space<hbm>>
      tpu.wait_dma2 semaphore(%run_scoped3A : memref<!tpu.dma_semaphore, #tpu.memory_space<semaphore_mem>>) src(%dma_wait3A_49 : memref<15360xi32, #tpu.memory_space<hbm>>) dst(%arg6 : memref<15360xi32, #tpu.memory_space<vmem>>)
      tpu.yield
    }) : () -> ()
    %scan3A_36 = arith.constant 0 : i32
    %scan3A_37 = arith.constant 0 : i32
    %scan3A_38 = arith.constant 128 : i32
    %scan3A_39 = arith.addi %scan3A_37, %scan3A_38 : i32
    %scan3A_40 = arith.constant 1 : i32
    scf.for %scan3A_48 = %scan3A_37 to %scan3A_39 step %scan3A_40  : i32 {
      %mul3A_49 = arith.constant 120 : i32
      %mul3A_50 = arith.muli %scan3A_48, %mul3A_49 : i32
      %mul3A_51 = arith.constant 16 : i32
      %mul3A_52 = arith.muli %scan3A_48, %mul3A_51 : i32
      %add3A_53 = arith.constant 0 : i32
      %add3A_54 = arith.addi %mul3A_50, %add3A_53 : i32
      %get3A = arith.index_cast %add3A_54 : i32 to index
      %get3A_55 = tpu.vector_load %arg6[%get3A] {strides = array<i32>} : memref<15360xi32, #tpu.memory_space<vmem>>, vector<16xi32>,
      %add3A_56 = vector.broadcast %mul3A_52 : i32 to vector<16xi32>
      %add3A_57 = arith.addi %get3A_55, %add3A_56 : vector<16xi32>
      %gather3A = tpu.vector_load_idx %arg5[%add3A_57] : memref<2048xi32, #tpu.memory_space<vmem>>[vector<16xi32>], vector<16xi32>,
      %add3A_58 = arith.constant 0 : i32
      %add3A_59 = arith.addi %mul3A_50, %add3A_58 : i32
      %swap3A = arith.index_cast %add3A_59 : i32 to index
      %swap3A_60 = tpu.vector_load %arg7[%swap3A] {strides = array<i32>} : memref<15360xi32, #tpu.memory_space<vmem>>, vector<16xi32>,
      tpu.vector_store %arg7[%swap3A], %gather3A {strides = array<i32>} : memref<15360xi32, #tpu.memory_space<vmem>>, vector<16xi32>,
      %add3A_61 = arith.constant 16 : i32
      %add3A_62 = arith.addi %mul3A_50, %add3A_61 : i32
      %get3A_63 = arith.index_cast %add3A_62 : i32 to index
      %get3A_64 = tpu.vector_load %arg6[%get3A_63] {strides = array<i32>} : memref<15360xi32, #tpu.memory_space<vmem>>, vector<16xi32>,
      %add3A_65 = vector.broadcast %mul3A_52 : i32 to vector<16xi32>
      %add3A_66 = arith.addi %get3A_64, %add3A_65 : vector<16xi32>
      %gather3A_67 = tpu.vector_load_idx %arg5[%add3A_66] : memref<2048xi32, #tpu.memory_space<vmem>>[vector<16xi32>], vector<16xi32>,
      %add3A_68 = arith.constant 16 : i32
      %add3A_69 = arith.addi %mul3A_50, %add3A_68 : i32
      %swap3A_70 = arith.index_cast %add3A_69 : i32 to index
      %swap3A_71 = tpu.vector_load %arg7[%swap3A_70] {strides = array<i32>} : memref<15360xi32, #tpu.memory_space<vmem>>, vector<16xi32>,
      tpu.vector_store %arg7[%swap3A_70], %gather3A_67 {strides = array<i32>} : memref<15360xi32, #tpu.memory_space<vmem>>, vector<16xi32>,
      %add3A_72 = arith.constant 32 : i32
      %add3A_73 = arith.addi %mul3A_50, %add3A_72 : i32
      %get3A_74 = arith.index_cast %add3A_73 : i32 to index
      %get3A_75 = tpu.vector_load %arg6[%get3A_74] {strides = array<i32>} : memref<15360xi32, #tpu.memory_space<vmem>>, vector<16xi32>,
      %add3A_76 = vector.broadcast %mul3A_52 : i32 to vector<16xi32>
      %add3A_77 = arith.addi %get3A_75, %add3A_76 : vector<16xi32>
      %gather3A_78 = tpu.vector_load_idx %arg5[%add3A_77] : memref<2048xi32, #tpu.memory_space<vmem>>[vector<16xi32>], vector<16xi32>,
      %add3A_79 = arith.constant 32 : i32
      %add3A_80 = arith.addi %mul3A_50, %add3A_79 : i32
      %swap3A_81 = arith.index_cast %add3A_80 : i32 to index
      %swap3A_82 = tpu.vector_load %arg7[%swap3A_81] {strides = array<i32>} : memref<15360xi32, #tpu.memory_space<vmem>>, vector<16xi32>,
      tpu.vector_store %arg7[%swap3A_81], %gather3A_78 {strides = array<i32>} : memref<15360xi32, #tpu.memory_space<vmem>>, vector<16xi32>,
      %add3A_83 = arith.constant 48 : i32
      %add3A_84 = arith.addi %mul3A_50, %add3A_83 : i32
      %get3A_85 = arith.index_cast %add3A_84 : i32 to index
      %get3A_86 = tpu.vector_load %arg6[%get3A_85] {strides = array<i32>} : memref<15360xi32, #tpu.memory_space<vmem>>, vector<16xi32>,
      %add3A_87 = vector.broadcast %mul3A_52 : i32 to vector<16xi32>
      %add3A_88 = arith.addi %get3A_86, %add3A_87 : vector<16xi32>
      %gather3A_89 = tpu.vector_load_idx %arg5[%add3A_88] : memref<2048xi32, #tpu.memory_space<vmem>>[vector<16xi32>], vector<16xi32>,
      %add3A_90 = arith.constant 48 : i32
      %add3A_91 = arith.addi %mul3A_50, %add3A_90 : i32
      %swap3A_92 = arith.index_cast %add3A_91 : i32 to index
      %swap3A_93 = tpu.vector_load %arg7[%swap3A_92] {strides = array<i32>} : memref<15360xi32, #tpu.memory_space<vmem>>, vector<16xi32>,
      tpu.vector_store %arg7[%swap3A_92], %gather3A_89 {strides = array<i32>} : memref<15360xi32, #tpu.memory_space<vmem>>, vector<16xi32>,
      %add3A_94 = arith.constant 64 : i32
      %add3A_95 = arith.addi %mul3A_50, %add3A_94 : i32
      %get3A_96 = arith.index_cast %add3A_95 : i32 to index
      %get3A_97 = tpu.vector_load %arg6[%get3A_96] {strides = array<i32>} : memref<15360xi32, #tpu.memory_space<vmem>>, vector<16xi32>,
      %add3A_98 = vector.broadcast %mul3A_52 : i32 to vector<16xi32>
      %add3A_99 = arith.addi %get3A_97, %add3A_98 : vector<16xi32>
      %gather3A_100 = tpu.vector_load_idx %arg5[%add3A_99] : memref<2048xi32, #tpu.memory_space<vmem>>[vector<16xi32>], vector<16xi32>,
      %add3A_101 = arith.constant 64 : i32
      %add3A_102 = arith.addi %mul3A_50, %add3A_101 : i32
      %swap3A_103 = arith.index_cast %add3A_102 : i32 to index
      %swap3A_104 = tpu.vector_load %arg7[%swap3A_103] {strides = array<i32>} : memref<15360xi32, #tpu.memory_space<vmem>>, vector<16xi32>,
      tpu.vector_store %arg7[%swap3A_103], %gather3A_100 {strides = array<i32>} : memref<15360xi32, #tpu.memory_space<vmem>>, vector<16xi32>,
      %add3A_105 = arith.constant 80 : i32
      %add3A_106 = arith.addi %mul3A_50, %add3A_105 : i32
      %get3A_107 = arith.index_cast %add3A_106 : i32 to index
      %get3A_108 = tpu.vector_load %arg6[%get3A_107] {strides = array<i32>} : memref<15360xi32, #tpu.memory_space<vmem>>, vector<16xi32>,
      %add3A_109 = vector.broadcast %mul3A_52 : i32 to vector<16xi32>
      %add3A_110 = arith.addi %get3A_108, %add3A_109 : vector<16xi32>
      %gather3A_111 = tpu.vector_load_idx %arg5[%add3A_110] : memref<2048xi32, #tpu.memory_space<vmem>>[vector<16xi32>], vector<16xi32>,
      %add3A_112 = arith.constant 80 : i32
      %add3A_113 = arith.addi %mul3A_50, %add3A_112 : i32
      %swap3A_114 = arith.index_cast %add3A_113 : i32 to index
      %swap3A_115 = tpu.vector_load %arg7[%swap3A_114] {strides = array<i32>} : memref<15360xi32, #tpu.memory_space<vmem>>, vector<16xi32>,
      tpu.vector_store %arg7[%swap3A_114], %gather3A_111 {strides = array<i32>} : memref<15360xi32, #tpu.memory_space<vmem>>, vector<16xi32>,
      %add3A_116 = arith.constant 96 : i32
      %add3A_117 = arith.addi %mul3A_50, %add3A_116 : i32
      %get3A_118 = arith.index_cast %add3A_117 : i32 to index
      %get3A_119 = tpu.vector_load %arg6[%get3A_118] {strides = array<i32>} : memref<15360xi32, #tpu.memory_space<vmem>>, vector<16xi32>,
      %add3A_120 = vector.broadcast %mul3A_52 : i32 to vector<16xi32>
      %add3A_121 = arith.addi %get3A_119, %add3A_120 : vector<16xi32>
      %gather3A_122 = tpu.vector_load_idx %arg5[%add3A_121] : memref<2048xi32, #tpu.memory_space<vmem>>[vector<16xi32>], vector<16xi32>,
      %add3A_123 = arith.constant 96 : i32
      %add3A_124 = arith.addi %mul3A_50, %add3A_123 : i32
      %swap3A_125 = arith.index_cast %add3A_124 : i32 to index
      %swap3A_126 = tpu.vector_load %arg7[%swap3A_125] {strides = array<i32>} : memref<15360xi32, #tpu.memory_space<vmem>>, vector<16xi32>,
      tpu.vector_store %arg7[%swap3A_125], %gather3A_122 {strides = array<i32>} : memref<15360xi32, #tpu.memory_space<vmem>>, vector<16xi32>,
      %add3A_127 = arith.constant 104 : i32
      %add3A_128 = arith.addi %mul3A_50, %add3A_127 : i32
      %get3A_129 = arith.index_cast %add3A_128 : i32 to index
      %get3A_130 = tpu.vector_load %arg6[%get3A_129] {strides = array<i32>} : memref<15360xi32, #tpu.memory_space<vmem>>, vector<16xi32>,
      %add3A_131 = vector.broadcast %mul3A_52 : i32 to vector<16xi32>
      %add3A_132 = arith.addi %get3A_130, %add3A_131 : vector<16xi32>
      %gather3A_133 = tpu.vector_load_idx %arg5[%add3A_132] : memref<2048xi32, #tpu.memory_space<vmem>>[vector<16xi32>], vector<16xi32>,
      %add3A_134 = arith.constant 104 : i32
      %add3A_135 = arith.addi %mul3A_50, %add3A_134 : i32
      %swap3A_136 = arith.index_cast %add3A_135 : i32 to index
      %swap3A_137 = tpu.vector_load %arg7[%swap3A_136] {strides = array<i32>} : memref<15360xi32, #tpu.memory_space<vmem>>, vector<16xi32>,
      tpu.vector_store %arg7[%swap3A_136], %gather3A_133 {strides = array<i32>} : memref<15360xi32, #tpu.memory_space<vmem>>, vector<16xi32>,
    }
    %scan3A_41 = arith.constant 128 : i32
    %mul3A_42 = arith.constant 128 : i32
    %mul3A_43 = arith.muli %add3A, %mul3A_42 : i32
    %add3A_44 = arith.constant 4096 : i32
    %add3A_45 = arith.addi %add3A_44, %mul3A_43 : i32
    %mul3A_46 = arith.constant 120 : i32
    %mul3A_47 = arith.muli %add3A_45, %mul3A_46 : i32
    "tpu.region"() ({
      %run_scoped3A = tpu.sem_alloc : memref<!tpu.dma_semaphore, #tpu.memory_space<semaphore_mem>>
      %dma_start3A = tpu.memref_slice %arg4[%mul3A_47] : memref<983040xi32, #tpu.memory_space<hbm>> -> memref<15360xi32, #tpu.memory_space<hbm>>
      %dma_start3A_48 = tpu.memref_slice %arg4[%mul3A_47] : memref<983040xi32, #tpu.memory_space<hbm>> -> memref<15360xi32, #tpu.memory_space<hbm>>
      tpu.enqueue_dma source(%arg7 : memref<15360xi32, #tpu.memory_space<vmem>>) target(%dma_start3A_48 : memref<15360xi32, #tpu.memory_space<hbm>>) target_semaphore(%run_scoped3A : memref<!tpu.dma_semaphore, #tpu.memory_space<semaphore_mem>>)
      %dma_wait3A = tpu.memref_slice %arg4[%mul3A_47] : memref<983040xi32, #tpu.memory_space<hbm>> -> memref<15360xi32, #tpu.memory_space<hbm>>
      %dma_wait3A_49 = tpu.memref_slice %arg4[%mul3A_47] : memref<983040xi32, #tpu.memory_space<hbm>> -> memref<15360xi32, #tpu.memory_space<hbm>>
      tpu.wait_dma2 semaphore(%run_scoped3A : memref<!tpu.dma_semaphore, #tpu.memory_space<semaphore_mem>>) src(%arg7 : memref<15360xi32, #tpu.memory_space<vmem>>) dst(%dma_wait3A_49 : memref<15360xi32, #tpu.memory_space<hbm>>)
      tpu.yield
    }) : () -> ()
    return
  }
}

module attributes {stable_mosaic.version = 14 : i64} {
  func.func @_knn_kernel(%arg0: i32, %arg1: i32, %arg2: memref<1x4096x256xf32, #tpu.memory_space<vmem>>, %arg3: memref<1x16x256xi32, #tpu.memory_space<vmem>>) attributes {dimension_semantics = [#tpu.dimension_semantics<arbitrary>, #tpu.dimension_semantics<arbitrary>], iteration_bounds = array<i64: 2, 16>, scalar_prefetch = 0 : i64, scratch_operands = 0 : i64, tpu.core_type = #tpu.core_type<tc>, window_params = [{transform_indices = @transform_0, window_bounds = array<i64: 1, 4096, 256>}, {transform_indices = @transform_1, window_bounds = array<i64: 1, 16, 256>}]} {
    %get3A = arith.constant 0 : index
    %get3A_0 = arith.constant 0 : index
    %get3A_1 = arith.constant 0 : index
    %get3A_2 = vector.load %arg2[%get3A, %get3A_0, %get3A_1] : memref<1x4096x256xf32, #tpu.memory_space<vmem>>, vector<1x4096x256xf32>
    %get3A_3 = vector.shape_cast %get3A_2 : vector<1x4096x256xf32> to vector<4096x256xf32>
    %iota3A = tpu.iota {dimensions = array<i32: 0>} : vector<4096x256xi32>
    %reduce_min3A = arith.constant dense<0x7F800000> : vector<256xf32>
    %reduce_min3A_4 = vector.multi_reduction <minimumf>, %get3A_3, %reduce_min3A [0] : vector<4096x256xf32> to vector<256xf32>
    %broadcast_in_dim3A = vector.shape_cast %reduce_min3A_4 : vector<256xf32> to vector<1x256xf32>
    %eq3A = vector.broadcast %broadcast_in_dim3A : vector<1x256xf32> to vector<4096x256xf32>
    %eq3A_5 = arith.cmpf oeq, %get3A_3, %eq3A : vector<4096x256xf32>
    %jit3A = arith.constant 4096 : i32
    %broadcast_in_dim3A_6 = vector.broadcast %jit3A : i32 to vector<4096x256xi32>
    %select_n3A = arith.select %eq3A_5, %iota3A, %broadcast_in_dim3A_6 : vector<4096x256xi1>, vector<4096x256xi32>
    %reduce_min3A_7 = arith.constant dense<2147483647> : vector<256xi32>
    %reduce_min3A_8 = vector.multi_reduction <minsi>, %select_n3A, %reduce_min3A_7 [0] : vector<4096x256xi32> to vector<256xi32>
    %broadcast_in_dim3A_9 = vector.shape_cast %reduce_min3A_8 : vector<256xi32> to vector<1x256xi32>
    %swap3A = arith.constant 0 : index
    %swap3A_10 = arith.constant 0 : index
    %swap3A_11 = arith.constant 0 : index
    %swap3A_12 = vector.load %arg3[%swap3A, %swap3A_10, %swap3A_11] : memref<1x16x256xi32, #tpu.memory_space<vmem>>, vector<1x1x256xi32>
    %swap3A_13 = vector.shape_cast %swap3A_12 : vector<1x1x256xi32> to vector<1x256xi32>
    %swap3A_14 = vector.shape_cast %broadcast_in_dim3A_9 : vector<1x256xi32> to vector<1x1x256xi32>
    tpu.vector_store %arg3[%swap3A, %swap3A_10, %swap3A_11], %swap3A_14 {strides = array<i32>} : memref<1x16x256xi32, #tpu.memory_space<vmem>>, vector<1x1x256xi32>,
    %eq3A_15 = vector.broadcast %broadcast_in_dim3A_9 : vector<1x256xi32> to vector<4096x256xi32>
    %eq3A_16 = arith.cmpi eq, %iota3A, %eq3A_15 : vector<4096x256xi32>
    %jit3A_17 = arith.constant 0x7F800000 : f32
    %broadcast_in_dim3A_18 = vector.broadcast %jit3A_17 : f32 to vector<4096x256xf32>
    %select_n3A_19 = arith.select %eq3A_16, %broadcast_in_dim3A_18, %get3A_3 : vector<4096x256xi1>, vector<4096x256xf32>
    %reduce_min3A_20 = arith.constant dense<0x7F800000> : vector<256xf32>
    %reduce_min3A_21 = vector.multi_reduction <minimumf>, %select_n3A_19, %reduce_min3A_20 [0] : vector<4096x256xf32> to vector<256xf32>
    %broadcast_in_dim3A_22 = vector.shape_cast %reduce_min3A_21 : vector<256xf32> to vector<1x256xf32>
    %eq3A_23 = vector.broadcast %broadcast_in_dim3A_22 : vector<1x256xf32> to vector<4096x256xf32>
    %eq3A_24 = arith.cmpf oeq, %select_n3A_19, %eq3A_23 : vector<4096x256xf32>
    %jit3A_25 = arith.constant 4096 : i32
    %broadcast_in_dim3A_26 = vector.broadcast %jit3A_25 : i32 to vector<4096x256xi32>
    %select_n3A_27 = arith.select %eq3A_24, %iota3A, %broadcast_in_dim3A_26 : vector<4096x256xi1>, vector<4096x256xi32>
    %reduce_min3A_28 = arith.constant dense<2147483647> : vector<256xi32>
    %reduce_min3A_29 = vector.multi_reduction <minsi>, %select_n3A_27, %reduce_min3A_28 [0] : vector<4096x256xi32> to vector<256xi32>
    %broadcast_in_dim3A_30 = vector.shape_cast %reduce_min3A_29 : vector<256xi32> to vector<1x256xi32>
    %swap3A_31 = arith.constant 0 : index
    %swap3A_32 = arith.constant 1 : index
    %swap3A_33 = arith.constant 0 : index
    %swap3A_34 = vector.load %arg3[%swap3A_31, %swap3A_32, %swap3A_33] : memref<1x16x256xi32, #tpu.memory_space<vmem>>, vector<1x1x256xi32>
    %swap3A_35 = vector.shape_cast %swap3A_34 : vector<1x1x256xi32> to vector<1x256xi32>
    %swap3A_36 = vector.shape_cast %broadcast_in_dim3A_30 : vector<1x256xi32> to vector<1x1x256xi32>
    tpu.vector_store %arg3[%swap3A_31, %swap3A_32, %swap3A_33], %swap3A_36 {strides = array<i32>} : memref<1x16x256xi32, #tpu.memory_space<vmem>>, vector<1x1x256xi32>,
    %eq3A_37 = vector.broadcast %broadcast_in_dim3A_30 : vector<1x256xi32> to vector<4096x256xi32>
    %eq3A_38 = arith.cmpi eq, %iota3A, %eq3A_37 : vector<4096x256xi32>
    %jit3A_39 = arith.constant 0x7F800000 : f32
    %broadcast_in_dim3A_40 = vector.broadcast %jit3A_39 : f32 to vector<4096x256xf32>
    %select_n3A_41 = arith.select %eq3A_38, %broadcast_in_dim3A_40, %select_n3A_19 : vector<4096x256xi1>, vector<4096x256xf32>
    %reduce_min3A_42 = arith.constant dense<0x7F800000> : vector<256xf32>
    %reduce_min3A_43 = vector.multi_reduction <minimumf>, %select_n3A_41, %reduce_min3A_42 [0] : vector<4096x256xf32> to vector<256xf32>
    %broadcast_in_dim3A_44 = vector.shape_cast %reduce_min3A_43 : vector<256xf32> to vector<1x256xf32>
    %eq3A_45 = vector.broadcast %broadcast_in_dim3A_44 : vector<1x256xf32> to vector<4096x256xf32>
    %eq3A_46 = arith.cmpf oeq, %select_n3A_41, %eq3A_45 : vector<4096x256xf32>
    %jit3A_47 = arith.constant 4096 : i32
    %broadcast_in_dim3A_48 = vector.broadcast %jit3A_47 : i32 to vector<4096x256xi32>
    %select_n3A_49 = arith.select %eq3A_46, %iota3A, %broadcast_in_dim3A_48 : vector<4096x256xi1>, vector<4096x256xi32>
    %reduce_min3A_50 = arith.constant dense<2147483647> : vector<256xi32>
    %reduce_min3A_51 = vector.multi_reduction <minsi>, %select_n3A_49, %reduce_min3A_50 [0] : vector<4096x256xi32> to vector<256xi32>
    %broadcast_in_dim3A_52 = vector.shape_cast %reduce_min3A_51 : vector<256xi32> to vector<1x256xi32>
    %swap3A_53 = arith.constant 0 : index
    %swap3A_54 = arith.constant 2 : index
    %swap3A_55 = arith.constant 0 : index
    %swap3A_56 = vector.load %arg3[%swap3A_53, %swap3A_54, %swap3A_55] : memref<1x16x256xi32, #tpu.memory_space<vmem>>, vector<1x1x256xi32>
    %swap3A_57 = vector.shape_cast %swap3A_56 : vector<1x1x256xi32> to vector<1x256xi32>
    %swap3A_58 = vector.shape_cast %broadcast_in_dim3A_52 : vector<1x256xi32> to vector<1x1x256xi32>
    tpu.vector_store %arg3[%swap3A_53, %swap3A_54, %swap3A_55], %swap3A_58 {strides = array<i32>} : memref<1x16x256xi32, #tpu.memory_space<vmem>>, vector<1x1x256xi32>,
    %eq3A_59 = vector.broadcast %broadcast_in_dim3A_52 : vector<1x256xi32> to vector<4096x256xi32>
    %eq3A_60 = arith.cmpi eq, %iota3A, %eq3A_59 : vector<4096x256xi32>
    %jit3A_61 = arith.constant 0x7F800000 : f32
    %broadcast_in_dim3A_62 = vector.broadcast %jit3A_61 : f32 to vector<4096x256xf32>
    %select_n3A_63 = arith.select %eq3A_60, %broadcast_in_dim3A_62, %select_n3A_41 : vector<4096x256xi1>, vector<4096x256xf32>
    %reduce_min3A_64 = arith.constant dense<0x7F800000> : vector<256xf32>
    %reduce_min3A_65 = vector.multi_reduction <minimumf>, %select_n3A_63, %reduce_min3A_64 [0] : vector<4096x256xf32> to vector<256xf32>
    %broadcast_in_dim3A_66 = vector.shape_cast %reduce_min3A_65 : vector<256xf32> to vector<1x256xf32>
    %eq3A_67 = vector.broadcast %broadcast_in_dim3A_66 : vector<1x256xf32> to vector<4096x256xf32>
    %eq3A_68 = arith.cmpf oeq, %select_n3A_63, %eq3A_67 : vector<4096x256xf32>
    %jit3A_69 = arith.constant 4096 : i32
    %broadcast_in_dim3A_70 = vector.broadcast %jit3A_69 : i32 to vector<4096x256xi32>
    %select_n3A_71 = arith.select %eq3A_68, %iota3A, %broadcast_in_dim3A_70 : vector<4096x256xi1>, vector<4096x256xi32>
    %reduce_min3A_72 = arith.constant dense<2147483647> : vector<256xi32>
    %reduce_min3A_73 = vector.multi_reduction <minsi>, %select_n3A_71, %reduce_min3A_72 [0] : vector<4096x256xi32> to vector<256xi32>
    %broadcast_in_dim3A_74 = vector.shape_cast %reduce_min3A_73 : vector<256xi32> to vector<1x256xi32>
    %swap3A_75 = arith.constant 0 : index
    %swap3A_76 = arith.constant 3 : index
    %swap3A_77 = arith.constant 0 : index
    %swap3A_78 = vector.load %arg3[%swap3A_75, %swap3A_76, %swap3A_77] : memref<1x16x256xi32, #tpu.memory_space<vmem>>, vector<1x1x256xi32>
    %swap3A_79 = vector.shape_cast %swap3A_78 : vector<1x1x256xi32> to vector<1x256xi32>
    %swap3A_80 = vector.shape_cast %broadcast_in_dim3A_74 : vector<1x256xi32> to vector<1x1x256xi32>
    tpu.vector_store %arg3[%swap3A_75, %swap3A_76, %swap3A_77], %swap3A_80 {strides = array<i32>} : memref<1x16x256xi32, #tpu.memory_space<vmem>>, vector<1x1x256xi32>,
    %eq3A_81 = vector.broadcast %broadcast_in_dim3A_74 : vector<1x256xi32> to vector<4096x256xi32>
    %eq3A_82 = arith.cmpi eq, %iota3A, %eq3A_81 : vector<4096x256xi32>
    %jit3A_83 = arith.constant 0x7F800000 : f32
    %broadcast_in_dim3A_84 = vector.broadcast %jit3A_83 : f32 to vector<4096x256xf32>
    %select_n3A_85 = arith.select %eq3A_82, %broadcast_in_dim3A_84, %select_n3A_63 : vector<4096x256xi1>, vector<4096x256xf32>
    %reduce_min3A_86 = arith.constant dense<0x7F800000> : vector<256xf32>
    %reduce_min3A_87 = vector.multi_reduction <minimumf>, %select_n3A_85, %reduce_min3A_86 [0] : vector<4096x256xf32> to vector<256xf32>
    %broadcast_in_dim3A_88 = vector.shape_cast %reduce_min3A_87 : vector<256xf32> to vector<1x256xf32>
    %eq3A_89 = vector.broadcast %broadcast_in_dim3A_88 : vector<1x256xf32> to vector<4096x256xf32>
    %eq3A_90 = arith.cmpf oeq, %select_n3A_85, %eq3A_89 : vector<4096x256xf32>
    %jit3A_91 = arith.constant 4096 : i32
    %broadcast_in_dim3A_92 = vector.broadcast %jit3A_91 : i32 to vector<4096x256xi32>
    %select_n3A_93 = arith.select %eq3A_90, %iota3A, %broadcast_in_dim3A_92 : vector<4096x256xi1>, vector<4096x256xi32>
    %reduce_min3A_94 = arith.constant dense<2147483647> : vector<256xi32>
    %reduce_min3A_95 = vector.multi_reduction <minsi>, %select_n3A_93, %reduce_min3A_94 [0] : vector<4096x256xi32> to vector<256xi32>
    %broadcast_in_dim3A_96 = vector.shape_cast %reduce_min3A_95 : vector<256xi32> to vector<1x256xi32>
    %swap3A_97 = arith.constant 0 : index
    %swap3A_98 = arith.constant 4 : index
    %swap3A_99 = arith.constant 0 : index
    %swap3A_100 = vector.load %arg3[%swap3A_97, %swap3A_98, %swap3A_99] : memref<1x16x256xi32, #tpu.memory_space<vmem>>, vector<1x1x256xi32>
    %swap3A_101 = vector.shape_cast %swap3A_100 : vector<1x1x256xi32> to vector<1x256xi32>
    %swap3A_102 = vector.shape_cast %broadcast_in_dim3A_96 : vector<1x256xi32> to vector<1x1x256xi32>
    tpu.vector_store %arg3[%swap3A_97, %swap3A_98, %swap3A_99], %swap3A_102 {strides = array<i32>} : memref<1x16x256xi32, #tpu.memory_space<vmem>>, vector<1x1x256xi32>,
    %eq3A_103 = vector.broadcast %broadcast_in_dim3A_96 : vector<1x256xi32> to vector<4096x256xi32>
    %eq3A_104 = arith.cmpi eq, %iota3A, %eq3A_103 : vector<4096x256xi32>
    %jit3A_105 = arith.constant 0x7F800000 : f32
    %broadcast_in_dim3A_106 = vector.broadcast %jit3A_105 : f32 to vector<4096x256xf32>
    %select_n3A_107 = arith.select %eq3A_104, %broadcast_in_dim3A_106, %select_n3A_85 : vector<4096x256xi1>, vector<4096x256xf32>
    %reduce_min3A_108 = arith.constant dense<0x7F800000> : vector<256xf32>
    %reduce_min3A_109 = vector.multi_reduction <minimumf>, %select_n3A_107, %reduce_min3A_108 [0] : vector<4096x256xf32> to vector<256xf32>
    %broadcast_in_dim3A_110 = vector.shape_cast %reduce_min3A_109 : vector<256xf32> to vector<1x256xf32>
    %eq3A_111 = vector.broadcast %broadcast_in_dim3A_110 : vector<1x256xf32> to vector<4096x256xf32>
    %eq3A_112 = arith.cmpf oeq, %select_n3A_107, %eq3A_111 : vector<4096x256xf32>
    %jit3A_113 = arith.constant 4096 : i32
    %broadcast_in_dim3A_114 = vector.broadcast %jit3A_113 : i32 to vector<4096x256xi32>
    %select_n3A_115 = arith.select %eq3A_112, %iota3A, %broadcast_in_dim3A_114 : vector<4096x256xi1>, vector<4096x256xi32>
    %reduce_min3A_116 = arith.constant dense<2147483647> : vector<256xi32>
    %reduce_min3A_117 = vector.multi_reduction <minsi>, %select_n3A_115, %reduce_min3A_116 [0] : vector<4096x256xi32> to vector<256xi32>
    %broadcast_in_dim3A_118 = vector.shape_cast %reduce_min3A_117 : vector<256xi32> to vector<1x256xi32>
    %swap3A_119 = arith.constant 0 : index
    %swap3A_120 = arith.constant 5 : index
    %swap3A_121 = arith.constant 0 : index
    %swap3A_122 = vector.load %arg3[%swap3A_119, %swap3A_120, %swap3A_121] : memref<1x16x256xi32, #tpu.memory_space<vmem>>, vector<1x1x256xi32>
    %swap3A_123 = vector.shape_cast %swap3A_122 : vector<1x1x256xi32> to vector<1x256xi32>
    %swap3A_124 = vector.shape_cast %broadcast_in_dim3A_118 : vector<1x256xi32> to vector<1x1x256xi32>
    tpu.vector_store %arg3[%swap3A_119, %swap3A_120, %swap3A_121], %swap3A_124 {strides = array<i32>} : memref<1x16x256xi32, #tpu.memory_space<vmem>>, vector<1x1x256xi32>,
    %eq3A_125 = vector.broadcast %broadcast_in_dim3A_118 : vector<1x256xi32> to vector<4096x256xi32>
    %eq3A_126 = arith.cmpi eq, %iota3A, %eq3A_125 : vector<4096x256xi32>
    %jit3A_127 = arith.constant 0x7F800000 : f32
    %broadcast_in_dim3A_128 = vector.broadcast %jit3A_127 : f32 to vector<4096x256xf32>
    %select_n3A_129 = arith.select %eq3A_126, %broadcast_in_dim3A_128, %select_n3A_107 : vector<4096x256xi1>, vector<4096x256xf32>
    %reduce_min3A_130 = arith.constant dense<0x7F800000> : vector<256xf32>
    %reduce_min3A_131 = vector.multi_reduction <minimumf>, %select_n3A_129, %reduce_min3A_130 [0] : vector<4096x256xf32> to vector<256xf32>
    %broadcast_in_dim3A_132 = vector.shape_cast %reduce_min3A_131 : vector<256xf32> to vector<1x256xf32>
    %eq3A_133 = vector.broadcast %broadcast_in_dim3A_132 : vector<1x256xf32> to vector<4096x256xf32>
    %eq3A_134 = arith.cmpf oeq, %select_n3A_129, %eq3A_133 : vector<4096x256xf32>
    %jit3A_135 = arith.constant 4096 : i32
    %broadcast_in_dim3A_136 = vector.broadcast %jit3A_135 : i32 to vector<4096x256xi32>
    %select_n3A_137 = arith.select %eq3A_134, %iota3A, %broadcast_in_dim3A_136 : vector<4096x256xi1>, vector<4096x256xi32>
    %reduce_min3A_138 = arith.constant dense<2147483647> : vector<256xi32>
    %reduce_min3A_139 = vector.multi_reduction <minsi>, %select_n3A_137, %reduce_min3A_138 [0] : vector<4096x256xi32> to vector<256xi32>
    %broadcast_in_dim3A_140 = vector.shape_cast %reduce_min3A_139 : vector<256xi32> to vector<1x256xi32>
    %swap3A_141 = arith.constant 0 : index
    %swap3A_142 = arith.constant 6 : index
    %swap3A_143 = arith.constant 0 : index
    %swap3A_144 = vector.load %arg3[%swap3A_141, %swap3A_142, %swap3A_143] : memref<1x16x256xi32, #tpu.memory_space<vmem>>, vector<1x1x256xi32>
    %swap3A_145 = vector.shape_cast %swap3A_144 : vector<1x1x256xi32> to vector<1x256xi32>
    %swap3A_146 = vector.shape_cast %broadcast_in_dim3A_140 : vector<1x256xi32> to vector<1x1x256xi32>
    tpu.vector_store %arg3[%swap3A_141, %swap3A_142, %swap3A_143], %swap3A_146 {strides = array<i32>} : memref<1x16x256xi32, #tpu.memory_space<vmem>>, vector<1x1x256xi32>,
    %eq3A_147 = vector.broadcast %broadcast_in_dim3A_140 : vector<1x256xi32> to vector<4096x256xi32>
    %eq3A_148 = arith.cmpi eq, %iota3A, %eq3A_147 : vector<4096x256xi32>
    %jit3A_149 = arith.constant 0x7F800000 : f32
    %broadcast_in_dim3A_150 = vector.broadcast %jit3A_149 : f32 to vector<4096x256xf32>
    %select_n3A_151 = arith.select %eq3A_148, %broadcast_in_dim3A_150, %select_n3A_129 : vector<4096x256xi1>, vector<4096x256xf32>
    %reduce_min3A_152 = arith.constant dense<0x7F800000> : vector<256xf32>
    %reduce_min3A_153 = vector.multi_reduction <minimumf>, %select_n3A_151, %reduce_min3A_152 [0] : vector<4096x256xf32> to vector<256xf32>
    %broadcast_in_dim3A_154 = vector.shape_cast %reduce_min3A_153 : vector<256xf32> to vector<1x256xf32>
    %eq3A_155 = vector.broadcast %broadcast_in_dim3A_154 : vector<1x256xf32> to vector<4096x256xf32>
    %eq3A_156 = arith.cmpf oeq, %select_n3A_151, %eq3A_155 : vector<4096x256xf32>
    %jit3A_157 = arith.constant 4096 : i32
    %broadcast_in_dim3A_158 = vector.broadcast %jit3A_157 : i32 to vector<4096x256xi32>
    %select_n3A_159 = arith.select %eq3A_156, %iota3A, %broadcast_in_dim3A_158 : vector<4096x256xi1>, vector<4096x256xi32>
    %reduce_min3A_160 = arith.constant dense<2147483647> : vector<256xi32>
    %reduce_min3A_161 = vector.multi_reduction <minsi>, %select_n3A_159, %reduce_min3A_160 [0] : vector<4096x256xi32> to vector<256xi32>
    %broadcast_in_dim3A_162 = vector.shape_cast %reduce_min3A_161 : vector<256xi32> to vector<1x256xi32>
    %swap3A_163 = arith.constant 0 : index
    %swap3A_164 = arith.constant 7 : index
    %swap3A_165 = arith.constant 0 : index
    %swap3A_166 = vector.load %arg3[%swap3A_163, %swap3A_164, %swap3A_165] : memref<1x16x256xi32, #tpu.memory_space<vmem>>, vector<1x1x256xi32>
    %swap3A_167 = vector.shape_cast %swap3A_166 : vector<1x1x256xi32> to vector<1x256xi32>
    %swap3A_168 = vector.shape_cast %broadcast_in_dim3A_162 : vector<1x256xi32> to vector<1x1x256xi32>
    tpu.vector_store %arg3[%swap3A_163, %swap3A_164, %swap3A_165], %swap3A_168 {strides = array<i32>} : memref<1x16x256xi32, #tpu.memory_space<vmem>>, vector<1x1x256xi32>,
    %eq3A_169 = vector.broadcast %broadcast_in_dim3A_162 : vector<1x256xi32> to vector<4096x256xi32>
    %eq3A_170 = arith.cmpi eq, %iota3A, %eq3A_169 : vector<4096x256xi32>
    %jit3A_171 = arith.constant 0x7F800000 : f32
    %broadcast_in_dim3A_172 = vector.broadcast %jit3A_171 : f32 to vector<4096x256xf32>
    %select_n3A_173 = arith.select %eq3A_170, %broadcast_in_dim3A_172, %select_n3A_151 : vector<4096x256xi1>, vector<4096x256xf32>
    %reduce_min3A_174 = arith.constant dense<0x7F800000> : vector<256xf32>
    %reduce_min3A_175 = vector.multi_reduction <minimumf>, %select_n3A_173, %reduce_min3A_174 [0] : vector<4096x256xf32> to vector<256xf32>
    %broadcast_in_dim3A_176 = vector.shape_cast %reduce_min3A_175 : vector<256xf32> to vector<1x256xf32>
    %eq3A_177 = vector.broadcast %broadcast_in_dim3A_176 : vector<1x256xf32> to vector<4096x256xf32>
    %eq3A_178 = arith.cmpf oeq, %select_n3A_173, %eq3A_177 : vector<4096x256xf32>
    %jit3A_179 = arith.constant 4096 : i32
    %broadcast_in_dim3A_180 = vector.broadcast %jit3A_179 : i32 to vector<4096x256xi32>
    %select_n3A_181 = arith.select %eq3A_178, %iota3A, %broadcast_in_dim3A_180 : vector<4096x256xi1>, vector<4096x256xi32>
    %reduce_min3A_182 = arith.constant dense<2147483647> : vector<256xi32>
    %reduce_min3A_183 = vector.multi_reduction <minsi>, %select_n3A_181, %reduce_min3A_182 [0] : vector<4096x256xi32> to vector<256xi32>
    %broadcast_in_dim3A_184 = vector.shape_cast %reduce_min3A_183 : vector<256xi32> to vector<1x256xi32>
    %swap3A_185 = arith.constant 0 : index
    %swap3A_186 = arith.constant 8 : index
    %swap3A_187 = arith.constant 0 : index
    %swap3A_188 = vector.load %arg3[%swap3A_185, %swap3A_186, %swap3A_187] : memref<1x16x256xi32, #tpu.memory_space<vmem>>, vector<1x1x256xi32>
    %swap3A_189 = vector.shape_cast %swap3A_188 : vector<1x1x256xi32> to vector<1x256xi32>
    %swap3A_190 = vector.shape_cast %broadcast_in_dim3A_184 : vector<1x256xi32> to vector<1x1x256xi32>
    tpu.vector_store %arg3[%swap3A_185, %swap3A_186, %swap3A_187], %swap3A_190 {strides = array<i32>} : memref<1x16x256xi32, #tpu.memory_space<vmem>>, vector<1x1x256xi32>,
    %eq3A_191 = vector.broadcast %broadcast_in_dim3A_184 : vector<1x256xi32> to vector<4096x256xi32>
    %eq3A_192 = arith.cmpi eq, %iota3A, %eq3A_191 : vector<4096x256xi32>
    %jit3A_193 = arith.constant 0x7F800000 : f32
    %broadcast_in_dim3A_194 = vector.broadcast %jit3A_193 : f32 to vector<4096x256xf32>
    %select_n3A_195 = arith.select %eq3A_192, %broadcast_in_dim3A_194, %select_n3A_173 : vector<4096x256xi1>, vector<4096x256xf32>
    %reduce_min3A_196 = arith.constant dense<0x7F800000> : vector<256xf32>
    %reduce_min3A_197 = vector.multi_reduction <minimumf>, %select_n3A_195, %reduce_min3A_196 [0] : vector<4096x256xf32> to vector<256xf32>
    %broadcast_in_dim3A_198 = vector.shape_cast %reduce_min3A_197 : vector<256xf32> to vector<1x256xf32>
    %eq3A_199 = vector.broadcast %broadcast_in_dim3A_198 : vector<1x256xf32> to vector<4096x256xf32>
    %eq3A_200 = arith.cmpf oeq, %select_n3A_195, %eq3A_199 : vector<4096x256xf32>
    %jit3A_201 = arith.constant 4096 : i32
    %broadcast_in_dim3A_202 = vector.broadcast %jit3A_201 : i32 to vector<4096x256xi32>
    %select_n3A_203 = arith.select %eq3A_200, %iota3A, %broadcast_in_dim3A_202 : vector<4096x256xi1>, vector<4096x256xi32>
    %reduce_min3A_204 = arith.constant dense<2147483647> : vector<256xi32>
    %reduce_min3A_205 = vector.multi_reduction <minsi>, %select_n3A_203, %reduce_min3A_204 [0] : vector<4096x256xi32> to vector<256xi32>
    %broadcast_in_dim3A_206 = vector.shape_cast %reduce_min3A_205 : vector<256xi32> to vector<1x256xi32>
    %swap3A_207 = arith.constant 0 : index
    %swap3A_208 = arith.constant 9 : index
    %swap3A_209 = arith.constant 0 : index
    %swap3A_210 = vector.load %arg3[%swap3A_207, %swap3A_208, %swap3A_209] : memref<1x16x256xi32, #tpu.memory_space<vmem>>, vector<1x1x256xi32>
    %swap3A_211 = vector.shape_cast %swap3A_210 : vector<1x1x256xi32> to vector<1x256xi32>
    %swap3A_212 = vector.shape_cast %broadcast_in_dim3A_206 : vector<1x256xi32> to vector<1x1x256xi32>
    tpu.vector_store %arg3[%swap3A_207, %swap3A_208, %swap3A_209], %swap3A_212 {strides = array<i32>} : memref<1x16x256xi32, #tpu.memory_space<vmem>>, vector<1x1x256xi32>,
    %eq3A_213 = vector.broadcast %broadcast_in_dim3A_206 : vector<1x256xi32> to vector<4096x256xi32>
    %eq3A_214 = arith.cmpi eq, %iota3A, %eq3A_213 : vector<4096x256xi32>
    %jit3A_215 = arith.constant 0x7F800000 : f32
    %broadcast_in_dim3A_216 = vector.broadcast %jit3A_215 : f32 to vector<4096x256xf32>
    %select_n3A_217 = arith.select %eq3A_214, %broadcast_in_dim3A_216, %select_n3A_195 : vector<4096x256xi1>, vector<4096x256xf32>
    %reduce_min3A_218 = arith.constant dense<0x7F800000> : vector<256xf32>
    %reduce_min3A_219 = vector.multi_reduction <minimumf>, %select_n3A_217, %reduce_min3A_218 [0] : vector<4096x256xf32> to vector<256xf32>
    %broadcast_in_dim3A_220 = vector.shape_cast %reduce_min3A_219 : vector<256xf32> to vector<1x256xf32>
    %eq3A_221 = vector.broadcast %broadcast_in_dim3A_220 : vector<1x256xf32> to vector<4096x256xf32>
    %eq3A_222 = arith.cmpf oeq, %select_n3A_217, %eq3A_221 : vector<4096x256xf32>
    %jit3A_223 = arith.constant 4096 : i32
    %broadcast_in_dim3A_224 = vector.broadcast %jit3A_223 : i32 to vector<4096x256xi32>
    %select_n3A_225 = arith.select %eq3A_222, %iota3A, %broadcast_in_dim3A_224 : vector<4096x256xi1>, vector<4096x256xi32>
    %reduce_min3A_226 = arith.constant dense<2147483647> : vector<256xi32>
    %reduce_min3A_227 = vector.multi_reduction <minsi>, %select_n3A_225, %reduce_min3A_226 [0] : vector<4096x256xi32> to vector<256xi32>
    %broadcast_in_dim3A_228 = vector.shape_cast %reduce_min3A_227 : vector<256xi32> to vector<1x256xi32>
    %swap3A_229 = arith.constant 0 : index
    %swap3A_230 = arith.constant 10 : index
    %swap3A_231 = arith.constant 0 : index
    %swap3A_232 = vector.load %arg3[%swap3A_229, %swap3A_230, %swap3A_231] : memref<1x16x256xi32, #tpu.memory_space<vmem>>, vector<1x1x256xi32>
    %swap3A_233 = vector.shape_cast %swap3A_232 : vector<1x1x256xi32> to vector<1x256xi32>
    %swap3A_234 = vector.shape_cast %broadcast_in_dim3A_228 : vector<1x256xi32> to vector<1x1x256xi32>
    tpu.vector_store %arg3[%swap3A_229, %swap3A_230, %swap3A_231], %swap3A_234 {strides = array<i32>} : memref<1x16x256xi32, #tpu.memory_space<vmem>>, vector<1x1x256xi32>,
    %eq3A_235 = vector.broadcast %broadcast_in_dim3A_228 : vector<1x256xi32> to vector<4096x256xi32>
    %eq3A_236 = arith.cmpi eq, %iota3A, %eq3A_235 : vector<4096x256xi32>
    %jit3A_237 = arith.constant 0x7F800000 : f32
    %broadcast_in_dim3A_238 = vector.broadcast %jit3A_237 : f32 to vector<4096x256xf32>
    %select_n3A_239 = arith.select %eq3A_236, %broadcast_in_dim3A_238, %select_n3A_217 : vector<4096x256xi1>, vector<4096x256xf32>
    %reduce_min3A_240 = arith.constant dense<0x7F800000> : vector<256xf32>
    %reduce_min3A_241 = vector.multi_reduction <minimumf>, %select_n3A_239, %reduce_min3A_240 [0] : vector<4096x256xf32> to vector<256xf32>
    %broadcast_in_dim3A_242 = vector.shape_cast %reduce_min3A_241 : vector<256xf32> to vector<1x256xf32>
    %eq3A_243 = vector.broadcast %broadcast_in_dim3A_242 : vector<1x256xf32> to vector<4096x256xf32>
    %eq3A_244 = arith.cmpf oeq, %select_n3A_239, %eq3A_243 : vector<4096x256xf32>
    %jit3A_245 = arith.constant 4096 : i32
    %broadcast_in_dim3A_246 = vector.broadcast %jit3A_245 : i32 to vector<4096x256xi32>
    %select_n3A_247 = arith.select %eq3A_244, %iota3A, %broadcast_in_dim3A_246 : vector<4096x256xi1>, vector<4096x256xi32>
    %reduce_min3A_248 = arith.constant dense<2147483647> : vector<256xi32>
    %reduce_min3A_249 = vector.multi_reduction <minsi>, %select_n3A_247, %reduce_min3A_248 [0] : vector<4096x256xi32> to vector<256xi32>
    %broadcast_in_dim3A_250 = vector.shape_cast %reduce_min3A_249 : vector<256xi32> to vector<1x256xi32>
    %swap3A_251 = arith.constant 0 : index
    %swap3A_252 = arith.constant 11 : index
    %swap3A_253 = arith.constant 0 : index
    %swap3A_254 = vector.load %arg3[%swap3A_251, %swap3A_252, %swap3A_253] : memref<1x16x256xi32, #tpu.memory_space<vmem>>, vector<1x1x256xi32>
    %swap3A_255 = vector.shape_cast %swap3A_254 : vector<1x1x256xi32> to vector<1x256xi32>
    %swap3A_256 = vector.shape_cast %broadcast_in_dim3A_250 : vector<1x256xi32> to vector<1x1x256xi32>
    tpu.vector_store %arg3[%swap3A_251, %swap3A_252, %swap3A_253], %swap3A_256 {strides = array<i32>} : memref<1x16x256xi32, #tpu.memory_space<vmem>>, vector<1x1x256xi32>,
    %eq3A_257 = vector.broadcast %broadcast_in_dim3A_250 : vector<1x256xi32> to vector<4096x256xi32>
    %eq3A_258 = arith.cmpi eq, %iota3A, %eq3A_257 : vector<4096x256xi32>
    %jit3A_259 = arith.constant 0x7F800000 : f32
    %broadcast_in_dim3A_260 = vector.broadcast %jit3A_259 : f32 to vector<4096x256xf32>
    %select_n3A_261 = arith.select %eq3A_258, %broadcast_in_dim3A_260, %select_n3A_239 : vector<4096x256xi1>, vector<4096x256xf32>
    %reduce_min3A_262 = arith.constant dense<0x7F800000> : vector<256xf32>
    %reduce_min3A_263 = vector.multi_reduction <minimumf>, %select_n3A_261, %reduce_min3A_262 [0] : vector<4096x256xf32> to vector<256xf32>
    %broadcast_in_dim3A_264 = vector.shape_cast %reduce_min3A_263 : vector<256xf32> to vector<1x256xf32>
    %eq3A_265 = vector.broadcast %broadcast_in_dim3A_264 : vector<1x256xf32> to vector<4096x256xf32>
    %eq3A_266 = arith.cmpf oeq, %select_n3A_261, %eq3A_265 : vector<4096x256xf32>
    %jit3A_267 = arith.constant 4096 : i32
    %broadcast_in_dim3A_268 = vector.broadcast %jit3A_267 : i32 to vector<4096x256xi32>
    %select_n3A_269 = arith.select %eq3A_266, %iota3A, %broadcast_in_dim3A_268 : vector<4096x256xi1>, vector<4096x256xi32>
    %reduce_min3A_270 = arith.constant dense<2147483647> : vector<256xi32>
    %reduce_min3A_271 = vector.multi_reduction <minsi>, %select_n3A_269, %reduce_min3A_270 [0] : vector<4096x256xi32> to vector<256xi32>
    %broadcast_in_dim3A_272 = vector.shape_cast %reduce_min3A_271 : vector<256xi32> to vector<1x256xi32>
    %swap3A_273 = arith.constant 0 : index
    %swap3A_274 = arith.constant 12 : index
    %swap3A_275 = arith.constant 0 : index
    %swap3A_276 = vector.load %arg3[%swap3A_273, %swap3A_274, %swap3A_275] : memref<1x16x256xi32, #tpu.memory_space<vmem>>, vector<1x1x256xi32>
    %swap3A_277 = vector.shape_cast %swap3A_276 : vector<1x1x256xi32> to vector<1x256xi32>
    %swap3A_278 = vector.shape_cast %broadcast_in_dim3A_272 : vector<1x256xi32> to vector<1x1x256xi32>
    tpu.vector_store %arg3[%swap3A_273, %swap3A_274, %swap3A_275], %swap3A_278 {strides = array<i32>} : memref<1x16x256xi32, #tpu.memory_space<vmem>>, vector<1x1x256xi32>,
    %eq3A_279 = vector.broadcast %broadcast_in_dim3A_272 : vector<1x256xi32> to vector<4096x256xi32>
    %eq3A_280 = arith.cmpi eq, %iota3A, %eq3A_279 : vector<4096x256xi32>
    %jit3A_281 = arith.constant 0x7F800000 : f32
    %broadcast_in_dim3A_282 = vector.broadcast %jit3A_281 : f32 to vector<4096x256xf32>
    %select_n3A_283 = arith.select %eq3A_280, %broadcast_in_dim3A_282, %select_n3A_261 : vector<4096x256xi1>, vector<4096x256xf32>
    %reduce_min3A_284 = arith.constant dense<0x7F800000> : vector<256xf32>
    %reduce_min3A_285 = vector.multi_reduction <minimumf>, %select_n3A_283, %reduce_min3A_284 [0] : vector<4096x256xf32> to vector<256xf32>
    %broadcast_in_dim3A_286 = vector.shape_cast %reduce_min3A_285 : vector<256xf32> to vector<1x256xf32>
    %eq3A_287 = vector.broadcast %broadcast_in_dim3A_286 : vector<1x256xf32> to vector<4096x256xf32>
    %eq3A_288 = arith.cmpf oeq, %select_n3A_283, %eq3A_287 : vector<4096x256xf32>
    %jit3A_289 = arith.constant 4096 : i32
    %broadcast_in_dim3A_290 = vector.broadcast %jit3A_289 : i32 to vector<4096x256xi32>
    %select_n3A_291 = arith.select %eq3A_288, %iota3A, %broadcast_in_dim3A_290 : vector<4096x256xi1>, vector<4096x256xi32>
    %reduce_min3A_292 = arith.constant dense<2147483647> : vector<256xi32>
    %reduce_min3A_293 = vector.multi_reduction <minsi>, %select_n3A_291, %reduce_min3A_292 [0] : vector<4096x256xi32> to vector<256xi32>
    %broadcast_in_dim3A_294 = vector.shape_cast %reduce_min3A_293 : vector<256xi32> to vector<1x256xi32>
    %swap3A_295 = arith.constant 0 : index
    %swap3A_296 = arith.constant 13 : index
    %swap3A_297 = arith.constant 0 : index
    %swap3A_298 = vector.load %arg3[%swap3A_295, %swap3A_296, %swap3A_297] : memref<1x16x256xi32, #tpu.memory_space<vmem>>, vector<1x1x256xi32>
    %swap3A_299 = vector.shape_cast %swap3A_298 : vector<1x1x256xi32> to vector<1x256xi32>
    %swap3A_300 = vector.shape_cast %broadcast_in_dim3A_294 : vector<1x256xi32> to vector<1x1x256xi32>
    tpu.vector_store %arg3[%swap3A_295, %swap3A_296, %swap3A_297], %swap3A_300 {strides = array<i32>} : memref<1x16x256xi32, #tpu.memory_space<vmem>>, vector<1x1x256xi32>,
    %eq3A_301 = vector.broadcast %broadcast_in_dim3A_294 : vector<1x256xi32> to vector<4096x256xi32>
    %eq3A_302 = arith.cmpi eq, %iota3A, %eq3A_301 : vector<4096x256xi32>
    %jit3A_303 = arith.constant 0x7F800000 : f32
    %broadcast_in_dim3A_304 = vector.broadcast %jit3A_303 : f32 to vector<4096x256xf32>
    %select_n3A_305 = arith.select %eq3A_302, %broadcast_in_dim3A_304, %select_n3A_283 : vector<4096x256xi1>, vector<4096x256xf32>
    %reduce_min3A_306 = arith.constant dense<0x7F800000> : vector<256xf32>
    %reduce_min3A_307 = vector.multi_reduction <minimumf>, %select_n3A_305, %reduce_min3A_306 [0] : vector<4096x256xf32> to vector<256xf32>
    %broadcast_in_dim3A_308 = vector.shape_cast %reduce_min3A_307 : vector<256xf32> to vector<1x256xf32>
    %eq3A_309 = vector.broadcast %broadcast_in_dim3A_308 : vector<1x256xf32> to vector<4096x256xf32>
    %eq3A_310 = arith.cmpf oeq, %select_n3A_305, %eq3A_309 : vector<4096x256xf32>
    %jit3A_311 = arith.constant 4096 : i32
    %broadcast_in_dim3A_312 = vector.broadcast %jit3A_311 : i32 to vector<4096x256xi32>
    %select_n3A_313 = arith.select %eq3A_310, %iota3A, %broadcast_in_dim3A_312 : vector<4096x256xi1>, vector<4096x256xi32>
    %reduce_min3A_314 = arith.constant dense<2147483647> : vector<256xi32>
    %reduce_min3A_315 = vector.multi_reduction <minsi>, %select_n3A_313, %reduce_min3A_314 [0] : vector<4096x256xi32> to vector<256xi32>
    %broadcast_in_dim3A_316 = vector.shape_cast %reduce_min3A_315 : vector<256xi32> to vector<1x256xi32>
    %swap3A_317 = arith.constant 0 : index
    %swap3A_318 = arith.constant 14 : index
    %swap3A_319 = arith.constant 0 : index
    %swap3A_320 = vector.load %arg3[%swap3A_317, %swap3A_318, %swap3A_319] : memref<1x16x256xi32, #tpu.memory_space<vmem>>, vector<1x1x256xi32>
    %swap3A_321 = vector.shape_cast %swap3A_320 : vector<1x1x256xi32> to vector<1x256xi32>
    %swap3A_322 = vector.shape_cast %broadcast_in_dim3A_316 : vector<1x256xi32> to vector<1x1x256xi32>
    tpu.vector_store %arg3[%swap3A_317, %swap3A_318, %swap3A_319], %swap3A_322 {strides = array<i32>} : memref<1x16x256xi32, #tpu.memory_space<vmem>>, vector<1x1x256xi32>,
    %eq3A_323 = vector.broadcast %broadcast_in_dim3A_316 : vector<1x256xi32> to vector<4096x256xi32>
    %eq3A_324 = arith.cmpi eq, %iota3A, %eq3A_323 : vector<4096x256xi32>
    %jit3A_325 = arith.constant 0x7F800000 : f32
    %broadcast_in_dim3A_326 = vector.broadcast %jit3A_325 : f32 to vector<4096x256xf32>
    %select_n3A_327 = arith.select %eq3A_324, %broadcast_in_dim3A_326, %select_n3A_305 : vector<4096x256xi1>, vector<4096x256xf32>
    %reduce_min3A_328 = arith.constant dense<0x7F800000> : vector<256xf32>
    %reduce_min3A_329 = vector.multi_reduction <minimumf>, %select_n3A_327, %reduce_min3A_328 [0] : vector<4096x256xf32> to vector<256xf32>
    %broadcast_in_dim3A_330 = vector.shape_cast %reduce_min3A_329 : vector<256xf32> to vector<1x256xf32>
    %eq3A_331 = vector.broadcast %broadcast_in_dim3A_330 : vector<1x256xf32> to vector<4096x256xf32>
    %eq3A_332 = arith.cmpf oeq, %select_n3A_327, %eq3A_331 : vector<4096x256xf32>
    %jit3A_333 = arith.constant 4096 : i32
    %broadcast_in_dim3A_334 = vector.broadcast %jit3A_333 : i32 to vector<4096x256xi32>
    %select_n3A_335 = arith.select %eq3A_332, %iota3A, %broadcast_in_dim3A_334 : vector<4096x256xi1>, vector<4096x256xi32>
    %reduce_min3A_336 = arith.constant dense<2147483647> : vector<256xi32>
    %reduce_min3A_337 = vector.multi_reduction <minsi>, %select_n3A_335, %reduce_min3A_336 [0] : vector<4096x256xi32> to vector<256xi32>
    %broadcast_in_dim3A_338 = vector.shape_cast %reduce_min3A_337 : vector<256xi32> to vector<1x256xi32>
    %swap3A_339 = arith.constant 0 : index
    %swap3A_340 = arith.constant 15 : index
    %swap3A_341 = arith.constant 0 : index
    %swap3A_342 = vector.load %arg3[%swap3A_339, %swap3A_340, %swap3A_341] : memref<1x16x256xi32, #tpu.memory_space<vmem>>, vector<1x1x256xi32>
    %swap3A_343 = vector.shape_cast %swap3A_342 : vector<1x1x256xi32> to vector<1x256xi32>
    %swap3A_344 = vector.shape_cast %broadcast_in_dim3A_338 : vector<1x256xi32> to vector<1x1x256xi32>
    tpu.vector_store %arg3[%swap3A_339, %swap3A_340, %swap3A_341], %swap3A_344 {strides = array<i32>} : memref<1x16x256xi32, #tpu.memory_space<vmem>>, vector<1x1x256xi32>,
    return
  }
  func.func @transform_0(%arg0: i32, %arg1: i32) -> (i32, i32, i32) {
    %c0_i32 = arith.constant 0 : i32
    %c0_i32_0 = arith.constant 0 : i32
    return %arg0, %c0_i32, %arg1 : i32, i32, i32
  }
  func.func @transform_1(%arg0: i32, %arg1: i32) -> (i32, i32, i32) {
    %c0_i32 = arith.constant 0 : i32
    %c0_i32_0 = arith.constant 0 : i32
    return %arg0, %c0_i32, %arg1 : i32, i32, i32
  }
}

module attributes {stable_mosaic.version = 14 : i64} {
  func.func @_match_kernel(%arg0: i32, %arg1: i32, %arg2: memref<1x256x16xf32, #tpu.memory_space<vmem>>, %arg3: memref<1x256x16xf32, #tpu.memory_space<vmem>>, %arg4: memref<1x256x120xi32, #tpu.memory_space<vmem>>) attributes {dimension_semantics = [#tpu.dimension_semantics<arbitrary>, #tpu.dimension_semantics<arbitrary>], iteration_bounds = array<i64: 2, 16>, scalar_prefetch = 0 : i64, scratch_operands = 0 : i64, tpu.core_type = #tpu.core_type<tc>, window_params = [{transform_indices = @transform_0, window_bounds = array<i64: 1, 256, 16>}, {transform_indices = @transform_1, window_bounds = array<i64: 1, 256, 16>}, {transform_indices = @transform_2, window_bounds = array<i64: 1, 256, 120>}]} {
    %get3A = arith.constant 0 : index
    %get3A_0 = arith.constant 0 : index
    %get3A_1 = arith.constant 0 : index
    %get3A_2 = vector.load %arg2[%get3A, %get3A_0, %get3A_1] : memref<1x256x16xf32, #tpu.memory_space<vmem>>, vector<1x256x16xf32>
    %get3A_3 = vector.shape_cast %get3A_2 : vector<1x256x16xf32> to vector<256x16xf32>
    %get3A_4 = arith.constant 0 : index
    %get3A_5 = arith.constant 0 : index
    %get3A_6 = arith.constant 0 : index
    %get3A_7 = vector.load %arg3[%get3A_4, %get3A_5, %get3A_6] : memref<1x256x16xf32, #tpu.memory_space<vmem>>, vector<1x256x16xf32>
    %get3A_8 = vector.shape_cast %get3A_7 : vector<1x256x16xf32> to vector<256x16xf32>
    %iota3A = tpu.iota {dimensions = array<i32: 1>} : vector<256x16xi32>
    %sub3A = arith.constant 0.0150000006 : f32
    %sub3A_9 = vector.broadcast %sub3A : f32 to vector<256x16xf32>
    %sub3A_10 = arith.subf %sub3A_9, %get3A_3 : vector<256x16xf32>
    %sub3A_11 = arith.constant 0.000000e+00 : f32
    %sub3A_12 = vector.broadcast %sub3A_11 : f32 to vector<256x16xf32>
    %sub3A_13 = arith.subf %sub3A_12, %get3A_8 : vector<256x16xf32>
    %mul3A = arith.mulf %sub3A_10, %sub3A_10 : vector<256x16xf32>
    %mul3A_14 = arith.mulf %sub3A_13, %sub3A_13 : vector<256x16xf32>
    %add3A = arith.addf %mul3A, %mul3A_14 : vector<256x16xf32>
    %add3A_15 = arith.constant 1.000000e-16 : f32
    %add3A_16 = vector.broadcast %add3A_15 : f32 to vector<256x16xf32>
    %add3A_17 = arith.addf %add3A, %add3A_16 : vector<256x16xf32>
    %sqrt3A = math.sqrt %add3A_17 : vector<256x16xf32>
    %reduce_min3A = arith.constant dense<0x7F800000> : vector<256xf32>
    %reduce_min3A_18 = vector.multi_reduction <minimumf>, %sqrt3A, %reduce_min3A [1] : vector<256x16xf32> to vector<256xf32>
    %broadcast_in_dim3A = vector.shape_cast %reduce_min3A_18 : vector<256xf32> to vector<256x1xf32>
    %eq3A = vector.broadcast %broadcast_in_dim3A : vector<256x1xf32> to vector<256x16xf32>
    %eq3A_19 = arith.cmpf oeq, %sqrt3A, %eq3A : vector<256x16xf32>
    %jit3A = arith.constant 16 : i32
    %broadcast_in_dim3A_20 = vector.broadcast %jit3A : i32 to vector<256x16xi32>
    %select_n3A = arith.select %eq3A_19, %iota3A, %broadcast_in_dim3A_20 : vector<256x16xi1>, vector<256x16xi32>
    %reduce_min3A_21 = arith.constant dense<2147483647> : vector<256xi32>
    %reduce_min3A_22 = vector.multi_reduction <minsi>, %select_n3A, %reduce_min3A_21 [1] : vector<256x16xi32> to vector<256xi32>
    %broadcast_in_dim3A_23 = vector.shape_cast %reduce_min3A_22 : vector<256xi32> to vector<256x1xi32>
    %swap3A = arith.constant 0 : index
    %swap3A_24 = arith.constant 0 : index
    %swap3A_25 = arith.constant 0 : index
    %swap3A_26 = vector.load %arg4[%swap3A, %swap3A_24, %swap3A_25] : memref<1x256x120xi32, #tpu.memory_space<vmem>>, vector<1x256x1xi32>
    %swap3A_27 = vector.shape_cast %swap3A_26 : vector<1x256x1xi32> to vector<256x1xi32>
    %swap3A_28 = vector.shape_cast %broadcast_in_dim3A_23 : vector<256x1xi32> to vector<1x256x1xi32>
    tpu.vector_store %arg4[%swap3A, %swap3A_24, %swap3A_25], %swap3A_28 {strides = array<i32>} : memref<1x256x120xi32, #tpu.memory_space<vmem>>, vector<1x256x1xi32>,
    %eq3A_29 = vector.broadcast %broadcast_in_dim3A_23 : vector<256x1xi32> to vector<256x16xi32>
    %eq3A_30 = arith.cmpi eq, %iota3A, %eq3A_29 : vector<256x16xi32>
    %jit3A_31 = arith.constant 0x7F800000 : f32
    %broadcast_in_dim3A_32 = vector.broadcast %jit3A_31 : f32 to vector<256x16xf32>
    %select_n3A_33 = arith.select %eq3A_30, %broadcast_in_dim3A_32, %sqrt3A : vector<256x16xi1>, vector<256x16xf32>
    %reduce_min3A_34 = arith.constant dense<0x7F800000> : vector<256xf32>
    %reduce_min3A_35 = vector.multi_reduction <minimumf>, %select_n3A_33, %reduce_min3A_34 [1] : vector<256x16xf32> to vector<256xf32>
    %broadcast_in_dim3A_36 = vector.shape_cast %reduce_min3A_35 : vector<256xf32> to vector<256x1xf32>
    %eq3A_37 = vector.broadcast %broadcast_in_dim3A_36 : vector<256x1xf32> to vector<256x16xf32>
    %eq3A_38 = arith.cmpf oeq, %select_n3A_33, %eq3A_37 : vector<256x16xf32>
    %jit3A_39 = arith.constant 16 : i32
    %broadcast_in_dim3A_40 = vector.broadcast %jit3A_39 : i32 to vector<256x16xi32>
    %select_n3A_41 = arith.select %eq3A_38, %iota3A, %broadcast_in_dim3A_40 : vector<256x16xi1>, vector<256x16xi32>
    %reduce_min3A_42 = arith.constant dense<2147483647> : vector<256xi32>
    %reduce_min3A_43 = vector.multi_reduction <minsi>, %select_n3A_41, %reduce_min3A_42 [1] : vector<256x16xi32> to vector<256xi32>
    %broadcast_in_dim3A_44 = vector.shape_cast %reduce_min3A_43 : vector<256xi32> to vector<256x1xi32>
    %swap3A_45 = arith.constant 0 : index
    %swap3A_46 = arith.constant 0 : index
    %swap3A_47 = arith.constant 1 : index
    %swap3A_48 = vector.load %arg4[%swap3A_45, %swap3A_46, %swap3A_47] : memref<1x256x120xi32, #tpu.memory_space<vmem>>, vector<1x256x1xi32>
    %swap3A_49 = vector.shape_cast %swap3A_48 : vector<1x256x1xi32> to vector<256x1xi32>
    %swap3A_50 = vector.shape_cast %broadcast_in_dim3A_44 : vector<256x1xi32> to vector<1x256x1xi32>
    tpu.vector_store %arg4[%swap3A_45, %swap3A_46, %swap3A_47], %swap3A_50 {strides = array<i32>} : memref<1x256x120xi32, #tpu.memory_space<vmem>>, vector<1x256x1xi32>,
    %eq3A_51 = vector.broadcast %broadcast_in_dim3A_44 : vector<256x1xi32> to vector<256x16xi32>
    %eq3A_52 = arith.cmpi eq, %iota3A, %eq3A_51 : vector<256x16xi32>
    %jit3A_53 = arith.constant 0x7F800000 : f32
    %broadcast_in_dim3A_54 = vector.broadcast %jit3A_53 : f32 to vector<256x16xf32>
    %select_n3A_55 = arith.select %eq3A_52, %broadcast_in_dim3A_54, %select_n3A_33 : vector<256x16xi1>, vector<256x16xf32>
    %reduce_min3A_56 = arith.constant dense<0x7F800000> : vector<256xf32>
    %reduce_min3A_57 = vector.multi_reduction <minimumf>, %select_n3A_55, %reduce_min3A_56 [1] : vector<256x16xf32> to vector<256xf32>
    %broadcast_in_dim3A_58 = vector.shape_cast %reduce_min3A_57 : vector<256xf32> to vector<256x1xf32>
    %eq3A_59 = vector.broadcast %broadcast_in_dim3A_58 : vector<256x1xf32> to vector<256x16xf32>
    %eq3A_60 = arith.cmpf oeq, %select_n3A_55, %eq3A_59 : vector<256x16xf32>
    %jit3A_61 = arith.constant 16 : i32
    %broadcast_in_dim3A_62 = vector.broadcast %jit3A_61 : i32 to vector<256x16xi32>
    %select_n3A_63 = arith.select %eq3A_60, %iota3A, %broadcast_in_dim3A_62 : vector<256x16xi1>, vector<256x16xi32>
    %reduce_min3A_64 = arith.constant dense<2147483647> : vector<256xi32>
    %reduce_min3A_65 = vector.multi_reduction <minsi>, %select_n3A_63, %reduce_min3A_64 [1] : vector<256x16xi32> to vector<256xi32>
    %broadcast_in_dim3A_66 = vector.shape_cast %reduce_min3A_65 : vector<256xi32> to vector<256x1xi32>
    %swap3A_67 = arith.constant 0 : index
    %swap3A_68 = arith.constant 0 : index
    %swap3A_69 = arith.constant 2 : index
    %swap3A_70 = vector.load %arg4[%swap3A_67, %swap3A_68, %swap3A_69] : memref<1x256x120xi32, #tpu.memory_space<vmem>>, vector<1x256x1xi32>
    %swap3A_71 = vector.shape_cast %swap3A_70 : vector<1x256x1xi32> to vector<256x1xi32>
    %swap3A_72 = vector.shape_cast %broadcast_in_dim3A_66 : vector<256x1xi32> to vector<1x256x1xi32>
    tpu.vector_store %arg4[%swap3A_67, %swap3A_68, %swap3A_69], %swap3A_72 {strides = array<i32>} : memref<1x256x120xi32, #tpu.memory_space<vmem>>, vector<1x256x1xi32>,
    %sub3A_73 = arith.constant 0.0106066018 : f32
    %sub3A_74 = vector.broadcast %sub3A_73 : f32 to vector<256x16xf32>
    %sub3A_75 = arith.subf %sub3A_74, %get3A_3 : vector<256x16xf32>
    %sub3A_76 = arith.constant 0.0106066018 : f32
    %sub3A_77 = vector.broadcast %sub3A_76 : f32 to vector<256x16xf32>
    %sub3A_78 = arith.subf %sub3A_77, %get3A_8 : vector<256x16xf32>
    %mul3A_79 = arith.mulf %sub3A_75, %sub3A_75 : vector<256x16xf32>
    %mul3A_80 = arith.mulf %sub3A_78, %sub3A_78 : vector<256x16xf32>
    %add3A_81 = arith.addf %mul3A_79, %mul3A_80 : vector<256x16xf32>
    %add3A_82 = arith.constant 1.000000e-16 : f32
    %add3A_83 = vector.broadcast %add3A_82 : f32 to vector<256x16xf32>
    %add3A_84 = arith.addf %add3A_81, %add3A_83 : vector<256x16xf32>
    %sqrt3A_85 = math.sqrt %add3A_84 : vector<256x16xf32>
    %reduce_min3A_86 = arith.constant dense<0x7F800000> : vector<256xf32>
    %reduce_min3A_87 = vector.multi_reduction <minimumf>, %sqrt3A_85, %reduce_min3A_86 [1] : vector<256x16xf32> to vector<256xf32>
    %broadcast_in_dim3A_88 = vector.shape_cast %reduce_min3A_87 : vector<256xf32> to vector<256x1xf32>
    %eq3A_89 = vector.broadcast %broadcast_in_dim3A_88 : vector<256x1xf32> to vector<256x16xf32>
    %eq3A_90 = arith.cmpf oeq, %sqrt3A_85, %eq3A_89 : vector<256x16xf32>
    %jit3A_91 = arith.constant 16 : i32
    %broadcast_in_dim3A_92 = vector.broadcast %jit3A_91 : i32 to vector<256x16xi32>
    %select_n3A_93 = arith.select %eq3A_90, %iota3A, %broadcast_in_dim3A_92 : vector<256x16xi1>, vector<256x16xi32>
    %reduce_min3A_94 = arith.constant dense<2147483647> : vector<256xi32>
    %reduce_min3A_95 = vector.multi_reduction <minsi>, %select_n3A_93, %reduce_min3A_94 [1] : vector<256x16xi32> to vector<256xi32>
    %broadcast_in_dim3A_96 = vector.shape_cast %reduce_min3A_95 : vector<256xi32> to vector<256x1xi32>
    %swap3A_97 = arith.constant 0 : index
    %swap3A_98 = arith.constant 0 : index
    %swap3A_99 = arith.constant 3 : index
    %swap3A_100 = vector.load %arg4[%swap3A_97, %swap3A_98, %swap3A_99] : memref<1x256x120xi32, #tpu.memory_space<vmem>>, vector<1x256x1xi32>
    %swap3A_101 = vector.shape_cast %swap3A_100 : vector<1x256x1xi32> to vector<256x1xi32>
    %swap3A_102 = vector.shape_cast %broadcast_in_dim3A_96 : vector<256x1xi32> to vector<1x256x1xi32>
    tpu.vector_store %arg4[%swap3A_97, %swap3A_98, %swap3A_99], %swap3A_102 {strides = array<i32>} : memref<1x256x120xi32, #tpu.memory_space<vmem>>, vector<1x256x1xi32>,
    %eq3A_103 = vector.broadcast %broadcast_in_dim3A_96 : vector<256x1xi32> to vector<256x16xi32>
    %eq3A_104 = arith.cmpi eq, %iota3A, %eq3A_103 : vector<256x16xi32>
    %jit3A_105 = arith.constant 0x7F800000 : f32
    %broadcast_in_dim3A_106 = vector.broadcast %jit3A_105 : f32 to vector<256x16xf32>
    %select_n3A_107 = arith.select %eq3A_104, %broadcast_in_dim3A_106, %sqrt3A_85 : vector<256x16xi1>, vector<256x16xf32>
    %reduce_min3A_108 = arith.constant dense<0x7F800000> : vector<256xf32>
    %reduce_min3A_109 = vector.multi_reduction <minimumf>, %select_n3A_107, %reduce_min3A_108 [1] : vector<256x16xf32> to vector<256xf32>
    %broadcast_in_dim3A_110 = vector.shape_cast %reduce_min3A_109 : vector<256xf32> to vector<256x1xf32>
    %eq3A_111 = vector.broadcast %broadcast_in_dim3A_110 : vector<256x1xf32> to vector<256x16xf32>
    %eq3A_112 = arith.cmpf oeq, %select_n3A_107, %eq3A_111 : vector<256x16xf32>
    %jit3A_113 = arith.constant 16 : i32
    %broadcast_in_dim3A_114 = vector.broadcast %jit3A_113 : i32 to vector<256x16xi32>
    %select_n3A_115 = arith.select %eq3A_112, %iota3A, %broadcast_in_dim3A_114 : vector<256x16xi1>, vector<256x16xi32>
    %reduce_min3A_116 = arith.constant dense<2147483647> : vector<256xi32>
    %reduce_min3A_117 = vector.multi_reduction <minsi>, %select_n3A_115, %reduce_min3A_116 [1] : vector<256x16xi32> to vector<256xi32>
    %broadcast_in_dim3A_118 = vector.shape_cast %reduce_min3A_117 : vector<256xi32> to vector<256x1xi32>
    %swap3A_119 = arith.constant 0 : index
    %swap3A_120 = arith.constant 0 : index
    %swap3A_121 = arith.constant 4 : index
    %swap3A_122 = vector.load %arg4[%swap3A_119, %swap3A_120, %swap3A_121] : memref<1x256x120xi32, #tpu.memory_space<vmem>>, vector<1x256x1xi32>
    %swap3A_123 = vector.shape_cast %swap3A_122 : vector<1x256x1xi32> to vector<256x1xi32>
    %swap3A_124 = vector.shape_cast %broadcast_in_dim3A_118 : vector<256x1xi32> to vector<1x256x1xi32>
    tpu.vector_store %arg4[%swap3A_119, %swap3A_120, %swap3A_121], %swap3A_124 {strides = array<i32>} : memref<1x256x120xi32, #tpu.memory_space<vmem>>, vector<1x256x1xi32>,
    %eq3A_125 = vector.broadcast %broadcast_in_dim3A_118 : vector<256x1xi32> to vector<256x16xi32>
    %eq3A_126 = arith.cmpi eq, %iota3A, %eq3A_125 : vector<256x16xi32>
    %jit3A_127 = arith.constant 0x7F800000 : f32
    %broadcast_in_dim3A_128 = vector.broadcast %jit3A_127 : f32 to vector<256x16xf32>
    %select_n3A_129 = arith.select %eq3A_126, %broadcast_in_dim3A_128, %select_n3A_107 : vector<256x16xi1>, vector<256x16xf32>
    %reduce_min3A_130 = arith.constant dense<0x7F800000> : vector<256xf32>
    %reduce_min3A_131 = vector.multi_reduction <minimumf>, %select_n3A_129, %reduce_min3A_130 [1] : vector<256x16xf32> to vector<256xf32>
    %broadcast_in_dim3A_132 = vector.shape_cast %reduce_min3A_131 : vector<256xf32> to vector<256x1xf32>
    %eq3A_133 = vector.broadcast %broadcast_in_dim3A_132 : vector<256x1xf32> to vector<256x16xf32>
    %eq3A_134 = arith.cmpf oeq, %select_n3A_129, %eq3A_133 : vector<256x16xf32>
    %jit3A_135 = arith.constant 16 : i32
    %broadcast_in_dim3A_136 = vector.broadcast %jit3A_135 : i32 to vector<256x16xi32>
    %select_n3A_137 = arith.select %eq3A_134, %iota3A, %broadcast_in_dim3A_136 : vector<256x16xi1>, vector<256x16xi32>
    %reduce_min3A_138 = arith.constant dense<2147483647> : vector<256xi32>
    %reduce_min3A_139 = vector.multi_reduction <minsi>, %select_n3A_137, %reduce_min3A_138 [1] : vector<256x16xi32> to vector<256xi32>
    %broadcast_in_dim3A_140 = vector.shape_cast %reduce_min3A_139 : vector<256xi32> to vector<256x1xi32>
    %swap3A_141 = arith.constant 0 : index
    %swap3A_142 = arith.constant 0 : index
    %swap3A_143 = arith.constant 5 : index
    %swap3A_144 = vector.load %arg4[%swap3A_141, %swap3A_142, %swap3A_143] : memref<1x256x120xi32, #tpu.memory_space<vmem>>, vector<1x256x1xi32>
    %swap3A_145 = vector.shape_cast %swap3A_144 : vector<1x256x1xi32> to vector<256x1xi32>
    %swap3A_146 = vector.shape_cast %broadcast_in_dim3A_140 : vector<256x1xi32> to vector<1x256x1xi32>
    tpu.vector_store %arg4[%swap3A_141, %swap3A_142, %swap3A_143], %swap3A_146 {strides = array<i32>} : memref<1x256x120xi32, #tpu.memory_space<vmem>>, vector<1x256x1xi32>,
    %sub3A_147 = arith.constant -6.5567085E-10 : f32
    %sub3A_148 = vector.broadcast %sub3A_147 : f32 to vector<256x16xf32>
    %sub3A_149 = arith.subf %sub3A_148, %get3A_3 : vector<256x16xf32>
    %sub3A_150 = arith.constant 0.0150000006 : f32
    %sub3A_151 = vector.broadcast %sub3A_150 : f32 to vector<256x16xf32>
    %sub3A_152 = arith.subf %sub3A_151, %get3A_8 : vector<256x16xf32>
    %mul3A_153 = arith.mulf %sub3A_149, %sub3A_149 : vector<256x16xf32>
    %mul3A_154 = arith.mulf %sub3A_152, %sub3A_152 : vector<256x16xf32>
    %add3A_155 = arith.addf %mul3A_153, %mul3A_154 : vector<256x16xf32>
    %add3A_156 = arith.constant 1.000000e-16 : f32
    %add3A_157 = vector.broadcast %add3A_156 : f32 to vector<256x16xf32>
    %add3A_158 = arith.addf %add3A_155, %add3A_157 : vector<256x16xf32>
    %sqrt3A_159 = math.sqrt %add3A_158 : vector<256x16xf32>
    %reduce_min3A_160 = arith.constant dense<0x7F800000> : vector<256xf32>
    %reduce_min3A_161 = vector.multi_reduction <minimumf>, %sqrt3A_159, %reduce_min3A_160 [1] : vector<256x16xf32> to vector<256xf32>
    %broadcast_in_dim3A_162 = vector.shape_cast %reduce_min3A_161 : vector<256xf32> to vector<256x1xf32>
    %eq3A_163 = vector.broadcast %broadcast_in_dim3A_162 : vector<256x1xf32> to vector<256x16xf32>
    %eq3A_164 = arith.cmpf oeq, %sqrt3A_159, %eq3A_163 : vector<256x16xf32>
    %jit3A_165 = arith.constant 16 : i32
    %broadcast_in_dim3A_166 = vector.broadcast %jit3A_165 : i32 to vector<256x16xi32>
    %select_n3A_167 = arith.select %eq3A_164, %iota3A, %broadcast_in_dim3A_166 : vector<256x16xi1>, vector<256x16xi32>
    %reduce_min3A_168 = arith.constant dense<2147483647> : vector<256xi32>
    %reduce_min3A_169 = vector.multi_reduction <minsi>, %select_n3A_167, %reduce_min3A_168 [1] : vector<256x16xi32> to vector<256xi32>
    %broadcast_in_dim3A_170 = vector.shape_cast %reduce_min3A_169 : vector<256xi32> to vector<256x1xi32>
    %swap3A_171 = arith.constant 0 : index
    %swap3A_172 = arith.constant 0 : index
    %swap3A_173 = arith.constant 6 : index
    %swap3A_174 = vector.load %arg4[%swap3A_171, %swap3A_172, %swap3A_173] : memref<1x256x120xi32, #tpu.memory_space<vmem>>, vector<1x256x1xi32>
    %swap3A_175 = vector.shape_cast %swap3A_174 : vector<1x256x1xi32> to vector<256x1xi32>
    %swap3A_176 = vector.shape_cast %broadcast_in_dim3A_170 : vector<256x1xi32> to vector<1x256x1xi32>
    tpu.vector_store %arg4[%swap3A_171, %swap3A_172, %swap3A_173], %swap3A_176 {strides = array<i32>} : memref<1x256x120xi32, #tpu.memory_space<vmem>>, vector<1x256x1xi32>,
    %eq3A_177 = vector.broadcast %broadcast_in_dim3A_170 : vector<256x1xi32> to vector<256x16xi32>
    %eq3A_178 = arith.cmpi eq, %iota3A, %eq3A_177 : vector<256x16xi32>
    %jit3A_179 = arith.constant 0x7F800000 : f32
    %broadcast_in_dim3A_180 = vector.broadcast %jit3A_179 : f32 to vector<256x16xf32>
    %select_n3A_181 = arith.select %eq3A_178, %broadcast_in_dim3A_180, %sqrt3A_159 : vector<256x16xi1>, vector<256x16xf32>
    %reduce_min3A_182 = arith.constant dense<0x7F800000> : vector<256xf32>
    %reduce_min3A_183 = vector.multi_reduction <minimumf>, %select_n3A_181, %reduce_min3A_182 [1] : vector<256x16xf32> to vector<256xf32>
    %broadcast_in_dim3A_184 = vector.shape_cast %reduce_min3A_183 : vector<256xf32> to vector<256x1xf32>
    %eq3A_185 = vector.broadcast %broadcast_in_dim3A_184 : vector<256x1xf32> to vector<256x16xf32>
    %eq3A_186 = arith.cmpf oeq, %select_n3A_181, %eq3A_185 : vector<256x16xf32>
    %jit3A_187 = arith.constant 16 : i32
    %broadcast_in_dim3A_188 = vector.broadcast %jit3A_187 : i32 to vector<256x16xi32>
    %select_n3A_189 = arith.select %eq3A_186, %iota3A, %broadcast_in_dim3A_188 : vector<256x16xi1>, vector<256x16xi32>
    %reduce_min3A_190 = arith.constant dense<2147483647> : vector<256xi32>
    %reduce_min3A_191 = vector.multi_reduction <minsi>, %select_n3A_189, %reduce_min3A_190 [1] : vector<256x16xi32> to vector<256xi32>
    %broadcast_in_dim3A_192 = vector.shape_cast %reduce_min3A_191 : vector<256xi32> to vector<256x1xi32>
    %swap3A_193 = arith.constant 0 : index
    %swap3A_194 = arith.constant 0 : index
    %swap3A_195 = arith.constant 7 : index
    %swap3A_196 = vector.load %arg4[%swap3A_193, %swap3A_194, %swap3A_195] : memref<1x256x120xi32, #tpu.memory_space<vmem>>, vector<1x256x1xi32>
    %swap3A_197 = vector.shape_cast %swap3A_196 : vector<1x256x1xi32> to vector<256x1xi32>
    %swap3A_198 = vector.shape_cast %broadcast_in_dim3A_192 : vector<256x1xi32> to vector<1x256x1xi32>
    tpu.vector_store %arg4[%swap3A_193, %swap3A_194, %swap3A_195], %swap3A_198 {strides = array<i32>} : memref<1x256x120xi32, #tpu.memory_space<vmem>>, vector<1x256x1xi32>,
    %eq3A_199 = vector.broadcast %broadcast_in_dim3A_192 : vector<256x1xi32> to vector<256x16xi32>
    %eq3A_200 = arith.cmpi eq, %iota3A, %eq3A_199 : vector<256x16xi32>
    %jit3A_201 = arith.constant 0x7F800000 : f32
    %broadcast_in_dim3A_202 = vector.broadcast %jit3A_201 : f32 to vector<256x16xf32>
    %select_n3A_203 = arith.select %eq3A_200, %broadcast_in_dim3A_202, %select_n3A_181 : vector<256x16xi1>, vector<256x16xf32>
    %reduce_min3A_204 = arith.constant dense<0x7F800000> : vector<256xf32>
    %reduce_min3A_205 = vector.multi_reduction <minimumf>, %select_n3A_203, %reduce_min3A_204 [1] : vector<256x16xf32> to vector<256xf32>
    %broadcast_in_dim3A_206 = vector.shape_cast %reduce_min3A_205 : vector<256xf32> to vector<256x1xf32>
    %eq3A_207 = vector.broadcast %broadcast_in_dim3A_206 : vector<256x1xf32> to vector<256x16xf32>
    %eq3A_208 = arith.cmpf oeq, %select_n3A_203, %eq3A_207 : vector<256x16xf32>
    %jit3A_209 = arith.constant 16 : i32
    %broadcast_in_dim3A_210 = vector.broadcast %jit3A_209 : i32 to vector<256x16xi32>
    %select_n3A_211 = arith.select %eq3A_208, %iota3A, %broadcast_in_dim3A_210 : vector<256x16xi1>, vector<256x16xi32>
    %reduce_min3A_212 = arith.constant dense<2147483647> : vector<256xi32>
    %reduce_min3A_213 = vector.multi_reduction <minsi>, %select_n3A_211, %reduce_min3A_212 [1] : vector<256x16xi32> to vector<256xi32>
    %broadcast_in_dim3A_214 = vector.shape_cast %reduce_min3A_213 : vector<256xi32> to vector<256x1xi32>
    %swap3A_215 = arith.constant 0 : index
    %swap3A_216 = arith.constant 0 : index
    %swap3A_217 = arith.constant 8 : index
    %swap3A_218 = vector.load %arg4[%swap3A_215, %swap3A_216, %swap3A_217] : memref<1x256x120xi32, #tpu.memory_space<vmem>>, vector<1x256x1xi32>
    %swap3A_219 = vector.shape_cast %swap3A_218 : vector<1x256x1xi32> to vector<256x1xi32>
    %swap3A_220 = vector.shape_cast %broadcast_in_dim3A_214 : vector<256x1xi32> to vector<1x256x1xi32>
    tpu.vector_store %arg4[%swap3A_215, %swap3A_216, %swap3A_217], %swap3A_220 {strides = array<i32>} : memref<1x256x120xi32, #tpu.memory_space<vmem>>, vector<1x256x1xi32>,
    %sub3A_221 = arith.constant -0.0106066018 : f32
    %sub3A_222 = vector.broadcast %sub3A_221 : f32 to vector<256x16xf32>
    %sub3A_223 = arith.subf %sub3A_222, %get3A_3 : vector<256x16xf32>
    %sub3A_224 = arith.constant 0.0106066018 : f32
    %sub3A_225 = vector.broadcast %sub3A_224 : f32 to vector<256x16xf32>
    %sub3A_226 = arith.subf %sub3A_225, %get3A_8 : vector<256x16xf32>
    %mul3A_227 = arith.mulf %sub3A_223, %sub3A_223 : vector<256x16xf32>
    %mul3A_228 = arith.mulf %sub3A_226, %sub3A_226 : vector<256x16xf32>
    %add3A_229 = arith.addf %mul3A_227, %mul3A_228 : vector<256x16xf32>
    %add3A_230 = arith.constant 1.000000e-16 : f32
    %add3A_231 = vector.broadcast %add3A_230 : f32 to vector<256x16xf32>
    %add3A_232 = arith.addf %add3A_229, %add3A_231 : vector<256x16xf32>
    %sqrt3A_233 = math.sqrt %add3A_232 : vector<256x16xf32>
    %reduce_min3A_234 = arith.constant dense<0x7F800000> : vector<256xf32>
    %reduce_min3A_235 = vector.multi_reduction <minimumf>, %sqrt3A_233, %reduce_min3A_234 [1] : vector<256x16xf32> to vector<256xf32>
    %broadcast_in_dim3A_236 = vector.shape_cast %reduce_min3A_235 : vector<256xf32> to vector<256x1xf32>
    %eq3A_237 = vector.broadcast %broadcast_in_dim3A_236 : vector<256x1xf32> to vector<256x16xf32>
    %eq3A_238 = arith.cmpf oeq, %sqrt3A_233, %eq3A_237 : vector<256x16xf32>
    %jit3A_239 = arith.constant 16 : i32
    %broadcast_in_dim3A_240 = vector.broadcast %jit3A_239 : i32 to vector<256x16xi32>
    %select_n3A_241 = arith.select %eq3A_238, %iota3A, %broadcast_in_dim3A_240 : vector<256x16xi1>, vector<256x16xi32>
    %reduce_min3A_242 = arith.constant dense<2147483647> : vector<256xi32>
    %reduce_min3A_243 = vector.multi_reduction <minsi>, %select_n3A_241, %reduce_min3A_242 [1] : vector<256x16xi32> to vector<256xi32>
    %broadcast_in_dim3A_244 = vector.shape_cast %reduce_min3A_243 : vector<256xi32> to vector<256x1xi32>
    %swap3A_245 = arith.constant 0 : index
    %swap3A_246 = arith.constant 0 : index
    %swap3A_247 = arith.constant 9 : index
    %swap3A_248 = vector.load %arg4[%swap3A_245, %swap3A_246, %swap3A_247] : memref<1x256x120xi32, #tpu.memory_space<vmem>>, vector<1x256x1xi32>
    %swap3A_249 = vector.shape_cast %swap3A_248 : vector<1x256x1xi32> to vector<256x1xi32>
    %swap3A_250 = vector.shape_cast %broadcast_in_dim3A_244 : vector<256x1xi32> to vector<1x256x1xi32>
    tpu.vector_store %arg4[%swap3A_245, %swap3A_246, %swap3A_247], %swap3A_250 {strides = array<i32>} : memref<1x256x120xi32, #tpu.memory_space<vmem>>, vector<1x256x1xi32>,
    %eq3A_251 = vector.broadcast %broadcast_in_dim3A_244 : vector<256x1xi32> to vector<256x16xi32>
    %eq3A_252 = arith.cmpi eq, %iota3A, %eq3A_251 : vector<256x16xi32>
    %jit3A_253 = arith.constant 0x7F800000 : f32
    %broadcast_in_dim3A_254 = vector.broadcast %jit3A_253 : f32 to vector<256x16xf32>
    %select_n3A_255 = arith.select %eq3A_252, %broadcast_in_dim3A_254, %sqrt3A_233 : vector<256x16xi1>, vector<256x16xf32>
    %reduce_min3A_256 = arith.constant dense<0x7F800000> : vector<256xf32>
    %reduce_min3A_257 = vector.multi_reduction <minimumf>, %select_n3A_255, %reduce_min3A_256 [1] : vector<256x16xf32> to vector<256xf32>
    %broadcast_in_dim3A_258 = vector.shape_cast %reduce_min3A_257 : vector<256xf32> to vector<256x1xf32>
    %eq3A_259 = vector.broadcast %broadcast_in_dim3A_258 : vector<256x1xf32> to vector<256x16xf32>
    %eq3A_260 = arith.cmpf oeq, %select_n3A_255, %eq3A_259 : vector<256x16xf32>
    %jit3A_261 = arith.constant 16 : i32
    %broadcast_in_dim3A_262 = vector.broadcast %jit3A_261 : i32 to vector<256x16xi32>
    %select_n3A_263 = arith.select %eq3A_260, %iota3A, %broadcast_in_dim3A_262 : vector<256x16xi1>, vector<256x16xi32>
    %reduce_min3A_264 = arith.constant dense<2147483647> : vector<256xi32>
    %reduce_min3A_265 = vector.multi_reduction <minsi>, %select_n3A_263, %reduce_min3A_264 [1] : vector<256x16xi32> to vector<256xi32>
    %broadcast_in_dim3A_266 = vector.shape_cast %reduce_min3A_265 : vector<256xi32> to vector<256x1xi32>
    %swap3A_267 = arith.constant 0 : index
    %swap3A_268 = arith.constant 0 : index
    %swap3A_269 = arith.constant 10 : index
    %swap3A_270 = vector.load %arg4[%swap3A_267, %swap3A_268, %swap3A_269] : memref<1x256x120xi32, #tpu.memory_space<vmem>>, vector<1x256x1xi32>
    %swap3A_271 = vector.shape_cast %swap3A_270 : vector<1x256x1xi32> to vector<256x1xi32>
    %swap3A_272 = vector.shape_cast %broadcast_in_dim3A_266 : vector<256x1xi32> to vector<1x256x1xi32>
    tpu.vector_store %arg4[%swap3A_267, %swap3A_268, %swap3A_269], %swap3A_272 {strides = array<i32>} : memref<1x256x120xi32, #tpu.memory_space<vmem>>, vector<1x256x1xi32>,
    %eq3A_273 = vector.broadcast %broadcast_in_dim3A_266 : vector<256x1xi32> to vector<256x16xi32>
    %eq3A_274 = arith.cmpi eq, %iota3A, %eq3A_273 : vector<256x16xi32>
    %jit3A_275 = arith.constant 0x7F800000 : f32
    %broadcast_in_dim3A_276 = vector.broadcast %jit3A_275 : f32 to vector<256x16xf32>
    %select_n3A_277 = arith.select %eq3A_274, %broadcast_in_dim3A_276, %select_n3A_255 : vector<256x16xi1>, vector<256x16xf32>
    %reduce_min3A_278 = arith.constant dense<0x7F800000> : vector<256xf32>
    %reduce_min3A_279 = vector.multi_reduction <minimumf>, %select_n3A_277, %reduce_min3A_278 [1] : vector<256x16xf32> to vector<256xf32>
    %broadcast_in_dim3A_280 = vector.shape_cast %reduce_min3A_279 : vector<256xf32> to vector<256x1xf32>
    %eq3A_281 = vector.broadcast %broadcast_in_dim3A_280 : vector<256x1xf32> to vector<256x16xf32>
    %eq3A_282 = arith.cmpf oeq, %select_n3A_277, %eq3A_281 : vector<256x16xf32>
    %jit3A_283 = arith.constant 16 : i32
    %broadcast_in_dim3A_284 = vector.broadcast %jit3A_283 : i32 to vector<256x16xi32>
    %select_n3A_285 = arith.select %eq3A_282, %iota3A, %broadcast_in_dim3A_284 : vector<256x16xi1>, vector<256x16xi32>
    %reduce_min3A_286 = arith.constant dense<2147483647> : vector<256xi32>
    %reduce_min3A_287 = vector.multi_reduction <minsi>, %select_n3A_285, %reduce_min3A_286 [1] : vector<256x16xi32> to vector<256xi32>
    %broadcast_in_dim3A_288 = vector.shape_cast %reduce_min3A_287 : vector<256xi32> to vector<256x1xi32>
    %swap3A_289 = arith.constant 0 : index
    %swap3A_290 = arith.constant 0 : index
    %swap3A_291 = arith.constant 11 : index
    %swap3A_292 = vector.load %arg4[%swap3A_289, %swap3A_290, %swap3A_291] : memref<1x256x120xi32, #tpu.memory_space<vmem>>, vector<1x256x1xi32>
    %swap3A_293 = vector.shape_cast %swap3A_292 : vector<1x256x1xi32> to vector<256x1xi32>
    %swap3A_294 = vector.shape_cast %broadcast_in_dim3A_288 : vector<256x1xi32> to vector<1x256x1xi32>
    tpu.vector_store %arg4[%swap3A_289, %swap3A_290, %swap3A_291], %swap3A_294 {strides = array<i32>} : memref<1x256x120xi32, #tpu.memory_space<vmem>>, vector<1x256x1xi32>,
    %sub3A_295 = arith.constant -0.0150000006 : f32
    %sub3A_296 = vector.broadcast %sub3A_295 : f32 to vector<256x16xf32>
    %sub3A_297 = arith.subf %sub3A_296, %get3A_3 : vector<256x16xf32>
    %sub3A_298 = arith.constant -1.3113417E-9 : f32
    %sub3A_299 = vector.broadcast %sub3A_298 : f32 to vector<256x16xf32>
    %sub3A_300 = arith.subf %sub3A_299, %get3A_8 : vector<256x16xf32>
    %mul3A_301 = arith.mulf %sub3A_297, %sub3A_297 : vector<256x16xf32>
    %mul3A_302 = arith.mulf %sub3A_300, %sub3A_300 : vector<256x16xf32>
    %add3A_303 = arith.addf %mul3A_301, %mul3A_302 : vector<256x16xf32>
    %add3A_304 = arith.constant 1.000000e-16 : f32
    %add3A_305 = vector.broadcast %add3A_304 : f32 to vector<256x16xf32>
    %add3A_306 = arith.addf %add3A_303, %add3A_305 : vector<256x16xf32>
    %sqrt3A_307 = math.sqrt %add3A_306 : vector<256x16xf32>
    %reduce_min3A_308 = arith.constant dense<0x7F800000> : vector<256xf32>
    %reduce_min3A_309 = vector.multi_reduction <minimumf>, %sqrt3A_307, %reduce_min3A_308 [1] : vector<256x16xf32> to vector<256xf32>
    %broadcast_in_dim3A_310 = vector.shape_cast %reduce_min3A_309 : vector<256xf32> to vector<256x1xf32>
    %eq3A_311 = vector.broadcast %broadcast_in_dim3A_310 : vector<256x1xf32> to vector<256x16xf32>
    %eq3A_312 = arith.cmpf oeq, %sqrt3A_307, %eq3A_311 : vector<256x16xf32>
    %jit3A_313 = arith.constant 16 : i32
    %broadcast_in_dim3A_314 = vector.broadcast %jit3A_313 : i32 to vector<256x16xi32>
    %select_n3A_315 = arith.select %eq3A_312, %iota3A, %broadcast_in_dim3A_314 : vector<256x16xi1>, vector<256x16xi32>
    %reduce_min3A_316 = arith.constant dense<2147483647> : vector<256xi32>
    %reduce_min3A_317 = vector.multi_reduction <minsi>, %select_n3A_315, %reduce_min3A_316 [1] : vector<256x16xi32> to vector<256xi32>
    %broadcast_in_dim3A_318 = vector.shape_cast %reduce_min3A_317 : vector<256xi32> to vector<256x1xi32>
    %swap3A_319 = arith.constant 0 : index
    %swap3A_320 = arith.constant 0 : index
    %swap3A_321 = arith.constant 12 : index
    %swap3A_322 = vector.load %arg4[%swap3A_319, %swap3A_320, %swap3A_321] : memref<1x256x120xi32, #tpu.memory_space<vmem>>, vector<1x256x1xi32>
    %swap3A_323 = vector.shape_cast %swap3A_322 : vector<1x256x1xi32> to vector<256x1xi32>
    %swap3A_324 = vector.shape_cast %broadcast_in_dim3A_318 : vector<256x1xi32> to vector<1x256x1xi32>
    tpu.vector_store %arg4[%swap3A_319, %swap3A_320, %swap3A_321], %swap3A_324 {strides = array<i32>} : memref<1x256x120xi32, #tpu.memory_space<vmem>>, vector<1x256x1xi32>,
    %eq3A_325 = vector.broadcast %broadcast_in_dim3A_318 : vector<256x1xi32> to vector<256x16xi32>
    %eq3A_326 = arith.cmpi eq, %iota3A, %eq3A_325 : vector<256x16xi32>
    %jit3A_327 = arith.constant 0x7F800000 : f32
    %broadcast_in_dim3A_328 = vector.broadcast %jit3A_327 : f32 to vector<256x16xf32>
    %select_n3A_329 = arith.select %eq3A_326, %broadcast_in_dim3A_328, %sqrt3A_307 : vector<256x16xi1>, vector<256x16xf32>
    %reduce_min3A_330 = arith.constant dense<0x7F800000> : vector<256xf32>
    %reduce_min3A_331 = vector.multi_reduction <minimumf>, %select_n3A_329, %reduce_min3A_330 [1] : vector<256x16xf32> to vector<256xf32>
    %broadcast_in_dim3A_332 = vector.shape_cast %reduce_min3A_331 : vector<256xf32> to vector<256x1xf32>
    %eq3A_333 = vector.broadcast %broadcast_in_dim3A_332 : vector<256x1xf32> to vector<256x16xf32>
    %eq3A_334 = arith.cmpf oeq, %select_n3A_329, %eq3A_333 : vector<256x16xf32>
    %jit3A_335 = arith.constant 16 : i32
    %broadcast_in_dim3A_336 = vector.broadcast %jit3A_335 : i32 to vector<256x16xi32>
    %select_n3A_337 = arith.select %eq3A_334, %iota3A, %broadcast_in_dim3A_336 : vector<256x16xi1>, vector<256x16xi32>
    %reduce_min3A_338 = arith.constant dense<2147483647> : vector<256xi32>
    %reduce_min3A_339 = vector.multi_reduction <minsi>, %select_n3A_337, %reduce_min3A_338 [1] : vector<256x16xi32> to vector<256xi32>
    %broadcast_in_dim3A_340 = vector.shape_cast %reduce_min3A_339 : vector<256xi32> to vector<256x1xi32>
    %swap3A_341 = arith.constant 0 : index
    %swap3A_342 = arith.constant 0 : index
    %swap3A_343 = arith.constant 13 : index
    %swap3A_344 = vector.load %arg4[%swap3A_341, %swap3A_342, %swap3A_343] : memref<1x256x120xi32, #tpu.memory_space<vmem>>, vector<1x256x1xi32>
    %swap3A_345 = vector.shape_cast %swap3A_344 : vector<1x256x1xi32> to vector<256x1xi32>
    %swap3A_346 = vector.shape_cast %broadcast_in_dim3A_340 : vector<256x1xi32> to vector<1x256x1xi32>
    tpu.vector_store %arg4[%swap3A_341, %swap3A_342, %swap3A_343], %swap3A_346 {strides = array<i32>} : memref<1x256x120xi32, #tpu.memory_space<vmem>>, vector<1x256x1xi32>,
    %eq3A_347 = vector.broadcast %broadcast_in_dim3A_340 : vector<256x1xi32> to vector<256x16xi32>
    %eq3A_348 = arith.cmpi eq, %iota3A, %eq3A_347 : vector<256x16xi32>
    %jit3A_349 = arith.constant 0x7F800000 : f32
    %broadcast_in_dim3A_350 = vector.broadcast %jit3A_349 : f32 to vector<256x16xf32>
    %select_n3A_351 = arith.select %eq3A_348, %broadcast_in_dim3A_350, %select_n3A_329 : vector<256x16xi1>, vector<256x16xf32>
    %reduce_min3A_352 = arith.constant dense<0x7F800000> : vector<256xf32>
    %reduce_min3A_353 = vector.multi_reduction <minimumf>, %select_n3A_351, %reduce_min3A_352 [1] : vector<256x16xf32> to vector<256xf32>
    %broadcast_in_dim3A_354 = vector.shape_cast %reduce_min3A_353 : vector<256xf32> to vector<256x1xf32>
    %eq3A_355 = vector.broadcast %broadcast_in_dim3A_354 : vector<256x1xf32> to vector<256x16xf32>
    %eq3A_356 = arith.cmpf oeq, %select_n3A_351, %eq3A_355 : vector<256x16xf32>
    %jit3A_357 = arith.constant 16 : i32
    %broadcast_in_dim3A_358 = vector.broadcast %jit3A_357 : i32 to vector<256x16xi32>
    %select_n3A_359 = arith.select %eq3A_356, %iota3A, %broadcast_in_dim3A_358 : vector<256x16xi1>, vector<256x16xi32>
    %reduce_min3A_360 = arith.constant dense<2147483647> : vector<256xi32>
    %reduce_min3A_361 = vector.multi_reduction <minsi>, %select_n3A_359, %reduce_min3A_360 [1] : vector<256x16xi32> to vector<256xi32>
    %broadcast_in_dim3A_362 = vector.shape_cast %reduce_min3A_361 : vector<256xi32> to vector<256x1xi32>
    %swap3A_363 = arith.constant 0 : index
    %swap3A_364 = arith.constant 0 : index
    %swap3A_365 = arith.constant 14 : index
    %swap3A_366 = vector.load %arg4[%swap3A_363, %swap3A_364, %swap3A_365] : memref<1x256x120xi32, #tpu.memory_space<vmem>>, vector<1x256x1xi32>
    %swap3A_367 = vector.shape_cast %swap3A_366 : vector<1x256x1xi32> to vector<256x1xi32>
    %swap3A_368 = vector.shape_cast %broadcast_in_dim3A_362 : vector<256x1xi32> to vector<1x256x1xi32>
    tpu.vector_store %arg4[%swap3A_363, %swap3A_364, %swap3A_365], %swap3A_368 {strides = array<i32>} : memref<1x256x120xi32, #tpu.memory_space<vmem>>, vector<1x256x1xi32>,
    %sub3A_369 = arith.constant -0.0106066028 : f32
    %sub3A_370 = vector.broadcast %sub3A_369 : f32 to vector<256x16xf32>
    %sub3A_371 = arith.subf %sub3A_370, %get3A_3 : vector<256x16xf32>
    %sub3A_372 = arith.constant -0.0106066009 : f32
    %sub3A_373 = vector.broadcast %sub3A_372 : f32 to vector<256x16xf32>
    %sub3A_374 = arith.subf %sub3A_373, %get3A_8 : vector<256x16xf32>
    %mul3A_375 = arith.mulf %sub3A_371, %sub3A_371 : vector<256x16xf32>
    %mul3A_376 = arith.mulf %sub3A_374, %sub3A_374 : vector<256x16xf32>
    %add3A_377 = arith.addf %mul3A_375, %mul3A_376 : vector<256x16xf32>
    %add3A_378 = arith.constant 1.000000e-16 : f32
    %add3A_379 = vector.broadcast %add3A_378 : f32 to vector<256x16xf32>
    %add3A_380 = arith.addf %add3A_377, %add3A_379 : vector<256x16xf32>
    %sqrt3A_381 = math.sqrt %add3A_380 : vector<256x16xf32>
    %reduce_min3A_382 = arith.constant dense<0x7F800000> : vector<256xf32>
    %reduce_min3A_383 = vector.multi_reduction <minimumf>, %sqrt3A_381, %reduce_min3A_382 [1] : vector<256x16xf32> to vector<256xf32>
    %broadcast_in_dim3A_384 = vector.shape_cast %reduce_min3A_383 : vector<256xf32> to vector<256x1xf32>
    %eq3A_385 = vector.broadcast %broadcast_in_dim3A_384 : vector<256x1xf32> to vector<256x16xf32>
    %eq3A_386 = arith.cmpf oeq, %sqrt3A_381, %eq3A_385 : vector<256x16xf32>
    %jit3A_387 = arith.constant 16 : i32
    %broadcast_in_dim3A_388 = vector.broadcast %jit3A_387 : i32 to vector<256x16xi32>
    %select_n3A_389 = arith.select %eq3A_386, %iota3A, %broadcast_in_dim3A_388 : vector<256x16xi1>, vector<256x16xi32>
    %reduce_min3A_390 = arith.constant dense<2147483647> : vector<256xi32>
    %reduce_min3A_391 = vector.multi_reduction <minsi>, %select_n3A_389, %reduce_min3A_390 [1] : vector<256x16xi32> to vector<256xi32>
    %broadcast_in_dim3A_392 = vector.shape_cast %reduce_min3A_391 : vector<256xi32> to vector<256x1xi32>
    %swap3A_393 = arith.constant 0 : index
    %swap3A_394 = arith.constant 0 : index
    %swap3A_395 = arith.constant 15 : index
    %swap3A_396 = vector.load %arg4[%swap3A_393, %swap3A_394, %swap3A_395] : memref<1x256x120xi32, #tpu.memory_space<vmem>>, vector<1x256x1xi32>
    %swap3A_397 = vector.shape_cast %swap3A_396 : vector<1x256x1xi32> to vector<256x1xi32>
    %swap3A_398 = vector.shape_cast %broadcast_in_dim3A_392 : vector<256x1xi32> to vector<1x256x1xi32>
    tpu.vector_store %arg4[%swap3A_393, %swap3A_394, %swap3A_395], %swap3A_398 {strides = array<i32>} : memref<1x256x120xi32, #tpu.memory_space<vmem>>, vector<1x256x1xi32>,
    %eq3A_399 = vector.broadcast %broadcast_in_dim3A_392 : vector<256x1xi32> to vector<256x16xi32>
    %eq3A_400 = arith.cmpi eq, %iota3A, %eq3A_399 : vector<256x16xi32>
    %jit3A_401 = arith.constant 0x7F800000 : f32
    %broadcast_in_dim3A_402 = vector.broadcast %jit3A_401 : f32 to vector<256x16xf32>
    %select_n3A_403 = arith.select %eq3A_400, %broadcast_in_dim3A_402, %sqrt3A_381 : vector<256x16xi1>, vector<256x16xf32>
    %reduce_min3A_404 = arith.constant dense<0x7F800000> : vector<256xf32>
    %reduce_min3A_405 = vector.multi_reduction <minimumf>, %select_n3A_403, %reduce_min3A_404 [1] : vector<256x16xf32> to vector<256xf32>
    %broadcast_in_dim3A_406 = vector.shape_cast %reduce_min3A_405 : vector<256xf32> to vector<256x1xf32>
    %eq3A_407 = vector.broadcast %broadcast_in_dim3A_406 : vector<256x1xf32> to vector<256x16xf32>
    %eq3A_408 = arith.cmpf oeq, %select_n3A_403, %eq3A_407 : vector<256x16xf32>
    %jit3A_409 = arith.constant 16 : i32
    %broadcast_in_dim3A_410 = vector.broadcast %jit3A_409 : i32 to vector<256x16xi32>
    %select_n3A_411 = arith.select %eq3A_408, %iota3A, %broadcast_in_dim3A_410 : vector<256x16xi1>, vector<256x16xi32>
    %reduce_min3A_412 = arith.constant dense<2147483647> : vector<256xi32>
    %reduce_min3A_413 = vector.multi_reduction <minsi>, %select_n3A_411, %reduce_min3A_412 [1] : vector<256x16xi32> to vector<256xi32>
    %broadcast_in_dim3A_414 = vector.shape_cast %reduce_min3A_413 : vector<256xi32> to vector<256x1xi32>
    %swap3A_415 = arith.constant 0 : index
    %swap3A_416 = arith.constant 0 : index
    %swap3A_417 = arith.constant 16 : index
    %swap3A_418 = vector.load %arg4[%swap3A_415, %swap3A_416, %swap3A_417] : memref<1x256x120xi32, #tpu.memory_space<vmem>>, vector<1x256x1xi32>
    %swap3A_419 = vector.shape_cast %swap3A_418 : vector<1x256x1xi32> to vector<256x1xi32>
    %swap3A_420 = vector.shape_cast %broadcast_in_dim3A_414 : vector<256x1xi32> to vector<1x256x1xi32>
    tpu.vector_store %arg4[%swap3A_415, %swap3A_416, %swap3A_417], %swap3A_420 {strides = array<i32>} : memref<1x256x120xi32, #tpu.memory_space<vmem>>, vector<1x256x1xi32>,
    %eq3A_421 = vector.broadcast %broadcast_in_dim3A_414 : vector<256x1xi32> to vector<256x16xi32>
    %eq3A_422 = arith.cmpi eq, %iota3A, %eq3A_421 : vector<256x16xi32>
    %jit3A_423 = arith.constant 0x7F800000 : f32
    %broadcast_in_dim3A_424 = vector.broadcast %jit3A_423 : f32 to vector<256x16xf32>
    %select_n3A_425 = arith.select %eq3A_422, %broadcast_in_dim3A_424, %select_n3A_403 : vector<256x16xi1>, vector<256x16xf32>
    %reduce_min3A_426 = arith.constant dense<0x7F800000> : vector<256xf32>
    %reduce_min3A_427 = vector.multi_reduction <minimumf>, %select_n3A_425, %reduce_min3A_426 [1] : vector<256x16xf32> to vector<256xf32>
    %broadcast_in_dim3A_428 = vector.shape_cast %reduce_min3A_427 : vector<256xf32> to vector<256x1xf32>
    %eq3A_429 = vector.broadcast %broadcast_in_dim3A_428 : vector<256x1xf32> to vector<256x16xf32>
    %eq3A_430 = arith.cmpf oeq, %select_n3A_425, %eq3A_429 : vector<256x16xf32>
    %jit3A_431 = arith.constant 16 : i32
    %broadcast_in_dim3A_432 = vector.broadcast %jit3A_431 : i32 to vector<256x16xi32>
    %select_n3A_433 = arith.select %eq3A_430, %iota3A, %broadcast_in_dim3A_432 : vector<256x16xi1>, vector<256x16xi32>
    %reduce_min3A_434 = arith.constant dense<2147483647> : vector<256xi32>
    %reduce_min3A_435 = vector.multi_reduction <minsi>, %select_n3A_433, %reduce_min3A_434 [1] : vector<256x16xi32> to vector<256xi32>
    %broadcast_in_dim3A_436 = vector.shape_cast %reduce_min3A_435 : vector<256xi32> to vector<256x1xi32>
    %swap3A_437 = arith.constant 0 : index
    %swap3A_438 = arith.constant 0 : index
    %swap3A_439 = arith.constant 17 : index
    %swap3A_440 = vector.load %arg4[%swap3A_437, %swap3A_438, %swap3A_439] : memref<1x256x120xi32, #tpu.memory_space<vmem>>, vector<1x256x1xi32>
    %swap3A_441 = vector.shape_cast %swap3A_440 : vector<1x256x1xi32> to vector<256x1xi32>
    %swap3A_442 = vector.shape_cast %broadcast_in_dim3A_436 : vector<256x1xi32> to vector<1x256x1xi32>
    tpu.vector_store %arg4[%swap3A_437, %swap3A_438, %swap3A_439], %swap3A_442 {strides = array<i32>} : memref<1x256x120xi32, #tpu.memory_space<vmem>>, vector<1x256x1xi32>,
    %sub3A_443 = arith.constant 1.78873222E-10 : f32
    %sub3A_444 = vector.broadcast %sub3A_443 : f32 to vector<256x16xf32>
    %sub3A_445 = arith.subf %sub3A_444, %get3A_3 : vector<256x16xf32>
    %sub3A_446 = arith.constant -0.0150000006 : f32
    %sub3A_447 = vector.broadcast %sub3A_446 : f32 to vector<256x16xf32>
    %sub3A_448 = arith.subf %sub3A_447, %get3A_8 : vector<256x16xf32>
    %mul3A_449 = arith.mulf %sub3A_445, %sub3A_445 : vector<256x16xf32>
    %mul3A_450 = arith.mulf %sub3A_448, %sub3A_448 : vector<256x16xf32>
    %add3A_451 = arith.addf %mul3A_449, %mul3A_450 : vector<256x16xf32>
    %add3A_452 = arith.constant 1.000000e-16 : f32
    %add3A_453 = vector.broadcast %add3A_452 : f32 to vector<256x16xf32>
    %add3A_454 = arith.addf %add3A_451, %add3A_453 : vector<256x16xf32>
    %sqrt3A_455 = math.sqrt %add3A_454 : vector<256x16xf32>
    %reduce_min3A_456 = arith.constant dense<0x7F800000> : vector<256xf32>
    %reduce_min3A_457 = vector.multi_reduction <minimumf>, %sqrt3A_455, %reduce_min3A_456 [1] : vector<256x16xf32> to vector<256xf32>
    %broadcast_in_dim3A_458 = vector.shape_cast %reduce_min3A_457 : vector<256xf32> to vector<256x1xf32>
    %eq3A_459 = vector.broadcast %broadcast_in_dim3A_458 : vector<256x1xf32> to vector<256x16xf32>
    %eq3A_460 = arith.cmpf oeq, %sqrt3A_455, %eq3A_459 : vector<256x16xf32>
    %jit3A_461 = arith.constant 16 : i32
    %broadcast_in_dim3A_462 = vector.broadcast %jit3A_461 : i32 to vector<256x16xi32>
    %select_n3A_463 = arith.select %eq3A_460, %iota3A, %broadcast_in_dim3A_462 : vector<256x16xi1>, vector<256x16xi32>
    %reduce_min3A_464 = arith.constant dense<2147483647> : vector<256xi32>
    %reduce_min3A_465 = vector.multi_reduction <minsi>, %select_n3A_463, %reduce_min3A_464 [1] : vector<256x16xi32> to vector<256xi32>
    %broadcast_in_dim3A_466 = vector.shape_cast %reduce_min3A_465 : vector<256xi32> to vector<256x1xi32>
    %swap3A_467 = arith.constant 0 : index
    %swap3A_468 = arith.constant 0 : index
    %swap3A_469 = arith.constant 18 : index
    %swap3A_470 = vector.load %arg4[%swap3A_467, %swap3A_468, %swap3A_469] : memref<1x256x120xi32, #tpu.memory_space<vmem>>, vector<1x256x1xi32>
    %swap3A_471 = vector.shape_cast %swap3A_470 : vector<1x256x1xi32> to vector<256x1xi32>
    %swap3A_472 = vector.shape_cast %broadcast_in_dim3A_466 : vector<256x1xi32> to vector<1x256x1xi32>
    tpu.vector_store %arg4[%swap3A_467, %swap3A_468, %swap3A_469], %swap3A_472 {strides = array<i32>} : memref<1x256x120xi32, #tpu.memory_space<vmem>>, vector<1x256x1xi32>,
    %eq3A_473 = vector.broadcast %broadcast_in_dim3A_466 : vector<256x1xi32> to vector<256x16xi32>
    %eq3A_474 = arith.cmpi eq, %iota3A, %eq3A_473 : vector<256x16xi32>
    %jit3A_475 = arith.constant 0x7F800000 : f32
    %broadcast_in_dim3A_476 = vector.broadcast %jit3A_475 : f32 to vector<256x16xf32>
    %select_n3A_477 = arith.select %eq3A_474, %broadcast_in_dim3A_476, %sqrt3A_455 : vector<256x16xi1>, vector<256x16xf32>
    %reduce_min3A_478 = arith.constant dense<0x7F800000> : vector<256xf32>
    %reduce_min3A_479 = vector.multi_reduction <minimumf>, %select_n3A_477, %reduce_min3A_478 [1] : vector<256x16xf32> to vector<256xf32>
    %broadcast_in_dim3A_480 = vector.shape_cast %reduce_min3A_479 : vector<256xf32> to vector<256x1xf32>
    %eq3A_481 = vector.broadcast %broadcast_in_dim3A_480 : vector<256x1xf32> to vector<256x16xf32>
    %eq3A_482 = arith.cmpf oeq, %select_n3A_477, %eq3A_481 : vector<256x16xf32>
    %jit3A_483 = arith.constant 16 : i32
    %broadcast_in_dim3A_484 = vector.broadcast %jit3A_483 : i32 to vector<256x16xi32>
    %select_n3A_485 = arith.select %eq3A_482, %iota3A, %broadcast_in_dim3A_484 : vector<256x16xi1>, vector<256x16xi32>
    %reduce_min3A_486 = arith.constant dense<2147483647> : vector<256xi32>
    %reduce_min3A_487 = vector.multi_reduction <minsi>, %select_n3A_485, %reduce_min3A_486 [1] : vector<256x16xi32> to vector<256xi32>
    %broadcast_in_dim3A_488 = vector.shape_cast %reduce_min3A_487 : vector<256xi32> to vector<256x1xi32>
    %swap3A_489 = arith.constant 0 : index
    %swap3A_490 = arith.constant 0 : index
    %swap3A_491 = arith.constant 19 : index
    %swap3A_492 = vector.load %arg4[%swap3A_489, %swap3A_490, %swap3A_491] : memref<1x256x120xi32, #tpu.memory_space<vmem>>, vector<1x256x1xi32>
    %swap3A_493 = vector.shape_cast %swap3A_492 : vector<1x256x1xi32> to vector<256x1xi32>
    %swap3A_494 = vector.shape_cast %broadcast_in_dim3A_488 : vector<256x1xi32> to vector<1x256x1xi32>
    tpu.vector_store %arg4[%swap3A_489, %swap3A_490, %swap3A_491], %swap3A_494 {strides = array<i32>} : memref<1x256x120xi32, #tpu.memory_space<vmem>>, vector<1x256x1xi32>,
    %eq3A_495 = vector.broadcast %broadcast_in_dim3A_488 : vector<256x1xi32> to vector<256x16xi32>
    %eq3A_496 = arith.cmpi eq, %iota3A, %eq3A_495 : vector<256x16xi32>
    %jit3A_497 = arith.constant 0x7F800000 : f32
    %broadcast_in_dim3A_498 = vector.broadcast %jit3A_497 : f32 to vector<256x16xf32>
    %select_n3A_499 = arith.select %eq3A_496, %broadcast_in_dim3A_498, %select_n3A_477 : vector<256x16xi1>, vector<256x16xf32>
    %reduce_min3A_500 = arith.constant dense<0x7F800000> : vector<256xf32>
    %reduce_min3A_501 = vector.multi_reduction <minimumf>, %select_n3A_499, %reduce_min3A_500 [1] : vector<256x16xf32> to vector<256xf32>
    %broadcast_in_dim3A_502 = vector.shape_cast %reduce_min3A_501 : vector<256xf32> to vector<256x1xf32>
    %eq3A_503 = vector.broadcast %broadcast_in_dim3A_502 : vector<256x1xf32> to vector<256x16xf32>
    %eq3A_504 = arith.cmpf oeq, %select_n3A_499, %eq3A_503 : vector<256x16xf32>
    %jit3A_505 = arith.constant 16 : i32
    %broadcast_in_dim3A_506 = vector.broadcast %jit3A_505 : i32 to vector<256x16xi32>
    %select_n3A_507 = arith.select %eq3A_504, %iota3A, %broadcast_in_dim3A_506 : vector<256x16xi1>, vector<256x16xi32>
    %reduce_min3A_508 = arith.constant dense<2147483647> : vector<256xi32>
    %reduce_min3A_509 = vector.multi_reduction <minsi>, %select_n3A_507, %reduce_min3A_508 [1] : vector<256x16xi32> to vector<256xi32>
    %broadcast_in_dim3A_510 = vector.shape_cast %reduce_min3A_509 : vector<256xi32> to vector<256x1xi32>
    %swap3A_511 = arith.constant 0 : index
    %swap3A_512 = arith.constant 0 : index
    %swap3A_513 = arith.constant 20 : index
    %swap3A_514 = vector.load %arg4[%swap3A_511, %swap3A_512, %swap3A_513] : memref<1x256x120xi32, #tpu.memory_space<vmem>>, vector<1x256x1xi32>
    %swap3A_515 = vector.shape_cast %swap3A_514 : vector<1x256x1xi32> to vector<256x1xi32>
    %swap3A_516 = vector.shape_cast %broadcast_in_dim3A_510 : vector<256x1xi32> to vector<1x256x1xi32>
    tpu.vector_store %arg4[%swap3A_511, %swap3A_512, %swap3A_513], %swap3A_516 {strides = array<i32>} : memref<1x256x120xi32, #tpu.memory_space<vmem>>, vector<1x256x1xi32>,
    %sub3A_517 = arith.constant 1.060660e-02 : f32
    %sub3A_518 = vector.broadcast %sub3A_517 : f32 to vector<256x16xf32>
    %sub3A_519 = arith.subf %sub3A_518, %get3A_3 : vector<256x16xf32>
    %sub3A_520 = arith.constant -0.0106066037 : f32
    %sub3A_521 = vector.broadcast %sub3A_520 : f32 to vector<256x16xf32>
    %sub3A_522 = arith.subf %sub3A_521, %get3A_8 : vector<256x16xf32>
    %mul3A_523 = arith.mulf %sub3A_519, %sub3A_519 : vector<256x16xf32>
    %mul3A_524 = arith.mulf %sub3A_522, %sub3A_522 : vector<256x16xf32>
    %add3A_525 = arith.addf %mul3A_523, %mul3A_524 : vector<256x16xf32>
    %add3A_526 = arith.constant 1.000000e-16 : f32
    %add3A_527 = vector.broadcast %add3A_526 : f32 to vector<256x16xf32>
    %add3A_528 = arith.addf %add3A_525, %add3A_527 : vector<256x16xf32>
    %sqrt3A_529 = math.sqrt %add3A_528 : vector<256x16xf32>
    %reduce_min3A_530 = arith.constant dense<0x7F800000> : vector<256xf32>
    %reduce_min3A_531 = vector.multi_reduction <minimumf>, %sqrt3A_529, %reduce_min3A_530 [1] : vector<256x16xf32> to vector<256xf32>
    %broadcast_in_dim3A_532 = vector.shape_cast %reduce_min3A_531 : vector<256xf32> to vector<256x1xf32>
    %eq3A_533 = vector.broadcast %broadcast_in_dim3A_532 : vector<256x1xf32> to vector<256x16xf32>
    %eq3A_534 = arith.cmpf oeq, %sqrt3A_529, %eq3A_533 : vector<256x16xf32>
    %jit3A_535 = arith.constant 16 : i32
    %broadcast_in_dim3A_536 = vector.broadcast %jit3A_535 : i32 to vector<256x16xi32>
    %select_n3A_537 = arith.select %eq3A_534, %iota3A, %broadcast_in_dim3A_536 : vector<256x16xi1>, vector<256x16xi32>
    %reduce_min3A_538 = arith.constant dense<2147483647> : vector<256xi32>
    %reduce_min3A_539 = vector.multi_reduction <minsi>, %select_n3A_537, %reduce_min3A_538 [1] : vector<256x16xi32> to vector<256xi32>
    %broadcast_in_dim3A_540 = vector.shape_cast %reduce_min3A_539 : vector<256xi32> to vector<256x1xi32>
    %swap3A_541 = arith.constant 0 : index
    %swap3A_542 = arith.constant 0 : index
    %swap3A_543 = arith.constant 21 : index
    %swap3A_544 = vector.load %arg4[%swap3A_541, %swap3A_542, %swap3A_543] : memref<1x256x120xi32, #tpu.memory_space<vmem>>, vector<1x256x1xi32>
    %swap3A_545 = vector.shape_cast %swap3A_544 : vector<1x256x1xi32> to vector<256x1xi32>
    %swap3A_546 = vector.shape_cast %broadcast_in_dim3A_540 : vector<256x1xi32> to vector<1x256x1xi32>
    tpu.vector_store %arg4[%swap3A_541, %swap3A_542, %swap3A_543], %swap3A_546 {strides = array<i32>} : memref<1x256x120xi32, #tpu.memory_space<vmem>>, vector<1x256x1xi32>,
    %eq3A_547 = vector.broadcast %broadcast_in_dim3A_540 : vector<256x1xi32> to vector<256x16xi32>
    %eq3A_548 = arith.cmpi eq, %iota3A, %eq3A_547 : vector<256x16xi32>
    %jit3A_549 = arith.constant 0x7F800000 : f32
    %broadcast_in_dim3A_550 = vector.broadcast %jit3A_549 : f32 to vector<256x16xf32>
    %select_n3A_551 = arith.select %eq3A_548, %broadcast_in_dim3A_550, %sqrt3A_529 : vector<256x16xi1>, vector<256x16xf32>
    %reduce_min3A_552 = arith.constant dense<0x7F800000> : vector<256xf32>
    %reduce_min3A_553 = vector.multi_reduction <minimumf>, %select_n3A_551, %reduce_min3A_552 [1] : vector<256x16xf32> to vector<256xf32>
    %broadcast_in_dim3A_554 = vector.shape_cast %reduce_min3A_553 : vector<256xf32> to vector<256x1xf32>
    %eq3A_555 = vector.broadcast %broadcast_in_dim3A_554 : vector<256x1xf32> to vector<256x16xf32>
    %eq3A_556 = arith.cmpf oeq, %select_n3A_551, %eq3A_555 : vector<256x16xf32>
    %jit3A_557 = arith.constant 16 : i32
    %broadcast_in_dim3A_558 = vector.broadcast %jit3A_557 : i32 to vector<256x16xi32>
    %select_n3A_559 = arith.select %eq3A_556, %iota3A, %broadcast_in_dim3A_558 : vector<256x16xi1>, vector<256x16xi32>
    %reduce_min3A_560 = arith.constant dense<2147483647> : vector<256xi32>
    %reduce_min3A_561 = vector.multi_reduction <minsi>, %select_n3A_559, %reduce_min3A_560 [1] : vector<256x16xi32> to vector<256xi32>
    %broadcast_in_dim3A_562 = vector.shape_cast %reduce_min3A_561 : vector<256xi32> to vector<256x1xi32>
    %swap3A_563 = arith.constant 0 : index
    %swap3A_564 = arith.constant 0 : index
    %swap3A_565 = arith.constant 22 : index
    %swap3A_566 = vector.load %arg4[%swap3A_563, %swap3A_564, %swap3A_565] : memref<1x256x120xi32, #tpu.memory_space<vmem>>, vector<1x256x1xi32>
    %swap3A_567 = vector.shape_cast %swap3A_566 : vector<1x256x1xi32> to vector<256x1xi32>
    %swap3A_568 = vector.shape_cast %broadcast_in_dim3A_562 : vector<256x1xi32> to vector<1x256x1xi32>
    tpu.vector_store %arg4[%swap3A_563, %swap3A_564, %swap3A_565], %swap3A_568 {strides = array<i32>} : memref<1x256x120xi32, #tpu.memory_space<vmem>>, vector<1x256x1xi32>,
    %eq3A_569 = vector.broadcast %broadcast_in_dim3A_562 : vector<256x1xi32> to vector<256x16xi32>
    %eq3A_570 = arith.cmpi eq, %iota3A, %eq3A_569 : vector<256x16xi32>
    %jit3A_571 = arith.constant 0x7F800000 : f32
    %broadcast_in_dim3A_572 = vector.broadcast %jit3A_571 : f32 to vector<256x16xf32>
    %select_n3A_573 = arith.select %eq3A_570, %broadcast_in_dim3A_572, %select_n3A_551 : vector<256x16xi1>, vector<256x16xf32>
    %reduce_min3A_574 = arith.constant dense<0x7F800000> : vector<256xf32>
    %reduce_min3A_575 = vector.multi_reduction <minimumf>, %select_n3A_573, %reduce_min3A_574 [1] : vector<256x16xf32> to vector<256xf32>
    %broadcast_in_dim3A_576 = vector.shape_cast %reduce_min3A_575 : vector<256xf32> to vector<256x1xf32>
    %eq3A_577 = vector.broadcast %broadcast_in_dim3A_576 : vector<256x1xf32> to vector<256x16xf32>
    %eq3A_578 = arith.cmpf oeq, %select_n3A_573, %eq3A_577 : vector<256x16xf32>
    %jit3A_579 = arith.constant 16 : i32
    %broadcast_in_dim3A_580 = vector.broadcast %jit3A_579 : i32 to vector<256x16xi32>
    %select_n3A_581 = arith.select %eq3A_578, %iota3A, %broadcast_in_dim3A_580 : vector<256x16xi1>, vector<256x16xi32>
    %reduce_min3A_582 = arith.constant dense<2147483647> : vector<256xi32>
    %reduce_min3A_583 = vector.multi_reduction <minsi>, %select_n3A_581, %reduce_min3A_582 [1] : vector<256x16xi32> to vector<256xi32>
    %broadcast_in_dim3A_584 = vector.shape_cast %reduce_min3A_583 : vector<256xi32> to vector<256x1xi32>
    %swap3A_585 = arith.constant 0 : index
    %swap3A_586 = arith.constant 0 : index
    %swap3A_587 = arith.constant 23 : index
    %swap3A_588 = vector.load %arg4[%swap3A_585, %swap3A_586, %swap3A_587] : memref<1x256x120xi32, #tpu.memory_space<vmem>>, vector<1x256x1xi32>
    %swap3A_589 = vector.shape_cast %swap3A_588 : vector<1x256x1xi32> to vector<256x1xi32>
    %swap3A_590 = vector.shape_cast %broadcast_in_dim3A_584 : vector<256x1xi32> to vector<1x256x1xi32>
    tpu.vector_store %arg4[%swap3A_585, %swap3A_586, %swap3A_587], %swap3A_590 {strides = array<i32>} : memref<1x256x120xi32, #tpu.memory_space<vmem>>, vector<1x256x1xi32>,
    %sub3A_591 = arith.constant 0.0300000012 : f32
    %sub3A_592 = vector.broadcast %sub3A_591 : f32 to vector<256x16xf32>
    %sub3A_593 = arith.subf %sub3A_592, %get3A_3 : vector<256x16xf32>
    %sub3A_594 = arith.constant 0.000000e+00 : f32
    %sub3A_595 = vector.broadcast %sub3A_594 : f32 to vector<256x16xf32>
    %sub3A_596 = arith.subf %sub3A_595, %get3A_8 : vector<256x16xf32>
    %mul3A_597 = arith.mulf %sub3A_593, %sub3A_593 : vector<256x16xf32>
    %mul3A_598 = arith.mulf %sub3A_596, %sub3A_596 : vector<256x16xf32>
    %add3A_599 = arith.addf %mul3A_597, %mul3A_598 : vector<256x16xf32>
    %add3A_600 = arith.constant 1.000000e-16 : f32
    %add3A_601 = vector.broadcast %add3A_600 : f32 to vector<256x16xf32>
    %add3A_602 = arith.addf %add3A_599, %add3A_601 : vector<256x16xf32>
    %sqrt3A_603 = math.sqrt %add3A_602 : vector<256x16xf32>
    %reduce_min3A_604 = arith.constant dense<0x7F800000> : vector<256xf32>
    %reduce_min3A_605 = vector.multi_reduction <minimumf>, %sqrt3A_603, %reduce_min3A_604 [1] : vector<256x16xf32> to vector<256xf32>
    %broadcast_in_dim3A_606 = vector.shape_cast %reduce_min3A_605 : vector<256xf32> to vector<256x1xf32>
    %eq3A_607 = vector.broadcast %broadcast_in_dim3A_606 : vector<256x1xf32> to vector<256x16xf32>
    %eq3A_608 = arith.cmpf oeq, %sqrt3A_603, %eq3A_607 : vector<256x16xf32>
    %jit3A_609 = arith.constant 16 : i32
    %broadcast_in_dim3A_610 = vector.broadcast %jit3A_609 : i32 to vector<256x16xi32>
    %select_n3A_611 = arith.select %eq3A_608, %iota3A, %broadcast_in_dim3A_610 : vector<256x16xi1>, vector<256x16xi32>
    %reduce_min3A_612 = arith.constant dense<2147483647> : vector<256xi32>
    %reduce_min3A_613 = vector.multi_reduction <minsi>, %select_n3A_611, %reduce_min3A_612 [1] : vector<256x16xi32> to vector<256xi32>
    %broadcast_in_dim3A_614 = vector.shape_cast %reduce_min3A_613 : vector<256xi32> to vector<256x1xi32>
    %swap3A_615 = arith.constant 0 : index
    %swap3A_616 = arith.constant 0 : index
    %swap3A_617 = arith.constant 24 : index
    %swap3A_618 = vector.load %arg4[%swap3A_615, %swap3A_616, %swap3A_617] : memref<1x256x120xi32, #tpu.memory_space<vmem>>, vector<1x256x1xi32>
    %swap3A_619 = vector.shape_cast %swap3A_618 : vector<1x256x1xi32> to vector<256x1xi32>
    %swap3A_620 = vector.shape_cast %broadcast_in_dim3A_614 : vector<256x1xi32> to vector<1x256x1xi32>
    tpu.vector_store %arg4[%swap3A_615, %swap3A_616, %swap3A_617], %swap3A_620 {strides = array<i32>} : memref<1x256x120xi32, #tpu.memory_space<vmem>>, vector<1x256x1xi32>,
    %eq3A_621 = vector.broadcast %broadcast_in_dim3A_614 : vector<256x1xi32> to vector<256x16xi32>
    %eq3A_622 = arith.cmpi eq, %iota3A, %eq3A_621 : vector<256x16xi32>
    %jit3A_623 = arith.constant 0x7F800000 : f32
    %broadcast_in_dim3A_624 = vector.broadcast %jit3A_623 : f32 to vector<256x16xf32>
    %select_n3A_625 = arith.select %eq3A_622, %broadcast_in_dim3A_624, %sqrt3A_603 : vector<256x16xi1>, vector<256x16xf32>
    %reduce_min3A_626 = arith.constant dense<0x7F800000> : vector<256xf32>
    %reduce_min3A_627 = vector.multi_reduction <minimumf>, %select_n3A_625, %reduce_min3A_626 [1] : vector<256x16xf32> to vector<256xf32>
    %broadcast_in_dim3A_628 = vector.shape_cast %reduce_min3A_627 : vector<256xf32> to vector<256x1xf32>
    %eq3A_629 = vector.broadcast %broadcast_in_dim3A_628 : vector<256x1xf32> to vector<256x16xf32>
    %eq3A_630 = arith.cmpf oeq, %select_n3A_625, %eq3A_629 : vector<256x16xf32>
    %jit3A_631 = arith.constant 16 : i32
    %broadcast_in_dim3A_632 = vector.broadcast %jit3A_631 : i32 to vector<256x16xi32>
    %select_n3A_633 = arith.select %eq3A_630, %iota3A, %broadcast_in_dim3A_632 : vector<256x16xi1>, vector<256x16xi32>
    %reduce_min3A_634 = arith.constant dense<2147483647> : vector<256xi32>
    %reduce_min3A_635 = vector.multi_reduction <minsi>, %select_n3A_633, %reduce_min3A_634 [1] : vector<256x16xi32> to vector<256xi32>
    %broadcast_in_dim3A_636 = vector.shape_cast %reduce_min3A_635 : vector<256xi32> to vector<256x1xi32>
    %swap3A_637 = arith.constant 0 : index
    %swap3A_638 = arith.constant 0 : index
    %swap3A_639 = arith.constant 25 : index
    %swap3A_640 = vector.load %arg4[%swap3A_637, %swap3A_638, %swap3A_639] : memref<1x256x120xi32, #tpu.memory_space<vmem>>, vector<1x256x1xi32>
    %swap3A_641 = vector.shape_cast %swap3A_640 : vector<1x256x1xi32> to vector<256x1xi32>
    %swap3A_642 = vector.shape_cast %broadcast_in_dim3A_636 : vector<256x1xi32> to vector<1x256x1xi32>
    tpu.vector_store %arg4[%swap3A_637, %swap3A_638, %swap3A_639], %swap3A_642 {strides = array<i32>} : memref<1x256x120xi32, #tpu.memory_space<vmem>>, vector<1x256x1xi32>,
    %eq3A_643 = vector.broadcast %broadcast_in_dim3A_636 : vector<256x1xi32> to vector<256x16xi32>
    %eq3A_644 = arith.cmpi eq, %iota3A, %eq3A_643 : vector<256x16xi32>
    %jit3A_645 = arith.constant 0x7F800000 : f32
    %broadcast_in_dim3A_646 = vector.broadcast %jit3A_645 : f32 to vector<256x16xf32>
    %select_n3A_647 = arith.select %eq3A_644, %broadcast_in_dim3A_646, %select_n3A_625 : vector<256x16xi1>, vector<256x16xf32>
    %reduce_min3A_648 = arith.constant dense<0x7F800000> : vector<256xf32>
    %reduce_min3A_649 = vector.multi_reduction <minimumf>, %select_n3A_647, %reduce_min3A_648 [1] : vector<256x16xf32> to vector<256xf32>
    %broadcast_in_dim3A_650 = vector.shape_cast %reduce_min3A_649 : vector<256xf32> to vector<256x1xf32>
    %eq3A_651 = vector.broadcast %broadcast_in_dim3A_650 : vector<256x1xf32> to vector<256x16xf32>
    %eq3A_652 = arith.cmpf oeq, %select_n3A_647, %eq3A_651 : vector<256x16xf32>
    %jit3A_653 = arith.constant 16 : i32
    %broadcast_in_dim3A_654 = vector.broadcast %jit3A_653 : i32 to vector<256x16xi32>
    %select_n3A_655 = arith.select %eq3A_652, %iota3A, %broadcast_in_dim3A_654 : vector<256x16xi1>, vector<256x16xi32>
    %reduce_min3A_656 = arith.constant dense<2147483647> : vector<256xi32>
    %reduce_min3A_657 = vector.multi_reduction <minsi>, %select_n3A_655, %reduce_min3A_656 [1] : vector<256x16xi32> to vector<256xi32>
    %broadcast_in_dim3A_658 = vector.shape_cast %reduce_min3A_657 : vector<256xi32> to vector<256x1xi32>
    %swap3A_659 = arith.constant 0 : index
    %swap3A_660 = arith.constant 0 : index
    %swap3A_661 = arith.constant 26 : index
    %swap3A_662 = vector.load %arg4[%swap3A_659, %swap3A_660, %swap3A_661] : memref<1x256x120xi32, #tpu.memory_space<vmem>>, vector<1x256x1xi32>
    %swap3A_663 = vector.shape_cast %swap3A_662 : vector<1x256x1xi32> to vector<256x1xi32>
    %swap3A_664 = vector.shape_cast %broadcast_in_dim3A_658 : vector<256x1xi32> to vector<1x256x1xi32>
    tpu.vector_store %arg4[%swap3A_659, %swap3A_660, %swap3A_661], %swap3A_664 {strides = array<i32>} : memref<1x256x120xi32, #tpu.memory_space<vmem>>, vector<1x256x1xi32>,
    %sub3A_665 = arith.constant 0.0212132037 : f32
    %sub3A_666 = vector.broadcast %sub3A_665 : f32 to vector<256x16xf32>
    %sub3A_667 = arith.subf %sub3A_666, %get3A_3 : vector<256x16xf32>
    %sub3A_668 = arith.constant 0.0212132037 : f32
    %sub3A_669 = vector.broadcast %sub3A_668 : f32 to vector<256x16xf32>
    %sub3A_670 = arith.subf %sub3A_669, %get3A_8 : vector<256x16xf32>
    %mul3A_671 = arith.mulf %sub3A_667, %sub3A_667 : vector<256x16xf32>
    %mul3A_672 = arith.mulf %sub3A_670, %sub3A_670 : vector<256x16xf32>
    %add3A_673 = arith.addf %mul3A_671, %mul3A_672 : vector<256x16xf32>
    %add3A_674 = arith.constant 1.000000e-16 : f32
    %add3A_675 = vector.broadcast %add3A_674 : f32 to vector<256x16xf32>
    %add3A_676 = arith.addf %add3A_673, %add3A_675 : vector<256x16xf32>
    %sqrt3A_677 = math.sqrt %add3A_676 : vector<256x16xf32>
    %reduce_min3A_678 = arith.constant dense<0x7F800000> : vector<256xf32>
    %reduce_min3A_679 = vector.multi_reduction <minimumf>, %sqrt3A_677, %reduce_min3A_678 [1] : vector<256x16xf32> to vector<256xf32>
    %broadcast_in_dim3A_680 = vector.shape_cast %reduce_min3A_679 : vector<256xf32> to vector<256x1xf32>
    %eq3A_681 = vector.broadcast %broadcast_in_dim3A_680 : vector<256x1xf32> to vector<256x16xf32>
    %eq3A_682 = arith.cmpf oeq, %sqrt3A_677, %eq3A_681 : vector<256x16xf32>
    %jit3A_683 = arith.constant 16 : i32
    %broadcast_in_dim3A_684 = vector.broadcast %jit3A_683 : i32 to vector<256x16xi32>
    %select_n3A_685 = arith.select %eq3A_682, %iota3A, %broadcast_in_dim3A_684 : vector<256x16xi1>, vector<256x16xi32>
    %reduce_min3A_686 = arith.constant dense<2147483647> : vector<256xi32>
    %reduce_min3A_687 = vector.multi_reduction <minsi>, %select_n3A_685, %reduce_min3A_686 [1] : vector<256x16xi32> to vector<256xi32>
    %broadcast_in_dim3A_688 = vector.shape_cast %reduce_min3A_687 : vector<256xi32> to vector<256x1xi32>
    %swap3A_689 = arith.constant 0 : index
    %swap3A_690 = arith.constant 0 : index
    %swap3A_691 = arith.constant 27 : index
    %swap3A_692 = vector.load %arg4[%swap3A_689, %swap3A_690, %swap3A_691] : memref<1x256x120xi32, #tpu.memory_space<vmem>>, vector<1x256x1xi32>
    %swap3A_693 = vector.shape_cast %swap3A_692 : vector<1x256x1xi32> to vector<256x1xi32>
    %swap3A_694 = vector.shape_cast %broadcast_in_dim3A_688 : vector<256x1xi32> to vector<1x256x1xi32>
    tpu.vector_store %arg4[%swap3A_689, %swap3A_690, %swap3A_691], %swap3A_694 {strides = array<i32>} : memref<1x256x120xi32, #tpu.memory_space<vmem>>, vector<1x256x1xi32>,
    %eq3A_695 = vector.broadcast %broadcast_in_dim3A_688 : vector<256x1xi32> to vector<256x16xi32>
    %eq3A_696 = arith.cmpi eq, %iota3A, %eq3A_695 : vector<256x16xi32>
    %jit3A_697 = arith.constant 0x7F800000 : f32
    %broadcast_in_dim3A_698 = vector.broadcast %jit3A_697 : f32 to vector<256x16xf32>
    %select_n3A_699 = arith.select %eq3A_696, %broadcast_in_dim3A_698, %sqrt3A_677 : vector<256x16xi1>, vector<256x16xf32>
    %reduce_min3A_700 = arith.constant dense<0x7F800000> : vector<256xf32>
    %reduce_min3A_701 = vector.multi_reduction <minimumf>, %select_n3A_699, %reduce_min3A_700 [1] : vector<256x16xf32> to vector<256xf32>
    %broadcast_in_dim3A_702 = vector.shape_cast %reduce_min3A_701 : vector<256xf32> to vector<256x1xf32>
    %eq3A_703 = vector.broadcast %broadcast_in_dim3A_702 : vector<256x1xf32> to vector<256x16xf32>
    %eq3A_704 = arith.cmpf oeq, %select_n3A_699, %eq3A_703 : vector<256x16xf32>
    %jit3A_705 = arith.constant 16 : i32
    %broadcast_in_dim3A_706 = vector.broadcast %jit3A_705 : i32 to vector<256x16xi32>
    %select_n3A_707 = arith.select %eq3A_704, %iota3A, %broadcast_in_dim3A_706 : vector<256x16xi1>, vector<256x16xi32>
    %reduce_min3A_708 = arith.constant dense<2147483647> : vector<256xi32>
    %reduce_min3A_709 = vector.multi_reduction <minsi>, %select_n3A_707, %reduce_min3A_708 [1] : vector<256x16xi32> to vector<256xi32>
    %broadcast_in_dim3A_710 = vector.shape_cast %reduce_min3A_709 : vector<256xi32> to vector<256x1xi32>
    %swap3A_711 = arith.constant 0 : index
    %swap3A_712 = arith.constant 0 : index
    %swap3A_713 = arith.constant 28 : index
    %swap3A_714 = vector.load %arg4[%swap3A_711, %swap3A_712, %swap3A_713] : memref<1x256x120xi32, #tpu.memory_space<vmem>>, vector<1x256x1xi32>
    %swap3A_715 = vector.shape_cast %swap3A_714 : vector<1x256x1xi32> to vector<256x1xi32>
    %swap3A_716 = vector.shape_cast %broadcast_in_dim3A_710 : vector<256x1xi32> to vector<1x256x1xi32>
    tpu.vector_store %arg4[%swap3A_711, %swap3A_712, %swap3A_713], %swap3A_716 {strides = array<i32>} : memref<1x256x120xi32, #tpu.memory_space<vmem>>, vector<1x256x1xi32>,
    %eq3A_717 = vector.broadcast %broadcast_in_dim3A_710 : vector<256x1xi32> to vector<256x16xi32>
    %eq3A_718 = arith.cmpi eq, %iota3A, %eq3A_717 : vector<256x16xi32>
    %jit3A_719 = arith.constant 0x7F800000 : f32
    %broadcast_in_dim3A_720 = vector.broadcast %jit3A_719 : f32 to vector<256x16xf32>
    %select_n3A_721 = arith.select %eq3A_718, %broadcast_in_dim3A_720, %select_n3A_699 : vector<256x16xi1>, vector<256x16xf32>
    %reduce_min3A_722 = arith.constant dense<0x7F800000> : vector<256xf32>
    %reduce_min3A_723 = vector.multi_reduction <minimumf>, %select_n3A_721, %reduce_min3A_722 [1] : vector<256x16xf32> to vector<256xf32>
    %broadcast_in_dim3A_724 = vector.shape_cast %reduce_min3A_723 : vector<256xf32> to vector<256x1xf32>
    %eq3A_725 = vector.broadcast %broadcast_in_dim3A_724 : vector<256x1xf32> to vector<256x16xf32>
    %eq3A_726 = arith.cmpf oeq, %select_n3A_721, %eq3A_725 : vector<256x16xf32>
    %jit3A_727 = arith.constant 16 : i32
    %broadcast_in_dim3A_728 = vector.broadcast %jit3A_727 : i32 to vector<256x16xi32>
    %select_n3A_729 = arith.select %eq3A_726, %iota3A, %broadcast_in_dim3A_728 : vector<256x16xi1>, vector<256x16xi32>
    %reduce_min3A_730 = arith.constant dense<2147483647> : vector<256xi32>
    %reduce_min3A_731 = vector.multi_reduction <minsi>, %select_n3A_729, %reduce_min3A_730 [1] : vector<256x16xi32> to vector<256xi32>
    %broadcast_in_dim3A_732 = vector.shape_cast %reduce_min3A_731 : vector<256xi32> to vector<256x1xi32>
    %swap3A_733 = arith.constant 0 : index
    %swap3A_734 = arith.constant 0 : index
    %swap3A_735 = arith.constant 29 : index
    %swap3A_736 = vector.load %arg4[%swap3A_733, %swap3A_734, %swap3A_735] : memref<1x256x120xi32, #tpu.memory_space<vmem>>, vector<1x256x1xi32>
    %swap3A_737 = vector.shape_cast %swap3A_736 : vector<1x256x1xi32> to vector<256x1xi32>
    %swap3A_738 = vector.shape_cast %broadcast_in_dim3A_732 : vector<256x1xi32> to vector<1x256x1xi32>
    tpu.vector_store %arg4[%swap3A_733, %swap3A_734, %swap3A_735], %swap3A_738 {strides = array<i32>} : memref<1x256x120xi32, #tpu.memory_space<vmem>>, vector<1x256x1xi32>,
    %sub3A_739 = arith.constant -1.3113417E-9 : f32
    %sub3A_740 = vector.broadcast %sub3A_739 : f32 to vector<256x16xf32>
    %sub3A_741 = arith.subf %sub3A_740, %get3A_3 : vector<256x16xf32>
    %sub3A_742 = arith.constant 0.0300000012 : f32
    %sub3A_743 = vector.broadcast %sub3A_742 : f32 to vector<256x16xf32>
    %sub3A_744 = arith.subf %sub3A_743, %get3A_8 : vector<256x16xf32>
    %mul3A_745 = arith.mulf %sub3A_741, %sub3A_741 : vector<256x16xf32>
    %mul3A_746 = arith.mulf %sub3A_744, %sub3A_744 : vector<256x16xf32>
    %add3A_747 = arith.addf %mul3A_745, %mul3A_746 : vector<256x16xf32>
    %add3A_748 = arith.constant 1.000000e-16 : f32
    %add3A_749 = vector.broadcast %add3A_748 : f32 to vector<256x16xf32>
    %add3A_750 = arith.addf %add3A_747, %add3A_749 : vector<256x16xf32>
    %sqrt3A_751 = math.sqrt %add3A_750 : vector<256x16xf32>
    %reduce_min3A_752 = arith.constant dense<0x7F800000> : vector<256xf32>
    %reduce_min3A_753 = vector.multi_reduction <minimumf>, %sqrt3A_751, %reduce_min3A_752 [1] : vector<256x16xf32> to vector<256xf32>
    %broadcast_in_dim3A_754 = vector.shape_cast %reduce_min3A_753 : vector<256xf32> to vector<256x1xf32>
    %eq3A_755 = vector.broadcast %broadcast_in_dim3A_754 : vector<256x1xf32> to vector<256x16xf32>
    %eq3A_756 = arith.cmpf oeq, %sqrt3A_751, %eq3A_755 : vector<256x16xf32>
    %jit3A_757 = arith.constant 16 : i32
    %broadcast_in_dim3A_758 = vector.broadcast %jit3A_757 : i32 to vector<256x16xi32>
    %select_n3A_759 = arith.select %eq3A_756, %iota3A, %broadcast_in_dim3A_758 : vector<256x16xi1>, vector<256x16xi32>
    %reduce_min3A_760 = arith.constant dense<2147483647> : vector<256xi32>
    %reduce_min3A_761 = vector.multi_reduction <minsi>, %select_n3A_759, %reduce_min3A_760 [1] : vector<256x16xi32> to vector<256xi32>
    %broadcast_in_dim3A_762 = vector.shape_cast %reduce_min3A_761 : vector<256xi32> to vector<256x1xi32>
    %swap3A_763 = arith.constant 0 : index
    %swap3A_764 = arith.constant 0 : index
    %swap3A_765 = arith.constant 30 : index
    %swap3A_766 = vector.load %arg4[%swap3A_763, %swap3A_764, %swap3A_765] : memref<1x256x120xi32, #tpu.memory_space<vmem>>, vector<1x256x1xi32>
    %swap3A_767 = vector.shape_cast %swap3A_766 : vector<1x256x1xi32> to vector<256x1xi32>
    %swap3A_768 = vector.shape_cast %broadcast_in_dim3A_762 : vector<256x1xi32> to vector<1x256x1xi32>
    tpu.vector_store %arg4[%swap3A_763, %swap3A_764, %swap3A_765], %swap3A_768 {strides = array<i32>} : memref<1x256x120xi32, #tpu.memory_space<vmem>>, vector<1x256x1xi32>,
    %eq3A_769 = vector.broadcast %broadcast_in_dim3A_762 : vector<256x1xi32> to vector<256x16xi32>
    %eq3A_770 = arith.cmpi eq, %iota3A, %eq3A_769 : vector<256x16xi32>
    %jit3A_771 = arith.constant 0x7F800000 : f32
    %broadcast_in_dim3A_772 = vector.broadcast %jit3A_771 : f32 to vector<256x16xf32>
    %select_n3A_773 = arith.select %eq3A_770, %broadcast_in_dim3A_772, %sqrt3A_751 : vector<256x16xi1>, vector<256x16xf32>
    %reduce_min3A_774 = arith.constant dense<0x7F800000> : vector<256xf32>
    %reduce_min3A_775 = vector.multi_reduction <minimumf>, %select_n3A_773, %reduce_min3A_774 [1] : vector<256x16xf32> to vector<256xf32>
    %broadcast_in_dim3A_776 = vector.shape_cast %reduce_min3A_775 : vector<256xf32> to vector<256x1xf32>
    %eq3A_777 = vector.broadcast %broadcast_in_dim3A_776 : vector<256x1xf32> to vector<256x16xf32>
    %eq3A_778 = arith.cmpf oeq, %select_n3A_773, %eq3A_777 : vector<256x16xf32>
    %jit3A_779 = arith.constant 16 : i32
    %broadcast_in_dim3A_780 = vector.broadcast %jit3A_779 : i32 to vector<256x16xi32>
    %select_n3A_781 = arith.select %eq3A_778, %iota3A, %broadcast_in_dim3A_780 : vector<256x16xi1>, vector<256x16xi32>
    %reduce_min3A_782 = arith.constant dense<2147483647> : vector<256xi32>
    %reduce_min3A_783 = vector.multi_reduction <minsi>, %select_n3A_781, %reduce_min3A_782 [1] : vector<256x16xi32> to vector<256xi32>
    %broadcast_in_dim3A_784 = vector.shape_cast %reduce_min3A_783 : vector<256xi32> to vector<256x1xi32>
    %swap3A_785 = arith.constant 0 : index
    %swap3A_786 = arith.constant 0 : index
    %swap3A_787 = arith.constant 31 : index
    %swap3A_788 = vector.load %arg4[%swap3A_785, %swap3A_786, %swap3A_787] : memref<1x256x120xi32, #tpu.memory_space<vmem>>, vector<1x256x1xi32>
    %swap3A_789 = vector.shape_cast %swap3A_788 : vector<1x256x1xi32> to vector<256x1xi32>
    %swap3A_790 = vector.shape_cast %broadcast_in_dim3A_784 : vector<256x1xi32> to vector<1x256x1xi32>
    tpu.vector_store %arg4[%swap3A_785, %swap3A_786, %swap3A_787], %swap3A_790 {strides = array<i32>} : memref<1x256x120xi32, #tpu.memory_space<vmem>>, vector<1x256x1xi32>,
    %eq3A_791 = vector.broadcast %broadcast_in_dim3A_784 : vector<256x1xi32> to vector<256x16xi32>
    %eq3A_792 = arith.cmpi eq, %iota3A, %eq3A_791 : vector<256x16xi32>
    %jit3A_793 = arith.constant 0x7F800000 : f32
    %broadcast_in_dim3A_794 = vector.broadcast %jit3A_793 : f32 to vector<256x16xf32>
    %select_n3A_795 = arith.select %eq3A_792, %broadcast_in_dim3A_794, %select_n3A_773 : vector<256x16xi1>, vector<256x16xf32>
    %reduce_min3A_796 = arith.constant dense<0x7F800000> : vector<256xf32>
    %reduce_min3A_797 = vector.multi_reduction <minimumf>, %select_n3A_795, %reduce_min3A_796 [1] : vector<256x16xf32> to vector<256xf32>
    %broadcast_in_dim3A_798 = vector.shape_cast %reduce_min3A_797 : vector<256xf32> to vector<256x1xf32>
    %eq3A_799 = vector.broadcast %broadcast_in_dim3A_798 : vector<256x1xf32> to vector<256x16xf32>
    %eq3A_800 = arith.cmpf oeq, %select_n3A_795, %eq3A_799 : vector<256x16xf32>
    %jit3A_801 = arith.constant 16 : i32
    %broadcast_in_dim3A_802 = vector.broadcast %jit3A_801 : i32 to vector<256x16xi32>
    %select_n3A_803 = arith.select %eq3A_800, %iota3A, %broadcast_in_dim3A_802 : vector<256x16xi1>, vector<256x16xi32>
    %reduce_min3A_804 = arith.constant dense<2147483647> : vector<256xi32>
    %reduce_min3A_805 = vector.multi_reduction <minsi>, %select_n3A_803, %reduce_min3A_804 [1] : vector<256x16xi32> to vector<256xi32>
    %broadcast_in_dim3A_806 = vector.shape_cast %reduce_min3A_805 : vector<256xi32> to vector<256x1xi32>
    %swap3A_807 = arith.constant 0 : index
    %swap3A_808 = arith.constant 0 : index
    %swap3A_809 = arith.constant 32 : index
    %swap3A_810 = vector.load %arg4[%swap3A_807, %swap3A_808, %swap3A_809] : memref<1x256x120xi32, #tpu.memory_space<vmem>>, vector<1x256x1xi32>
    %swap3A_811 = vector.shape_cast %swap3A_810 : vector<1x256x1xi32> to vector<256x1xi32>
    %swap3A_812 = vector.shape_cast %broadcast_in_dim3A_806 : vector<256x1xi32> to vector<1x256x1xi32>
    tpu.vector_store %arg4[%swap3A_807, %swap3A_808, %swap3A_809], %swap3A_812 {strides = array<i32>} : memref<1x256x120xi32, #tpu.memory_space<vmem>>, vector<1x256x1xi32>,
    %sub3A_813 = arith.constant -0.0212132037 : f32
    %sub3A_814 = vector.broadcast %sub3A_813 : f32 to vector<256x16xf32>
    %sub3A_815 = arith.subf %sub3A_814, %get3A_3 : vector<256x16xf32>
    %sub3A_816 = arith.constant 0.0212132037 : f32
    %sub3A_817 = vector.broadcast %sub3A_816 : f32 to vector<256x16xf32>
    %sub3A_818 = arith.subf %sub3A_817, %get3A_8 : vector<256x16xf32>
    %mul3A_819 = arith.mulf %sub3A_815, %sub3A_815 : vector<256x16xf32>
    %mul3A_820 = arith.mulf %sub3A_818, %sub3A_818 : vector<256x16xf32>
    %add3A_821 = arith.addf %mul3A_819, %mul3A_820 : vector<256x16xf32>
    %add3A_822 = arith.constant 1.000000e-16 : f32
    %add3A_823 = vector.broadcast %add3A_822 : f32 to vector<256x16xf32>
    %add3A_824 = arith.addf %add3A_821, %add3A_823 : vector<256x16xf32>
    %sqrt3A_825 = math.sqrt %add3A_824 : vector<256x16xf32>
    %reduce_min3A_826 = arith.constant dense<0x7F800000> : vector<256xf32>
    %reduce_min3A_827 = vector.multi_reduction <minimumf>, %sqrt3A_825, %reduce_min3A_826 [1] : vector<256x16xf32> to vector<256xf32>
    %broadcast_in_dim3A_828 = vector.shape_cast %reduce_min3A_827 : vector<256xf32> to vector<256x1xf32>
    %eq3A_829 = vector.broadcast %broadcast_in_dim3A_828 : vector<256x1xf32> to vector<256x16xf32>
    %eq3A_830 = arith.cmpf oeq, %sqrt3A_825, %eq3A_829 : vector<256x16xf32>
    %jit3A_831 = arith.constant 16 : i32
    %broadcast_in_dim3A_832 = vector.broadcast %jit3A_831 : i32 to vector<256x16xi32>
    %select_n3A_833 = arith.select %eq3A_830, %iota3A, %broadcast_in_dim3A_832 : vector<256x16xi1>, vector<256x16xi32>
    %reduce_min3A_834 = arith.constant dense<2147483647> : vector<256xi32>
    %reduce_min3A_835 = vector.multi_reduction <minsi>, %select_n3A_833, %reduce_min3A_834 [1] : vector<256x16xi32> to vector<256xi32>
    %broadcast_in_dim3A_836 = vector.shape_cast %reduce_min3A_835 : vector<256xi32> to vector<256x1xi32>
    %swap3A_837 = arith.constant 0 : index
    %swap3A_838 = arith.constant 0 : index
    %swap3A_839 = arith.constant 33 : index
    %swap3A_840 = vector.load %arg4[%swap3A_837, %swap3A_838, %swap3A_839] : memref<1x256x120xi32, #tpu.memory_space<vmem>>, vector<1x256x1xi32>
    %swap3A_841 = vector.shape_cast %swap3A_840 : vector<1x256x1xi32> to vector<256x1xi32>
    %swap3A_842 = vector.shape_cast %broadcast_in_dim3A_836 : vector<256x1xi32> to vector<1x256x1xi32>
    tpu.vector_store %arg4[%swap3A_837, %swap3A_838, %swap3A_839], %swap3A_842 {strides = array<i32>} : memref<1x256x120xi32, #tpu.memory_space<vmem>>, vector<1x256x1xi32>,
    %eq3A_843 = vector.broadcast %broadcast_in_dim3A_836 : vector<256x1xi32> to vector<256x16xi32>
    %eq3A_844 = arith.cmpi eq, %iota3A, %eq3A_843 : vector<256x16xi32>
    %jit3A_845 = arith.constant 0x7F800000 : f32
    %broadcast_in_dim3A_846 = vector.broadcast %jit3A_845 : f32 to vector<256x16xf32>
    %select_n3A_847 = arith.select %eq3A_844, %broadcast_in_dim3A_846, %sqrt3A_825 : vector<256x16xi1>, vector<256x16xf32>
    %reduce_min3A_848 = arith.constant dense<0x7F800000> : vector<256xf32>
    %reduce_min3A_849 = vector.multi_reduction <minimumf>, %select_n3A_847, %reduce_min3A_848 [1] : vector<256x16xf32> to vector<256xf32>
    %broadcast_in_dim3A_850 = vector.shape_cast %reduce_min3A_849 : vector<256xf32> to vector<256x1xf32>
    %eq3A_851 = vector.broadcast %broadcast_in_dim3A_850 : vector<256x1xf32> to vector<256x16xf32>
    %eq3A_852 = arith.cmpf oeq, %select_n3A_847, %eq3A_851 : vector<256x16xf32>
    %jit3A_853 = arith.constant 16 : i32
    %broadcast_in_dim3A_854 = vector.broadcast %jit3A_853 : i32 to vector<256x16xi32>
    %select_n3A_855 = arith.select %eq3A_852, %iota3A, %broadcast_in_dim3A_854 : vector<256x16xi1>, vector<256x16xi32>
    %reduce_min3A_856 = arith.constant dense<2147483647> : vector<256xi32>
    %reduce_min3A_857 = vector.multi_reduction <minsi>, %select_n3A_855, %reduce_min3A_856 [1] : vector<256x16xi32> to vector<256xi32>
    %broadcast_in_dim3A_858 = vector.shape_cast %reduce_min3A_857 : vector<256xi32> to vector<256x1xi32>
    %swap3A_859 = arith.constant 0 : index
    %swap3A_860 = arith.constant 0 : index
    %swap3A_861 = arith.constant 34 : index
    %swap3A_862 = vector.load %arg4[%swap3A_859, %swap3A_860, %swap3A_861] : memref<1x256x120xi32, #tpu.memory_space<vmem>>, vector<1x256x1xi32>
    %swap3A_863 = vector.shape_cast %swap3A_862 : vector<1x256x1xi32> to vector<256x1xi32>
    %swap3A_864 = vector.shape_cast %broadcast_in_dim3A_858 : vector<256x1xi32> to vector<1x256x1xi32>
    tpu.vector_store %arg4[%swap3A_859, %swap3A_860, %swap3A_861], %swap3A_864 {strides = array<i32>} : memref<1x256x120xi32, #tpu.memory_space<vmem>>, vector<1x256x1xi32>,
    %eq3A_865 = vector.broadcast %broadcast_in_dim3A_858 : vector<256x1xi32> to vector<256x16xi32>
    %eq3A_866 = arith.cmpi eq, %iota3A, %eq3A_865 : vector<256x16xi32>
    %jit3A_867 = arith.constant 0x7F800000 : f32
    %broadcast_in_dim3A_868 = vector.broadcast %jit3A_867 : f32 to vector<256x16xf32>
    %select_n3A_869 = arith.select %eq3A_866, %broadcast_in_dim3A_868, %select_n3A_847 : vector<256x16xi1>, vector<256x16xf32>
    %reduce_min3A_870 = arith.constant dense<0x7F800000> : vector<256xf32>
    %reduce_min3A_871 = vector.multi_reduction <minimumf>, %select_n3A_869, %reduce_min3A_870 [1] : vector<256x16xf32> to vector<256xf32>
    %broadcast_in_dim3A_872 = vector.shape_cast %reduce_min3A_871 : vector<256xf32> to vector<256x1xf32>
    %eq3A_873 = vector.broadcast %broadcast_in_dim3A_872 : vector<256x1xf32> to vector<256x16xf32>
    %eq3A_874 = arith.cmpf oeq, %select_n3A_869, %eq3A_873 : vector<256x16xf32>
    %jit3A_875 = arith.constant 16 : i32
    %broadcast_in_dim3A_876 = vector.broadcast %jit3A_875 : i32 to vector<256x16xi32>
    %select_n3A_877 = arith.select %eq3A_874, %iota3A, %broadcast_in_dim3A_876 : vector<256x16xi1>, vector<256x16xi32>
    %reduce_min3A_878 = arith.constant dense<2147483647> : vector<256xi32>
    %reduce_min3A_879 = vector.multi_reduction <minsi>, %select_n3A_877, %reduce_min3A_878 [1] : vector<256x16xi32> to vector<256xi32>
    %broadcast_in_dim3A_880 = vector.shape_cast %reduce_min3A_879 : vector<256xi32> to vector<256x1xi32>
    %swap3A_881 = arith.constant 0 : index
    %swap3A_882 = arith.constant 0 : index
    %swap3A_883 = arith.constant 35 : index
    %swap3A_884 = vector.load %arg4[%swap3A_881, %swap3A_882, %swap3A_883] : memref<1x256x120xi32, #tpu.memory_space<vmem>>, vector<1x256x1xi32>
    %swap3A_885 = vector.shape_cast %swap3A_884 : vector<1x256x1xi32> to vector<256x1xi32>
    %swap3A_886 = vector.shape_cast %broadcast_in_dim3A_880 : vector<256x1xi32> to vector<1x256x1xi32>
    tpu.vector_store %arg4[%swap3A_881, %swap3A_882, %swap3A_883], %swap3A_886 {strides = array<i32>} : memref<1x256x120xi32, #tpu.memory_space<vmem>>, vector<1x256x1xi32>,
    %sub3A_887 = arith.constant -0.0300000012 : f32
    %sub3A_888 = vector.broadcast %sub3A_887 : f32 to vector<256x16xf32>
    %sub3A_889 = arith.subf %sub3A_888, %get3A_3 : vector<256x16xf32>
    %sub3A_890 = arith.constant -2.6226834E-9 : f32
    %sub3A_891 = vector.broadcast %sub3A_890 : f32 to vector<256x16xf32>
    %sub3A_892 = arith.subf %sub3A_891, %get3A_8 : vector<256x16xf32>
    %mul3A_893 = arith.mulf %sub3A_889, %sub3A_889 : vector<256x16xf32>
    %mul3A_894 = arith.mulf %sub3A_892, %sub3A_892 : vector<256x16xf32>
    %add3A_895 = arith.addf %mul3A_893, %mul3A_894 : vector<256x16xf32>
    %add3A_896 = arith.constant 1.000000e-16 : f32
    %add3A_897 = vector.broadcast %add3A_896 : f32 to vector<256x16xf32>
    %add3A_898 = arith.addf %add3A_895, %add3A_897 : vector<256x16xf32>
    %sqrt3A_899 = math.sqrt %add3A_898 : vector<256x16xf32>
    %reduce_min3A_900 = arith.constant dense<0x7F800000> : vector<256xf32>
    %reduce_min3A_901 = vector.multi_reduction <minimumf>, %sqrt3A_899, %reduce_min3A_900 [1] : vector<256x16xf32> to vector<256xf32>
    %broadcast_in_dim3A_902 = vector.shape_cast %reduce_min3A_901 : vector<256xf32> to vector<256x1xf32>
    %eq3A_903 = vector.broadcast %broadcast_in_dim3A_902 : vector<256x1xf32> to vector<256x16xf32>
    %eq3A_904 = arith.cmpf oeq, %sqrt3A_899, %eq3A_903 : vector<256x16xf32>
    %jit3A_905 = arith.constant 16 : i32
    %broadcast_in_dim3A_906 = vector.broadcast %jit3A_905 : i32 to vector<256x16xi32>
    %select_n3A_907 = arith.select %eq3A_904, %iota3A, %broadcast_in_dim3A_906 : vector<256x16xi1>, vector<256x16xi32>
    %reduce_min3A_908 = arith.constant dense<2147483647> : vector<256xi32>
    %reduce_min3A_909 = vector.multi_reduction <minsi>, %select_n3A_907, %reduce_min3A_908 [1] : vector<256x16xi32> to vector<256xi32>
    %broadcast_in_dim3A_910 = vector.shape_cast %reduce_min3A_909 : vector<256xi32> to vector<256x1xi32>
    %swap3A_911 = arith.constant 0 : index
    %swap3A_912 = arith.constant 0 : index
    %swap3A_913 = arith.constant 36 : index
    %swap3A_914 = vector.load %arg4[%swap3A_911, %swap3A_912, %swap3A_913] : memref<1x256x120xi32, #tpu.memory_space<vmem>>, vector<1x256x1xi32>
    %swap3A_915 = vector.shape_cast %swap3A_914 : vector<1x256x1xi32> to vector<256x1xi32>
    %swap3A_916 = vector.shape_cast %broadcast_in_dim3A_910 : vector<256x1xi32> to vector<1x256x1xi32>
    tpu.vector_store %arg4[%swap3A_911, %swap3A_912, %swap3A_913], %swap3A_916 {strides = array<i32>} : memref<1x256x120xi32, #tpu.memory_space<vmem>>, vector<1x256x1xi32>,
    %eq3A_917 = vector.broadcast %broadcast_in_dim3A_910 : vector<256x1xi32> to vector<256x16xi32>
    %eq3A_918 = arith.cmpi eq, %iota3A, %eq3A_917 : vector<256x16xi32>
    %jit3A_919 = arith.constant 0x7F800000 : f32
    %broadcast_in_dim3A_920 = vector.broadcast %jit3A_919 : f32 to vector<256x16xf32>
    %select_n3A_921 = arith.select %eq3A_918, %broadcast_in_dim3A_920, %sqrt3A_899 : vector<256x16xi1>, vector<256x16xf32>
    %reduce_min3A_922 = arith.constant dense<0x7F800000> : vector<256xf32>
    %reduce_min3A_923 = vector.multi_reduction <minimumf>, %select_n3A_921, %reduce_min3A_922 [1] : vector<256x16xf32> to vector<256xf32>
    %broadcast_in_dim3A_924 = vector.shape_cast %reduce_min3A_923 : vector<256xf32> to vector<256x1xf32>
    %eq3A_925 = vector.broadcast %broadcast_in_dim3A_924 : vector<256x1xf32> to vector<256x16xf32>
    %eq3A_926 = arith.cmpf oeq, %select_n3A_921, %eq3A_925 : vector<256x16xf32>
    %jit3A_927 = arith.constant 16 : i32
    %broadcast_in_dim3A_928 = vector.broadcast %jit3A_927 : i32 to vector<256x16xi32>
    %select_n3A_929 = arith.select %eq3A_926, %iota3A, %broadcast_in_dim3A_928 : vector<256x16xi1>, vector<256x16xi32>
    %reduce_min3A_930 = arith.constant dense<2147483647> : vector<256xi32>
    %reduce_min3A_931 = vector.multi_reduction <minsi>, %select_n3A_929, %reduce_min3A_930 [1] : vector<256x16xi32> to vector<256xi32>
    %broadcast_in_dim3A_932 = vector.shape_cast %reduce_min3A_931 : vector<256xi32> to vector<256x1xi32>
    %swap3A_933 = arith.constant 0 : index
    %swap3A_934 = arith.constant 0 : index
    %swap3A_935 = arith.constant 37 : index
    %swap3A_936 = vector.load %arg4[%swap3A_933, %swap3A_934, %swap3A_935] : memref<1x256x120xi32, #tpu.memory_space<vmem>>, vector<1x256x1xi32>
    %swap3A_937 = vector.shape_cast %swap3A_936 : vector<1x256x1xi32> to vector<256x1xi32>
    %swap3A_938 = vector.shape_cast %broadcast_in_dim3A_932 : vector<256x1xi32> to vector<1x256x1xi32>
    tpu.vector_store %arg4[%swap3A_933, %swap3A_934, %swap3A_935], %swap3A_938 {strides = array<i32>} : memref<1x256x120xi32, #tpu.memory_space<vmem>>, vector<1x256x1xi32>,
    %eq3A_939 = vector.broadcast %broadcast_in_dim3A_932 : vector<256x1xi32> to vector<256x16xi32>
    %eq3A_940 = arith.cmpi eq, %iota3A, %eq3A_939 : vector<256x16xi32>
    %jit3A_941 = arith.constant 0x7F800000 : f32
    %broadcast_in_dim3A_942 = vector.broadcast %jit3A_941 : f32 to vector<256x16xf32>
    %select_n3A_943 = arith.select %eq3A_940, %broadcast_in_dim3A_942, %select_n3A_921 : vector<256x16xi1>, vector<256x16xf32>
    %reduce_min3A_944 = arith.constant dense<0x7F800000> : vector<256xf32>
    %reduce_min3A_945 = vector.multi_reduction <minimumf>, %select_n3A_943, %reduce_min3A_944 [1] : vector<256x16xf32> to vector<256xf32>
    %broadcast_in_dim3A_946 = vector.shape_cast %reduce_min3A_945 : vector<256xf32> to vector<256x1xf32>
    %eq3A_947 = vector.broadcast %broadcast_in_dim3A_946 : vector<256x1xf32> to vector<256x16xf32>
    %eq3A_948 = arith.cmpf oeq, %select_n3A_943, %eq3A_947 : vector<256x16xf32>
    %jit3A_949 = arith.constant 16 : i32
    %broadcast_in_dim3A_950 = vector.broadcast %jit3A_949 : i32 to vector<256x16xi32>
    %select_n3A_951 = arith.select %eq3A_948, %iota3A, %broadcast_in_dim3A_950 : vector<256x16xi1>, vector<256x16xi32>
    %reduce_min3A_952 = arith.constant dense<2147483647> : vector<256xi32>
    %reduce_min3A_953 = vector.multi_reduction <minsi>, %select_n3A_951, %reduce_min3A_952 [1] : vector<256x16xi32> to vector<256xi32>
    %broadcast_in_dim3A_954 = vector.shape_cast %reduce_min3A_953 : vector<256xi32> to vector<256x1xi32>
    %swap3A_955 = arith.constant 0 : index
    %swap3A_956 = arith.constant 0 : index
    %swap3A_957 = arith.constant 38 : index
    %swap3A_958 = vector.load %arg4[%swap3A_955, %swap3A_956, %swap3A_957] : memref<1x256x120xi32, #tpu.memory_space<vmem>>, vector<1x256x1xi32>
    %swap3A_959 = vector.shape_cast %swap3A_958 : vector<1x256x1xi32> to vector<256x1xi32>
    %swap3A_960 = vector.shape_cast %broadcast_in_dim3A_954 : vector<256x1xi32> to vector<1x256x1xi32>
    tpu.vector_store %arg4[%swap3A_955, %swap3A_956, %swap3A_957], %swap3A_960 {strides = array<i32>} : memref<1x256x120xi32, #tpu.memory_space<vmem>>, vector<1x256x1xi32>,
    %sub3A_961 = arith.constant -0.0212132055 : f32
    %sub3A_962 = vector.broadcast %sub3A_961 : f32 to vector<256x16xf32>
    %sub3A_963 = arith.subf %sub3A_962, %get3A_3 : vector<256x16xf32>
    %sub3A_964 = arith.constant -0.0212132018 : f32
    %sub3A_965 = vector.broadcast %sub3A_964 : f32 to vector<256x16xf32>
    %sub3A_966 = arith.subf %sub3A_965, %get3A_8 : vector<256x16xf32>
    %mul3A_967 = arith.mulf %sub3A_963, %sub3A_963 : vector<256x16xf32>
    %mul3A_968 = arith.mulf %sub3A_966, %sub3A_966 : vector<256x16xf32>
    %add3A_969 = arith.addf %mul3A_967, %mul3A_968 : vector<256x16xf32>
    %add3A_970 = arith.constant 1.000000e-16 : f32
    %add3A_971 = vector.broadcast %add3A_970 : f32 to vector<256x16xf32>
    %add3A_972 = arith.addf %add3A_969, %add3A_971 : vector<256x16xf32>
    %sqrt3A_973 = math.sqrt %add3A_972 : vector<256x16xf32>
    %reduce_min3A_974 = arith.constant dense<0x7F800000> : vector<256xf32>
    %reduce_min3A_975 = vector.multi_reduction <minimumf>, %sqrt3A_973, %reduce_min3A_974 [1] : vector<256x16xf32> to vector<256xf32>
    %broadcast_in_dim3A_976 = vector.shape_cast %reduce_min3A_975 : vector<256xf32> to vector<256x1xf32>
    %eq3A_977 = vector.broadcast %broadcast_in_dim3A_976 : vector<256x1xf32> to vector<256x16xf32>
    %eq3A_978 = arith.cmpf oeq, %sqrt3A_973, %eq3A_977 : vector<256x16xf32>
    %jit3A_979 = arith.constant 16 : i32
    %broadcast_in_dim3A_980 = vector.broadcast %jit3A_979 : i32 to vector<256x16xi32>
    %select_n3A_981 = arith.select %eq3A_978, %iota3A, %broadcast_in_dim3A_980 : vector<256x16xi1>, vector<256x16xi32>
    %reduce_min3A_982 = arith.constant dense<2147483647> : vector<256xi32>
    %reduce_min3A_983 = vector.multi_reduction <minsi>, %select_n3A_981, %reduce_min3A_982 [1] : vector<256x16xi32> to vector<256xi32>
    %broadcast_in_dim3A_984 = vector.shape_cast %reduce_min3A_983 : vector<256xi32> to vector<256x1xi32>
    %swap3A_985 = arith.constant 0 : index
    %swap3A_986 = arith.constant 0 : index
    %swap3A_987 = arith.constant 39 : index
    %swap3A_988 = vector.load %arg4[%swap3A_985, %swap3A_986, %swap3A_987] : memref<1x256x120xi32, #tpu.memory_space<vmem>>, vector<1x256x1xi32>
    %swap3A_989 = vector.shape_cast %swap3A_988 : vector<1x256x1xi32> to vector<256x1xi32>
    %swap3A_990 = vector.shape_cast %broadcast_in_dim3A_984 : vector<256x1xi32> to vector<1x256x1xi32>
    tpu.vector_store %arg4[%swap3A_985, %swap3A_986, %swap3A_987], %swap3A_990 {strides = array<i32>} : memref<1x256x120xi32, #tpu.memory_space<vmem>>, vector<1x256x1xi32>,
    %eq3A_991 = vector.broadcast %broadcast_in_dim3A_984 : vector<256x1xi32> to vector<256x16xi32>
    %eq3A_992 = arith.cmpi eq, %iota3A, %eq3A_991 : vector<256x16xi32>
    %jit3A_993 = arith.constant 0x7F800000 : f32
    %broadcast_in_dim3A_994 = vector.broadcast %jit3A_993 : f32 to vector<256x16xf32>
    %select_n3A_995 = arith.select %eq3A_992, %broadcast_in_dim3A_994, %sqrt3A_973 : vector<256x16xi1>, vector<256x16xf32>
    %reduce_min3A_996 = arith.constant dense<0x7F800000> : vector<256xf32>
    %reduce_min3A_997 = vector.multi_reduction <minimumf>, %select_n3A_995, %reduce_min3A_996 [1] : vector<256x16xf32> to vector<256xf32>
    %broadcast_in_dim3A_998 = vector.shape_cast %reduce_min3A_997 : vector<256xf32> to vector<256x1xf32>
    %eq3A_999 = vector.broadcast %broadcast_in_dim3A_998 : vector<256x1xf32> to vector<256x16xf32>
    %eq3A_1000 = arith.cmpf oeq, %select_n3A_995, %eq3A_999 : vector<256x16xf32>
    %jit3A_1001 = arith.constant 16 : i32
    %broadcast_in_dim3A_1002 = vector.broadcast %jit3A_1001 : i32 to vector<256x16xi32>
    %select_n3A_1003 = arith.select %eq3A_1000, %iota3A, %broadcast_in_dim3A_1002 : vector<256x16xi1>, vector<256x16xi32>
    %reduce_min3A_1004 = arith.constant dense<2147483647> : vector<256xi32>
    %reduce_min3A_1005 = vector.multi_reduction <minsi>, %select_n3A_1003, %reduce_min3A_1004 [1] : vector<256x16xi32> to vector<256xi32>
    %broadcast_in_dim3A_1006 = vector.shape_cast %reduce_min3A_1005 : vector<256xi32> to vector<256x1xi32>
    %swap3A_1007 = arith.constant 0 : index
    %swap3A_1008 = arith.constant 0 : index
    %swap3A_1009 = arith.constant 40 : index
    %swap3A_1010 = vector.load %arg4[%swap3A_1007, %swap3A_1008, %swap3A_1009] : memref<1x256x120xi32, #tpu.memory_space<vmem>>, vector<1x256x1xi32>
    %swap3A_1011 = vector.shape_cast %swap3A_1010 : vector<1x256x1xi32> to vector<256x1xi32>
    %swap3A_1012 = vector.shape_cast %broadcast_in_dim3A_1006 : vector<256x1xi32> to vector<1x256x1xi32>
    tpu.vector_store %arg4[%swap3A_1007, %swap3A_1008, %swap3A_1009], %swap3A_1012 {strides = array<i32>} : memref<1x256x120xi32, #tpu.memory_space<vmem>>, vector<1x256x1xi32>,
    %eq3A_1013 = vector.broadcast %broadcast_in_dim3A_1006 : vector<256x1xi32> to vector<256x16xi32>
    %eq3A_1014 = arith.cmpi eq, %iota3A, %eq3A_1013 : vector<256x16xi32>
    %jit3A_1015 = arith.constant 0x7F800000 : f32
    %broadcast_in_dim3A_1016 = vector.broadcast %jit3A_1015 : f32 to vector<256x16xf32>
    %select_n3A_1017 = arith.select %eq3A_1014, %broadcast_in_dim3A_1016, %select_n3A_995 : vector<256x16xi1>, vector<256x16xf32>
    %reduce_min3A_1018 = arith.constant dense<0x7F800000> : vector<256xf32>
    %reduce_min3A_1019 = vector.multi_reduction <minimumf>, %select_n3A_1017, %reduce_min3A_1018 [1] : vector<256x16xf32> to vector<256xf32>
    %broadcast_in_dim3A_1020 = vector.shape_cast %reduce_min3A_1019 : vector<256xf32> to vector<256x1xf32>
    %eq3A_1021 = vector.broadcast %broadcast_in_dim3A_1020 : vector<256x1xf32> to vector<256x16xf32>
    %eq3A_1022 = arith.cmpf oeq, %select_n3A_1017, %eq3A_1021 : vector<256x16xf32>
    %jit3A_1023 = arith.constant 16 : i32
    %broadcast_in_dim3A_1024 = vector.broadcast %jit3A_1023 : i32 to vector<256x16xi32>
    %select_n3A_1025 = arith.select %eq3A_1022, %iota3A, %broadcast_in_dim3A_1024 : vector<256x16xi1>, vector<256x16xi32>
    %reduce_min3A_1026 = arith.constant dense<2147483647> : vector<256xi32>
    %reduce_min3A_1027 = vector.multi_reduction <minsi>, %select_n3A_1025, %reduce_min3A_1026 [1] : vector<256x16xi32> to vector<256xi32>
    %broadcast_in_dim3A_1028 = vector.shape_cast %reduce_min3A_1027 : vector<256xi32> to vector<256x1xi32>
    %swap3A_1029 = arith.constant 0 : index
    %swap3A_1030 = arith.constant 0 : index
    %swap3A_1031 = arith.constant 41 : index
    %swap3A_1032 = vector.load %arg4[%swap3A_1029, %swap3A_1030, %swap3A_1031] : memref<1x256x120xi32, #tpu.memory_space<vmem>>, vector<1x256x1xi32>
    %swap3A_1033 = vector.shape_cast %swap3A_1032 : vector<1x256x1xi32> to vector<256x1xi32>
    %swap3A_1034 = vector.shape_cast %broadcast_in_dim3A_1028 : vector<256x1xi32> to vector<1x256x1xi32>
    tpu.vector_store %arg4[%swap3A_1029, %swap3A_1030, %swap3A_1031], %swap3A_1034 {strides = array<i32>} : memref<1x256x120xi32, #tpu.memory_space<vmem>>, vector<1x256x1xi32>,
    %sub3A_1035 = arith.constant 3.57746444E-10 : f32
    %sub3A_1036 = vector.broadcast %sub3A_1035 : f32 to vector<256x16xf32>
    %sub3A_1037 = arith.subf %sub3A_1036, %get3A_3 : vector<256x16xf32>
    %sub3A_1038 = arith.constant -0.0300000012 : f32
    %sub3A_1039 = vector.broadcast %sub3A_1038 : f32 to vector<256x16xf32>
    %sub3A_1040 = arith.subf %sub3A_1039, %get3A_8 : vector<256x16xf32>
    %mul3A_1041 = arith.mulf %sub3A_1037, %sub3A_1037 : vector<256x16xf32>
    %mul3A_1042 = arith.mulf %sub3A_1040, %sub3A_1040 : vector<256x16xf32>
    %add3A_1043 = arith.addf %mul3A_1041, %mul3A_1042 : vector<256x16xf32>
    %add3A_1044 = arith.constant 1.000000e-16 : f32
    %add3A_1045 = vector.broadcast %add3A_1044 : f32 to vector<256x16xf32>
    %add3A_1046 = arith.addf %add3A_1043, %add3A_1045 : vector<256x16xf32>
    %sqrt3A_1047 = math.sqrt %add3A_1046 : vector<256x16xf32>
    %reduce_min3A_1048 = arith.constant dense<0x7F800000> : vector<256xf32>
    %reduce_min3A_1049 = vector.multi_reduction <minimumf>, %sqrt3A_1047, %reduce_min3A_1048 [1] : vector<256x16xf32> to vector<256xf32>
    %broadcast_in_dim3A_1050 = vector.shape_cast %reduce_min3A_1049 : vector<256xf32> to vector<256x1xf32>
    %eq3A_1051 = vector.broadcast %broadcast_in_dim3A_1050 : vector<256x1xf32> to vector<256x16xf32>
    %eq3A_1052 = arith.cmpf oeq, %sqrt3A_1047, %eq3A_1051 : vector<256x16xf32>
    %jit3A_1053 = arith.constant 16 : i32
    %broadcast_in_dim3A_1054 = vector.broadcast %jit3A_1053 : i32 to vector<256x16xi32>
    %select_n3A_1055 = arith.select %eq3A_1052, %iota3A, %broadcast_in_dim3A_1054 : vector<256x16xi1>, vector<256x16xi32>
    %reduce_min3A_1056 = arith.constant dense<2147483647> : vector<256xi32>
    %reduce_min3A_1057 = vector.multi_reduction <minsi>, %select_n3A_1055, %reduce_min3A_1056 [1] : vector<256x16xi32> to vector<256xi32>
    %broadcast_in_dim3A_1058 = vector.shape_cast %reduce_min3A_1057 : vector<256xi32> to vector<256x1xi32>
    %swap3A_1059 = arith.constant 0 : index
    %swap3A_1060 = arith.constant 0 : index
    %swap3A_1061 = arith.constant 42 : index
    %swap3A_1062 = vector.load %arg4[%swap3A_1059, %swap3A_1060, %swap3A_1061] : memref<1x256x120xi32, #tpu.memory_space<vmem>>, vector<1x256x1xi32>
    %swap3A_1063 = vector.shape_cast %swap3A_1062 : vector<1x256x1xi32> to vector<256x1xi32>
    %swap3A_1064 = vector.shape_cast %broadcast_in_dim3A_1058 : vector<256x1xi32> to vector<1x256x1xi32>
    tpu.vector_store %arg4[%swap3A_1059, %swap3A_1060, %swap3A_1061], %swap3A_1064 {strides = array<i32>} : memref<1x256x120xi32, #tpu.memory_space<vmem>>, vector<1x256x1xi32>,
    %eq3A_1065 = vector.broadcast %broadcast_in_dim3A_1058 : vector<256x1xi32> to vector<256x16xi32>
    %eq3A_1066 = arith.cmpi eq, %iota3A, %eq3A_1065 : vector<256x16xi32>
    %jit3A_1067 = arith.constant 0x7F800000 : f32
    %broadcast_in_dim3A_1068 = vector.broadcast %jit3A_1067 : f32 to vector<256x16xf32>
    %select_n3A_1069 = arith.select %eq3A_1066, %broadcast_in_dim3A_1068, %sqrt3A_1047 : vector<256x16xi1>, vector<256x16xf32>
    %reduce_min3A_1070 = arith.constant dense<0x7F800000> : vector<256xf32>
    %reduce_min3A_1071 = vector.multi_reduction <minimumf>, %select_n3A_1069, %reduce_min3A_1070 [1] : vector<256x16xf32> to vector<256xf32>
    %broadcast_in_dim3A_1072 = vector.shape_cast %reduce_min3A_1071 : vector<256xf32> to vector<256x1xf32>
    %eq3A_1073 = vector.broadcast %broadcast_in_dim3A_1072 : vector<256x1xf32> to vector<256x16xf32>
    %eq3A_1074 = arith.cmpf oeq, %select_n3A_1069, %eq3A_1073 : vector<256x16xf32>
    %jit3A_1075 = arith.constant 16 : i32
    %broadcast_in_dim3A_1076 = vector.broadcast %jit3A_1075 : i32 to vector<256x16xi32>
    %select_n3A_1077 = arith.select %eq3A_1074, %iota3A, %broadcast_in_dim3A_1076 : vector<256x16xi1>, vector<256x16xi32>
    %reduce_min3A_1078 = arith.constant dense<2147483647> : vector<256xi32>
    %reduce_min3A_1079 = vector.multi_reduction <minsi>, %select_n3A_1077, %reduce_min3A_1078 [1] : vector<256x16xi32> to vector<256xi32>
    %broadcast_in_dim3A_1080 = vector.shape_cast %reduce_min3A_1079 : vector<256xi32> to vector<256x1xi32>
    %swap3A_1081 = arith.constant 0 : index
    %swap3A_1082 = arith.constant 0 : index
    %swap3A_1083 = arith.constant 43 : index
    %swap3A_1084 = vector.load %arg4[%swap3A_1081, %swap3A_1082, %swap3A_1083] : memref<1x256x120xi32, #tpu.memory_space<vmem>>, vector<1x256x1xi32>
    %swap3A_1085 = vector.shape_cast %swap3A_1084 : vector<1x256x1xi32> to vector<256x1xi32>
    %swap3A_1086 = vector.shape_cast %broadcast_in_dim3A_1080 : vector<256x1xi32> to vector<1x256x1xi32>
    tpu.vector_store %arg4[%swap3A_1081, %swap3A_1082, %swap3A_1083], %swap3A_1086 {strides = array<i32>} : memref<1x256x120xi32, #tpu.memory_space<vmem>>, vector<1x256x1xi32>,
    %eq3A_1087 = vector.broadcast %broadcast_in_dim3A_1080 : vector<256x1xi32> to vector<256x16xi32>
    %eq3A_1088 = arith.cmpi eq, %iota3A, %eq3A_1087 : vector<256x16xi32>
    %jit3A_1089 = arith.constant 0x7F800000 : f32
    %broadcast_in_dim3A_1090 = vector.broadcast %jit3A_1089 : f32 to vector<256x16xf32>
    %select_n3A_1091 = arith.select %eq3A_1088, %broadcast_in_dim3A_1090, %select_n3A_1069 : vector<256x16xi1>, vector<256x16xf32>
    %reduce_min3A_1092 = arith.constant dense<0x7F800000> : vector<256xf32>
    %reduce_min3A_1093 = vector.multi_reduction <minimumf>, %select_n3A_1091, %reduce_min3A_1092 [1] : vector<256x16xf32> to vector<256xf32>
    %broadcast_in_dim3A_1094 = vector.shape_cast %reduce_min3A_1093 : vector<256xf32> to vector<256x1xf32>
    %eq3A_1095 = vector.broadcast %broadcast_in_dim3A_1094 : vector<256x1xf32> to vector<256x16xf32>
    %eq3A_1096 = arith.cmpf oeq, %select_n3A_1091, %eq3A_1095 : vector<256x16xf32>
    %jit3A_1097 = arith.constant 16 : i32
    %broadcast_in_dim3A_1098 = vector.broadcast %jit3A_1097 : i32 to vector<256x16xi32>
    %select_n3A_1099 = arith.select %eq3A_1096, %iota3A, %broadcast_in_dim3A_1098 : vector<256x16xi1>, vector<256x16xi32>
    %reduce_min3A_1100 = arith.constant dense<2147483647> : vector<256xi32>
    %reduce_min3A_1101 = vector.multi_reduction <minsi>, %select_n3A_1099, %reduce_min3A_1100 [1] : vector<256x16xi32> to vector<256xi32>
    %broadcast_in_dim3A_1102 = vector.shape_cast %reduce_min3A_1101 : vector<256xi32> to vector<256x1xi32>
    %swap3A_1103 = arith.constant 0 : index
    %swap3A_1104 = arith.constant 0 : index
    %swap3A_1105 = arith.constant 44 : index
    %swap3A_1106 = vector.load %arg4[%swap3A_1103, %swap3A_1104, %swap3A_1105] : memref<1x256x120xi32, #tpu.memory_space<vmem>>, vector<1x256x1xi32>
    %swap3A_1107 = vector.shape_cast %swap3A_1106 : vector<1x256x1xi32> to vector<256x1xi32>
    %swap3A_1108 = vector.shape_cast %broadcast_in_dim3A_1102 : vector<256x1xi32> to vector<1x256x1xi32>
    tpu.vector_store %arg4[%swap3A_1103, %swap3A_1104, %swap3A_1105], %swap3A_1108 {strides = array<i32>} : memref<1x256x120xi32, #tpu.memory_space<vmem>>, vector<1x256x1xi32>,
    %sub3A_1109 = arith.constant 2.121320e-02 : f32
    %sub3A_1110 = vector.broadcast %sub3A_1109 : f32 to vector<256x16xf32>
    %sub3A_1111 = arith.subf %sub3A_1110, %get3A_3 : vector<256x16xf32>
    %sub3A_1112 = arith.constant -0.0212132074 : f32
    %sub3A_1113 = vector.broadcast %sub3A_1112 : f32 to vector<256x16xf32>
    %sub3A_1114 = arith.subf %sub3A_1113, %get3A_8 : vector<256x16xf32>
    %mul3A_1115 = arith.mulf %sub3A_1111, %sub3A_1111 : vector<256x16xf32>
    %mul3A_1116 = arith.mulf %sub3A_1114, %sub3A_1114 : vector<256x16xf32>
    %add3A_1117 = arith.addf %mul3A_1115, %mul3A_1116 : vector<256x16xf32>
    %add3A_1118 = arith.constant 1.000000e-16 : f32
    %add3A_1119 = vector.broadcast %add3A_1118 : f32 to vector<256x16xf32>
    %add3A_1120 = arith.addf %add3A_1117, %add3A_1119 : vector<256x16xf32>
    %sqrt3A_1121 = math.sqrt %add3A_1120 : vector<256x16xf32>
    %reduce_min3A_1122 = arith.constant dense<0x7F800000> : vector<256xf32>
    %reduce_min3A_1123 = vector.multi_reduction <minimumf>, %sqrt3A_1121, %reduce_min3A_1122 [1] : vector<256x16xf32> to vector<256xf32>
    %broadcast_in_dim3A_1124 = vector.shape_cast %reduce_min3A_1123 : vector<256xf32> to vector<256x1xf32>
    %eq3A_1125 = vector.broadcast %broadcast_in_dim3A_1124 : vector<256x1xf32> to vector<256x16xf32>
    %eq3A_1126 = arith.cmpf oeq, %sqrt3A_1121, %eq3A_1125 : vector<256x16xf32>
    %jit3A_1127 = arith.constant 16 : i32
    %broadcast_in_dim3A_1128 = vector.broadcast %jit3A_1127 : i32 to vector<256x16xi32>
    %select_n3A_1129 = arith.select %eq3A_1126, %iota3A, %broadcast_in_dim3A_1128 : vector<256x16xi1>, vector<256x16xi32>
    %reduce_min3A_1130 = arith.constant dense<2147483647> : vector<256xi32>
    %reduce_min3A_1131 = vector.multi_reduction <minsi>, %select_n3A_1129, %reduce_min3A_1130 [1] : vector<256x16xi32> to vector<256xi32>
    %broadcast_in_dim3A_1132 = vector.shape_cast %reduce_min3A_1131 : vector<256xi32> to vector<256x1xi32>
    %swap3A_1133 = arith.constant 0 : index
    %swap3A_1134 = arith.constant 0 : index
    %swap3A_1135 = arith.constant 45 : index
    %swap3A_1136 = vector.load %arg4[%swap3A_1133, %swap3A_1134, %swap3A_1135] : memref<1x256x120xi32, #tpu.memory_space<vmem>>, vector<1x256x1xi32>
    %swap3A_1137 = vector.shape_cast %swap3A_1136 : vector<1x256x1xi32> to vector<256x1xi32>
    %swap3A_1138 = vector.shape_cast %broadcast_in_dim3A_1132 : vector<256x1xi32> to vector<1x256x1xi32>
    tpu.vector_store %arg4[%swap3A_1133, %swap3A_1134, %swap3A_1135], %swap3A_1138 {strides = array<i32>} : memref<1x256x120xi32, #tpu.memory_space<vmem>>, vector<1x256x1xi32>,
    %eq3A_1139 = vector.broadcast %broadcast_in_dim3A_1132 : vector<256x1xi32> to vector<256x16xi32>
    %eq3A_1140 = arith.cmpi eq, %iota3A, %eq3A_1139 : vector<256x16xi32>
    %jit3A_1141 = arith.constant 0x7F800000 : f32
    %broadcast_in_dim3A_1142 = vector.broadcast %jit3A_1141 : f32 to vector<256x16xf32>
    %select_n3A_1143 = arith.select %eq3A_1140, %broadcast_in_dim3A_1142, %sqrt3A_1121 : vector<256x16xi1>, vector<256x16xf32>
    %reduce_min3A_1144 = arith.constant dense<0x7F800000> : vector<256xf32>
    %reduce_min3A_1145 = vector.multi_reduction <minimumf>, %select_n3A_1143, %reduce_min3A_1144 [1] : vector<256x16xf32> to vector<256xf32>
    %broadcast_in_dim3A_1146 = vector.shape_cast %reduce_min3A_1145 : vector<256xf32> to vector<256x1xf32>
    %eq3A_1147 = vector.broadcast %broadcast_in_dim3A_1146 : vector<256x1xf32> to vector<256x16xf32>
    %eq3A_1148 = arith.cmpf oeq, %select_n3A_1143, %eq3A_1147 : vector<256x16xf32>
    %jit3A_1149 = arith.constant 16 : i32
    %broadcast_in_dim3A_1150 = vector.broadcast %jit3A_1149 : i32 to vector<256x16xi32>
    %select_n3A_1151 = arith.select %eq3A_1148, %iota3A, %broadcast_in_dim3A_1150 : vector<256x16xi1>, vector<256x16xi32>
    %reduce_min3A_1152 = arith.constant dense<2147483647> : vector<256xi32>
    %reduce_min3A_1153 = vector.multi_reduction <minsi>, %select_n3A_1151, %reduce_min3A_1152 [1] : vector<256x16xi32> to vector<256xi32>
    %broadcast_in_dim3A_1154 = vector.shape_cast %reduce_min3A_1153 : vector<256xi32> to vector<256x1xi32>
    %swap3A_1155 = arith.constant 0 : index
    %swap3A_1156 = arith.constant 0 : index
    %swap3A_1157 = arith.constant 46 : index
    %swap3A_1158 = vector.load %arg4[%swap3A_1155, %swap3A_1156, %swap3A_1157] : memref<1x256x120xi32, #tpu.memory_space<vmem>>, vector<1x256x1xi32>
    %swap3A_1159 = vector.shape_cast %swap3A_1158 : vector<1x256x1xi32> to vector<256x1xi32>
    %swap3A_1160 = vector.shape_cast %broadcast_in_dim3A_1154 : vector<256x1xi32> to vector<1x256x1xi32>
    tpu.vector_store %arg4[%swap3A_1155, %swap3A_1156, %swap3A_1157], %swap3A_1160 {strides = array<i32>} : memref<1x256x120xi32, #tpu.memory_space<vmem>>, vector<1x256x1xi32>,
    %eq3A_1161 = vector.broadcast %broadcast_in_dim3A_1154 : vector<256x1xi32> to vector<256x16xi32>
    %eq3A_1162 = arith.cmpi eq, %iota3A, %eq3A_1161 : vector<256x16xi32>
    %jit3A_1163 = arith.constant 0x7F800000 : f32
    %broadcast_in_dim3A_1164 = vector.broadcast %jit3A_1163 : f32 to vector<256x16xf32>
    %select_n3A_1165 = arith.select %eq3A_1162, %broadcast_in_dim3A_1164, %select_n3A_1143 : vector<256x16xi1>, vector<256x16xf32>
    %reduce_min3A_1166 = arith.constant dense<0x7F800000> : vector<256xf32>
    %reduce_min3A_1167 = vector.multi_reduction <minimumf>, %select_n3A_1165, %reduce_min3A_1166 [1] : vector<256x16xf32> to vector<256xf32>
    %broadcast_in_dim3A_1168 = vector.shape_cast %reduce_min3A_1167 : vector<256xf32> to vector<256x1xf32>
    %eq3A_1169 = vector.broadcast %broadcast_in_dim3A_1168 : vector<256x1xf32> to vector<256x16xf32>
    %eq3A_1170 = arith.cmpf oeq, %select_n3A_1165, %eq3A_1169 : vector<256x16xf32>
    %jit3A_1171 = arith.constant 16 : i32
    %broadcast_in_dim3A_1172 = vector.broadcast %jit3A_1171 : i32 to vector<256x16xi32>
    %select_n3A_1173 = arith.select %eq3A_1170, %iota3A, %broadcast_in_dim3A_1172 : vector<256x16xi1>, vector<256x16xi32>
    %reduce_min3A_1174 = arith.constant dense<2147483647> : vector<256xi32>
    %reduce_min3A_1175 = vector.multi_reduction <minsi>, %select_n3A_1173, %reduce_min3A_1174 [1] : vector<256x16xi32> to vector<256xi32>
    %broadcast_in_dim3A_1176 = vector.shape_cast %reduce_min3A_1175 : vector<256xi32> to vector<256x1xi32>
    %swap3A_1177 = arith.constant 0 : index
    %swap3A_1178 = arith.constant 0 : index
    %swap3A_1179 = arith.constant 47 : index
    %swap3A_1180 = vector.load %arg4[%swap3A_1177, %swap3A_1178, %swap3A_1179] : memref<1x256x120xi32, #tpu.memory_space<vmem>>, vector<1x256x1xi32>
    %swap3A_1181 = vector.shape_cast %swap3A_1180 : vector<1x256x1xi32> to vector<256x1xi32>
    %swap3A_1182 = vector.shape_cast %broadcast_in_dim3A_1176 : vector<256x1xi32> to vector<1x256x1xi32>
    tpu.vector_store %arg4[%swap3A_1177, %swap3A_1178, %swap3A_1179], %swap3A_1182 {strides = array<i32>} : memref<1x256x120xi32, #tpu.memory_space<vmem>>, vector<1x256x1xi32>,
    %sub3A_1183 = arith.constant 4.500000e-02 : f32
    %sub3A_1184 = vector.broadcast %sub3A_1183 : f32 to vector<256x16xf32>
    %sub3A_1185 = arith.subf %sub3A_1184, %get3A_3 : vector<256x16xf32>
    %sub3A_1186 = arith.constant 0.000000e+00 : f32
    %sub3A_1187 = vector.broadcast %sub3A_1186 : f32 to vector<256x16xf32>
    %sub3A_1188 = arith.subf %sub3A_1187, %get3A_8 : vector<256x16xf32>
    %mul3A_1189 = arith.mulf %sub3A_1185, %sub3A_1185 : vector<256x16xf32>
    %mul3A_1190 = arith.mulf %sub3A_1188, %sub3A_1188 : vector<256x16xf32>
    %add3A_1191 = arith.addf %mul3A_1189, %mul3A_1190 : vector<256x16xf32>
    %add3A_1192 = arith.constant 1.000000e-16 : f32
    %add3A_1193 = vector.broadcast %add3A_1192 : f32 to vector<256x16xf32>
    %add3A_1194 = arith.addf %add3A_1191, %add3A_1193 : vector<256x16xf32>
    %sqrt3A_1195 = math.sqrt %add3A_1194 : vector<256x16xf32>
    %reduce_min3A_1196 = arith.constant dense<0x7F800000> : vector<256xf32>
    %reduce_min3A_1197 = vector.multi_reduction <minimumf>, %sqrt3A_1195, %reduce_min3A_1196 [1] : vector<256x16xf32> to vector<256xf32>
    %broadcast_in_dim3A_1198 = vector.shape_cast %reduce_min3A_1197 : vector<256xf32> to vector<256x1xf32>
    %eq3A_1199 = vector.broadcast %broadcast_in_dim3A_1198 : vector<256x1xf32> to vector<256x16xf32>
    %eq3A_1200 = arith.cmpf oeq, %sqrt3A_1195, %eq3A_1199 : vector<256x16xf32>
    %jit3A_1201 = arith.constant 16 : i32
    %broadcast_in_dim3A_1202 = vector.broadcast %jit3A_1201 : i32 to vector<256x16xi32>
    %select_n3A_1203 = arith.select %eq3A_1200, %iota3A, %broadcast_in_dim3A_1202 : vector<256x16xi1>, vector<256x16xi32>
    %reduce_min3A_1204 = arith.constant dense<2147483647> : vector<256xi32>
    %reduce_min3A_1205 = vector.multi_reduction <minsi>, %select_n3A_1203, %reduce_min3A_1204 [1] : vector<256x16xi32> to vector<256xi32>
    %broadcast_in_dim3A_1206 = vector.shape_cast %reduce_min3A_1205 : vector<256xi32> to vector<256x1xi32>
    %swap3A_1207 = arith.constant 0 : index
    %swap3A_1208 = arith.constant 0 : index
    %swap3A_1209 = arith.constant 48 : index
    %swap3A_1210 = vector.load %arg4[%swap3A_1207, %swap3A_1208, %swap3A_1209] : memref<1x256x120xi32, #tpu.memory_space<vmem>>, vector<1x256x1xi32>
    %swap3A_1211 = vector.shape_cast %swap3A_1210 : vector<1x256x1xi32> to vector<256x1xi32>
    %swap3A_1212 = vector.shape_cast %broadcast_in_dim3A_1206 : vector<256x1xi32> to vector<1x256x1xi32>
    tpu.vector_store %arg4[%swap3A_1207, %swap3A_1208, %swap3A_1209], %swap3A_1212 {strides = array<i32>} : memref<1x256x120xi32, #tpu.memory_space<vmem>>, vector<1x256x1xi32>,
    %eq3A_1213 = vector.broadcast %broadcast_in_dim3A_1206 : vector<256x1xi32> to vector<256x16xi32>
    %eq3A_1214 = arith.cmpi eq, %iota3A, %eq3A_1213 : vector<256x16xi32>
    %jit3A_1215 = arith.constant 0x7F800000 : f32
    %broadcast_in_dim3A_1216 = vector.broadcast %jit3A_1215 : f32 to vector<256x16xf32>
    %select_n3A_1217 = arith.select %eq3A_1214, %broadcast_in_dim3A_1216, %sqrt3A_1195 : vector<256x16xi1>, vector<256x16xf32>
    %reduce_min3A_1218 = arith.constant dense<0x7F800000> : vector<256xf32>
    %reduce_min3A_1219 = vector.multi_reduction <minimumf>, %select_n3A_1217, %reduce_min3A_1218 [1] : vector<256x16xf32> to vector<256xf32>
    %broadcast_in_dim3A_1220 = vector.shape_cast %reduce_min3A_1219 : vector<256xf32> to vector<256x1xf32>
    %eq3A_1221 = vector.broadcast %broadcast_in_dim3A_1220 : vector<256x1xf32> to vector<256x16xf32>
    %eq3A_1222 = arith.cmpf oeq, %select_n3A_1217, %eq3A_1221 : vector<256x16xf32>
    %jit3A_1223 = arith.constant 16 : i32
    %broadcast_in_dim3A_1224 = vector.broadcast %jit3A_1223 : i32 to vector<256x16xi32>
    %select_n3A_1225 = arith.select %eq3A_1222, %iota3A, %broadcast_in_dim3A_1224 : vector<256x16xi1>, vector<256x16xi32>
    %reduce_min3A_1226 = arith.constant dense<2147483647> : vector<256xi32>
    %reduce_min3A_1227 = vector.multi_reduction <minsi>, %select_n3A_1225, %reduce_min3A_1226 [1] : vector<256x16xi32> to vector<256xi32>
    %broadcast_in_dim3A_1228 = vector.shape_cast %reduce_min3A_1227 : vector<256xi32> to vector<256x1xi32>
    %swap3A_1229 = arith.constant 0 : index
    %swap3A_1230 = arith.constant 0 : index
    %swap3A_1231 = arith.constant 49 : index
    %swap3A_1232 = vector.load %arg4[%swap3A_1229, %swap3A_1230, %swap3A_1231] : memref<1x256x120xi32, #tpu.memory_space<vmem>>, vector<1x256x1xi32>
    %swap3A_1233 = vector.shape_cast %swap3A_1232 : vector<1x256x1xi32> to vector<256x1xi32>
    %swap3A_1234 = vector.shape_cast %broadcast_in_dim3A_1228 : vector<256x1xi32> to vector<1x256x1xi32>
    tpu.vector_store %arg4[%swap3A_1229, %swap3A_1230, %swap3A_1231], %swap3A_1234 {strides = array<i32>} : memref<1x256x120xi32, #tpu.memory_space<vmem>>, vector<1x256x1xi32>,
    %eq3A_1235 = vector.broadcast %broadcast_in_dim3A_1228 : vector<256x1xi32> to vector<256x16xi32>
    %eq3A_1236 = arith.cmpi eq, %iota3A, %eq3A_1235 : vector<256x16xi32>
    %jit3A_1237 = arith.constant 0x7F800000 : f32
    %broadcast_in_dim3A_1238 = vector.broadcast %jit3A_1237 : f32 to vector<256x16xf32>
    %select_n3A_1239 = arith.select %eq3A_1236, %broadcast_in_dim3A_1238, %select_n3A_1217 : vector<256x16xi1>, vector<256x16xf32>
    %reduce_min3A_1240 = arith.constant dense<0x7F800000> : vector<256xf32>
    %reduce_min3A_1241 = vector.multi_reduction <minimumf>, %select_n3A_1239, %reduce_min3A_1240 [1] : vector<256x16xf32> to vector<256xf32>
    %broadcast_in_dim3A_1242 = vector.shape_cast %reduce_min3A_1241 : vector<256xf32> to vector<256x1xf32>
    %eq3A_1243 = vector.broadcast %broadcast_in_dim3A_1242 : vector<256x1xf32> to vector<256x16xf32>
    %eq3A_1244 = arith.cmpf oeq, %select_n3A_1239, %eq3A_1243 : vector<256x16xf32>
    %jit3A_1245 = arith.constant 16 : i32
    %broadcast_in_dim3A_1246 = vector.broadcast %jit3A_1245 : i32 to vector<256x16xi32>
    %select_n3A_1247 = arith.select %eq3A_1244, %iota3A, %broadcast_in_dim3A_1246 : vector<256x16xi1>, vector<256x16xi32>
    %reduce_min3A_1248 = arith.constant dense<2147483647> : vector<256xi32>
    %reduce_min3A_1249 = vector.multi_reduction <minsi>, %select_n3A_1247, %reduce_min3A_1248 [1] : vector<256x16xi32> to vector<256xi32>
    %broadcast_in_dim3A_1250 = vector.shape_cast %reduce_min3A_1249 : vector<256xi32> to vector<256x1xi32>
    %swap3A_1251 = arith.constant 0 : index
    %swap3A_1252 = arith.constant 0 : index
    %swap3A_1253 = arith.constant 50 : index
    %swap3A_1254 = vector.load %arg4[%swap3A_1251, %swap3A_1252, %swap3A_1253] : memref<1x256x120xi32, #tpu.memory_space<vmem>>, vector<1x256x1xi32>
    %swap3A_1255 = vector.shape_cast %swap3A_1254 : vector<1x256x1xi32> to vector<256x1xi32>
    %swap3A_1256 = vector.shape_cast %broadcast_in_dim3A_1250 : vector<256x1xi32> to vector<1x256x1xi32>
    tpu.vector_store %arg4[%swap3A_1251, %swap3A_1252, %swap3A_1253], %swap3A_1256 {strides = array<i32>} : memref<1x256x120xi32, #tpu.memory_space<vmem>>, vector<1x256x1xi32>,
    %sub3A_1257 = arith.constant 0.0318198055 : f32
    %sub3A_1258 = vector.broadcast %sub3A_1257 : f32 to vector<256x16xf32>
    %sub3A_1259 = arith.subf %sub3A_1258, %get3A_3 : vector<256x16xf32>
    %sub3A_1260 = arith.constant 0.0318198055 : f32
    %sub3A_1261 = vector.broadcast %sub3A_1260 : f32 to vector<256x16xf32>
    %sub3A_1262 = arith.subf %sub3A_1261, %get3A_8 : vector<256x16xf32>
    %mul3A_1263 = arith.mulf %sub3A_1259, %sub3A_1259 : vector<256x16xf32>
    %mul3A_1264 = arith.mulf %sub3A_1262, %sub3A_1262 : vector<256x16xf32>
    %add3A_1265 = arith.addf %mul3A_1263, %mul3A_1264 : vector<256x16xf32>
    %add3A_1266 = arith.constant 1.000000e-16 : f32
    %add3A_1267 = vector.broadcast %add3A_1266 : f32 to vector<256x16xf32>
    %add3A_1268 = arith.addf %add3A_1265, %add3A_1267 : vector<256x16xf32>
    %sqrt3A_1269 = math.sqrt %add3A_1268 : vector<256x16xf32>
    %reduce_min3A_1270 = arith.constant dense<0x7F800000> : vector<256xf32>
    %reduce_min3A_1271 = vector.multi_reduction <minimumf>, %sqrt3A_1269, %reduce_min3A_1270 [1] : vector<256x16xf32> to vector<256xf32>
    %broadcast_in_dim3A_1272 = vector.shape_cast %reduce_min3A_1271 : vector<256xf32> to vector<256x1xf32>
    %eq3A_1273 = vector.broadcast %broadcast_in_dim3A_1272 : vector<256x1xf32> to vector<256x16xf32>
    %eq3A_1274 = arith.cmpf oeq, %sqrt3A_1269, %eq3A_1273 : vector<256x16xf32>
    %jit3A_1275 = arith.constant 16 : i32
    %broadcast_in_dim3A_1276 = vector.broadcast %jit3A_1275 : i32 to vector<256x16xi32>
    %select_n3A_1277 = arith.select %eq3A_1274, %iota3A, %broadcast_in_dim3A_1276 : vector<256x16xi1>, vector<256x16xi32>
    %reduce_min3A_1278 = arith.constant dense<2147483647> : vector<256xi32>
    %reduce_min3A_1279 = vector.multi_reduction <minsi>, %select_n3A_1277, %reduce_min3A_1278 [1] : vector<256x16xi32> to vector<256xi32>
    %broadcast_in_dim3A_1280 = vector.shape_cast %reduce_min3A_1279 : vector<256xi32> to vector<256x1xi32>
    %swap3A_1281 = arith.constant 0 : index
    %swap3A_1282 = arith.constant 0 : index
    %swap3A_1283 = arith.constant 51 : index
    %swap3A_1284 = vector.load %arg4[%swap3A_1281, %swap3A_1282, %swap3A_1283] : memref<1x256x120xi32, #tpu.memory_space<vmem>>, vector<1x256x1xi32>
    %swap3A_1285 = vector.shape_cast %swap3A_1284 : vector<1x256x1xi32> to vector<256x1xi32>
    %swap3A_1286 = vector.shape_cast %broadcast_in_dim3A_1280 : vector<256x1xi32> to vector<1x256x1xi32>
    tpu.vector_store %arg4[%swap3A_1281, %swap3A_1282, %swap3A_1283], %swap3A_1286 {strides = array<i32>} : memref<1x256x120xi32, #tpu.memory_space<vmem>>, vector<1x256x1xi32>,
    %eq3A_1287 = vector.broadcast %broadcast_in_dim3A_1280 : vector<256x1xi32> to vector<256x16xi32>
    %eq3A_1288 = arith.cmpi eq, %iota3A, %eq3A_1287 : vector<256x16xi32>
    %jit3A_1289 = arith.constant 0x7F800000 : f32
    %broadcast_in_dim3A_1290 = vector.broadcast %jit3A_1289 : f32 to vector<256x16xf32>
    %select_n3A_1291 = arith.select %eq3A_1288, %broadcast_in_dim3A_1290, %sqrt3A_1269 : vector<256x16xi1>, vector<256x16xf32>
    %reduce_min3A_1292 = arith.constant dense<0x7F800000> : vector<256xf32>
    %reduce_min3A_1293 = vector.multi_reduction <minimumf>, %select_n3A_1291, %reduce_min3A_1292 [1] : vector<256x16xf32> to vector<256xf32>
    %broadcast_in_dim3A_1294 = vector.shape_cast %reduce_min3A_1293 : vector<256xf32> to vector<256x1xf32>
    %eq3A_1295 = vector.broadcast %broadcast_in_dim3A_1294 : vector<256x1xf32> to vector<256x16xf32>
    %eq3A_1296 = arith.cmpf oeq, %select_n3A_1291, %eq3A_1295 : vector<256x16xf32>
    %jit3A_1297 = arith.constant 16 : i32
    %broadcast_in_dim3A_1298 = vector.broadcast %jit3A_1297 : i32 to vector<256x16xi32>
    %select_n3A_1299 = arith.select %eq3A_1296, %iota3A, %broadcast_in_dim3A_1298 : vector<256x16xi1>, vector<256x16xi32>
    %reduce_min3A_1300 = arith.constant dense<2147483647> : vector<256xi32>
    %reduce_min3A_1301 = vector.multi_reduction <minsi>, %select_n3A_1299, %reduce_min3A_1300 [1] : vector<256x16xi32> to vector<256xi32>
    %broadcast_in_dim3A_1302 = vector.shape_cast %reduce_min3A_1301 : vector<256xi32> to vector<256x1xi32>
    %swap3A_1303 = arith.constant 0 : index
    %swap3A_1304 = arith.constant 0 : index
    %swap3A_1305 = arith.constant 52 : index
    %swap3A_1306 = vector.load %arg4[%swap3A_1303, %swap3A_1304, %swap3A_1305] : memref<1x256x120xi32, #tpu.memory_space<vmem>>, vector<1x256x1xi32>
    %swap3A_1307 = vector.shape_cast %swap3A_1306 : vector<1x256x1xi32> to vector<256x1xi32>
    %swap3A_1308 = vector.shape_cast %broadcast_in_dim3A_1302 : vector<256x1xi32> to vector<1x256x1xi32>
    tpu.vector_store %arg4[%swap3A_1303, %swap3A_1304, %swap3A_1305], %swap3A_1308 {strides = array<i32>} : memref<1x256x120xi32, #tpu.memory_space<vmem>>, vector<1x256x1xi32>,
    %eq3A_1309 = vector.broadcast %broadcast_in_dim3A_1302 : vector<256x1xi32> to vector<256x16xi32>
    %eq3A_1310 = arith.cmpi eq, %iota3A, %eq3A_1309 : vector<256x16xi32>
    %jit3A_1311 = arith.constant 0x7F800000 : f32
    %broadcast_in_dim3A_1312 = vector.broadcast %jit3A_1311 : f32 to vector<256x16xf32>
    %select_n3A_1313 = arith.select %eq3A_1310, %broadcast_in_dim3A_1312, %select_n3A_1291 : vector<256x16xi1>, vector<256x16xf32>
    %reduce_min3A_1314 = arith.constant dense<0x7F800000> : vector<256xf32>
    %reduce_min3A_1315 = vector.multi_reduction <minimumf>, %select_n3A_1313, %reduce_min3A_1314 [1] : vector<256x16xf32> to vector<256xf32>
    %broadcast_in_dim3A_1316 = vector.shape_cast %reduce_min3A_1315 : vector<256xf32> to vector<256x1xf32>
    %eq3A_1317 = vector.broadcast %broadcast_in_dim3A_1316 : vector<256x1xf32> to vector<256x16xf32>
    %eq3A_1318 = arith.cmpf oeq, %select_n3A_1313, %eq3A_1317 : vector<256x16xf32>
    %jit3A_1319 = arith.constant 16 : i32
    %broadcast_in_dim3A_1320 = vector.broadcast %jit3A_1319 : i32 to vector<256x16xi32>
    %select_n3A_1321 = arith.select %eq3A_1318, %iota3A, %broadcast_in_dim3A_1320 : vector<256x16xi1>, vector<256x16xi32>
    %reduce_min3A_1322 = arith.constant dense<2147483647> : vector<256xi32>
    %reduce_min3A_1323 = vector.multi_reduction <minsi>, %select_n3A_1321, %reduce_min3A_1322 [1] : vector<256x16xi32> to vector<256xi32>
    %broadcast_in_dim3A_1324 = vector.shape_cast %reduce_min3A_1323 : vector<256xi32> to vector<256x1xi32>
    %swap3A_1325 = arith.constant 0 : index
    %swap3A_1326 = arith.constant 0 : index
    %swap3A_1327 = arith.constant 53 : index
    %swap3A_1328 = vector.load %arg4[%swap3A_1325, %swap3A_1326, %swap3A_1327] : memref<1x256x120xi32, #tpu.memory_space<vmem>>, vector<1x256x1xi32>
    %swap3A_1329 = vector.shape_cast %swap3A_1328 : vector<1x256x1xi32> to vector<256x1xi32>
    %swap3A_1330 = vector.shape_cast %broadcast_in_dim3A_1324 : vector<256x1xi32> to vector<1x256x1xi32>
    tpu.vector_store %arg4[%swap3A_1325, %swap3A_1326, %swap3A_1327], %swap3A_1330 {strides = array<i32>} : memref<1x256x120xi32, #tpu.memory_space<vmem>>, vector<1x256x1xi32>,
    %sub3A_1331 = arith.constant -1.96701255E-9 : f32
    %sub3A_1332 = vector.broadcast %sub3A_1331 : f32 to vector<256x16xf32>
    %sub3A_1333 = arith.subf %sub3A_1332, %get3A_3 : vector<256x16xf32>
    %sub3A_1334 = arith.constant 4.500000e-02 : f32
    %sub3A_1335 = vector.broadcast %sub3A_1334 : f32 to vector<256x16xf32>
    %sub3A_1336 = arith.subf %sub3A_1335, %get3A_8 : vector<256x16xf32>
    %mul3A_1337 = arith.mulf %sub3A_1333, %sub3A_1333 : vector<256x16xf32>
    %mul3A_1338 = arith.mulf %sub3A_1336, %sub3A_1336 : vector<256x16xf32>
    %add3A_1339 = arith.addf %mul3A_1337, %mul3A_1338 : vector<256x16xf32>
    %add3A_1340 = arith.constant 1.000000e-16 : f32
    %add3A_1341 = vector.broadcast %add3A_1340 : f32 to vector<256x16xf32>
    %add3A_1342 = arith.addf %add3A_1339, %add3A_1341 : vector<256x16xf32>
    %sqrt3A_1343 = math.sqrt %add3A_1342 : vector<256x16xf32>
    %reduce_min3A_1344 = arith.constant dense<0x7F800000> : vector<256xf32>
    %reduce_min3A_1345 = vector.multi_reduction <minimumf>, %sqrt3A_1343, %reduce_min3A_1344 [1] : vector<256x16xf32> to vector<256xf32>
    %broadcast_in_dim3A_1346 = vector.shape_cast %reduce_min3A_1345 : vector<256xf32> to vector<256x1xf32>
    %eq3A_1347 = vector.broadcast %broadcast_in_dim3A_1346 : vector<256x1xf32> to vector<256x16xf32>
    %eq3A_1348 = arith.cmpf oeq, %sqrt3A_1343, %eq3A_1347 : vector<256x16xf32>
    %jit3A_1349 = arith.constant 16 : i32
    %broadcast_in_dim3A_1350 = vector.broadcast %jit3A_1349 : i32 to vector<256x16xi32>
    %select_n3A_1351 = arith.select %eq3A_1348, %iota3A, %broadcast_in_dim3A_1350 : vector<256x16xi1>, vector<256x16xi32>
    %reduce_min3A_1352 = arith.constant dense<2147483647> : vector<256xi32>
    %reduce_min3A_1353 = vector.multi_reduction <minsi>, %select_n3A_1351, %reduce_min3A_1352 [1] : vector<256x16xi32> to vector<256xi32>
    %broadcast_in_dim3A_1354 = vector.shape_cast %reduce_min3A_1353 : vector<256xi32> to vector<256x1xi32>
    %swap3A_1355 = arith.constant 0 : index
    %swap3A_1356 = arith.constant 0 : index
    %swap3A_1357 = arith.constant 54 : index
    %swap3A_1358 = vector.load %arg4[%swap3A_1355, %swap3A_1356, %swap3A_1357] : memref<1x256x120xi32, #tpu.memory_space<vmem>>, vector<1x256x1xi32>
    %swap3A_1359 = vector.shape_cast %swap3A_1358 : vector<1x256x1xi32> to vector<256x1xi32>
    %swap3A_1360 = vector.shape_cast %broadcast_in_dim3A_1354 : vector<256x1xi32> to vector<1x256x1xi32>
    tpu.vector_store %arg4[%swap3A_1355, %swap3A_1356, %swap3A_1357], %swap3A_1360 {strides = array<i32>} : memref<1x256x120xi32, #tpu.memory_space<vmem>>, vector<1x256x1xi32>,
    %eq3A_1361 = vector.broadcast %broadcast_in_dim3A_1354 : vector<256x1xi32> to vector<256x16xi32>
    %eq3A_1362 = arith.cmpi eq, %iota3A, %eq3A_1361 : vector<256x16xi32>
    %jit3A_1363 = arith.constant 0x7F800000 : f32
    %broadcast_in_dim3A_1364 = vector.broadcast %jit3A_1363 : f32 to vector<256x16xf32>
    %select_n3A_1365 = arith.select %eq3A_1362, %broadcast_in_dim3A_1364, %sqrt3A_1343 : vector<256x16xi1>, vector<256x16xf32>
    %reduce_min3A_1366 = arith.constant dense<0x7F800000> : vector<256xf32>
    %reduce_min3A_1367 = vector.multi_reduction <minimumf>, %select_n3A_1365, %reduce_min3A_1366 [1] : vector<256x16xf32> to vector<256xf32>
    %broadcast_in_dim3A_1368 = vector.shape_cast %reduce_min3A_1367 : vector<256xf32> to vector<256x1xf32>
    %eq3A_1369 = vector.broadcast %broadcast_in_dim3A_1368 : vector<256x1xf32> to vector<256x16xf32>
    %eq3A_1370 = arith.cmpf oeq, %select_n3A_1365, %eq3A_1369 : vector<256x16xf32>
    %jit3A_1371 = arith.constant 16 : i32
    %broadcast_in_dim3A_1372 = vector.broadcast %jit3A_1371 : i32 to vector<256x16xi32>
    %select_n3A_1373 = arith.select %eq3A_1370, %iota3A, %broadcast_in_dim3A_1372 : vector<256x16xi1>, vector<256x16xi32>
    %reduce_min3A_1374 = arith.constant dense<2147483647> : vector<256xi32>
    %reduce_min3A_1375 = vector.multi_reduction <minsi>, %select_n3A_1373, %reduce_min3A_1374 [1] : vector<256x16xi32> to vector<256xi32>
    %broadcast_in_dim3A_1376 = vector.shape_cast %reduce_min3A_1375 : vector<256xi32> to vector<256x1xi32>
    %swap3A_1377 = arith.constant 0 : index
    %swap3A_1378 = arith.constant 0 : index
    %swap3A_1379 = arith.constant 55 : index
    %swap3A_1380 = vector.load %arg4[%swap3A_1377, %swap3A_1378, %swap3A_1379] : memref<1x256x120xi32, #tpu.memory_space<vmem>>, vector<1x256x1xi32>
    %swap3A_1381 = vector.shape_cast %swap3A_1380 : vector<1x256x1xi32> to vector<256x1xi32>
    %swap3A_1382 = vector.shape_cast %broadcast_in_dim3A_1376 : vector<256x1xi32> to vector<1x256x1xi32>
    tpu.vector_store %arg4[%swap3A_1377, %swap3A_1378, %swap3A_1379], %swap3A_1382 {strides = array<i32>} : memref<1x256x120xi32, #tpu.memory_space<vmem>>, vector<1x256x1xi32>,
    %eq3A_1383 = vector.broadcast %broadcast_in_dim3A_1376 : vector<256x1xi32> to vector<256x16xi32>
    %eq3A_1384 = arith.cmpi eq, %iota3A, %eq3A_1383 : vector<256x16xi32>
    %jit3A_1385 = arith.constant 0x7F800000 : f32
    %broadcast_in_dim3A_1386 = vector.broadcast %jit3A_1385 : f32 to vector<256x16xf32>
    %select_n3A_1387 = arith.select %eq3A_1384, %broadcast_in_dim3A_1386, %select_n3A_1365 : vector<256x16xi1>, vector<256x16xf32>
    %reduce_min3A_1388 = arith.constant dense<0x7F800000> : vector<256xf32>
    %reduce_min3A_1389 = vector.multi_reduction <minimumf>, %select_n3A_1387, %reduce_min3A_1388 [1] : vector<256x16xf32> to vector<256xf32>
    %broadcast_in_dim3A_1390 = vector.shape_cast %reduce_min3A_1389 : vector<256xf32> to vector<256x1xf32>
    %eq3A_1391 = vector.broadcast %broadcast_in_dim3A_1390 : vector<256x1xf32> to vector<256x16xf32>
    %eq3A_1392 = arith.cmpf oeq, %select_n3A_1387, %eq3A_1391 : vector<256x16xf32>
    %jit3A_1393 = arith.constant 16 : i32
    %broadcast_in_dim3A_1394 = vector.broadcast %jit3A_1393 : i32 to vector<256x16xi32>
    %select_n3A_1395 = arith.select %eq3A_1392, %iota3A, %broadcast_in_dim3A_1394 : vector<256x16xi1>, vector<256x16xi32>
    %reduce_min3A_1396 = arith.constant dense<2147483647> : vector<256xi32>
    %reduce_min3A_1397 = vector.multi_reduction <minsi>, %select_n3A_1395, %reduce_min3A_1396 [1] : vector<256x16xi32> to vector<256xi32>
    %broadcast_in_dim3A_1398 = vector.shape_cast %reduce_min3A_1397 : vector<256xi32> to vector<256x1xi32>
    %swap3A_1399 = arith.constant 0 : index
    %swap3A_1400 = arith.constant 0 : index
    %swap3A_1401 = arith.constant 56 : index
    %swap3A_1402 = vector.load %arg4[%swap3A_1399, %swap3A_1400, %swap3A_1401] : memref<1x256x120xi32, #tpu.memory_space<vmem>>, vector<1x256x1xi32>
    %swap3A_1403 = vector.shape_cast %swap3A_1402 : vector<1x256x1xi32> to vector<256x1xi32>
    %swap3A_1404 = vector.shape_cast %broadcast_in_dim3A_1398 : vector<256x1xi32> to vector<1x256x1xi32>
    tpu.vector_store %arg4[%swap3A_1399, %swap3A_1400, %swap3A_1401], %swap3A_1404 {strides = array<i32>} : memref<1x256x120xi32, #tpu.memory_space<vmem>>, vector<1x256x1xi32>,
    %sub3A_1405 = arith.constant -0.0318198055 : f32
    %sub3A_1406 = vector.broadcast %sub3A_1405 : f32 to vector<256x16xf32>
    %sub3A_1407 = arith.subf %sub3A_1406, %get3A_3 : vector<256x16xf32>
    %sub3A_1408 = arith.constant 0.0318198055 : f32
    %sub3A_1409 = vector.broadcast %sub3A_1408 : f32 to vector<256x16xf32>
    %sub3A_1410 = arith.subf %sub3A_1409, %get3A_8 : vector<256x16xf32>
    %mul3A_1411 = arith.mulf %sub3A_1407, %sub3A_1407 : vector<256x16xf32>
    %mul3A_1412 = arith.mulf %sub3A_1410, %sub3A_1410 : vector<256x16xf32>
    %add3A_1413 = arith.addf %mul3A_1411, %mul3A_1412 : vector<256x16xf32>
    %add3A_1414 = arith.constant 1.000000e-16 : f32
    %add3A_1415 = vector.broadcast %add3A_1414 : f32 to vector<256x16xf32>
    %add3A_1416 = arith.addf %add3A_1413, %add3A_1415 : vector<256x16xf32>
    %sqrt3A_1417 = math.sqrt %add3A_1416 : vector<256x16xf32>
    %reduce_min3A_1418 = arith.constant dense<0x7F800000> : vector<256xf32>
    %reduce_min3A_1419 = vector.multi_reduction <minimumf>, %sqrt3A_1417, %reduce_min3A_1418 [1] : vector<256x16xf32> to vector<256xf32>
    %broadcast_in_dim3A_1420 = vector.shape_cast %reduce_min3A_1419 : vector<256xf32> to vector<256x1xf32>
    %eq3A_1421 = vector.broadcast %broadcast_in_dim3A_1420 : vector<256x1xf32> to vector<256x16xf32>
    %eq3A_1422 = arith.cmpf oeq, %sqrt3A_1417, %eq3A_1421 : vector<256x16xf32>
    %jit3A_1423 = arith.constant 16 : i32
    %broadcast_in_dim3A_1424 = vector.broadcast %jit3A_1423 : i32 to vector<256x16xi32>
    %select_n3A_1425 = arith.select %eq3A_1422, %iota3A, %broadcast_in_dim3A_1424 : vector<256x16xi1>, vector<256x16xi32>
    %reduce_min3A_1426 = arith.constant dense<2147483647> : vector<256xi32>
    %reduce_min3A_1427 = vector.multi_reduction <minsi>, %select_n3A_1425, %reduce_min3A_1426 [1] : vector<256x16xi32> to vector<256xi32>
    %broadcast_in_dim3A_1428 = vector.shape_cast %reduce_min3A_1427 : vector<256xi32> to vector<256x1xi32>
    %swap3A_1429 = arith.constant 0 : index
    %swap3A_1430 = arith.constant 0 : index
    %swap3A_1431 = arith.constant 57 : index
    %swap3A_1432 = vector.load %arg4[%swap3A_1429, %swap3A_1430, %swap3A_1431] : memref<1x256x120xi32, #tpu.memory_space<vmem>>, vector<1x256x1xi32>
    %swap3A_1433 = vector.shape_cast %swap3A_1432 : vector<1x256x1xi32> to vector<256x1xi32>
    %swap3A_1434 = vector.shape_cast %broadcast_in_dim3A_1428 : vector<256x1xi32> to vector<1x256x1xi32>
    tpu.vector_store %arg4[%swap3A_1429, %swap3A_1430, %swap3A_1431], %swap3A_1434 {strides = array<i32>} : memref<1x256x120xi32, #tpu.memory_space<vmem>>, vector<1x256x1xi32>,
    %eq3A_1435 = vector.broadcast %broadcast_in_dim3A_1428 : vector<256x1xi32> to vector<256x16xi32>
    %eq3A_1436 = arith.cmpi eq, %iota3A, %eq3A_1435 : vector<256x16xi32>
    %jit3A_1437 = arith.constant 0x7F800000 : f32
    %broadcast_in_dim3A_1438 = vector.broadcast %jit3A_1437 : f32 to vector<256x16xf32>
    %select_n3A_1439 = arith.select %eq3A_1436, %broadcast_in_dim3A_1438, %sqrt3A_1417 : vector<256x16xi1>, vector<256x16xf32>
    %reduce_min3A_1440 = arith.constant dense<0x7F800000> : vector<256xf32>
    %reduce_min3A_1441 = vector.multi_reduction <minimumf>, %select_n3A_1439, %reduce_min3A_1440 [1] : vector<256x16xf32> to vector<256xf32>
    %broadcast_in_dim3A_1442 = vector.shape_cast %reduce_min3A_1441 : vector<256xf32> to vector<256x1xf32>
    %eq3A_1443 = vector.broadcast %broadcast_in_dim3A_1442 : vector<256x1xf32> to vector<256x16xf32>
    %eq3A_1444 = arith.cmpf oeq, %select_n3A_1439, %eq3A_1443 : vector<256x16xf32>
    %jit3A_1445 = arith.constant 16 : i32
    %broadcast_in_dim3A_1446 = vector.broadcast %jit3A_1445 : i32 to vector<256x16xi32>
    %select_n3A_1447 = arith.select %eq3A_1444, %iota3A, %broadcast_in_dim3A_1446 : vector<256x16xi1>, vector<256x16xi32>
    %reduce_min3A_1448 = arith.constant dense<2147483647> : vector<256xi32>
    %reduce_min3A_1449 = vector.multi_reduction <minsi>, %select_n3A_1447, %reduce_min3A_1448 [1] : vector<256x16xi32> to vector<256xi32>
    %broadcast_in_dim3A_1450 = vector.shape_cast %reduce_min3A_1449 : vector<256xi32> to vector<256x1xi32>
    %swap3A_1451 = arith.constant 0 : index
    %swap3A_1452 = arith.constant 0 : index
    %swap3A_1453 = arith.constant 58 : index
    %swap3A_1454 = vector.load %arg4[%swap3A_1451, %swap3A_1452, %swap3A_1453] : memref<1x256x120xi32, #tpu.memory_space<vmem>>, vector<1x256x1xi32>
    %swap3A_1455 = vector.shape_cast %swap3A_1454 : vector<1x256x1xi32> to vector<256x1xi32>
    %swap3A_1456 = vector.shape_cast %broadcast_in_dim3A_1450 : vector<256x1xi32> to vector<1x256x1xi32>
    tpu.vector_store %arg4[%swap3A_1451, %swap3A_1452, %swap3A_1453], %swap3A_1456 {strides = array<i32>} : memref<1x256x120xi32, #tpu.memory_space<vmem>>, vector<1x256x1xi32>,
    %eq3A_1457 = vector.broadcast %broadcast_in_dim3A_1450 : vector<256x1xi32> to vector<256x16xi32>
    %eq3A_1458 = arith.cmpi eq, %iota3A, %eq3A_1457 : vector<256x16xi32>
    %jit3A_1459 = arith.constant 0x7F800000 : f32
    %broadcast_in_dim3A_1460 = vector.broadcast %jit3A_1459 : f32 to vector<256x16xf32>
    %select_n3A_1461 = arith.select %eq3A_1458, %broadcast_in_dim3A_1460, %select_n3A_1439 : vector<256x16xi1>, vector<256x16xf32>
    %reduce_min3A_1462 = arith.constant dense<0x7F800000> : vector<256xf32>
    %reduce_min3A_1463 = vector.multi_reduction <minimumf>, %select_n3A_1461, %reduce_min3A_1462 [1] : vector<256x16xf32> to vector<256xf32>
    %broadcast_in_dim3A_1464 = vector.shape_cast %reduce_min3A_1463 : vector<256xf32> to vector<256x1xf32>
    %eq3A_1465 = vector.broadcast %broadcast_in_dim3A_1464 : vector<256x1xf32> to vector<256x16xf32>
    %eq3A_1466 = arith.cmpf oeq, %select_n3A_1461, %eq3A_1465 : vector<256x16xf32>
    %jit3A_1467 = arith.constant 16 : i32
    %broadcast_in_dim3A_1468 = vector.broadcast %jit3A_1467 : i32 to vector<256x16xi32>
    %select_n3A_1469 = arith.select %eq3A_1466, %iota3A, %broadcast_in_dim3A_1468 : vector<256x16xi1>, vector<256x16xi32>
    %reduce_min3A_1470 = arith.constant dense<2147483647> : vector<256xi32>
    %reduce_min3A_1471 = vector.multi_reduction <minsi>, %select_n3A_1469, %reduce_min3A_1470 [1] : vector<256x16xi32> to vector<256xi32>
    %broadcast_in_dim3A_1472 = vector.shape_cast %reduce_min3A_1471 : vector<256xi32> to vector<256x1xi32>
    %swap3A_1473 = arith.constant 0 : index
    %swap3A_1474 = arith.constant 0 : index
    %swap3A_1475 = arith.constant 59 : index
    %swap3A_1476 = vector.load %arg4[%swap3A_1473, %swap3A_1474, %swap3A_1475] : memref<1x256x120xi32, #tpu.memory_space<vmem>>, vector<1x256x1xi32>
    %swap3A_1477 = vector.shape_cast %swap3A_1476 : vector<1x256x1xi32> to vector<256x1xi32>
    %swap3A_1478 = vector.shape_cast %broadcast_in_dim3A_1472 : vector<256x1xi32> to vector<1x256x1xi32>
    tpu.vector_store %arg4[%swap3A_1473, %swap3A_1474, %swap3A_1475], %swap3A_1478 {strides = array<i32>} : memref<1x256x120xi32, #tpu.memory_space<vmem>>, vector<1x256x1xi32>,
    %sub3A_1479 = arith.constant -4.500000e-02 : f32
    %sub3A_1480 = vector.broadcast %sub3A_1479 : f32 to vector<256x16xf32>
    %sub3A_1481 = arith.subf %sub3A_1480, %get3A_3 : vector<256x16xf32>
    %sub3A_1482 = arith.constant -3.93402511E-9 : f32
    %sub3A_1483 = vector.broadcast %sub3A_1482 : f32 to vector<256x16xf32>
    %sub3A_1484 = arith.subf %sub3A_1483, %get3A_8 : vector<256x16xf32>
    %mul3A_1485 = arith.mulf %sub3A_1481, %sub3A_1481 : vector<256x16xf32>
    %mul3A_1486 = arith.mulf %sub3A_1484, %sub3A_1484 : vector<256x16xf32>
    %add3A_1487 = arith.addf %mul3A_1485, %mul3A_1486 : vector<256x16xf32>
    %add3A_1488 = arith.constant 1.000000e-16 : f32
    %add3A_1489 = vector.broadcast %add3A_1488 : f32 to vector<256x16xf32>
    %add3A_1490 = arith.addf %add3A_1487, %add3A_1489 : vector<256x16xf32>
    %sqrt3A_1491 = math.sqrt %add3A_1490 : vector<256x16xf32>
    %reduce_min3A_1492 = arith.constant dense<0x7F800000> : vector<256xf32>
    %reduce_min3A_1493 = vector.multi_reduction <minimumf>, %sqrt3A_1491, %reduce_min3A_1492 [1] : vector<256x16xf32> to vector<256xf32>
    %broadcast_in_dim3A_1494 = vector.shape_cast %reduce_min3A_1493 : vector<256xf32> to vector<256x1xf32>
    %eq3A_1495 = vector.broadcast %broadcast_in_dim3A_1494 : vector<256x1xf32> to vector<256x16xf32>
    %eq3A_1496 = arith.cmpf oeq, %sqrt3A_1491, %eq3A_1495 : vector<256x16xf32>
    %jit3A_1497 = arith.constant 16 : i32
    %broadcast_in_dim3A_1498 = vector.broadcast %jit3A_1497 : i32 to vector<256x16xi32>
    %select_n3A_1499 = arith.select %eq3A_1496, %iota3A, %broadcast_in_dim3A_1498 : vector<256x16xi1>, vector<256x16xi32>
    %reduce_min3A_1500 = arith.constant dense<2147483647> : vector<256xi32>
    %reduce_min3A_1501 = vector.multi_reduction <minsi>, %select_n3A_1499, %reduce_min3A_1500 [1] : vector<256x16xi32> to vector<256xi32>
    %broadcast_in_dim3A_1502 = vector.shape_cast %reduce_min3A_1501 : vector<256xi32> to vector<256x1xi32>
    %swap3A_1503 = arith.constant 0 : index
    %swap3A_1504 = arith.constant 0 : index
    %swap3A_1505 = arith.constant 60 : index
    %swap3A_1506 = vector.load %arg4[%swap3A_1503, %swap3A_1504, %swap3A_1505] : memref<1x256x120xi32, #tpu.memory_space<vmem>>, vector<1x256x1xi32>
    %swap3A_1507 = vector.shape_cast %swap3A_1506 : vector<1x256x1xi32> to vector<256x1xi32>
    %swap3A_1508 = vector.shape_cast %broadcast_in_dim3A_1502 : vector<256x1xi32> to vector<1x256x1xi32>
    tpu.vector_store %arg4[%swap3A_1503, %swap3A_1504, %swap3A_1505], %swap3A_1508 {strides = array<i32>} : memref<1x256x120xi32, #tpu.memory_space<vmem>>, vector<1x256x1xi32>,
    %eq3A_1509 = vector.broadcast %broadcast_in_dim3A_1502 : vector<256x1xi32> to vector<256x16xi32>
    %eq3A_1510 = arith.cmpi eq, %iota3A, %eq3A_1509 : vector<256x16xi32>
    %jit3A_1511 = arith.constant 0x7F800000 : f32
    %broadcast_in_dim3A_1512 = vector.broadcast %jit3A_1511 : f32 to vector<256x16xf32>
    %select_n3A_1513 = arith.select %eq3A_1510, %broadcast_in_dim3A_1512, %sqrt3A_1491 : vector<256x16xi1>, vector<256x16xf32>
    %reduce_min3A_1514 = arith.constant dense<0x7F800000> : vector<256xf32>
    %reduce_min3A_1515 = vector.multi_reduction <minimumf>, %select_n3A_1513, %reduce_min3A_1514 [1] : vector<256x16xf32> to vector<256xf32>
    %broadcast_in_dim3A_1516 = vector.shape_cast %reduce_min3A_1515 : vector<256xf32> to vector<256x1xf32>
    %eq3A_1517 = vector.broadcast %broadcast_in_dim3A_1516 : vector<256x1xf32> to vector<256x16xf32>
    %eq3A_1518 = arith.cmpf oeq, %select_n3A_1513, %eq3A_1517 : vector<256x16xf32>
    %jit3A_1519 = arith.constant 16 : i32
    %broadcast_in_dim3A_1520 = vector.broadcast %jit3A_1519 : i32 to vector<256x16xi32>
    %select_n3A_1521 = arith.select %eq3A_1518, %iota3A, %broadcast_in_dim3A_1520 : vector<256x16xi1>, vector<256x16xi32>
    %reduce_min3A_1522 = arith.constant dense<2147483647> : vector<256xi32>
    %reduce_min3A_1523 = vector.multi_reduction <minsi>, %select_n3A_1521, %reduce_min3A_1522 [1] : vector<256x16xi32> to vector<256xi32>
    %broadcast_in_dim3A_1524 = vector.shape_cast %reduce_min3A_1523 : vector<256xi32> to vector<256x1xi32>
    %swap3A_1525 = arith.constant 0 : index
    %swap3A_1526 = arith.constant 0 : index
    %swap3A_1527 = arith.constant 61 : index
    %swap3A_1528 = vector.load %arg4[%swap3A_1525, %swap3A_1526, %swap3A_1527] : memref<1x256x120xi32, #tpu.memory_space<vmem>>, vector<1x256x1xi32>
    %swap3A_1529 = vector.shape_cast %swap3A_1528 : vector<1x256x1xi32> to vector<256x1xi32>
    %swap3A_1530 = vector.shape_cast %broadcast_in_dim3A_1524 : vector<256x1xi32> to vector<1x256x1xi32>
    tpu.vector_store %arg4[%swap3A_1525, %swap3A_1526, %swap3A_1527], %swap3A_1530 {strides = array<i32>} : memref<1x256x120xi32, #tpu.memory_space<vmem>>, vector<1x256x1xi32>,
    %eq3A_1531 = vector.broadcast %broadcast_in_dim3A_1524 : vector<256x1xi32> to vector<256x16xi32>
    %eq3A_1532 = arith.cmpi eq, %iota3A, %eq3A_1531 : vector<256x16xi32>
    %jit3A_1533 = arith.constant 0x7F800000 : f32
    %broadcast_in_dim3A_1534 = vector.broadcast %jit3A_1533 : f32 to vector<256x16xf32>
    %select_n3A_1535 = arith.select %eq3A_1532, %broadcast_in_dim3A_1534, %select_n3A_1513 : vector<256x16xi1>, vector<256x16xf32>
    %reduce_min3A_1536 = arith.constant dense<0x7F800000> : vector<256xf32>
    %reduce_min3A_1537 = vector.multi_reduction <minimumf>, %select_n3A_1535, %reduce_min3A_1536 [1] : vector<256x16xf32> to vector<256xf32>
    %broadcast_in_dim3A_1538 = vector.shape_cast %reduce_min3A_1537 : vector<256xf32> to vector<256x1xf32>
    %eq3A_1539 = vector.broadcast %broadcast_in_dim3A_1538 : vector<256x1xf32> to vector<256x16xf32>
    %eq3A_1540 = arith.cmpf oeq, %select_n3A_1535, %eq3A_1539 : vector<256x16xf32>
    %jit3A_1541 = arith.constant 16 : i32
    %broadcast_in_dim3A_1542 = vector.broadcast %jit3A_1541 : i32 to vector<256x16xi32>
    %select_n3A_1543 = arith.select %eq3A_1540, %iota3A, %broadcast_in_dim3A_1542 : vector<256x16xi1>, vector<256x16xi32>
    %reduce_min3A_1544 = arith.constant dense<2147483647> : vector<256xi32>
    %reduce_min3A_1545 = vector.multi_reduction <minsi>, %select_n3A_1543, %reduce_min3A_1544 [1] : vector<256x16xi32> to vector<256xi32>
    %broadcast_in_dim3A_1546 = vector.shape_cast %reduce_min3A_1545 : vector<256xi32> to vector<256x1xi32>
    %swap3A_1547 = arith.constant 0 : index
    %swap3A_1548 = arith.constant 0 : index
    %swap3A_1549 = arith.constant 62 : index
    %swap3A_1550 = vector.load %arg4[%swap3A_1547, %swap3A_1548, %swap3A_1549] : memref<1x256x120xi32, #tpu.memory_space<vmem>>, vector<1x256x1xi32>
    %swap3A_1551 = vector.shape_cast %swap3A_1550 : vector<1x256x1xi32> to vector<256x1xi32>
    %swap3A_1552 = vector.shape_cast %broadcast_in_dim3A_1546 : vector<256x1xi32> to vector<1x256x1xi32>
    tpu.vector_store %arg4[%swap3A_1547, %swap3A_1548, %swap3A_1549], %swap3A_1552 {strides = array<i32>} : memref<1x256x120xi32, #tpu.memory_space<vmem>>, vector<1x256x1xi32>,
    %sub3A_1553 = arith.constant -0.0318198092 : f32
    %sub3A_1554 = vector.broadcast %sub3A_1553 : f32 to vector<256x16xf32>
    %sub3A_1555 = arith.subf %sub3A_1554, %get3A_3 : vector<256x16xf32>
    %sub3A_1556 = arith.constant -3.181980e-02 : f32
    %sub3A_1557 = vector.broadcast %sub3A_1556 : f32 to vector<256x16xf32>
    %sub3A_1558 = arith.subf %sub3A_1557, %get3A_8 : vector<256x16xf32>
    %mul3A_1559 = arith.mulf %sub3A_1555, %sub3A_1555 : vector<256x16xf32>
    %mul3A_1560 = arith.mulf %sub3A_1558, %sub3A_1558 : vector<256x16xf32>
    %add3A_1561 = arith.addf %mul3A_1559, %mul3A_1560 : vector<256x16xf32>
    %add3A_1562 = arith.constant 1.000000e-16 : f32
    %add3A_1563 = vector.broadcast %add3A_1562 : f32 to vector<256x16xf32>
    %add3A_1564 = arith.addf %add3A_1561, %add3A_1563 : vector<256x16xf32>
    %sqrt3A_1565 = math.sqrt %add3A_1564 : vector<256x16xf32>
    %reduce_min3A_1566 = arith.constant dense<0x7F800000> : vector<256xf32>
    %reduce_min3A_1567 = vector.multi_reduction <minimumf>, %sqrt3A_1565, %reduce_min3A_1566 [1] : vector<256x16xf32> to vector<256xf32>
    %broadcast_in_dim3A_1568 = vector.shape_cast %reduce_min3A_1567 : vector<256xf32> to vector<256x1xf32>
    %eq3A_1569 = vector.broadcast %broadcast_in_dim3A_1568 : vector<256x1xf32> to vector<256x16xf32>
    %eq3A_1570 = arith.cmpf oeq, %sqrt3A_1565, %eq3A_1569 : vector<256x16xf32>
    %jit3A_1571 = arith.constant 16 : i32
    %broadcast_in_dim3A_1572 = vector.broadcast %jit3A_1571 : i32 to vector<256x16xi32>
    %select_n3A_1573 = arith.select %eq3A_1570, %iota3A, %broadcast_in_dim3A_1572 : vector<256x16xi1>, vector<256x16xi32>
    %reduce_min3A_1574 = arith.constant dense<2147483647> : vector<256xi32>
    %reduce_min3A_1575 = vector.multi_reduction <minsi>, %select_n3A_1573, %reduce_min3A_1574 [1] : vector<256x16xi32> to vector<256xi32>
    %broadcast_in_dim3A_1576 = vector.shape_cast %reduce_min3A_1575 : vector<256xi32> to vector<256x1xi32>
    %swap3A_1577 = arith.constant 0 : index
    %swap3A_1578 = arith.constant 0 : index
    %swap3A_1579 = arith.constant 63 : index
    %swap3A_1580 = vector.load %arg4[%swap3A_1577, %swap3A_1578, %swap3A_1579] : memref<1x256x120xi32, #tpu.memory_space<vmem>>, vector<1x256x1xi32>
    %swap3A_1581 = vector.shape_cast %swap3A_1580 : vector<1x256x1xi32> to vector<256x1xi32>
    %swap3A_1582 = vector.shape_cast %broadcast_in_dim3A_1576 : vector<256x1xi32> to vector<1x256x1xi32>
    tpu.vector_store %arg4[%swap3A_1577, %swap3A_1578, %swap3A_1579], %swap3A_1582 {strides = array<i32>} : memref<1x256x120xi32, #tpu.memory_space<vmem>>, vector<1x256x1xi32>,
    %eq3A_1583 = vector.broadcast %broadcast_in_dim3A_1576 : vector<256x1xi32> to vector<256x16xi32>
    %eq3A_1584 = arith.cmpi eq, %iota3A, %eq3A_1583 : vector<256x16xi32>
    %jit3A_1585 = arith.constant 0x7F800000 : f32
    %broadcast_in_dim3A_1586 = vector.broadcast %jit3A_1585 : f32 to vector<256x16xf32>
    %select_n3A_1587 = arith.select %eq3A_1584, %broadcast_in_dim3A_1586, %sqrt3A_1565 : vector<256x16xi1>, vector<256x16xf32>
    %reduce_min3A_1588 = arith.constant dense<0x7F800000> : vector<256xf32>
    %reduce_min3A_1589 = vector.multi_reduction <minimumf>, %select_n3A_1587, %reduce_min3A_1588 [1] : vector<256x16xf32> to vector<256xf32>
    %broadcast_in_dim3A_1590 = vector.shape_cast %reduce_min3A_1589 : vector<256xf32> to vector<256x1xf32>
    %eq3A_1591 = vector.broadcast %broadcast_in_dim3A_1590 : vector<256x1xf32> to vector<256x16xf32>
    %eq3A_1592 = arith.cmpf oeq, %select_n3A_1587, %eq3A_1591 : vector<256x16xf32>
    %jit3A_1593 = arith.constant 16 : i32
    %broadcast_in_dim3A_1594 = vector.broadcast %jit3A_1593 : i32 to vector<256x16xi32>
    %select_n3A_1595 = arith.select %eq3A_1592, %iota3A, %broadcast_in_dim3A_1594 : vector<256x16xi1>, vector<256x16xi32>
    %reduce_min3A_1596 = arith.constant dense<2147483647> : vector<256xi32>
    %reduce_min3A_1597 = vector.multi_reduction <minsi>, %select_n3A_1595, %reduce_min3A_1596 [1] : vector<256x16xi32> to vector<256xi32>
    %broadcast_in_dim3A_1598 = vector.shape_cast %reduce_min3A_1597 : vector<256xi32> to vector<256x1xi32>
    %swap3A_1599 = arith.constant 0 : index
    %swap3A_1600 = arith.constant 0 : index
    %swap3A_1601 = arith.constant 64 : index
    %swap3A_1602 = vector.load %arg4[%swap3A_1599, %swap3A_1600, %swap3A_1601] : memref<1x256x120xi32, #tpu.memory_space<vmem>>, vector<1x256x1xi32>
    %swap3A_1603 = vector.shape_cast %swap3A_1602 : vector<1x256x1xi32> to vector<256x1xi32>
    %swap3A_1604 = vector.shape_cast %broadcast_in_dim3A_1598 : vector<256x1xi32> to vector<1x256x1xi32>
    tpu.vector_store %arg4[%swap3A_1599, %swap3A_1600, %swap3A_1601], %swap3A_1604 {strides = array<i32>} : memref<1x256x120xi32, #tpu.memory_space<vmem>>, vector<1x256x1xi32>,
    %eq3A_1605 = vector.broadcast %broadcast_in_dim3A_1598 : vector<256x1xi32> to vector<256x16xi32>
    %eq3A_1606 = arith.cmpi eq, %iota3A, %eq3A_1605 : vector<256x16xi32>
    %jit3A_1607 = arith.constant 0x7F800000 : f32
    %broadcast_in_dim3A_1608 = vector.broadcast %jit3A_1607 : f32 to vector<256x16xf32>
    %select_n3A_1609 = arith.select %eq3A_1606, %broadcast_in_dim3A_1608, %select_n3A_1587 : vector<256x16xi1>, vector<256x16xf32>
    %reduce_min3A_1610 = arith.constant dense<0x7F800000> : vector<256xf32>
    %reduce_min3A_1611 = vector.multi_reduction <minimumf>, %select_n3A_1609, %reduce_min3A_1610 [1] : vector<256x16xf32> to vector<256xf32>
    %broadcast_in_dim3A_1612 = vector.shape_cast %reduce_min3A_1611 : vector<256xf32> to vector<256x1xf32>
    %eq3A_1613 = vector.broadcast %broadcast_in_dim3A_1612 : vector<256x1xf32> to vector<256x16xf32>
    %eq3A_1614 = arith.cmpf oeq, %select_n3A_1609, %eq3A_1613 : vector<256x16xf32>
    %jit3A_1615 = arith.constant 16 : i32
    %broadcast_in_dim3A_1616 = vector.broadcast %jit3A_1615 : i32 to vector<256x16xi32>
    %select_n3A_1617 = arith.select %eq3A_1614, %iota3A, %broadcast_in_dim3A_1616 : vector<256x16xi1>, vector<256x16xi32>
    %reduce_min3A_1618 = arith.constant dense<2147483647> : vector<256xi32>
    %reduce_min3A_1619 = vector.multi_reduction <minsi>, %select_n3A_1617, %reduce_min3A_1618 [1] : vector<256x16xi32> to vector<256xi32>
    %broadcast_in_dim3A_1620 = vector.shape_cast %reduce_min3A_1619 : vector<256xi32> to vector<256x1xi32>
    %swap3A_1621 = arith.constant 0 : index
    %swap3A_1622 = arith.constant 0 : index
    %swap3A_1623 = arith.constant 65 : index
    %swap3A_1624 = vector.load %arg4[%swap3A_1621, %swap3A_1622, %swap3A_1623] : memref<1x256x120xi32, #tpu.memory_space<vmem>>, vector<1x256x1xi32>
    %swap3A_1625 = vector.shape_cast %swap3A_1624 : vector<1x256x1xi32> to vector<256x1xi32>
    %swap3A_1626 = vector.shape_cast %broadcast_in_dim3A_1620 : vector<256x1xi32> to vector<1x256x1xi32>
    tpu.vector_store %arg4[%swap3A_1621, %swap3A_1622, %swap3A_1623], %swap3A_1626 {strides = array<i32>} : memref<1x256x120xi32, #tpu.memory_space<vmem>>, vector<1x256x1xi32>,
    %sub3A_1627 = arith.constant 5.36619638E-10 : f32
    %sub3A_1628 = vector.broadcast %sub3A_1627 : f32 to vector<256x16xf32>
    %sub3A_1629 = arith.subf %sub3A_1628, %get3A_3 : vector<256x16xf32>
    %sub3A_1630 = arith.constant -4.500000e-02 : f32
    %sub3A_1631 = vector.broadcast %sub3A_1630 : f32 to vector<256x16xf32>
    %sub3A_1632 = arith.subf %sub3A_1631, %get3A_8 : vector<256x16xf32>
    %mul3A_1633 = arith.mulf %sub3A_1629, %sub3A_1629 : vector<256x16xf32>
    %mul3A_1634 = arith.mulf %sub3A_1632, %sub3A_1632 : vector<256x16xf32>
    %add3A_1635 = arith.addf %mul3A_1633, %mul3A_1634 : vector<256x16xf32>
    %add3A_1636 = arith.constant 1.000000e-16 : f32
    %add3A_1637 = vector.broadcast %add3A_1636 : f32 to vector<256x16xf32>
    %add3A_1638 = arith.addf %add3A_1635, %add3A_1637 : vector<256x16xf32>
    %sqrt3A_1639 = math.sqrt %add3A_1638 : vector<256x16xf32>
    %reduce_min3A_1640 = arith.constant dense<0x7F800000> : vector<256xf32>
    %reduce_min3A_1641 = vector.multi_reduction <minimumf>, %sqrt3A_1639, %reduce_min3A_1640 [1] : vector<256x16xf32> to vector<256xf32>
    %broadcast_in_dim3A_1642 = vector.shape_cast %reduce_min3A_1641 : vector<256xf32> to vector<256x1xf32>
    %eq3A_1643 = vector.broadcast %broadcast_in_dim3A_1642 : vector<256x1xf32> to vector<256x16xf32>
    %eq3A_1644 = arith.cmpf oeq, %sqrt3A_1639, %eq3A_1643 : vector<256x16xf32>
    %jit3A_1645 = arith.constant 16 : i32
    %broadcast_in_dim3A_1646 = vector.broadcast %jit3A_1645 : i32 to vector<256x16xi32>
    %select_n3A_1647 = arith.select %eq3A_1644, %iota3A, %broadcast_in_dim3A_1646 : vector<256x16xi1>, vector<256x16xi32>
    %reduce_min3A_1648 = arith.constant dense<2147483647> : vector<256xi32>
    %reduce_min3A_1649 = vector.multi_reduction <minsi>, %select_n3A_1647, %reduce_min3A_1648 [1] : vector<256x16xi32> to vector<256xi32>
    %broadcast_in_dim3A_1650 = vector.shape_cast %reduce_min3A_1649 : vector<256xi32> to vector<256x1xi32>
    %swap3A_1651 = arith.constant 0 : index
    %swap3A_1652 = arith.constant 0 : index
    %swap3A_1653 = arith.constant 66 : index
    %swap3A_1654 = vector.load %arg4[%swap3A_1651, %swap3A_1652, %swap3A_1653] : memref<1x256x120xi32, #tpu.memory_space<vmem>>, vector<1x256x1xi32>
    %swap3A_1655 = vector.shape_cast %swap3A_1654 : vector<1x256x1xi32> to vector<256x1xi32>
    %swap3A_1656 = vector.shape_cast %broadcast_in_dim3A_1650 : vector<256x1xi32> to vector<1x256x1xi32>
    tpu.vector_store %arg4[%swap3A_1651, %swap3A_1652, %swap3A_1653], %swap3A_1656 {strides = array<i32>} : memref<1x256x120xi32, #tpu.memory_space<vmem>>, vector<1x256x1xi32>,
    %eq3A_1657 = vector.broadcast %broadcast_in_dim3A_1650 : vector<256x1xi32> to vector<256x16xi32>
    %eq3A_1658 = arith.cmpi eq, %iota3A, %eq3A_1657 : vector<256x16xi32>
    %jit3A_1659 = arith.constant 0x7F800000 : f32
    %broadcast_in_dim3A_1660 = vector.broadcast %jit3A_1659 : f32 to vector<256x16xf32>
    %select_n3A_1661 = arith.select %eq3A_1658, %broadcast_in_dim3A_1660, %sqrt3A_1639 : vector<256x16xi1>, vector<256x16xf32>
    %reduce_min3A_1662 = arith.constant dense<0x7F800000> : vector<256xf32>
    %reduce_min3A_1663 = vector.multi_reduction <minimumf>, %select_n3A_1661, %reduce_min3A_1662 [1] : vector<256x16xf32> to vector<256xf32>
    %broadcast_in_dim3A_1664 = vector.shape_cast %reduce_min3A_1663 : vector<256xf32> to vector<256x1xf32>
    %eq3A_1665 = vector.broadcast %broadcast_in_dim3A_1664 : vector<256x1xf32> to vector<256x16xf32>
    %eq3A_1666 = arith.cmpf oeq, %select_n3A_1661, %eq3A_1665 : vector<256x16xf32>
    %jit3A_1667 = arith.constant 16 : i32
    %broadcast_in_dim3A_1668 = vector.broadcast %jit3A_1667 : i32 to vector<256x16xi32>
    %select_n3A_1669 = arith.select %eq3A_1666, %iota3A, %broadcast_in_dim3A_1668 : vector<256x16xi1>, vector<256x16xi32>
    %reduce_min3A_1670 = arith.constant dense<2147483647> : vector<256xi32>
    %reduce_min3A_1671 = vector.multi_reduction <minsi>, %select_n3A_1669, %reduce_min3A_1670 [1] : vector<256x16xi32> to vector<256xi32>
    %broadcast_in_dim3A_1672 = vector.shape_cast %reduce_min3A_1671 : vector<256xi32> to vector<256x1xi32>
    %swap3A_1673 = arith.constant 0 : index
    %swap3A_1674 = arith.constant 0 : index
    %swap3A_1675 = arith.constant 67 : index
    %swap3A_1676 = vector.load %arg4[%swap3A_1673, %swap3A_1674, %swap3A_1675] : memref<1x256x120xi32, #tpu.memory_space<vmem>>, vector<1x256x1xi32>
    %swap3A_1677 = vector.shape_cast %swap3A_1676 : vector<1x256x1xi32> to vector<256x1xi32>
    %swap3A_1678 = vector.shape_cast %broadcast_in_dim3A_1672 : vector<256x1xi32> to vector<1x256x1xi32>
    tpu.vector_store %arg4[%swap3A_1673, %swap3A_1674, %swap3A_1675], %swap3A_1678 {strides = array<i32>} : memref<1x256x120xi32, #tpu.memory_space<vmem>>, vector<1x256x1xi32>,
    %eq3A_1679 = vector.broadcast %broadcast_in_dim3A_1672 : vector<256x1xi32> to vector<256x16xi32>
    %eq3A_1680 = arith.cmpi eq, %iota3A, %eq3A_1679 : vector<256x16xi32>
    %jit3A_1681 = arith.constant 0x7F800000 : f32
    %broadcast_in_dim3A_1682 = vector.broadcast %jit3A_1681 : f32 to vector<256x16xf32>
    %select_n3A_1683 = arith.select %eq3A_1680, %broadcast_in_dim3A_1682, %select_n3A_1661 : vector<256x16xi1>, vector<256x16xf32>
    %reduce_min3A_1684 = arith.constant dense<0x7F800000> : vector<256xf32>
    %reduce_min3A_1685 = vector.multi_reduction <minimumf>, %select_n3A_1683, %reduce_min3A_1684 [1] : vector<256x16xf32> to vector<256xf32>
    %broadcast_in_dim3A_1686 = vector.shape_cast %reduce_min3A_1685 : vector<256xf32> to vector<256x1xf32>
    %eq3A_1687 = vector.broadcast %broadcast_in_dim3A_1686 : vector<256x1xf32> to vector<256x16xf32>
    %eq3A_1688 = arith.cmpf oeq, %select_n3A_1683, %eq3A_1687 : vector<256x16xf32>
    %jit3A_1689 = arith.constant 16 : i32
    %broadcast_in_dim3A_1690 = vector.broadcast %jit3A_1689 : i32 to vector<256x16xi32>
    %select_n3A_1691 = arith.select %eq3A_1688, %iota3A, %broadcast_in_dim3A_1690 : vector<256x16xi1>, vector<256x16xi32>
    %reduce_min3A_1692 = arith.constant dense<2147483647> : vector<256xi32>
    %reduce_min3A_1693 = vector.multi_reduction <minsi>, %select_n3A_1691, %reduce_min3A_1692 [1] : vector<256x16xi32> to vector<256xi32>
    %broadcast_in_dim3A_1694 = vector.shape_cast %reduce_min3A_1693 : vector<256xi32> to vector<256x1xi32>
    %swap3A_1695 = arith.constant 0 : index
    %swap3A_1696 = arith.constant 0 : index
    %swap3A_1697 = arith.constant 68 : index
    %swap3A_1698 = vector.load %arg4[%swap3A_1695, %swap3A_1696, %swap3A_1697] : memref<1x256x120xi32, #tpu.memory_space<vmem>>, vector<1x256x1xi32>
    %swap3A_1699 = vector.shape_cast %swap3A_1698 : vector<1x256x1xi32> to vector<256x1xi32>
    %swap3A_1700 = vector.shape_cast %broadcast_in_dim3A_1694 : vector<256x1xi32> to vector<1x256x1xi32>
    tpu.vector_store %arg4[%swap3A_1695, %swap3A_1696, %swap3A_1697], %swap3A_1700 {strides = array<i32>} : memref<1x256x120xi32, #tpu.memory_space<vmem>>, vector<1x256x1xi32>,
    %sub3A_1701 = arith.constant 3.181980e-02 : f32
    %sub3A_1702 = vector.broadcast %sub3A_1701 : f32 to vector<256x16xf32>
    %sub3A_1703 = arith.subf %sub3A_1702, %get3A_3 : vector<256x16xf32>
    %sub3A_1704 = arith.constant -0.031819813 : f32
    %sub3A_1705 = vector.broadcast %sub3A_1704 : f32 to vector<256x16xf32>
    %sub3A_1706 = arith.subf %sub3A_1705, %get3A_8 : vector<256x16xf32>
    %mul3A_1707 = arith.mulf %sub3A_1703, %sub3A_1703 : vector<256x16xf32>
    %mul3A_1708 = arith.mulf %sub3A_1706, %sub3A_1706 : vector<256x16xf32>
    %add3A_1709 = arith.addf %mul3A_1707, %mul3A_1708 : vector<256x16xf32>
    %add3A_1710 = arith.constant 1.000000e-16 : f32
    %add3A_1711 = vector.broadcast %add3A_1710 : f32 to vector<256x16xf32>
    %add3A_1712 = arith.addf %add3A_1709, %add3A_1711 : vector<256x16xf32>
    %sqrt3A_1713 = math.sqrt %add3A_1712 : vector<256x16xf32>
    %reduce_min3A_1714 = arith.constant dense<0x7F800000> : vector<256xf32>
    %reduce_min3A_1715 = vector.multi_reduction <minimumf>, %sqrt3A_1713, %reduce_min3A_1714 [1] : vector<256x16xf32> to vector<256xf32>
    %broadcast_in_dim3A_1716 = vector.shape_cast %reduce_min3A_1715 : vector<256xf32> to vector<256x1xf32>
    %eq3A_1717 = vector.broadcast %broadcast_in_dim3A_1716 : vector<256x1xf32> to vector<256x16xf32>
    %eq3A_1718 = arith.cmpf oeq, %sqrt3A_1713, %eq3A_1717 : vector<256x16xf32>
    %jit3A_1719 = arith.constant 16 : i32
    %broadcast_in_dim3A_1720 = vector.broadcast %jit3A_1719 : i32 to vector<256x16xi32>
    %select_n3A_1721 = arith.select %eq3A_1718, %iota3A, %broadcast_in_dim3A_1720 : vector<256x16xi1>, vector<256x16xi32>
    %reduce_min3A_1722 = arith.constant dense<2147483647> : vector<256xi32>
    %reduce_min3A_1723 = vector.multi_reduction <minsi>, %select_n3A_1721, %reduce_min3A_1722 [1] : vector<256x16xi32> to vector<256xi32>
    %broadcast_in_dim3A_1724 = vector.shape_cast %reduce_min3A_1723 : vector<256xi32> to vector<256x1xi32>
    %swap3A_1725 = arith.constant 0 : index
    %swap3A_1726 = arith.constant 0 : index
    %swap3A_1727 = arith.constant 69 : index
    %swap3A_1728 = vector.load %arg4[%swap3A_1725, %swap3A_1726, %swap3A_1727] : memref<1x256x120xi32, #tpu.memory_space<vmem>>, vector<1x256x1xi32>
    %swap3A_1729 = vector.shape_cast %swap3A_1728 : vector<1x256x1xi32> to vector<256x1xi32>
    %swap3A_1730 = vector.shape_cast %broadcast_in_dim3A_1724 : vector<256x1xi32> to vector<1x256x1xi32>
    tpu.vector_store %arg4[%swap3A_1725, %swap3A_1726, %swap3A_1727], %swap3A_1730 {strides = array<i32>} : memref<1x256x120xi32, #tpu.memory_space<vmem>>, vector<1x256x1xi32>,
    %eq3A_1731 = vector.broadcast %broadcast_in_dim3A_1724 : vector<256x1xi32> to vector<256x16xi32>
    %eq3A_1732 = arith.cmpi eq, %iota3A, %eq3A_1731 : vector<256x16xi32>
    %jit3A_1733 = arith.constant 0x7F800000 : f32
    %broadcast_in_dim3A_1734 = vector.broadcast %jit3A_1733 : f32 to vector<256x16xf32>
    %select_n3A_1735 = arith.select %eq3A_1732, %broadcast_in_dim3A_1734, %sqrt3A_1713 : vector<256x16xi1>, vector<256x16xf32>
    %reduce_min3A_1736 = arith.constant dense<0x7F800000> : vector<256xf32>
    %reduce_min3A_1737 = vector.multi_reduction <minimumf>, %select_n3A_1735, %reduce_min3A_1736 [1] : vector<256x16xf32> to vector<256xf32>
    %broadcast_in_dim3A_1738 = vector.shape_cast %reduce_min3A_1737 : vector<256xf32> to vector<256x1xf32>
    %eq3A_1739 = vector.broadcast %broadcast_in_dim3A_1738 : vector<256x1xf32> to vector<256x16xf32>
    %eq3A_1740 = arith.cmpf oeq, %select_n3A_1735, %eq3A_1739 : vector<256x16xf32>
    %jit3A_1741 = arith.constant 16 : i32
    %broadcast_in_dim3A_1742 = vector.broadcast %jit3A_1741 : i32 to vector<256x16xi32>
    %select_n3A_1743 = arith.select %eq3A_1740, %iota3A, %broadcast_in_dim3A_1742 : vector<256x16xi1>, vector<256x16xi32>
    %reduce_min3A_1744 = arith.constant dense<2147483647> : vector<256xi32>
    %reduce_min3A_1745 = vector.multi_reduction <minsi>, %select_n3A_1743, %reduce_min3A_1744 [1] : vector<256x16xi32> to vector<256xi32>
    %broadcast_in_dim3A_1746 = vector.shape_cast %reduce_min3A_1745 : vector<256xi32> to vector<256x1xi32>
    %swap3A_1747 = arith.constant 0 : index
    %swap3A_1748 = arith.constant 0 : index
    %swap3A_1749 = arith.constant 70 : index
    %swap3A_1750 = vector.load %arg4[%swap3A_1747, %swap3A_1748, %swap3A_1749] : memref<1x256x120xi32, #tpu.memory_space<vmem>>, vector<1x256x1xi32>
    %swap3A_1751 = vector.shape_cast %swap3A_1750 : vector<1x256x1xi32> to vector<256x1xi32>
    %swap3A_1752 = vector.shape_cast %broadcast_in_dim3A_1746 : vector<256x1xi32> to vector<1x256x1xi32>
    tpu.vector_store %arg4[%swap3A_1747, %swap3A_1748, %swap3A_1749], %swap3A_1752 {strides = array<i32>} : memref<1x256x120xi32, #tpu.memory_space<vmem>>, vector<1x256x1xi32>,
    %eq3A_1753 = vector.broadcast %broadcast_in_dim3A_1746 : vector<256x1xi32> to vector<256x16xi32>
    %eq3A_1754 = arith.cmpi eq, %iota3A, %eq3A_1753 : vector<256x16xi32>
    %jit3A_1755 = arith.constant 0x7F800000 : f32
    %broadcast_in_dim3A_1756 = vector.broadcast %jit3A_1755 : f32 to vector<256x16xf32>
    %select_n3A_1757 = arith.select %eq3A_1754, %broadcast_in_dim3A_1756, %select_n3A_1735 : vector<256x16xi1>, vector<256x16xf32>
    %reduce_min3A_1758 = arith.constant dense<0x7F800000> : vector<256xf32>
    %reduce_min3A_1759 = vector.multi_reduction <minimumf>, %select_n3A_1757, %reduce_min3A_1758 [1] : vector<256x16xf32> to vector<256xf32>
    %broadcast_in_dim3A_1760 = vector.shape_cast %reduce_min3A_1759 : vector<256xf32> to vector<256x1xf32>
    %eq3A_1761 = vector.broadcast %broadcast_in_dim3A_1760 : vector<256x1xf32> to vector<256x16xf32>
    %eq3A_1762 = arith.cmpf oeq, %select_n3A_1757, %eq3A_1761 : vector<256x16xf32>
    %jit3A_1763 = arith.constant 16 : i32
    %broadcast_in_dim3A_1764 = vector.broadcast %jit3A_1763 : i32 to vector<256x16xi32>
    %select_n3A_1765 = arith.select %eq3A_1762, %iota3A, %broadcast_in_dim3A_1764 : vector<256x16xi1>, vector<256x16xi32>
    %reduce_min3A_1766 = arith.constant dense<2147483647> : vector<256xi32>
    %reduce_min3A_1767 = vector.multi_reduction <minsi>, %select_n3A_1765, %reduce_min3A_1766 [1] : vector<256x16xi32> to vector<256xi32>
    %broadcast_in_dim3A_1768 = vector.shape_cast %reduce_min3A_1767 : vector<256xi32> to vector<256x1xi32>
    %swap3A_1769 = arith.constant 0 : index
    %swap3A_1770 = arith.constant 0 : index
    %swap3A_1771 = arith.constant 71 : index
    %swap3A_1772 = vector.load %arg4[%swap3A_1769, %swap3A_1770, %swap3A_1771] : memref<1x256x120xi32, #tpu.memory_space<vmem>>, vector<1x256x1xi32>
    %swap3A_1773 = vector.shape_cast %swap3A_1772 : vector<1x256x1xi32> to vector<256x1xi32>
    %swap3A_1774 = vector.shape_cast %broadcast_in_dim3A_1768 : vector<256x1xi32> to vector<1x256x1xi32>
    tpu.vector_store %arg4[%swap3A_1769, %swap3A_1770, %swap3A_1771], %swap3A_1774 {strides = array<i32>} : memref<1x256x120xi32, #tpu.memory_space<vmem>>, vector<1x256x1xi32>,
    %sub3A_1775 = arith.constant 0.0600000024 : f32
    %sub3A_1776 = vector.broadcast %sub3A_1775 : f32 to vector<256x16xf32>
    %sub3A_1777 = arith.subf %sub3A_1776, %get3A_3 : vector<256x16xf32>
    %sub3A_1778 = arith.constant 0.000000e+00 : f32
    %sub3A_1779 = vector.broadcast %sub3A_1778 : f32 to vector<256x16xf32>
    %sub3A_1780 = arith.subf %sub3A_1779, %get3A_8 : vector<256x16xf32>
    %mul3A_1781 = arith.mulf %sub3A_1777, %sub3A_1777 : vector<256x16xf32>
    %mul3A_1782 = arith.mulf %sub3A_1780, %sub3A_1780 : vector<256x16xf32>
    %add3A_1783 = arith.addf %mul3A_1781, %mul3A_1782 : vector<256x16xf32>
    %add3A_1784 = arith.constant 1.000000e-16 : f32
    %add3A_1785 = vector.broadcast %add3A_1784 : f32 to vector<256x16xf32>
    %add3A_1786 = arith.addf %add3A_1783, %add3A_1785 : vector<256x16xf32>
    %sqrt3A_1787 = math.sqrt %add3A_1786 : vector<256x16xf32>
    %reduce_min3A_1788 = arith.constant dense<0x7F800000> : vector<256xf32>
    %reduce_min3A_1789 = vector.multi_reduction <minimumf>, %sqrt3A_1787, %reduce_min3A_1788 [1] : vector<256x16xf32> to vector<256xf32>
    %broadcast_in_dim3A_1790 = vector.shape_cast %reduce_min3A_1789 : vector<256xf32> to vector<256x1xf32>
    %eq3A_1791 = vector.broadcast %broadcast_in_dim3A_1790 : vector<256x1xf32> to vector<256x16xf32>
    %eq3A_1792 = arith.cmpf oeq, %sqrt3A_1787, %eq3A_1791 : vector<256x16xf32>
    %jit3A_1793 = arith.constant 16 : i32
    %broadcast_in_dim3A_1794 = vector.broadcast %jit3A_1793 : i32 to vector<256x16xi32>
    %select_n3A_1795 = arith.select %eq3A_1792, %iota3A, %broadcast_in_dim3A_1794 : vector<256x16xi1>, vector<256x16xi32>
    %reduce_min3A_1796 = arith.constant dense<2147483647> : vector<256xi32>
    %reduce_min3A_1797 = vector.multi_reduction <minsi>, %select_n3A_1795, %reduce_min3A_1796 [1] : vector<256x16xi32> to vector<256xi32>
    %broadcast_in_dim3A_1798 = vector.shape_cast %reduce_min3A_1797 : vector<256xi32> to vector<256x1xi32>
    %swap3A_1799 = arith.constant 0 : index
    %swap3A_1800 = arith.constant 0 : index
    %swap3A_1801 = arith.constant 72 : index
    %swap3A_1802 = vector.load %arg4[%swap3A_1799, %swap3A_1800, %swap3A_1801] : memref<1x256x120xi32, #tpu.memory_space<vmem>>, vector<1x256x1xi32>
    %swap3A_1803 = vector.shape_cast %swap3A_1802 : vector<1x256x1xi32> to vector<256x1xi32>
    %swap3A_1804 = vector.shape_cast %broadcast_in_dim3A_1798 : vector<256x1xi32> to vector<1x256x1xi32>
    tpu.vector_store %arg4[%swap3A_1799, %swap3A_1800, %swap3A_1801], %swap3A_1804 {strides = array<i32>} : memref<1x256x120xi32, #tpu.memory_space<vmem>>, vector<1x256x1xi32>,
    %eq3A_1805 = vector.broadcast %broadcast_in_dim3A_1798 : vector<256x1xi32> to vector<256x16xi32>
    %eq3A_1806 = arith.cmpi eq, %iota3A, %eq3A_1805 : vector<256x16xi32>
    %jit3A_1807 = arith.constant 0x7F800000 : f32
    %broadcast_in_dim3A_1808 = vector.broadcast %jit3A_1807 : f32 to vector<256x16xf32>
    %select_n3A_1809 = arith.select %eq3A_1806, %broadcast_in_dim3A_1808, %sqrt3A_1787 : vector<256x16xi1>, vector<256x16xf32>
    %reduce_min3A_1810 = arith.constant dense<0x7F800000> : vector<256xf32>
    %reduce_min3A_1811 = vector.multi_reduction <minimumf>, %select_n3A_1809, %reduce_min3A_1810 [1] : vector<256x16xf32> to vector<256xf32>
    %broadcast_in_dim3A_1812 = vector.shape_cast %reduce_min3A_1811 : vector<256xf32> to vector<256x1xf32>
    %eq3A_1813 = vector.broadcast %broadcast_in_dim3A_1812 : vector<256x1xf32> to vector<256x16xf32>
    %eq3A_1814 = arith.cmpf oeq, %select_n3A_1809, %eq3A_1813 : vector<256x16xf32>
    %jit3A_1815 = arith.constant 16 : i32
    %broadcast_in_dim3A_1816 = vector.broadcast %jit3A_1815 : i32 to vector<256x16xi32>
    %select_n3A_1817 = arith.select %eq3A_1814, %iota3A, %broadcast_in_dim3A_1816 : vector<256x16xi1>, vector<256x16xi32>
    %reduce_min3A_1818 = arith.constant dense<2147483647> : vector<256xi32>
    %reduce_min3A_1819 = vector.multi_reduction <minsi>, %select_n3A_1817, %reduce_min3A_1818 [1] : vector<256x16xi32> to vector<256xi32>
    %broadcast_in_dim3A_1820 = vector.shape_cast %reduce_min3A_1819 : vector<256xi32> to vector<256x1xi32>
    %swap3A_1821 = arith.constant 0 : index
    %swap3A_1822 = arith.constant 0 : index
    %swap3A_1823 = arith.constant 73 : index
    %swap3A_1824 = vector.load %arg4[%swap3A_1821, %swap3A_1822, %swap3A_1823] : memref<1x256x120xi32, #tpu.memory_space<vmem>>, vector<1x256x1xi32>
    %swap3A_1825 = vector.shape_cast %swap3A_1824 : vector<1x256x1xi32> to vector<256x1xi32>
    %swap3A_1826 = vector.shape_cast %broadcast_in_dim3A_1820 : vector<256x1xi32> to vector<1x256x1xi32>
    tpu.vector_store %arg4[%swap3A_1821, %swap3A_1822, %swap3A_1823], %swap3A_1826 {strides = array<i32>} : memref<1x256x120xi32, #tpu.memory_space<vmem>>, vector<1x256x1xi32>,
    %eq3A_1827 = vector.broadcast %broadcast_in_dim3A_1820 : vector<256x1xi32> to vector<256x16xi32>
    %eq3A_1828 = arith.cmpi eq, %iota3A, %eq3A_1827 : vector<256x16xi32>
    %jit3A_1829 = arith.constant 0x7F800000 : f32
    %broadcast_in_dim3A_1830 = vector.broadcast %jit3A_1829 : f32 to vector<256x16xf32>
    %select_n3A_1831 = arith.select %eq3A_1828, %broadcast_in_dim3A_1830, %select_n3A_1809 : vector<256x16xi1>, vector<256x16xf32>
    %reduce_min3A_1832 = arith.constant dense<0x7F800000> : vector<256xf32>
    %reduce_min3A_1833 = vector.multi_reduction <minimumf>, %select_n3A_1831, %reduce_min3A_1832 [1] : vector<256x16xf32> to vector<256xf32>
    %broadcast_in_dim3A_1834 = vector.shape_cast %reduce_min3A_1833 : vector<256xf32> to vector<256x1xf32>
    %eq3A_1835 = vector.broadcast %broadcast_in_dim3A_1834 : vector<256x1xf32> to vector<256x16xf32>
    %eq3A_1836 = arith.cmpf oeq, %select_n3A_1831, %eq3A_1835 : vector<256x16xf32>
    %jit3A_1837 = arith.constant 16 : i32
    %broadcast_in_dim3A_1838 = vector.broadcast %jit3A_1837 : i32 to vector<256x16xi32>
    %select_n3A_1839 = arith.select %eq3A_1836, %iota3A, %broadcast_in_dim3A_1838 : vector<256x16xi1>, vector<256x16xi32>
    %reduce_min3A_1840 = arith.constant dense<2147483647> : vector<256xi32>
    %reduce_min3A_1841 = vector.multi_reduction <minsi>, %select_n3A_1839, %reduce_min3A_1840 [1] : vector<256x16xi32> to vector<256xi32>
    %broadcast_in_dim3A_1842 = vector.shape_cast %reduce_min3A_1841 : vector<256xi32> to vector<256x1xi32>
    %swap3A_1843 = arith.constant 0 : index
    %swap3A_1844 = arith.constant 0 : index
    %swap3A_1845 = arith.constant 74 : index
    %swap3A_1846 = vector.load %arg4[%swap3A_1843, %swap3A_1844, %swap3A_1845] : memref<1x256x120xi32, #tpu.memory_space<vmem>>, vector<1x256x1xi32>
    %swap3A_1847 = vector.shape_cast %swap3A_1846 : vector<1x256x1xi32> to vector<256x1xi32>
    %swap3A_1848 = vector.shape_cast %broadcast_in_dim3A_1842 : vector<256x1xi32> to vector<1x256x1xi32>
    tpu.vector_store %arg4[%swap3A_1843, %swap3A_1844, %swap3A_1845], %swap3A_1848 {strides = array<i32>} : memref<1x256x120xi32, #tpu.memory_space<vmem>>, vector<1x256x1xi32>,
    %sub3A_1849 = arith.constant 0.0424264073 : f32
    %sub3A_1850 = vector.broadcast %sub3A_1849 : f32 to vector<256x16xf32>
    %sub3A_1851 = arith.subf %sub3A_1850, %get3A_3 : vector<256x16xf32>
    %sub3A_1852 = arith.constant 0.0424264073 : f32
    %sub3A_1853 = vector.broadcast %sub3A_1852 : f32 to vector<256x16xf32>
    %sub3A_1854 = arith.subf %sub3A_1853, %get3A_8 : vector<256x16xf32>
    %mul3A_1855 = arith.mulf %sub3A_1851, %sub3A_1851 : vector<256x16xf32>
    %mul3A_1856 = arith.mulf %sub3A_1854, %sub3A_1854 : vector<256x16xf32>
    %add3A_1857 = arith.addf %mul3A_1855, %mul3A_1856 : vector<256x16xf32>
    %add3A_1858 = arith.constant 1.000000e-16 : f32
    %add3A_1859 = vector.broadcast %add3A_1858 : f32 to vector<256x16xf32>
    %add3A_1860 = arith.addf %add3A_1857, %add3A_1859 : vector<256x16xf32>
    %sqrt3A_1861 = math.sqrt %add3A_1860 : vector<256x16xf32>
    %reduce_min3A_1862 = arith.constant dense<0x7F800000> : vector<256xf32>
    %reduce_min3A_1863 = vector.multi_reduction <minimumf>, %sqrt3A_1861, %reduce_min3A_1862 [1] : vector<256x16xf32> to vector<256xf32>
    %broadcast_in_dim3A_1864 = vector.shape_cast %reduce_min3A_1863 : vector<256xf32> to vector<256x1xf32>
    %eq3A_1865 = vector.broadcast %broadcast_in_dim3A_1864 : vector<256x1xf32> to vector<256x16xf32>
    %eq3A_1866 = arith.cmpf oeq, %sqrt3A_1861, %eq3A_1865 : vector<256x16xf32>
    %jit3A_1867 = arith.constant 16 : i32
    %broadcast_in_dim3A_1868 = vector.broadcast %jit3A_1867 : i32 to vector<256x16xi32>
    %select_n3A_1869 = arith.select %eq3A_1866, %iota3A, %broadcast_in_dim3A_1868 : vector<256x16xi1>, vector<256x16xi32>
    %reduce_min3A_1870 = arith.constant dense<2147483647> : vector<256xi32>
    %reduce_min3A_1871 = vector.multi_reduction <minsi>, %select_n3A_1869, %reduce_min3A_1870 [1] : vector<256x16xi32> to vector<256xi32>
    %broadcast_in_dim3A_1872 = vector.shape_cast %reduce_min3A_1871 : vector<256xi32> to vector<256x1xi32>
    %swap3A_1873 = arith.constant 0 : index
    %swap3A_1874 = arith.constant 0 : index
    %swap3A_1875 = arith.constant 75 : index
    %swap3A_1876 = vector.load %arg4[%swap3A_1873, %swap3A_1874, %swap3A_1875] : memref<1x256x120xi32, #tpu.memory_space<vmem>>, vector<1x256x1xi32>
    %swap3A_1877 = vector.shape_cast %swap3A_1876 : vector<1x256x1xi32> to vector<256x1xi32>
    %swap3A_1878 = vector.shape_cast %broadcast_in_dim3A_1872 : vector<256x1xi32> to vector<1x256x1xi32>
    tpu.vector_store %arg4[%swap3A_1873, %swap3A_1874, %swap3A_1875], %swap3A_1878 {strides = array<i32>} : memref<1x256x120xi32, #tpu.memory_space<vmem>>, vector<1x256x1xi32>,
    %eq3A_1879 = vector.broadcast %broadcast_in_dim3A_1872 : vector<256x1xi32> to vector<256x16xi32>
    %eq3A_1880 = arith.cmpi eq, %iota3A, %eq3A_1879 : vector<256x16xi32>
    %jit3A_1881 = arith.constant 0x7F800000 : f32
    %broadcast_in_dim3A_1882 = vector.broadcast %jit3A_1881 : f32 to vector<256x16xf32>
    %select_n3A_1883 = arith.select %eq3A_1880, %broadcast_in_dim3A_1882, %sqrt3A_1861 : vector<256x16xi1>, vector<256x16xf32>
    %reduce_min3A_1884 = arith.constant dense<0x7F800000> : vector<256xf32>
    %reduce_min3A_1885 = vector.multi_reduction <minimumf>, %select_n3A_1883, %reduce_min3A_1884 [1] : vector<256x16xf32> to vector<256xf32>
    %broadcast_in_dim3A_1886 = vector.shape_cast %reduce_min3A_1885 : vector<256xf32> to vector<256x1xf32>
    %eq3A_1887 = vector.broadcast %broadcast_in_dim3A_1886 : vector<256x1xf32> to vector<256x16xf32>
    %eq3A_1888 = arith.cmpf oeq, %select_n3A_1883, %eq3A_1887 : vector<256x16xf32>
    %jit3A_1889 = arith.constant 16 : i32
    %broadcast_in_dim3A_1890 = vector.broadcast %jit3A_1889 : i32 to vector<256x16xi32>
    %select_n3A_1891 = arith.select %eq3A_1888, %iota3A, %broadcast_in_dim3A_1890 : vector<256x16xi1>, vector<256x16xi32>
    %reduce_min3A_1892 = arith.constant dense<2147483647> : vector<256xi32>
    %reduce_min3A_1893 = vector.multi_reduction <minsi>, %select_n3A_1891, %reduce_min3A_1892 [1] : vector<256x16xi32> to vector<256xi32>
    %broadcast_in_dim3A_1894 = vector.shape_cast %reduce_min3A_1893 : vector<256xi32> to vector<256x1xi32>
    %swap3A_1895 = arith.constant 0 : index
    %swap3A_1896 = arith.constant 0 : index
    %swap3A_1897 = arith.constant 76 : index
    %swap3A_1898 = vector.load %arg4[%swap3A_1895, %swap3A_1896, %swap3A_1897] : memref<1x256x120xi32, #tpu.memory_space<vmem>>, vector<1x256x1xi32>
    %swap3A_1899 = vector.shape_cast %swap3A_1898 : vector<1x256x1xi32> to vector<256x1xi32>
    %swap3A_1900 = vector.shape_cast %broadcast_in_dim3A_1894 : vector<256x1xi32> to vector<1x256x1xi32>
    tpu.vector_store %arg4[%swap3A_1895, %swap3A_1896, %swap3A_1897], %swap3A_1900 {strides = array<i32>} : memref<1x256x120xi32, #tpu.memory_space<vmem>>, vector<1x256x1xi32>,
    %eq3A_1901 = vector.broadcast %broadcast_in_dim3A_1894 : vector<256x1xi32> to vector<256x16xi32>
    %eq3A_1902 = arith.cmpi eq, %iota3A, %eq3A_1901 : vector<256x16xi32>
    %jit3A_1903 = arith.constant 0x7F800000 : f32
    %broadcast_in_dim3A_1904 = vector.broadcast %jit3A_1903 : f32 to vector<256x16xf32>
    %select_n3A_1905 = arith.select %eq3A_1902, %broadcast_in_dim3A_1904, %select_n3A_1883 : vector<256x16xi1>, vector<256x16xf32>
    %reduce_min3A_1906 = arith.constant dense<0x7F800000> : vector<256xf32>
    %reduce_min3A_1907 = vector.multi_reduction <minimumf>, %select_n3A_1905, %reduce_min3A_1906 [1] : vector<256x16xf32> to vector<256xf32>
    %broadcast_in_dim3A_1908 = vector.shape_cast %reduce_min3A_1907 : vector<256xf32> to vector<256x1xf32>
    %eq3A_1909 = vector.broadcast %broadcast_in_dim3A_1908 : vector<256x1xf32> to vector<256x16xf32>
    %eq3A_1910 = arith.cmpf oeq, %select_n3A_1905, %eq3A_1909 : vector<256x16xf32>
    %jit3A_1911 = arith.constant 16 : i32
    %broadcast_in_dim3A_1912 = vector.broadcast %jit3A_1911 : i32 to vector<256x16xi32>
    %select_n3A_1913 = arith.select %eq3A_1910, %iota3A, %broadcast_in_dim3A_1912 : vector<256x16xi1>, vector<256x16xi32>
    %reduce_min3A_1914 = arith.constant dense<2147483647> : vector<256xi32>
    %reduce_min3A_1915 = vector.multi_reduction <minsi>, %select_n3A_1913, %reduce_min3A_1914 [1] : vector<256x16xi32> to vector<256xi32>
    %broadcast_in_dim3A_1916 = vector.shape_cast %reduce_min3A_1915 : vector<256xi32> to vector<256x1xi32>
    %swap3A_1917 = arith.constant 0 : index
    %swap3A_1918 = arith.constant 0 : index
    %swap3A_1919 = arith.constant 77 : index
    %swap3A_1920 = vector.load %arg4[%swap3A_1917, %swap3A_1918, %swap3A_1919] : memref<1x256x120xi32, #tpu.memory_space<vmem>>, vector<1x256x1xi32>
    %swap3A_1921 = vector.shape_cast %swap3A_1920 : vector<1x256x1xi32> to vector<256x1xi32>
    %swap3A_1922 = vector.shape_cast %broadcast_in_dim3A_1916 : vector<256x1xi32> to vector<1x256x1xi32>
    tpu.vector_store %arg4[%swap3A_1917, %swap3A_1918, %swap3A_1919], %swap3A_1922 {strides = array<i32>} : memref<1x256x120xi32, #tpu.memory_space<vmem>>, vector<1x256x1xi32>,
    %sub3A_1923 = arith.constant -2.6226834E-9 : f32
    %sub3A_1924 = vector.broadcast %sub3A_1923 : f32 to vector<256x16xf32>
    %sub3A_1925 = arith.subf %sub3A_1924, %get3A_3 : vector<256x16xf32>
    %sub3A_1926 = arith.constant 0.0600000024 : f32
    %sub3A_1927 = vector.broadcast %sub3A_1926 : f32 to vector<256x16xf32>
    %sub3A_1928 = arith.subf %sub3A_1927, %get3A_8 : vector<256x16xf32>
    %mul3A_1929 = arith.mulf %sub3A_1925, %sub3A_1925 : vector<256x16xf32>
    %mul3A_1930 = arith.mulf %sub3A_1928, %sub3A_1928 : vector<256x16xf32>
    %add3A_1931 = arith.addf %mul3A_1929, %mul3A_1930 : vector<256x16xf32>
    %add3A_1932 = arith.constant 1.000000e-16 : f32
    %add3A_1933 = vector.broadcast %add3A_1932 : f32 to vector<256x16xf32>
    %add3A_1934 = arith.addf %add3A_1931, %add3A_1933 : vector<256x16xf32>
    %sqrt3A_1935 = math.sqrt %add3A_1934 : vector<256x16xf32>
    %reduce_min3A_1936 = arith.constant dense<0x7F800000> : vector<256xf32>
    %reduce_min3A_1937 = vector.multi_reduction <minimumf>, %sqrt3A_1935, %reduce_min3A_1936 [1] : vector<256x16xf32> to vector<256xf32>
    %broadcast_in_dim3A_1938 = vector.shape_cast %reduce_min3A_1937 : vector<256xf32> to vector<256x1xf32>
    %eq3A_1939 = vector.broadcast %broadcast_in_dim3A_1938 : vector<256x1xf32> to vector<256x16xf32>
    %eq3A_1940 = arith.cmpf oeq, %sqrt3A_1935, %eq3A_1939 : vector<256x16xf32>
    %jit3A_1941 = arith.constant 16 : i32
    %broadcast_in_dim3A_1942 = vector.broadcast %jit3A_1941 : i32 to vector<256x16xi32>
    %select_n3A_1943 = arith.select %eq3A_1940, %iota3A, %broadcast_in_dim3A_1942 : vector<256x16xi1>, vector<256x16xi32>
    %reduce_min3A_1944 = arith.constant dense<2147483647> : vector<256xi32>
    %reduce_min3A_1945 = vector.multi_reduction <minsi>, %select_n3A_1943, %reduce_min3A_1944 [1] : vector<256x16xi32> to vector<256xi32>
    %broadcast_in_dim3A_1946 = vector.shape_cast %reduce_min3A_1945 : vector<256xi32> to vector<256x1xi32>
    %swap3A_1947 = arith.constant 0 : index
    %swap3A_1948 = arith.constant 0 : index
    %swap3A_1949 = arith.constant 78 : index
    %swap3A_1950 = vector.load %arg4[%swap3A_1947, %swap3A_1948, %swap3A_1949] : memref<1x256x120xi32, #tpu.memory_space<vmem>>, vector<1x256x1xi32>
    %swap3A_1951 = vector.shape_cast %swap3A_1950 : vector<1x256x1xi32> to vector<256x1xi32>
    %swap3A_1952 = vector.shape_cast %broadcast_in_dim3A_1946 : vector<256x1xi32> to vector<1x256x1xi32>
    tpu.vector_store %arg4[%swap3A_1947, %swap3A_1948, %swap3A_1949], %swap3A_1952 {strides = array<i32>} : memref<1x256x120xi32, #tpu.memory_space<vmem>>, vector<1x256x1xi32>,
    %eq3A_1953 = vector.broadcast %broadcast_in_dim3A_1946 : vector<256x1xi32> to vector<256x16xi32>
    %eq3A_1954 = arith.cmpi eq, %iota3A, %eq3A_1953 : vector<256x16xi32>
    %jit3A_1955 = arith.constant 0x7F800000 : f32
    %broadcast_in_dim3A_1956 = vector.broadcast %jit3A_1955 : f32 to vector<256x16xf32>
    %select_n3A_1957 = arith.select %eq3A_1954, %broadcast_in_dim3A_1956, %sqrt3A_1935 : vector<256x16xi1>, vector<256x16xf32>
    %reduce_min3A_1958 = arith.constant dense<0x7F800000> : vector<256xf32>
    %reduce_min3A_1959 = vector.multi_reduction <minimumf>, %select_n3A_1957, %reduce_min3A_1958 [1] : vector<256x16xf32> to vector<256xf32>
    %broadcast_in_dim3A_1960 = vector.shape_cast %reduce_min3A_1959 : vector<256xf32> to vector<256x1xf32>
    %eq3A_1961 = vector.broadcast %broadcast_in_dim3A_1960 : vector<256x1xf32> to vector<256x16xf32>
    %eq3A_1962 = arith.cmpf oeq, %select_n3A_1957, %eq3A_1961 : vector<256x16xf32>
    %jit3A_1963 = arith.constant 16 : i32
    %broadcast_in_dim3A_1964 = vector.broadcast %jit3A_1963 : i32 to vector<256x16xi32>
    %select_n3A_1965 = arith.select %eq3A_1962, %iota3A, %broadcast_in_dim3A_1964 : vector<256x16xi1>, vector<256x16xi32>
    %reduce_min3A_1966 = arith.constant dense<2147483647> : vector<256xi32>
    %reduce_min3A_1967 = vector.multi_reduction <minsi>, %select_n3A_1965, %reduce_min3A_1966 [1] : vector<256x16xi32> to vector<256xi32>
    %broadcast_in_dim3A_1968 = vector.shape_cast %reduce_min3A_1967 : vector<256xi32> to vector<256x1xi32>
    %swap3A_1969 = arith.constant 0 : index
    %swap3A_1970 = arith.constant 0 : index
    %swap3A_1971 = arith.constant 79 : index
    %swap3A_1972 = vector.load %arg4[%swap3A_1969, %swap3A_1970, %swap3A_1971] : memref<1x256x120xi32, #tpu.memory_space<vmem>>, vector<1x256x1xi32>
    %swap3A_1973 = vector.shape_cast %swap3A_1972 : vector<1x256x1xi32> to vector<256x1xi32>
    %swap3A_1974 = vector.shape_cast %broadcast_in_dim3A_1968 : vector<256x1xi32> to vector<1x256x1xi32>
    tpu.vector_store %arg4[%swap3A_1969, %swap3A_1970, %swap3A_1971], %swap3A_1974 {strides = array<i32>} : memref<1x256x120xi32, #tpu.memory_space<vmem>>, vector<1x256x1xi32>,
    %eq3A_1975 = vector.broadcast %broadcast_in_dim3A_1968 : vector<256x1xi32> to vector<256x16xi32>
    %eq3A_1976 = arith.cmpi eq, %iota3A, %eq3A_1975 : vector<256x16xi32>
    %jit3A_1977 = arith.constant 0x7F800000 : f32
    %broadcast_in_dim3A_1978 = vector.broadcast %jit3A_1977 : f32 to vector<256x16xf32>
    %select_n3A_1979 = arith.select %eq3A_1976, %broadcast_in_dim3A_1978, %select_n3A_1957 : vector<256x16xi1>, vector<256x16xf32>
    %reduce_min3A_1980 = arith.constant dense<0x7F800000> : vector<256xf32>
    %reduce_min3A_1981 = vector.multi_reduction <minimumf>, %select_n3A_1979, %reduce_min3A_1980 [1] : vector<256x16xf32> to vector<256xf32>
    %broadcast_in_dim3A_1982 = vector.shape_cast %reduce_min3A_1981 : vector<256xf32> to vector<256x1xf32>
    %eq3A_1983 = vector.broadcast %broadcast_in_dim3A_1982 : vector<256x1xf32> to vector<256x16xf32>
    %eq3A_1984 = arith.cmpf oeq, %select_n3A_1979, %eq3A_1983 : vector<256x16xf32>
    %jit3A_1985 = arith.constant 16 : i32
    %broadcast_in_dim3A_1986 = vector.broadcast %jit3A_1985 : i32 to vector<256x16xi32>
    %select_n3A_1987 = arith.select %eq3A_1984, %iota3A, %broadcast_in_dim3A_1986 : vector<256x16xi1>, vector<256x16xi32>
    %reduce_min3A_1988 = arith.constant dense<2147483647> : vector<256xi32>
    %reduce_min3A_1989 = vector.multi_reduction <minsi>, %select_n3A_1987, %reduce_min3A_1988 [1] : vector<256x16xi32> to vector<256xi32>
    %broadcast_in_dim3A_1990 = vector.shape_cast %reduce_min3A_1989 : vector<256xi32> to vector<256x1xi32>
    %swap3A_1991 = arith.constant 0 : index
    %swap3A_1992 = arith.constant 0 : index
    %swap3A_1993 = arith.constant 80 : index
    %swap3A_1994 = vector.load %arg4[%swap3A_1991, %swap3A_1992, %swap3A_1993] : memref<1x256x120xi32, #tpu.memory_space<vmem>>, vector<1x256x1xi32>
    %swap3A_1995 = vector.shape_cast %swap3A_1994 : vector<1x256x1xi32> to vector<256x1xi32>
    %swap3A_1996 = vector.shape_cast %broadcast_in_dim3A_1990 : vector<256x1xi32> to vector<1x256x1xi32>
    tpu.vector_store %arg4[%swap3A_1991, %swap3A_1992, %swap3A_1993], %swap3A_1996 {strides = array<i32>} : memref<1x256x120xi32, #tpu.memory_space<vmem>>, vector<1x256x1xi32>,
    %sub3A_1997 = arith.constant -0.0424264073 : f32
    %sub3A_1998 = vector.broadcast %sub3A_1997 : f32 to vector<256x16xf32>
    %sub3A_1999 = arith.subf %sub3A_1998, %get3A_3 : vector<256x16xf32>
    %sub3A_2000 = arith.constant 0.0424264073 : f32
    %sub3A_2001 = vector.broadcast %sub3A_2000 : f32 to vector<256x16xf32>
    %sub3A_2002 = arith.subf %sub3A_2001, %get3A_8 : vector<256x16xf32>
    %mul3A_2003 = arith.mulf %sub3A_1999, %sub3A_1999 : vector<256x16xf32>
    %mul3A_2004 = arith.mulf %sub3A_2002, %sub3A_2002 : vector<256x16xf32>
    %add3A_2005 = arith.addf %mul3A_2003, %mul3A_2004 : vector<256x16xf32>
    %add3A_2006 = arith.constant 1.000000e-16 : f32
    %add3A_2007 = vector.broadcast %add3A_2006 : f32 to vector<256x16xf32>
    %add3A_2008 = arith.addf %add3A_2005, %add3A_2007 : vector<256x16xf32>
    %sqrt3A_2009 = math.sqrt %add3A_2008 : vector<256x16xf32>
    %reduce_min3A_2010 = arith.constant dense<0x7F800000> : vector<256xf32>
    %reduce_min3A_2011 = vector.multi_reduction <minimumf>, %sqrt3A_2009, %reduce_min3A_2010 [1] : vector<256x16xf32> to vector<256xf32>
    %broadcast_in_dim3A_2012 = vector.shape_cast %reduce_min3A_2011 : vector<256xf32> to vector<256x1xf32>
    %eq3A_2013 = vector.broadcast %broadcast_in_dim3A_2012 : vector<256x1xf32> to vector<256x16xf32>
    %eq3A_2014 = arith.cmpf oeq, %sqrt3A_2009, %eq3A_2013 : vector<256x16xf32>
    %jit3A_2015 = arith.constant 16 : i32
    %broadcast_in_dim3A_2016 = vector.broadcast %jit3A_2015 : i32 to vector<256x16xi32>
    %select_n3A_2017 = arith.select %eq3A_2014, %iota3A, %broadcast_in_dim3A_2016 : vector<256x16xi1>, vector<256x16xi32>
    %reduce_min3A_2018 = arith.constant dense<2147483647> : vector<256xi32>
    %reduce_min3A_2019 = vector.multi_reduction <minsi>, %select_n3A_2017, %reduce_min3A_2018 [1] : vector<256x16xi32> to vector<256xi32>
    %broadcast_in_dim3A_2020 = vector.shape_cast %reduce_min3A_2019 : vector<256xi32> to vector<256x1xi32>
    %swap3A_2021 = arith.constant 0 : index
    %swap3A_2022 = arith.constant 0 : index
    %swap3A_2023 = arith.constant 81 : index
    %swap3A_2024 = vector.load %arg4[%swap3A_2021, %swap3A_2022, %swap3A_2023] : memref<1x256x120xi32, #tpu.memory_space<vmem>>, vector<1x256x1xi32>
    %swap3A_2025 = vector.shape_cast %swap3A_2024 : vector<1x256x1xi32> to vector<256x1xi32>
    %swap3A_2026 = vector.shape_cast %broadcast_in_dim3A_2020 : vector<256x1xi32> to vector<1x256x1xi32>
    tpu.vector_store %arg4[%swap3A_2021, %swap3A_2022, %swap3A_2023], %swap3A_2026 {strides = array<i32>} : memref<1x256x120xi32, #tpu.memory_space<vmem>>, vector<1x256x1xi32>,
    %eq3A_2027 = vector.broadcast %broadcast_in_dim3A_2020 : vector<256x1xi32> to vector<256x16xi32>
    %eq3A_2028 = arith.cmpi eq, %iota3A, %eq3A_2027 : vector<256x16xi32>
    %jit3A_2029 = arith.constant 0x7F800000 : f32
    %broadcast_in_dim3A_2030 = vector.broadcast %jit3A_2029 : f32 to vector<256x16xf32>
    %select_n3A_2031 = arith.select %eq3A_2028, %broadcast_in_dim3A_2030, %sqrt3A_2009 : vector<256x16xi1>, vector<256x16xf32>
    %reduce_min3A_2032 = arith.constant dense<0x7F800000> : vector<256xf32>
    %reduce_min3A_2033 = vector.multi_reduction <minimumf>, %select_n3A_2031, %reduce_min3A_2032 [1] : vector<256x16xf32> to vector<256xf32>
    %broadcast_in_dim3A_2034 = vector.shape_cast %reduce_min3A_2033 : vector<256xf32> to vector<256x1xf32>
    %eq3A_2035 = vector.broadcast %broadcast_in_dim3A_2034 : vector<256x1xf32> to vector<256x16xf32>
    %eq3A_2036 = arith.cmpf oeq, %select_n3A_2031, %eq3A_2035 : vector<256x16xf32>
    %jit3A_2037 = arith.constant 16 : i32
    %broadcast_in_dim3A_2038 = vector.broadcast %jit3A_2037 : i32 to vector<256x16xi32>
    %select_n3A_2039 = arith.select %eq3A_2036, %iota3A, %broadcast_in_dim3A_2038 : vector<256x16xi1>, vector<256x16xi32>
    %reduce_min3A_2040 = arith.constant dense<2147483647> : vector<256xi32>
    %reduce_min3A_2041 = vector.multi_reduction <minsi>, %select_n3A_2039, %reduce_min3A_2040 [1] : vector<256x16xi32> to vector<256xi32>
    %broadcast_in_dim3A_2042 = vector.shape_cast %reduce_min3A_2041 : vector<256xi32> to vector<256x1xi32>
    %swap3A_2043 = arith.constant 0 : index
    %swap3A_2044 = arith.constant 0 : index
    %swap3A_2045 = arith.constant 82 : index
    %swap3A_2046 = vector.load %arg4[%swap3A_2043, %swap3A_2044, %swap3A_2045] : memref<1x256x120xi32, #tpu.memory_space<vmem>>, vector<1x256x1xi32>
    %swap3A_2047 = vector.shape_cast %swap3A_2046 : vector<1x256x1xi32> to vector<256x1xi32>
    %swap3A_2048 = vector.shape_cast %broadcast_in_dim3A_2042 : vector<256x1xi32> to vector<1x256x1xi32>
    tpu.vector_store %arg4[%swap3A_2043, %swap3A_2044, %swap3A_2045], %swap3A_2048 {strides = array<i32>} : memref<1x256x120xi32, #tpu.memory_space<vmem>>, vector<1x256x1xi32>,
    %eq3A_2049 = vector.broadcast %broadcast_in_dim3A_2042 : vector<256x1xi32> to vector<256x16xi32>
    %eq3A_2050 = arith.cmpi eq, %iota3A, %eq3A_2049 : vector<256x16xi32>
    %jit3A_2051 = arith.constant 0x7F800000 : f32
    %broadcast_in_dim3A_2052 = vector.broadcast %jit3A_2051 : f32 to vector<256x16xf32>
    %select_n3A_2053 = arith.select %eq3A_2050, %broadcast_in_dim3A_2052, %select_n3A_2031 : vector<256x16xi1>, vector<256x16xf32>
    %reduce_min3A_2054 = arith.constant dense<0x7F800000> : vector<256xf32>
    %reduce_min3A_2055 = vector.multi_reduction <minimumf>, %select_n3A_2053, %reduce_min3A_2054 [1] : vector<256x16xf32> to vector<256xf32>
    %broadcast_in_dim3A_2056 = vector.shape_cast %reduce_min3A_2055 : vector<256xf32> to vector<256x1xf32>
    %eq3A_2057 = vector.broadcast %broadcast_in_dim3A_2056 : vector<256x1xf32> to vector<256x16xf32>
    %eq3A_2058 = arith.cmpf oeq, %select_n3A_2053, %eq3A_2057 : vector<256x16xf32>
    %jit3A_2059 = arith.constant 16 : i32
    %broadcast_in_dim3A_2060 = vector.broadcast %jit3A_2059 : i32 to vector<256x16xi32>
    %select_n3A_2061 = arith.select %eq3A_2058, %iota3A, %broadcast_in_dim3A_2060 : vector<256x16xi1>, vector<256x16xi32>
    %reduce_min3A_2062 = arith.constant dense<2147483647> : vector<256xi32>
    %reduce_min3A_2063 = vector.multi_reduction <minsi>, %select_n3A_2061, %reduce_min3A_2062 [1] : vector<256x16xi32> to vector<256xi32>
    %broadcast_in_dim3A_2064 = vector.shape_cast %reduce_min3A_2063 : vector<256xi32> to vector<256x1xi32>
    %swap3A_2065 = arith.constant 0 : index
    %swap3A_2066 = arith.constant 0 : index
    %swap3A_2067 = arith.constant 83 : index
    %swap3A_2068 = vector.load %arg4[%swap3A_2065, %swap3A_2066, %swap3A_2067] : memref<1x256x120xi32, #tpu.memory_space<vmem>>, vector<1x256x1xi32>
    %swap3A_2069 = vector.shape_cast %swap3A_2068 : vector<1x256x1xi32> to vector<256x1xi32>
    %swap3A_2070 = vector.shape_cast %broadcast_in_dim3A_2064 : vector<256x1xi32> to vector<1x256x1xi32>
    tpu.vector_store %arg4[%swap3A_2065, %swap3A_2066, %swap3A_2067], %swap3A_2070 {strides = array<i32>} : memref<1x256x120xi32, #tpu.memory_space<vmem>>, vector<1x256x1xi32>,
    %sub3A_2071 = arith.constant -0.0600000024 : f32
    %sub3A_2072 = vector.broadcast %sub3A_2071 : f32 to vector<256x16xf32>
    %sub3A_2073 = arith.subf %sub3A_2072, %get3A_3 : vector<256x16xf32>
    %sub3A_2074 = arith.constant -5.24536681E-9 : f32
    %sub3A_2075 = vector.broadcast %sub3A_2074 : f32 to vector<256x16xf32>
    %sub3A_2076 = arith.subf %sub3A_2075, %get3A_8 : vector<256x16xf32>
    %mul3A_2077 = arith.mulf %sub3A_2073, %sub3A_2073 : vector<256x16xf32>
    %mul3A_2078 = arith.mulf %sub3A_2076, %sub3A_2076 : vector<256x16xf32>
    %add3A_2079 = arith.addf %mul3A_2077, %mul3A_2078 : vector<256x16xf32>
    %add3A_2080 = arith.constant 1.000000e-16 : f32
    %add3A_2081 = vector.broadcast %add3A_2080 : f32 to vector<256x16xf32>
    %add3A_2082 = arith.addf %add3A_2079, %add3A_2081 : vector<256x16xf32>
    %sqrt3A_2083 = math.sqrt %add3A_2082 : vector<256x16xf32>
    %reduce_min3A_2084 = arith.constant dense<0x7F800000> : vector<256xf32>
    %reduce_min3A_2085 = vector.multi_reduction <minimumf>, %sqrt3A_2083, %reduce_min3A_2084 [1] : vector<256x16xf32> to vector<256xf32>
    %broadcast_in_dim3A_2086 = vector.shape_cast %reduce_min3A_2085 : vector<256xf32> to vector<256x1xf32>
    %eq3A_2087 = vector.broadcast %broadcast_in_dim3A_2086 : vector<256x1xf32> to vector<256x16xf32>
    %eq3A_2088 = arith.cmpf oeq, %sqrt3A_2083, %eq3A_2087 : vector<256x16xf32>
    %jit3A_2089 = arith.constant 16 : i32
    %broadcast_in_dim3A_2090 = vector.broadcast %jit3A_2089 : i32 to vector<256x16xi32>
    %select_n3A_2091 = arith.select %eq3A_2088, %iota3A, %broadcast_in_dim3A_2090 : vector<256x16xi1>, vector<256x16xi32>
    %reduce_min3A_2092 = arith.constant dense<2147483647> : vector<256xi32>
    %reduce_min3A_2093 = vector.multi_reduction <minsi>, %select_n3A_2091, %reduce_min3A_2092 [1] : vector<256x16xi32> to vector<256xi32>
    %broadcast_in_dim3A_2094 = vector.shape_cast %reduce_min3A_2093 : vector<256xi32> to vector<256x1xi32>
    %swap3A_2095 = arith.constant 0 : index
    %swap3A_2096 = arith.constant 0 : index
    %swap3A_2097 = arith.constant 84 : index
    %swap3A_2098 = vector.load %arg4[%swap3A_2095, %swap3A_2096, %swap3A_2097] : memref<1x256x120xi32, #tpu.memory_space<vmem>>, vector<1x256x1xi32>
    %swap3A_2099 = vector.shape_cast %swap3A_2098 : vector<1x256x1xi32> to vector<256x1xi32>
    %swap3A_2100 = vector.shape_cast %broadcast_in_dim3A_2094 : vector<256x1xi32> to vector<1x256x1xi32>
    tpu.vector_store %arg4[%swap3A_2095, %swap3A_2096, %swap3A_2097], %swap3A_2100 {strides = array<i32>} : memref<1x256x120xi32, #tpu.memory_space<vmem>>, vector<1x256x1xi32>,
    %eq3A_2101 = vector.broadcast %broadcast_in_dim3A_2094 : vector<256x1xi32> to vector<256x16xi32>
    %eq3A_2102 = arith.cmpi eq, %iota3A, %eq3A_2101 : vector<256x16xi32>
    %jit3A_2103 = arith.constant 0x7F800000 : f32
    %broadcast_in_dim3A_2104 = vector.broadcast %jit3A_2103 : f32 to vector<256x16xf32>
    %select_n3A_2105 = arith.select %eq3A_2102, %broadcast_in_dim3A_2104, %sqrt3A_2083 : vector<256x16xi1>, vector<256x16xf32>
    %reduce_min3A_2106 = arith.constant dense<0x7F800000> : vector<256xf32>
    %reduce_min3A_2107 = vector.multi_reduction <minimumf>, %select_n3A_2105, %reduce_min3A_2106 [1] : vector<256x16xf32> to vector<256xf32>
    %broadcast_in_dim3A_2108 = vector.shape_cast %reduce_min3A_2107 : vector<256xf32> to vector<256x1xf32>
    %eq3A_2109 = vector.broadcast %broadcast_in_dim3A_2108 : vector<256x1xf32> to vector<256x16xf32>
    %eq3A_2110 = arith.cmpf oeq, %select_n3A_2105, %eq3A_2109 : vector<256x16xf32>
    %jit3A_2111 = arith.constant 16 : i32
    %broadcast_in_dim3A_2112 = vector.broadcast %jit3A_2111 : i32 to vector<256x16xi32>
    %select_n3A_2113 = arith.select %eq3A_2110, %iota3A, %broadcast_in_dim3A_2112 : vector<256x16xi1>, vector<256x16xi32>
    %reduce_min3A_2114 = arith.constant dense<2147483647> : vector<256xi32>
    %reduce_min3A_2115 = vector.multi_reduction <minsi>, %select_n3A_2113, %reduce_min3A_2114 [1] : vector<256x16xi32> to vector<256xi32>
    %broadcast_in_dim3A_2116 = vector.shape_cast %reduce_min3A_2115 : vector<256xi32> to vector<256x1xi32>
    %swap3A_2117 = arith.constant 0 : index
    %swap3A_2118 = arith.constant 0 : index
    %swap3A_2119 = arith.constant 85 : index
    %swap3A_2120 = vector.load %arg4[%swap3A_2117, %swap3A_2118, %swap3A_2119] : memref<1x256x120xi32, #tpu.memory_space<vmem>>, vector<1x256x1xi32>
    %swap3A_2121 = vector.shape_cast %swap3A_2120 : vector<1x256x1xi32> to vector<256x1xi32>
    %swap3A_2122 = vector.shape_cast %broadcast_in_dim3A_2116 : vector<256x1xi32> to vector<1x256x1xi32>
    tpu.vector_store %arg4[%swap3A_2117, %swap3A_2118, %swap3A_2119], %swap3A_2122 {strides = array<i32>} : memref<1x256x120xi32, #tpu.memory_space<vmem>>, vector<1x256x1xi32>,
    %eq3A_2123 = vector.broadcast %broadcast_in_dim3A_2116 : vector<256x1xi32> to vector<256x16xi32>
    %eq3A_2124 = arith.cmpi eq, %iota3A, %eq3A_2123 : vector<256x16xi32>
    %jit3A_2125 = arith.constant 0x7F800000 : f32
    %broadcast_in_dim3A_2126 = vector.broadcast %jit3A_2125 : f32 to vector<256x16xf32>
    %select_n3A_2127 = arith.select %eq3A_2124, %broadcast_in_dim3A_2126, %select_n3A_2105 : vector<256x16xi1>, vector<256x16xf32>
    %reduce_min3A_2128 = arith.constant dense<0x7F800000> : vector<256xf32>
    %reduce_min3A_2129 = vector.multi_reduction <minimumf>, %select_n3A_2127, %reduce_min3A_2128 [1] : vector<256x16xf32> to vector<256xf32>
    %broadcast_in_dim3A_2130 = vector.shape_cast %reduce_min3A_2129 : vector<256xf32> to vector<256x1xf32>
    %eq3A_2131 = vector.broadcast %broadcast_in_dim3A_2130 : vector<256x1xf32> to vector<256x16xf32>
    %eq3A_2132 = arith.cmpf oeq, %select_n3A_2127, %eq3A_2131 : vector<256x16xf32>
    %jit3A_2133 = arith.constant 16 : i32
    %broadcast_in_dim3A_2134 = vector.broadcast %jit3A_2133 : i32 to vector<256x16xi32>
    %select_n3A_2135 = arith.select %eq3A_2132, %iota3A, %broadcast_in_dim3A_2134 : vector<256x16xi1>, vector<256x16xi32>
    %reduce_min3A_2136 = arith.constant dense<2147483647> : vector<256xi32>
    %reduce_min3A_2137 = vector.multi_reduction <minsi>, %select_n3A_2135, %reduce_min3A_2136 [1] : vector<256x16xi32> to vector<256xi32>
    %broadcast_in_dim3A_2138 = vector.shape_cast %reduce_min3A_2137 : vector<256xi32> to vector<256x1xi32>
    %swap3A_2139 = arith.constant 0 : index
    %swap3A_2140 = arith.constant 0 : index
    %swap3A_2141 = arith.constant 86 : index
    %swap3A_2142 = vector.load %arg4[%swap3A_2139, %swap3A_2140, %swap3A_2141] : memref<1x256x120xi32, #tpu.memory_space<vmem>>, vector<1x256x1xi32>
    %swap3A_2143 = vector.shape_cast %swap3A_2142 : vector<1x256x1xi32> to vector<256x1xi32>
    %swap3A_2144 = vector.shape_cast %broadcast_in_dim3A_2138 : vector<256x1xi32> to vector<1x256x1xi32>
    tpu.vector_store %arg4[%swap3A_2139, %swap3A_2140, %swap3A_2141], %swap3A_2144 {strides = array<i32>} : memref<1x256x120xi32, #tpu.memory_space<vmem>>, vector<1x256x1xi32>,
    %sub3A_2145 = arith.constant -0.0424264111 : f32
    %sub3A_2146 = vector.broadcast %sub3A_2145 : f32 to vector<256x16xf32>
    %sub3A_2147 = arith.subf %sub3A_2146, %get3A_3 : vector<256x16xf32>
    %sub3A_2148 = arith.constant -0.0424264036 : f32
    %sub3A_2149 = vector.broadcast %sub3A_2148 : f32 to vector<256x16xf32>
    %sub3A_2150 = arith.subf %sub3A_2149, %get3A_8 : vector<256x16xf32>
    %mul3A_2151 = arith.mulf %sub3A_2147, %sub3A_2147 : vector<256x16xf32>
    %mul3A_2152 = arith.mulf %sub3A_2150, %sub3A_2150 : vector<256x16xf32>
    %add3A_2153 = arith.addf %mul3A_2151, %mul3A_2152 : vector<256x16xf32>
    %add3A_2154 = arith.constant 1.000000e-16 : f32
    %add3A_2155 = vector.broadcast %add3A_2154 : f32 to vector<256x16xf32>
    %add3A_2156 = arith.addf %add3A_2153, %add3A_2155 : vector<256x16xf32>
    %sqrt3A_2157 = math.sqrt %add3A_2156 : vector<256x16xf32>
    %reduce_min3A_2158 = arith.constant dense<0x7F800000> : vector<256xf32>
    %reduce_min3A_2159 = vector.multi_reduction <minimumf>, %sqrt3A_2157, %reduce_min3A_2158 [1] : vector<256x16xf32> to vector<256xf32>
    %broadcast_in_dim3A_2160 = vector.shape_cast %reduce_min3A_2159 : vector<256xf32> to vector<256x1xf32>
    %eq3A_2161 = vector.broadcast %broadcast_in_dim3A_2160 : vector<256x1xf32> to vector<256x16xf32>
    %eq3A_2162 = arith.cmpf oeq, %sqrt3A_2157, %eq3A_2161 : vector<256x16xf32>
    %jit3A_2163 = arith.constant 16 : i32
    %broadcast_in_dim3A_2164 = vector.broadcast %jit3A_2163 : i32 to vector<256x16xi32>
    %select_n3A_2165 = arith.select %eq3A_2162, %iota3A, %broadcast_in_dim3A_2164 : vector<256x16xi1>, vector<256x16xi32>
    %reduce_min3A_2166 = arith.constant dense<2147483647> : vector<256xi32>
    %reduce_min3A_2167 = vector.multi_reduction <minsi>, %select_n3A_2165, %reduce_min3A_2166 [1] : vector<256x16xi32> to vector<256xi32>
    %broadcast_in_dim3A_2168 = vector.shape_cast %reduce_min3A_2167 : vector<256xi32> to vector<256x1xi32>
    %swap3A_2169 = arith.constant 0 : index
    %swap3A_2170 = arith.constant 0 : index
    %swap3A_2171 = arith.constant 87 : index
    %swap3A_2172 = vector.load %arg4[%swap3A_2169, %swap3A_2170, %swap3A_2171] : memref<1x256x120xi32, #tpu.memory_space<vmem>>, vector<1x256x1xi32>
    %swap3A_2173 = vector.shape_cast %swap3A_2172 : vector<1x256x1xi32> to vector<256x1xi32>
    %swap3A_2174 = vector.shape_cast %broadcast_in_dim3A_2168 : vector<256x1xi32> to vector<1x256x1xi32>
    tpu.vector_store %arg4[%swap3A_2169, %swap3A_2170, %swap3A_2171], %swap3A_2174 {strides = array<i32>} : memref<1x256x120xi32, #tpu.memory_space<vmem>>, vector<1x256x1xi32>,
    %eq3A_2175 = vector.broadcast %broadcast_in_dim3A_2168 : vector<256x1xi32> to vector<256x16xi32>
    %eq3A_2176 = arith.cmpi eq, %iota3A, %eq3A_2175 : vector<256x16xi32>
    %jit3A_2177 = arith.constant 0x7F800000 : f32
    %broadcast_in_dim3A_2178 = vector.broadcast %jit3A_2177 : f32 to vector<256x16xf32>
    %select_n3A_2179 = arith.select %eq3A_2176, %broadcast_in_dim3A_2178, %sqrt3A_2157 : vector<256x16xi1>, vector<256x16xf32>
    %reduce_min3A_2180 = arith.constant dense<0x7F800000> : vector<256xf32>
    %reduce_min3A_2181 = vector.multi_reduction <minimumf>, %select_n3A_2179, %reduce_min3A_2180 [1] : vector<256x16xf32> to vector<256xf32>
    %broadcast_in_dim3A_2182 = vector.shape_cast %reduce_min3A_2181 : vector<256xf32> to vector<256x1xf32>
    %eq3A_2183 = vector.broadcast %broadcast_in_dim3A_2182 : vector<256x1xf32> to vector<256x16xf32>
    %eq3A_2184 = arith.cmpf oeq, %select_n3A_2179, %eq3A_2183 : vector<256x16xf32>
    %jit3A_2185 = arith.constant 16 : i32
    %broadcast_in_dim3A_2186 = vector.broadcast %jit3A_2185 : i32 to vector<256x16xi32>
    %select_n3A_2187 = arith.select %eq3A_2184, %iota3A, %broadcast_in_dim3A_2186 : vector<256x16xi1>, vector<256x16xi32>
    %reduce_min3A_2188 = arith.constant dense<2147483647> : vector<256xi32>
    %reduce_min3A_2189 = vector.multi_reduction <minsi>, %select_n3A_2187, %reduce_min3A_2188 [1] : vector<256x16xi32> to vector<256xi32>
    %broadcast_in_dim3A_2190 = vector.shape_cast %reduce_min3A_2189 : vector<256xi32> to vector<256x1xi32>
    %swap3A_2191 = arith.constant 0 : index
    %swap3A_2192 = arith.constant 0 : index
    %swap3A_2193 = arith.constant 88 : index
    %swap3A_2194 = vector.load %arg4[%swap3A_2191, %swap3A_2192, %swap3A_2193] : memref<1x256x120xi32, #tpu.memory_space<vmem>>, vector<1x256x1xi32>
    %swap3A_2195 = vector.shape_cast %swap3A_2194 : vector<1x256x1xi32> to vector<256x1xi32>
    %swap3A_2196 = vector.shape_cast %broadcast_in_dim3A_2190 : vector<256x1xi32> to vector<1x256x1xi32>
    tpu.vector_store %arg4[%swap3A_2191, %swap3A_2192, %swap3A_2193], %swap3A_2196 {strides = array<i32>} : memref<1x256x120xi32, #tpu.memory_space<vmem>>, vector<1x256x1xi32>,
    %eq3A_2197 = vector.broadcast %broadcast_in_dim3A_2190 : vector<256x1xi32> to vector<256x16xi32>
    %eq3A_2198 = arith.cmpi eq, %iota3A, %eq3A_2197 : vector<256x16xi32>
    %jit3A_2199 = arith.constant 0x7F800000 : f32
    %broadcast_in_dim3A_2200 = vector.broadcast %jit3A_2199 : f32 to vector<256x16xf32>
    %select_n3A_2201 = arith.select %eq3A_2198, %broadcast_in_dim3A_2200, %select_n3A_2179 : vector<256x16xi1>, vector<256x16xf32>
    %reduce_min3A_2202 = arith.constant dense<0x7F800000> : vector<256xf32>
    %reduce_min3A_2203 = vector.multi_reduction <minimumf>, %select_n3A_2201, %reduce_min3A_2202 [1] : vector<256x16xf32> to vector<256xf32>
    %broadcast_in_dim3A_2204 = vector.shape_cast %reduce_min3A_2203 : vector<256xf32> to vector<256x1xf32>
    %eq3A_2205 = vector.broadcast %broadcast_in_dim3A_2204 : vector<256x1xf32> to vector<256x16xf32>
    %eq3A_2206 = arith.cmpf oeq, %select_n3A_2201, %eq3A_2205 : vector<256x16xf32>
    %jit3A_2207 = arith.constant 16 : i32
    %broadcast_in_dim3A_2208 = vector.broadcast %jit3A_2207 : i32 to vector<256x16xi32>
    %select_n3A_2209 = arith.select %eq3A_2206, %iota3A, %broadcast_in_dim3A_2208 : vector<256x16xi1>, vector<256x16xi32>
    %reduce_min3A_2210 = arith.constant dense<2147483647> : vector<256xi32>
    %reduce_min3A_2211 = vector.multi_reduction <minsi>, %select_n3A_2209, %reduce_min3A_2210 [1] : vector<256x16xi32> to vector<256xi32>
    %broadcast_in_dim3A_2212 = vector.shape_cast %reduce_min3A_2211 : vector<256xi32> to vector<256x1xi32>
    %swap3A_2213 = arith.constant 0 : index
    %swap3A_2214 = arith.constant 0 : index
    %swap3A_2215 = arith.constant 89 : index
    %swap3A_2216 = vector.load %arg4[%swap3A_2213, %swap3A_2214, %swap3A_2215] : memref<1x256x120xi32, #tpu.memory_space<vmem>>, vector<1x256x1xi32>
    %swap3A_2217 = vector.shape_cast %swap3A_2216 : vector<1x256x1xi32> to vector<256x1xi32>
    %swap3A_2218 = vector.shape_cast %broadcast_in_dim3A_2212 : vector<256x1xi32> to vector<1x256x1xi32>
    tpu.vector_store %arg4[%swap3A_2213, %swap3A_2214, %swap3A_2215], %swap3A_2218 {strides = array<i32>} : memref<1x256x120xi32, #tpu.memory_space<vmem>>, vector<1x256x1xi32>,
    %sub3A_2219 = arith.constant 7.15492887E-10 : f32
    %sub3A_2220 = vector.broadcast %sub3A_2219 : f32 to vector<256x16xf32>
    %sub3A_2221 = arith.subf %sub3A_2220, %get3A_3 : vector<256x16xf32>
    %sub3A_2222 = arith.constant -0.0600000024 : f32
    %sub3A_2223 = vector.broadcast %sub3A_2222 : f32 to vector<256x16xf32>
    %sub3A_2224 = arith.subf %sub3A_2223, %get3A_8 : vector<256x16xf32>
    %mul3A_2225 = arith.mulf %sub3A_2221, %sub3A_2221 : vector<256x16xf32>
    %mul3A_2226 = arith.mulf %sub3A_2224, %sub3A_2224 : vector<256x16xf32>
    %add3A_2227 = arith.addf %mul3A_2225, %mul3A_2226 : vector<256x16xf32>
    %add3A_2228 = arith.constant 1.000000e-16 : f32
    %add3A_2229 = vector.broadcast %add3A_2228 : f32 to vector<256x16xf32>
    %add3A_2230 = arith.addf %add3A_2227, %add3A_2229 : vector<256x16xf32>
    %sqrt3A_2231 = math.sqrt %add3A_2230 : vector<256x16xf32>
    %reduce_min3A_2232 = arith.constant dense<0x7F800000> : vector<256xf32>
    %reduce_min3A_2233 = vector.multi_reduction <minimumf>, %sqrt3A_2231, %reduce_min3A_2232 [1] : vector<256x16xf32> to vector<256xf32>
    %broadcast_in_dim3A_2234 = vector.shape_cast %reduce_min3A_2233 : vector<256xf32> to vector<256x1xf32>
    %eq3A_2235 = vector.broadcast %broadcast_in_dim3A_2234 : vector<256x1xf32> to vector<256x16xf32>
    %eq3A_2236 = arith.cmpf oeq, %sqrt3A_2231, %eq3A_2235 : vector<256x16xf32>
    %jit3A_2237 = arith.constant 16 : i32
    %broadcast_in_dim3A_2238 = vector.broadcast %jit3A_2237 : i32 to vector<256x16xi32>
    %select_n3A_2239 = arith.select %eq3A_2236, %iota3A, %broadcast_in_dim3A_2238 : vector<256x16xi1>, vector<256x16xi32>
    %reduce_min3A_2240 = arith.constant dense<2147483647> : vector<256xi32>
    %reduce_min3A_2241 = vector.multi_reduction <minsi>, %select_n3A_2239, %reduce_min3A_2240 [1] : vector<256x16xi32> to vector<256xi32>
    %broadcast_in_dim3A_2242 = vector.shape_cast %reduce_min3A_2241 : vector<256xi32> to vector<256x1xi32>
    %swap3A_2243 = arith.constant 0 : index
    %swap3A_2244 = arith.constant 0 : index
    %swap3A_2245 = arith.constant 90 : index
    %swap3A_2246 = vector.load %arg4[%swap3A_2243, %swap3A_2244, %swap3A_2245] : memref<1x256x120xi32, #tpu.memory_space<vmem>>, vector<1x256x1xi32>
    %swap3A_2247 = vector.shape_cast %swap3A_2246 : vector<1x256x1xi32> to vector<256x1xi32>
    %swap3A_2248 = vector.shape_cast %broadcast_in_dim3A_2242 : vector<256x1xi32> to vector<1x256x1xi32>
    tpu.vector_store %arg4[%swap3A_2243, %swap3A_2244, %swap3A_2245], %swap3A_2248 {strides = array<i32>} : memref<1x256x120xi32, #tpu.memory_space<vmem>>, vector<1x256x1xi32>,
    %eq3A_2249 = vector.broadcast %broadcast_in_dim3A_2242 : vector<256x1xi32> to vector<256x16xi32>
    %eq3A_2250 = arith.cmpi eq, %iota3A, %eq3A_2249 : vector<256x16xi32>
    %jit3A_2251 = arith.constant 0x7F800000 : f32
    %broadcast_in_dim3A_2252 = vector.broadcast %jit3A_2251 : f32 to vector<256x16xf32>
    %select_n3A_2253 = arith.select %eq3A_2250, %broadcast_in_dim3A_2252, %sqrt3A_2231 : vector<256x16xi1>, vector<256x16xf32>
    %reduce_min3A_2254 = arith.constant dense<0x7F800000> : vector<256xf32>
    %reduce_min3A_2255 = vector.multi_reduction <minimumf>, %select_n3A_2253, %reduce_min3A_2254 [1] : vector<256x16xf32> to vector<256xf32>
    %broadcast_in_dim3A_2256 = vector.shape_cast %reduce_min3A_2255 : vector<256xf32> to vector<256x1xf32>
    %eq3A_2257 = vector.broadcast %broadcast_in_dim3A_2256 : vector<256x1xf32> to vector<256x16xf32>
    %eq3A_2258 = arith.cmpf oeq, %select_n3A_2253, %eq3A_2257 : vector<256x16xf32>
    %jit3A_2259 = arith.constant 16 : i32
    %broadcast_in_dim3A_2260 = vector.broadcast %jit3A_2259 : i32 to vector<256x16xi32>
    %select_n3A_2261 = arith.select %eq3A_2258, %iota3A, %broadcast_in_dim3A_2260 : vector<256x16xi1>, vector<256x16xi32>
    %reduce_min3A_2262 = arith.constant dense<2147483647> : vector<256xi32>
    %reduce_min3A_2263 = vector.multi_reduction <minsi>, %select_n3A_2261, %reduce_min3A_2262 [1] : vector<256x16xi32> to vector<256xi32>
    %broadcast_in_dim3A_2264 = vector.shape_cast %reduce_min3A_2263 : vector<256xi32> to vector<256x1xi32>
    %swap3A_2265 = arith.constant 0 : index
    %swap3A_2266 = arith.constant 0 : index
    %swap3A_2267 = arith.constant 91 : index
    %swap3A_2268 = vector.load %arg4[%swap3A_2265, %swap3A_2266, %swap3A_2267] : memref<1x256x120xi32, #tpu.memory_space<vmem>>, vector<1x256x1xi32>
    %swap3A_2269 = vector.shape_cast %swap3A_2268 : vector<1x256x1xi32> to vector<256x1xi32>
    %swap3A_2270 = vector.shape_cast %broadcast_in_dim3A_2264 : vector<256x1xi32> to vector<1x256x1xi32>
    tpu.vector_store %arg4[%swap3A_2265, %swap3A_2266, %swap3A_2267], %swap3A_2270 {strides = array<i32>} : memref<1x256x120xi32, #tpu.memory_space<vmem>>, vector<1x256x1xi32>,
    %eq3A_2271 = vector.broadcast %broadcast_in_dim3A_2264 : vector<256x1xi32> to vector<256x16xi32>
    %eq3A_2272 = arith.cmpi eq, %iota3A, %eq3A_2271 : vector<256x16xi32>
    %jit3A_2273 = arith.constant 0x7F800000 : f32
    %broadcast_in_dim3A_2274 = vector.broadcast %jit3A_2273 : f32 to vector<256x16xf32>
    %select_n3A_2275 = arith.select %eq3A_2272, %broadcast_in_dim3A_2274, %select_n3A_2253 : vector<256x16xi1>, vector<256x16xf32>
    %reduce_min3A_2276 = arith.constant dense<0x7F800000> : vector<256xf32>
    %reduce_min3A_2277 = vector.multi_reduction <minimumf>, %select_n3A_2275, %reduce_min3A_2276 [1] : vector<256x16xf32> to vector<256xf32>
    %broadcast_in_dim3A_2278 = vector.shape_cast %reduce_min3A_2277 : vector<256xf32> to vector<256x1xf32>
    %eq3A_2279 = vector.broadcast %broadcast_in_dim3A_2278 : vector<256x1xf32> to vector<256x16xf32>
    %eq3A_2280 = arith.cmpf oeq, %select_n3A_2275, %eq3A_2279 : vector<256x16xf32>
    %jit3A_2281 = arith.constant 16 : i32
    %broadcast_in_dim3A_2282 = vector.broadcast %jit3A_2281 : i32 to vector<256x16xi32>
    %select_n3A_2283 = arith.select %eq3A_2280, %iota3A, %broadcast_in_dim3A_2282 : vector<256x16xi1>, vector<256x16xi32>
    %reduce_min3A_2284 = arith.constant dense<2147483647> : vector<256xi32>
    %reduce_min3A_2285 = vector.multi_reduction <minsi>, %select_n3A_2283, %reduce_min3A_2284 [1] : vector<256x16xi32> to vector<256xi32>
    %broadcast_in_dim3A_2286 = vector.shape_cast %reduce_min3A_2285 : vector<256xi32> to vector<256x1xi32>
    %swap3A_2287 = arith.constant 0 : index
    %swap3A_2288 = arith.constant 0 : index
    %swap3A_2289 = arith.constant 92 : index
    %swap3A_2290 = vector.load %arg4[%swap3A_2287, %swap3A_2288, %swap3A_2289] : memref<1x256x120xi32, #tpu.memory_space<vmem>>, vector<1x256x1xi32>
    %swap3A_2291 = vector.shape_cast %swap3A_2290 : vector<1x256x1xi32> to vector<256x1xi32>
    %swap3A_2292 = vector.shape_cast %broadcast_in_dim3A_2286 : vector<256x1xi32> to vector<1x256x1xi32>
    tpu.vector_store %arg4[%swap3A_2287, %swap3A_2288, %swap3A_2289], %swap3A_2292 {strides = array<i32>} : memref<1x256x120xi32, #tpu.memory_space<vmem>>, vector<1x256x1xi32>,
    %sub3A_2293 = arith.constant 4.242640e-02 : f32
    %sub3A_2294 = vector.broadcast %sub3A_2293 : f32 to vector<256x16xf32>
    %sub3A_2295 = arith.subf %sub3A_2294, %get3A_3 : vector<256x16xf32>
    %sub3A_2296 = arith.constant -0.0424264148 : f32
    %sub3A_2297 = vector.broadcast %sub3A_2296 : f32 to vector<256x16xf32>
    %sub3A_2298 = arith.subf %sub3A_2297, %get3A_8 : vector<256x16xf32>
    %mul3A_2299 = arith.mulf %sub3A_2295, %sub3A_2295 : vector<256x16xf32>
    %mul3A_2300 = arith.mulf %sub3A_2298, %sub3A_2298 : vector<256x16xf32>
    %add3A_2301 = arith.addf %mul3A_2299, %mul3A_2300 : vector<256x16xf32>
    %add3A_2302 = arith.constant 1.000000e-16 : f32
    %add3A_2303 = vector.broadcast %add3A_2302 : f32 to vector<256x16xf32>
    %add3A_2304 = arith.addf %add3A_2301, %add3A_2303 : vector<256x16xf32>
    %sqrt3A_2305 = math.sqrt %add3A_2304 : vector<256x16xf32>
    %reduce_min3A_2306 = arith.constant dense<0x7F800000> : vector<256xf32>
    %reduce_min3A_2307 = vector.multi_reduction <minimumf>, %sqrt3A_2305, %reduce_min3A_2306 [1] : vector<256x16xf32> to vector<256xf32>
    %broadcast_in_dim3A_2308 = vector.shape_cast %reduce_min3A_2307 : vector<256xf32> to vector<256x1xf32>
    %eq3A_2309 = vector.broadcast %broadcast_in_dim3A_2308 : vector<256x1xf32> to vector<256x16xf32>
    %eq3A_2310 = arith.cmpf oeq, %sqrt3A_2305, %eq3A_2309 : vector<256x16xf32>
    %jit3A_2311 = arith.constant 16 : i32
    %broadcast_in_dim3A_2312 = vector.broadcast %jit3A_2311 : i32 to vector<256x16xi32>
    %select_n3A_2313 = arith.select %eq3A_2310, %iota3A, %broadcast_in_dim3A_2312 : vector<256x16xi1>, vector<256x16xi32>
    %reduce_min3A_2314 = arith.constant dense<2147483647> : vector<256xi32>
    %reduce_min3A_2315 = vector.multi_reduction <minsi>, %select_n3A_2313, %reduce_min3A_2314 [1] : vector<256x16xi32> to vector<256xi32>
    %broadcast_in_dim3A_2316 = vector.shape_cast %reduce_min3A_2315 : vector<256xi32> to vector<256x1xi32>
    %swap3A_2317 = arith.constant 0 : index
    %swap3A_2318 = arith.constant 0 : index
    %swap3A_2319 = arith.constant 93 : index
    %swap3A_2320 = vector.load %arg4[%swap3A_2317, %swap3A_2318, %swap3A_2319] : memref<1x256x120xi32, #tpu.memory_space<vmem>>, vector<1x256x1xi32>
    %swap3A_2321 = vector.shape_cast %swap3A_2320 : vector<1x256x1xi32> to vector<256x1xi32>
    %swap3A_2322 = vector.shape_cast %broadcast_in_dim3A_2316 : vector<256x1xi32> to vector<1x256x1xi32>
    tpu.vector_store %arg4[%swap3A_2317, %swap3A_2318, %swap3A_2319], %swap3A_2322 {strides = array<i32>} : memref<1x256x120xi32, #tpu.memory_space<vmem>>, vector<1x256x1xi32>,
    %eq3A_2323 = vector.broadcast %broadcast_in_dim3A_2316 : vector<256x1xi32> to vector<256x16xi32>
    %eq3A_2324 = arith.cmpi eq, %iota3A, %eq3A_2323 : vector<256x16xi32>
    %jit3A_2325 = arith.constant 0x7F800000 : f32
    %broadcast_in_dim3A_2326 = vector.broadcast %jit3A_2325 : f32 to vector<256x16xf32>
    %select_n3A_2327 = arith.select %eq3A_2324, %broadcast_in_dim3A_2326, %sqrt3A_2305 : vector<256x16xi1>, vector<256x16xf32>
    %reduce_min3A_2328 = arith.constant dense<0x7F800000> : vector<256xf32>
    %reduce_min3A_2329 = vector.multi_reduction <minimumf>, %select_n3A_2327, %reduce_min3A_2328 [1] : vector<256x16xf32> to vector<256xf32>
    %broadcast_in_dim3A_2330 = vector.shape_cast %reduce_min3A_2329 : vector<256xf32> to vector<256x1xf32>
    %eq3A_2331 = vector.broadcast %broadcast_in_dim3A_2330 : vector<256x1xf32> to vector<256x16xf32>
    %eq3A_2332 = arith.cmpf oeq, %select_n3A_2327, %eq3A_2331 : vector<256x16xf32>
    %jit3A_2333 = arith.constant 16 : i32
    %broadcast_in_dim3A_2334 = vector.broadcast %jit3A_2333 : i32 to vector<256x16xi32>
    %select_n3A_2335 = arith.select %eq3A_2332, %iota3A, %broadcast_in_dim3A_2334 : vector<256x16xi1>, vector<256x16xi32>
    %reduce_min3A_2336 = arith.constant dense<2147483647> : vector<256xi32>
    %reduce_min3A_2337 = vector.multi_reduction <minsi>, %select_n3A_2335, %reduce_min3A_2336 [1] : vector<256x16xi32> to vector<256xi32>
    %broadcast_in_dim3A_2338 = vector.shape_cast %reduce_min3A_2337 : vector<256xi32> to vector<256x1xi32>
    %swap3A_2339 = arith.constant 0 : index
    %swap3A_2340 = arith.constant 0 : index
    %swap3A_2341 = arith.constant 94 : index
    %swap3A_2342 = vector.load %arg4[%swap3A_2339, %swap3A_2340, %swap3A_2341] : memref<1x256x120xi32, #tpu.memory_space<vmem>>, vector<1x256x1xi32>
    %swap3A_2343 = vector.shape_cast %swap3A_2342 : vector<1x256x1xi32> to vector<256x1xi32>
    %swap3A_2344 = vector.shape_cast %broadcast_in_dim3A_2338 : vector<256x1xi32> to vector<1x256x1xi32>
    tpu.vector_store %arg4[%swap3A_2339, %swap3A_2340, %swap3A_2341], %swap3A_2344 {strides = array<i32>} : memref<1x256x120xi32, #tpu.memory_space<vmem>>, vector<1x256x1xi32>,
    %eq3A_2345 = vector.broadcast %broadcast_in_dim3A_2338 : vector<256x1xi32> to vector<256x16xi32>
    %eq3A_2346 = arith.cmpi eq, %iota3A, %eq3A_2345 : vector<256x16xi32>
    %jit3A_2347 = arith.constant 0x7F800000 : f32
    %broadcast_in_dim3A_2348 = vector.broadcast %jit3A_2347 : f32 to vector<256x16xf32>
    %select_n3A_2349 = arith.select %eq3A_2346, %broadcast_in_dim3A_2348, %select_n3A_2327 : vector<256x16xi1>, vector<256x16xf32>
    %reduce_min3A_2350 = arith.constant dense<0x7F800000> : vector<256xf32>
    %reduce_min3A_2351 = vector.multi_reduction <minimumf>, %select_n3A_2349, %reduce_min3A_2350 [1] : vector<256x16xf32> to vector<256xf32>
    %broadcast_in_dim3A_2352 = vector.shape_cast %reduce_min3A_2351 : vector<256xf32> to vector<256x1xf32>
    %eq3A_2353 = vector.broadcast %broadcast_in_dim3A_2352 : vector<256x1xf32> to vector<256x16xf32>
    %eq3A_2354 = arith.cmpf oeq, %select_n3A_2349, %eq3A_2353 : vector<256x16xf32>
    %jit3A_2355 = arith.constant 16 : i32
    %broadcast_in_dim3A_2356 = vector.broadcast %jit3A_2355 : i32 to vector<256x16xi32>
    %select_n3A_2357 = arith.select %eq3A_2354, %iota3A, %broadcast_in_dim3A_2356 : vector<256x16xi1>, vector<256x16xi32>
    %reduce_min3A_2358 = arith.constant dense<2147483647> : vector<256xi32>
    %reduce_min3A_2359 = vector.multi_reduction <minsi>, %select_n3A_2357, %reduce_min3A_2358 [1] : vector<256x16xi32> to vector<256xi32>
    %broadcast_in_dim3A_2360 = vector.shape_cast %reduce_min3A_2359 : vector<256xi32> to vector<256x1xi32>
    %swap3A_2361 = arith.constant 0 : index
    %swap3A_2362 = arith.constant 0 : index
    %swap3A_2363 = arith.constant 95 : index
    %swap3A_2364 = vector.load %arg4[%swap3A_2361, %swap3A_2362, %swap3A_2363] : memref<1x256x120xi32, #tpu.memory_space<vmem>>, vector<1x256x1xi32>
    %swap3A_2365 = vector.shape_cast %swap3A_2364 : vector<1x256x1xi32> to vector<256x1xi32>
    %swap3A_2366 = vector.shape_cast %broadcast_in_dim3A_2360 : vector<256x1xi32> to vector<1x256x1xi32>
    tpu.vector_store %arg4[%swap3A_2361, %swap3A_2362, %swap3A_2363], %swap3A_2366 {strides = array<i32>} : memref<1x256x120xi32, #tpu.memory_space<vmem>>, vector<1x256x1xi32>,
    %sub3A_2367 = arith.constant 7.500000e-02 : f32
    %sub3A_2368 = vector.broadcast %sub3A_2367 : f32 to vector<256x16xf32>
    %sub3A_2369 = arith.subf %sub3A_2368, %get3A_3 : vector<256x16xf32>
    %sub3A_2370 = arith.constant 0.000000e+00 : f32
    %sub3A_2371 = vector.broadcast %sub3A_2370 : f32 to vector<256x16xf32>
    %sub3A_2372 = arith.subf %sub3A_2371, %get3A_8 : vector<256x16xf32>
    %mul3A_2373 = arith.mulf %sub3A_2369, %sub3A_2369 : vector<256x16xf32>
    %mul3A_2374 = arith.mulf %sub3A_2372, %sub3A_2372 : vector<256x16xf32>
    %add3A_2375 = arith.addf %mul3A_2373, %mul3A_2374 : vector<256x16xf32>
    %add3A_2376 = arith.constant 1.000000e-16 : f32
    %add3A_2377 = vector.broadcast %add3A_2376 : f32 to vector<256x16xf32>
    %add3A_2378 = arith.addf %add3A_2375, %add3A_2377 : vector<256x16xf32>
    %sqrt3A_2379 = math.sqrt %add3A_2378 : vector<256x16xf32>
    %reduce_min3A_2380 = arith.constant dense<0x7F800000> : vector<256xf32>
    %reduce_min3A_2381 = vector.multi_reduction <minimumf>, %sqrt3A_2379, %reduce_min3A_2380 [1] : vector<256x16xf32> to vector<256xf32>
    %broadcast_in_dim3A_2382 = vector.shape_cast %reduce_min3A_2381 : vector<256xf32> to vector<256x1xf32>
    %eq3A_2383 = vector.broadcast %broadcast_in_dim3A_2382 : vector<256x1xf32> to vector<256x16xf32>
    %eq3A_2384 = arith.cmpf oeq, %sqrt3A_2379, %eq3A_2383 : vector<256x16xf32>
    %jit3A_2385 = arith.constant 16 : i32
    %broadcast_in_dim3A_2386 = vector.broadcast %jit3A_2385 : i32 to vector<256x16xi32>
    %select_n3A_2387 = arith.select %eq3A_2384, %iota3A, %broadcast_in_dim3A_2386 : vector<256x16xi1>, vector<256x16xi32>
    %reduce_min3A_2388 = arith.constant dense<2147483647> : vector<256xi32>
    %reduce_min3A_2389 = vector.multi_reduction <minsi>, %select_n3A_2387, %reduce_min3A_2388 [1] : vector<256x16xi32> to vector<256xi32>
    %broadcast_in_dim3A_2390 = vector.shape_cast %reduce_min3A_2389 : vector<256xi32> to vector<256x1xi32>
    %swap3A_2391 = arith.constant 0 : index
    %swap3A_2392 = arith.constant 0 : index
    %swap3A_2393 = arith.constant 96 : index
    %swap3A_2394 = vector.load %arg4[%swap3A_2391, %swap3A_2392, %swap3A_2393] : memref<1x256x120xi32, #tpu.memory_space<vmem>>, vector<1x256x1xi32>
    %swap3A_2395 = vector.shape_cast %swap3A_2394 : vector<1x256x1xi32> to vector<256x1xi32>
    %swap3A_2396 = vector.shape_cast %broadcast_in_dim3A_2390 : vector<256x1xi32> to vector<1x256x1xi32>
    tpu.vector_store %arg4[%swap3A_2391, %swap3A_2392, %swap3A_2393], %swap3A_2396 {strides = array<i32>} : memref<1x256x120xi32, #tpu.memory_space<vmem>>, vector<1x256x1xi32>,
    %eq3A_2397 = vector.broadcast %broadcast_in_dim3A_2390 : vector<256x1xi32> to vector<256x16xi32>
    %eq3A_2398 = arith.cmpi eq, %iota3A, %eq3A_2397 : vector<256x16xi32>
    %jit3A_2399 = arith.constant 0x7F800000 : f32
    %broadcast_in_dim3A_2400 = vector.broadcast %jit3A_2399 : f32 to vector<256x16xf32>
    %select_n3A_2401 = arith.select %eq3A_2398, %broadcast_in_dim3A_2400, %sqrt3A_2379 : vector<256x16xi1>, vector<256x16xf32>
    %reduce_min3A_2402 = arith.constant dense<0x7F800000> : vector<256xf32>
    %reduce_min3A_2403 = vector.multi_reduction <minimumf>, %select_n3A_2401, %reduce_min3A_2402 [1] : vector<256x16xf32> to vector<256xf32>
    %broadcast_in_dim3A_2404 = vector.shape_cast %reduce_min3A_2403 : vector<256xf32> to vector<256x1xf32>
    %eq3A_2405 = vector.broadcast %broadcast_in_dim3A_2404 : vector<256x1xf32> to vector<256x16xf32>
    %eq3A_2406 = arith.cmpf oeq, %select_n3A_2401, %eq3A_2405 : vector<256x16xf32>
    %jit3A_2407 = arith.constant 16 : i32
    %broadcast_in_dim3A_2408 = vector.broadcast %jit3A_2407 : i32 to vector<256x16xi32>
    %select_n3A_2409 = arith.select %eq3A_2406, %iota3A, %broadcast_in_dim3A_2408 : vector<256x16xi1>, vector<256x16xi32>
    %reduce_min3A_2410 = arith.constant dense<2147483647> : vector<256xi32>
    %reduce_min3A_2411 = vector.multi_reduction <minsi>, %select_n3A_2409, %reduce_min3A_2410 [1] : vector<256x16xi32> to vector<256xi32>
    %broadcast_in_dim3A_2412 = vector.shape_cast %reduce_min3A_2411 : vector<256xi32> to vector<256x1xi32>
    %swap3A_2413 = arith.constant 0 : index
    %swap3A_2414 = arith.constant 0 : index
    %swap3A_2415 = arith.constant 97 : index
    %swap3A_2416 = vector.load %arg4[%swap3A_2413, %swap3A_2414, %swap3A_2415] : memref<1x256x120xi32, #tpu.memory_space<vmem>>, vector<1x256x1xi32>
    %swap3A_2417 = vector.shape_cast %swap3A_2416 : vector<1x256x1xi32> to vector<256x1xi32>
    %swap3A_2418 = vector.shape_cast %broadcast_in_dim3A_2412 : vector<256x1xi32> to vector<1x256x1xi32>
    tpu.vector_store %arg4[%swap3A_2413, %swap3A_2414, %swap3A_2415], %swap3A_2418 {strides = array<i32>} : memref<1x256x120xi32, #tpu.memory_space<vmem>>, vector<1x256x1xi32>,
    %eq3A_2419 = vector.broadcast %broadcast_in_dim3A_2412 : vector<256x1xi32> to vector<256x16xi32>
    %eq3A_2420 = arith.cmpi eq, %iota3A, %eq3A_2419 : vector<256x16xi32>
    %jit3A_2421 = arith.constant 0x7F800000 : f32
    %broadcast_in_dim3A_2422 = vector.broadcast %jit3A_2421 : f32 to vector<256x16xf32>
    %select_n3A_2423 = arith.select %eq3A_2420, %broadcast_in_dim3A_2422, %select_n3A_2401 : vector<256x16xi1>, vector<256x16xf32>
    %reduce_min3A_2424 = arith.constant dense<0x7F800000> : vector<256xf32>
    %reduce_min3A_2425 = vector.multi_reduction <minimumf>, %select_n3A_2423, %reduce_min3A_2424 [1] : vector<256x16xf32> to vector<256xf32>
    %broadcast_in_dim3A_2426 = vector.shape_cast %reduce_min3A_2425 : vector<256xf32> to vector<256x1xf32>
    %eq3A_2427 = vector.broadcast %broadcast_in_dim3A_2426 : vector<256x1xf32> to vector<256x16xf32>
    %eq3A_2428 = arith.cmpf oeq, %select_n3A_2423, %eq3A_2427 : vector<256x16xf32>
    %jit3A_2429 = arith.constant 16 : i32
    %broadcast_in_dim3A_2430 = vector.broadcast %jit3A_2429 : i32 to vector<256x16xi32>
    %select_n3A_2431 = arith.select %eq3A_2428, %iota3A, %broadcast_in_dim3A_2430 : vector<256x16xi1>, vector<256x16xi32>
    %reduce_min3A_2432 = arith.constant dense<2147483647> : vector<256xi32>
    %reduce_min3A_2433 = vector.multi_reduction <minsi>, %select_n3A_2431, %reduce_min3A_2432 [1] : vector<256x16xi32> to vector<256xi32>
    %broadcast_in_dim3A_2434 = vector.shape_cast %reduce_min3A_2433 : vector<256xi32> to vector<256x1xi32>
    %swap3A_2435 = arith.constant 0 : index
    %swap3A_2436 = arith.constant 0 : index
    %swap3A_2437 = arith.constant 98 : index
    %swap3A_2438 = vector.load %arg4[%swap3A_2435, %swap3A_2436, %swap3A_2437] : memref<1x256x120xi32, #tpu.memory_space<vmem>>, vector<1x256x1xi32>
    %swap3A_2439 = vector.shape_cast %swap3A_2438 : vector<1x256x1xi32> to vector<256x1xi32>
    %swap3A_2440 = vector.shape_cast %broadcast_in_dim3A_2434 : vector<256x1xi32> to vector<1x256x1xi32>
    tpu.vector_store %arg4[%swap3A_2435, %swap3A_2436, %swap3A_2437], %swap3A_2440 {strides = array<i32>} : memref<1x256x120xi32, #tpu.memory_space<vmem>>, vector<1x256x1xi32>,
    %sub3A_2441 = arith.constant 0.0530330092 : f32
    %sub3A_2442 = vector.broadcast %sub3A_2441 : f32 to vector<256x16xf32>
    %sub3A_2443 = arith.subf %sub3A_2442, %get3A_3 : vector<256x16xf32>
    %sub3A_2444 = arith.constant 0.0530330092 : f32
    %sub3A_2445 = vector.broadcast %sub3A_2444 : f32 to vector<256x16xf32>
    %sub3A_2446 = arith.subf %sub3A_2445, %get3A_8 : vector<256x16xf32>
    %mul3A_2447 = arith.mulf %sub3A_2443, %sub3A_2443 : vector<256x16xf32>
    %mul3A_2448 = arith.mulf %sub3A_2446, %sub3A_2446 : vector<256x16xf32>
    %add3A_2449 = arith.addf %mul3A_2447, %mul3A_2448 : vector<256x16xf32>
    %add3A_2450 = arith.constant 1.000000e-16 : f32
    %add3A_2451 = vector.broadcast %add3A_2450 : f32 to vector<256x16xf32>
    %add3A_2452 = arith.addf %add3A_2449, %add3A_2451 : vector<256x16xf32>
    %sqrt3A_2453 = math.sqrt %add3A_2452 : vector<256x16xf32>
    %reduce_min3A_2454 = arith.constant dense<0x7F800000> : vector<256xf32>
    %reduce_min3A_2455 = vector.multi_reduction <minimumf>, %sqrt3A_2453, %reduce_min3A_2454 [1] : vector<256x16xf32> to vector<256xf32>
    %broadcast_in_dim3A_2456 = vector.shape_cast %reduce_min3A_2455 : vector<256xf32> to vector<256x1xf32>
    %eq3A_2457 = vector.broadcast %broadcast_in_dim3A_2456 : vector<256x1xf32> to vector<256x16xf32>
    %eq3A_2458 = arith.cmpf oeq, %sqrt3A_2453, %eq3A_2457 : vector<256x16xf32>
    %jit3A_2459 = arith.constant 16 : i32
    %broadcast_in_dim3A_2460 = vector.broadcast %jit3A_2459 : i32 to vector<256x16xi32>
    %select_n3A_2461 = arith.select %eq3A_2458, %iota3A, %broadcast_in_dim3A_2460 : vector<256x16xi1>, vector<256x16xi32>
    %reduce_min3A_2462 = arith.constant dense<2147483647> : vector<256xi32>
    %reduce_min3A_2463 = vector.multi_reduction <minsi>, %select_n3A_2461, %reduce_min3A_2462 [1] : vector<256x16xi32> to vector<256xi32>
    %broadcast_in_dim3A_2464 = vector.shape_cast %reduce_min3A_2463 : vector<256xi32> to vector<256x1xi32>
    %swap3A_2465 = arith.constant 0 : index
    %swap3A_2466 = arith.constant 0 : index
    %swap3A_2467 = arith.constant 99 : index
    %swap3A_2468 = vector.load %arg4[%swap3A_2465, %swap3A_2466, %swap3A_2467] : memref<1x256x120xi32, #tpu.memory_space<vmem>>, vector<1x256x1xi32>
    %swap3A_2469 = vector.shape_cast %swap3A_2468 : vector<1x256x1xi32> to vector<256x1xi32>
    %swap3A_2470 = vector.shape_cast %broadcast_in_dim3A_2464 : vector<256x1xi32> to vector<1x256x1xi32>
    tpu.vector_store %arg4[%swap3A_2465, %swap3A_2466, %swap3A_2467], %swap3A_2470 {strides = array<i32>} : memref<1x256x120xi32, #tpu.memory_space<vmem>>, vector<1x256x1xi32>,
    %eq3A_2471 = vector.broadcast %broadcast_in_dim3A_2464 : vector<256x1xi32> to vector<256x16xi32>
    %eq3A_2472 = arith.cmpi eq, %iota3A, %eq3A_2471 : vector<256x16xi32>
    %jit3A_2473 = arith.constant 0x7F800000 : f32
    %broadcast_in_dim3A_2474 = vector.broadcast %jit3A_2473 : f32 to vector<256x16xf32>
    %select_n3A_2475 = arith.select %eq3A_2472, %broadcast_in_dim3A_2474, %sqrt3A_2453 : vector<256x16xi1>, vector<256x16xf32>
    %reduce_min3A_2476 = arith.constant dense<0x7F800000> : vector<256xf32>
    %reduce_min3A_2477 = vector.multi_reduction <minimumf>, %select_n3A_2475, %reduce_min3A_2476 [1] : vector<256x16xf32> to vector<256xf32>
    %broadcast_in_dim3A_2478 = vector.shape_cast %reduce_min3A_2477 : vector<256xf32> to vector<256x1xf32>
    %eq3A_2479 = vector.broadcast %broadcast_in_dim3A_2478 : vector<256x1xf32> to vector<256x16xf32>
    %eq3A_2480 = arith.cmpf oeq, %select_n3A_2475, %eq3A_2479 : vector<256x16xf32>
    %jit3A_2481 = arith.constant 16 : i32
    %broadcast_in_dim3A_2482 = vector.broadcast %jit3A_2481 : i32 to vector<256x16xi32>
    %select_n3A_2483 = arith.select %eq3A_2480, %iota3A, %broadcast_in_dim3A_2482 : vector<256x16xi1>, vector<256x16xi32>
    %reduce_min3A_2484 = arith.constant dense<2147483647> : vector<256xi32>
    %reduce_min3A_2485 = vector.multi_reduction <minsi>, %select_n3A_2483, %reduce_min3A_2484 [1] : vector<256x16xi32> to vector<256xi32>
    %broadcast_in_dim3A_2486 = vector.shape_cast %reduce_min3A_2485 : vector<256xi32> to vector<256x1xi32>
    %swap3A_2487 = arith.constant 0 : index
    %swap3A_2488 = arith.constant 0 : index
    %swap3A_2489 = arith.constant 100 : index
    %swap3A_2490 = vector.load %arg4[%swap3A_2487, %swap3A_2488, %swap3A_2489] : memref<1x256x120xi32, #tpu.memory_space<vmem>>, vector<1x256x1xi32>
    %swap3A_2491 = vector.shape_cast %swap3A_2490 : vector<1x256x1xi32> to vector<256x1xi32>
    %swap3A_2492 = vector.shape_cast %broadcast_in_dim3A_2486 : vector<256x1xi32> to vector<1x256x1xi32>
    tpu.vector_store %arg4[%swap3A_2487, %swap3A_2488, %swap3A_2489], %swap3A_2492 {strides = array<i32>} : memref<1x256x120xi32, #tpu.memory_space<vmem>>, vector<1x256x1xi32>,
    %eq3A_2493 = vector.broadcast %broadcast_in_dim3A_2486 : vector<256x1xi32> to vector<256x16xi32>
    %eq3A_2494 = arith.cmpi eq, %iota3A, %eq3A_2493 : vector<256x16xi32>
    %jit3A_2495 = arith.constant 0x7F800000 : f32
    %broadcast_in_dim3A_2496 = vector.broadcast %jit3A_2495 : f32 to vector<256x16xf32>
    %select_n3A_2497 = arith.select %eq3A_2494, %broadcast_in_dim3A_2496, %select_n3A_2475 : vector<256x16xi1>, vector<256x16xf32>
    %reduce_min3A_2498 = arith.constant dense<0x7F800000> : vector<256xf32>
    %reduce_min3A_2499 = vector.multi_reduction <minimumf>, %select_n3A_2497, %reduce_min3A_2498 [1] : vector<256x16xf32> to vector<256xf32>
    %broadcast_in_dim3A_2500 = vector.shape_cast %reduce_min3A_2499 : vector<256xf32> to vector<256x1xf32>
    %eq3A_2501 = vector.broadcast %broadcast_in_dim3A_2500 : vector<256x1xf32> to vector<256x16xf32>
    %eq3A_2502 = arith.cmpf oeq, %select_n3A_2497, %eq3A_2501 : vector<256x16xf32>
    %jit3A_2503 = arith.constant 16 : i32
    %broadcast_in_dim3A_2504 = vector.broadcast %jit3A_2503 : i32 to vector<256x16xi32>
    %select_n3A_2505 = arith.select %eq3A_2502, %iota3A, %broadcast_in_dim3A_2504 : vector<256x16xi1>, vector<256x16xi32>
    %reduce_min3A_2506 = arith.constant dense<2147483647> : vector<256xi32>
    %reduce_min3A_2507 = vector.multi_reduction <minsi>, %select_n3A_2505, %reduce_min3A_2506 [1] : vector<256x16xi32> to vector<256xi32>
    %broadcast_in_dim3A_2508 = vector.shape_cast %reduce_min3A_2507 : vector<256xi32> to vector<256x1xi32>
    %swap3A_2509 = arith.constant 0 : index
    %swap3A_2510 = arith.constant 0 : index
    %swap3A_2511 = arith.constant 101 : index
    %swap3A_2512 = vector.load %arg4[%swap3A_2509, %swap3A_2510, %swap3A_2511] : memref<1x256x120xi32, #tpu.memory_space<vmem>>, vector<1x256x1xi32>
    %swap3A_2513 = vector.shape_cast %swap3A_2512 : vector<1x256x1xi32> to vector<256x1xi32>
    %swap3A_2514 = vector.shape_cast %broadcast_in_dim3A_2508 : vector<256x1xi32> to vector<1x256x1xi32>
    tpu.vector_store %arg4[%swap3A_2509, %swap3A_2510, %swap3A_2511], %swap3A_2514 {strides = array<i32>} : memref<1x256x120xi32, #tpu.memory_space<vmem>>, vector<1x256x1xi32>,
    %sub3A_2515 = arith.constant -3.27835425E-9 : f32
    %sub3A_2516 = vector.broadcast %sub3A_2515 : f32 to vector<256x16xf32>
    %sub3A_2517 = arith.subf %sub3A_2516, %get3A_3 : vector<256x16xf32>
    %sub3A_2518 = arith.constant 7.500000e-02 : f32
    %sub3A_2519 = vector.broadcast %sub3A_2518 : f32 to vector<256x16xf32>
    %sub3A_2520 = arith.subf %sub3A_2519, %get3A_8 : vector<256x16xf32>
    %mul3A_2521 = arith.mulf %sub3A_2517, %sub3A_2517 : vector<256x16xf32>
    %mul3A_2522 = arith.mulf %sub3A_2520, %sub3A_2520 : vector<256x16xf32>
    %add3A_2523 = arith.addf %mul3A_2521, %mul3A_2522 : vector<256x16xf32>
    %add3A_2524 = arith.constant 1.000000e-16 : f32
    %add3A_2525 = vector.broadcast %add3A_2524 : f32 to vector<256x16xf32>
    %add3A_2526 = arith.addf %add3A_2523, %add3A_2525 : vector<256x16xf32>
    %sqrt3A_2527 = math.sqrt %add3A_2526 : vector<256x16xf32>
    %reduce_min3A_2528 = arith.constant dense<0x7F800000> : vector<256xf32>
    %reduce_min3A_2529 = vector.multi_reduction <minimumf>, %sqrt3A_2527, %reduce_min3A_2528 [1] : vector<256x16xf32> to vector<256xf32>
    %broadcast_in_dim3A_2530 = vector.shape_cast %reduce_min3A_2529 : vector<256xf32> to vector<256x1xf32>
    %eq3A_2531 = vector.broadcast %broadcast_in_dim3A_2530 : vector<256x1xf32> to vector<256x16xf32>
    %eq3A_2532 = arith.cmpf oeq, %sqrt3A_2527, %eq3A_2531 : vector<256x16xf32>
    %jit3A_2533 = arith.constant 16 : i32
    %broadcast_in_dim3A_2534 = vector.broadcast %jit3A_2533 : i32 to vector<256x16xi32>
    %select_n3A_2535 = arith.select %eq3A_2532, %iota3A, %broadcast_in_dim3A_2534 : vector<256x16xi1>, vector<256x16xi32>
    %reduce_min3A_2536 = arith.constant dense<2147483647> : vector<256xi32>
    %reduce_min3A_2537 = vector.multi_reduction <minsi>, %select_n3A_2535, %reduce_min3A_2536 [1] : vector<256x16xi32> to vector<256xi32>
    %broadcast_in_dim3A_2538 = vector.shape_cast %reduce_min3A_2537 : vector<256xi32> to vector<256x1xi32>
    %swap3A_2539 = arith.constant 0 : index
    %swap3A_2540 = arith.constant 0 : index
    %swap3A_2541 = arith.constant 102 : index
    %swap3A_2542 = vector.load %arg4[%swap3A_2539, %swap3A_2540, %swap3A_2541] : memref<1x256x120xi32, #tpu.memory_space<vmem>>, vector<1x256x1xi32>
    %swap3A_2543 = vector.shape_cast %swap3A_2542 : vector<1x256x1xi32> to vector<256x1xi32>
    %swap3A_2544 = vector.shape_cast %broadcast_in_dim3A_2538 : vector<256x1xi32> to vector<1x256x1xi32>
    tpu.vector_store %arg4[%swap3A_2539, %swap3A_2540, %swap3A_2541], %swap3A_2544 {strides = array<i32>} : memref<1x256x120xi32, #tpu.memory_space<vmem>>, vector<1x256x1xi32>,
    %eq3A_2545 = vector.broadcast %broadcast_in_dim3A_2538 : vector<256x1xi32> to vector<256x16xi32>
    %eq3A_2546 = arith.cmpi eq, %iota3A, %eq3A_2545 : vector<256x16xi32>
    %jit3A_2547 = arith.constant 0x7F800000 : f32
    %broadcast_in_dim3A_2548 = vector.broadcast %jit3A_2547 : f32 to vector<256x16xf32>
    %select_n3A_2549 = arith.select %eq3A_2546, %broadcast_in_dim3A_2548, %sqrt3A_2527 : vector<256x16xi1>, vector<256x16xf32>
    %reduce_min3A_2550 = arith.constant dense<0x7F800000> : vector<256xf32>
    %reduce_min3A_2551 = vector.multi_reduction <minimumf>, %select_n3A_2549, %reduce_min3A_2550 [1] : vector<256x16xf32> to vector<256xf32>
    %broadcast_in_dim3A_2552 = vector.shape_cast %reduce_min3A_2551 : vector<256xf32> to vector<256x1xf32>
    %eq3A_2553 = vector.broadcast %broadcast_in_dim3A_2552 : vector<256x1xf32> to vector<256x16xf32>
    %eq3A_2554 = arith.cmpf oeq, %select_n3A_2549, %eq3A_2553 : vector<256x16xf32>
    %jit3A_2555 = arith.constant 16 : i32
    %broadcast_in_dim3A_2556 = vector.broadcast %jit3A_2555 : i32 to vector<256x16xi32>
    %select_n3A_2557 = arith.select %eq3A_2554, %iota3A, %broadcast_in_dim3A_2556 : vector<256x16xi1>, vector<256x16xi32>
    %reduce_min3A_2558 = arith.constant dense<2147483647> : vector<256xi32>
    %reduce_min3A_2559 = vector.multi_reduction <minsi>, %select_n3A_2557, %reduce_min3A_2558 [1] : vector<256x16xi32> to vector<256xi32>
    %broadcast_in_dim3A_2560 = vector.shape_cast %reduce_min3A_2559 : vector<256xi32> to vector<256x1xi32>
    %swap3A_2561 = arith.constant 0 : index
    %swap3A_2562 = arith.constant 0 : index
    %swap3A_2563 = arith.constant 103 : index
    %swap3A_2564 = vector.load %arg4[%swap3A_2561, %swap3A_2562, %swap3A_2563] : memref<1x256x120xi32, #tpu.memory_space<vmem>>, vector<1x256x1xi32>
    %swap3A_2565 = vector.shape_cast %swap3A_2564 : vector<1x256x1xi32> to vector<256x1xi32>
    %swap3A_2566 = vector.shape_cast %broadcast_in_dim3A_2560 : vector<256x1xi32> to vector<1x256x1xi32>
    tpu.vector_store %arg4[%swap3A_2561, %swap3A_2562, %swap3A_2563], %swap3A_2566 {strides = array<i32>} : memref<1x256x120xi32, #tpu.memory_space<vmem>>, vector<1x256x1xi32>,
    %eq3A_2567 = vector.broadcast %broadcast_in_dim3A_2560 : vector<256x1xi32> to vector<256x16xi32>
    %eq3A_2568 = arith.cmpi eq, %iota3A, %eq3A_2567 : vector<256x16xi32>
    %jit3A_2569 = arith.constant 0x7F800000 : f32
    %broadcast_in_dim3A_2570 = vector.broadcast %jit3A_2569 : f32 to vector<256x16xf32>
    %select_n3A_2571 = arith.select %eq3A_2568, %broadcast_in_dim3A_2570, %select_n3A_2549 : vector<256x16xi1>, vector<256x16xf32>
    %reduce_min3A_2572 = arith.constant dense<0x7F800000> : vector<256xf32>
    %reduce_min3A_2573 = vector.multi_reduction <minimumf>, %select_n3A_2571, %reduce_min3A_2572 [1] : vector<256x16xf32> to vector<256xf32>
    %broadcast_in_dim3A_2574 = vector.shape_cast %reduce_min3A_2573 : vector<256xf32> to vector<256x1xf32>
    %eq3A_2575 = vector.broadcast %broadcast_in_dim3A_2574 : vector<256x1xf32> to vector<256x16xf32>
    %eq3A_2576 = arith.cmpf oeq, %select_n3A_2571, %eq3A_2575 : vector<256x16xf32>
    %jit3A_2577 = arith.constant 16 : i32
    %broadcast_in_dim3A_2578 = vector.broadcast %jit3A_2577 : i32 to vector<256x16xi32>
    %select_n3A_2579 = arith.select %eq3A_2576, %iota3A, %broadcast_in_dim3A_2578 : vector<256x16xi1>, vector<256x16xi32>
    %reduce_min3A_2580 = arith.constant dense<2147483647> : vector<256xi32>
    %reduce_min3A_2581 = vector.multi_reduction <minsi>, %select_n3A_2579, %reduce_min3A_2580 [1] : vector<256x16xi32> to vector<256xi32>
    %broadcast_in_dim3A_2582 = vector.shape_cast %reduce_min3A_2581 : vector<256xi32> to vector<256x1xi32>
    %swap3A_2583 = arith.constant 0 : index
    %swap3A_2584 = arith.constant 0 : index
    %swap3A_2585 = arith.constant 104 : index
    %swap3A_2586 = vector.load %arg4[%swap3A_2583, %swap3A_2584, %swap3A_2585] : memref<1x256x120xi32, #tpu.memory_space<vmem>>, vector<1x256x1xi32>
    %swap3A_2587 = vector.shape_cast %swap3A_2586 : vector<1x256x1xi32> to vector<256x1xi32>
    %swap3A_2588 = vector.shape_cast %broadcast_in_dim3A_2582 : vector<256x1xi32> to vector<1x256x1xi32>
    tpu.vector_store %arg4[%swap3A_2583, %swap3A_2584, %swap3A_2585], %swap3A_2588 {strides = array<i32>} : memref<1x256x120xi32, #tpu.memory_space<vmem>>, vector<1x256x1xi32>,
    %sub3A_2589 = arith.constant -0.0530330092 : f32
    %sub3A_2590 = vector.broadcast %sub3A_2589 : f32 to vector<256x16xf32>
    %sub3A_2591 = arith.subf %sub3A_2590, %get3A_3 : vector<256x16xf32>
    %sub3A_2592 = arith.constant 0.0530330092 : f32
    %sub3A_2593 = vector.broadcast %sub3A_2592 : f32 to vector<256x16xf32>
    %sub3A_2594 = arith.subf %sub3A_2593, %get3A_8 : vector<256x16xf32>
    %mul3A_2595 = arith.mulf %sub3A_2591, %sub3A_2591 : vector<256x16xf32>
    %mul3A_2596 = arith.mulf %sub3A_2594, %sub3A_2594 : vector<256x16xf32>
    %add3A_2597 = arith.addf %mul3A_2595, %mul3A_2596 : vector<256x16xf32>
    %add3A_2598 = arith.constant 1.000000e-16 : f32
    %add3A_2599 = vector.broadcast %add3A_2598 : f32 to vector<256x16xf32>
    %add3A_2600 = arith.addf %add3A_2597, %add3A_2599 : vector<256x16xf32>
    %sqrt3A_2601 = math.sqrt %add3A_2600 : vector<256x16xf32>
    %reduce_min3A_2602 = arith.constant dense<0x7F800000> : vector<256xf32>
    %reduce_min3A_2603 = vector.multi_reduction <minimumf>, %sqrt3A_2601, %reduce_min3A_2602 [1] : vector<256x16xf32> to vector<256xf32>
    %broadcast_in_dim3A_2604 = vector.shape_cast %reduce_min3A_2603 : vector<256xf32> to vector<256x1xf32>
    %eq3A_2605 = vector.broadcast %broadcast_in_dim3A_2604 : vector<256x1xf32> to vector<256x16xf32>
    %eq3A_2606 = arith.cmpf oeq, %sqrt3A_2601, %eq3A_2605 : vector<256x16xf32>
    %jit3A_2607 = arith.constant 16 : i32
    %broadcast_in_dim3A_2608 = vector.broadcast %jit3A_2607 : i32 to vector<256x16xi32>
    %select_n3A_2609 = arith.select %eq3A_2606, %iota3A, %broadcast_in_dim3A_2608 : vector<256x16xi1>, vector<256x16xi32>
    %reduce_min3A_2610 = arith.constant dense<2147483647> : vector<256xi32>
    %reduce_min3A_2611 = vector.multi_reduction <minsi>, %select_n3A_2609, %reduce_min3A_2610 [1] : vector<256x16xi32> to vector<256xi32>
    %broadcast_in_dim3A_2612 = vector.shape_cast %reduce_min3A_2611 : vector<256xi32> to vector<256x1xi32>
    %swap3A_2613 = arith.constant 0 : index
    %swap3A_2614 = arith.constant 0 : index
    %swap3A_2615 = arith.constant 105 : index
    %swap3A_2616 = vector.load %arg4[%swap3A_2613, %swap3A_2614, %swap3A_2615] : memref<1x256x120xi32, #tpu.memory_space<vmem>>, vector<1x256x1xi32>
    %swap3A_2617 = vector.shape_cast %swap3A_2616 : vector<1x256x1xi32> to vector<256x1xi32>
    %swap3A_2618 = vector.shape_cast %broadcast_in_dim3A_2612 : vector<256x1xi32> to vector<1x256x1xi32>
    tpu.vector_store %arg4[%swap3A_2613, %swap3A_2614, %swap3A_2615], %swap3A_2618 {strides = array<i32>} : memref<1x256x120xi32, #tpu.memory_space<vmem>>, vector<1x256x1xi32>,
    %eq3A_2619 = vector.broadcast %broadcast_in_dim3A_2612 : vector<256x1xi32> to vector<256x16xi32>
    %eq3A_2620 = arith.cmpi eq, %iota3A, %eq3A_2619 : vector<256x16xi32>
    %jit3A_2621 = arith.constant 0x7F800000 : f32
    %broadcast_in_dim3A_2622 = vector.broadcast %jit3A_2621 : f32 to vector<256x16xf32>
    %select_n3A_2623 = arith.select %eq3A_2620, %broadcast_in_dim3A_2622, %sqrt3A_2601 : vector<256x16xi1>, vector<256x16xf32>
    %reduce_min3A_2624 = arith.constant dense<0x7F800000> : vector<256xf32>
    %reduce_min3A_2625 = vector.multi_reduction <minimumf>, %select_n3A_2623, %reduce_min3A_2624 [1] : vector<256x16xf32> to vector<256xf32>
    %broadcast_in_dim3A_2626 = vector.shape_cast %reduce_min3A_2625 : vector<256xf32> to vector<256x1xf32>
    %eq3A_2627 = vector.broadcast %broadcast_in_dim3A_2626 : vector<256x1xf32> to vector<256x16xf32>
    %eq3A_2628 = arith.cmpf oeq, %select_n3A_2623, %eq3A_2627 : vector<256x16xf32>
    %jit3A_2629 = arith.constant 16 : i32
    %broadcast_in_dim3A_2630 = vector.broadcast %jit3A_2629 : i32 to vector<256x16xi32>
    %select_n3A_2631 = arith.select %eq3A_2628, %iota3A, %broadcast_in_dim3A_2630 : vector<256x16xi1>, vector<256x16xi32>
    %reduce_min3A_2632 = arith.constant dense<2147483647> : vector<256xi32>
    %reduce_min3A_2633 = vector.multi_reduction <minsi>, %select_n3A_2631, %reduce_min3A_2632 [1] : vector<256x16xi32> to vector<256xi32>
    %broadcast_in_dim3A_2634 = vector.shape_cast %reduce_min3A_2633 : vector<256xi32> to vector<256x1xi32>
    %swap3A_2635 = arith.constant 0 : index
    %swap3A_2636 = arith.constant 0 : index
    %swap3A_2637 = arith.constant 106 : index
    %swap3A_2638 = vector.load %arg4[%swap3A_2635, %swap3A_2636, %swap3A_2637] : memref<1x256x120xi32, #tpu.memory_space<vmem>>, vector<1x256x1xi32>
    %swap3A_2639 = vector.shape_cast %swap3A_2638 : vector<1x256x1xi32> to vector<256x1xi32>
    %swap3A_2640 = vector.shape_cast %broadcast_in_dim3A_2634 : vector<256x1xi32> to vector<1x256x1xi32>
    tpu.vector_store %arg4[%swap3A_2635, %swap3A_2636, %swap3A_2637], %swap3A_2640 {strides = array<i32>} : memref<1x256x120xi32, #tpu.memory_space<vmem>>, vector<1x256x1xi32>,
    %eq3A_2641 = vector.broadcast %broadcast_in_dim3A_2634 : vector<256x1xi32> to vector<256x16xi32>
    %eq3A_2642 = arith.cmpi eq, %iota3A, %eq3A_2641 : vector<256x16xi32>
    %jit3A_2643 = arith.constant 0x7F800000 : f32
    %broadcast_in_dim3A_2644 = vector.broadcast %jit3A_2643 : f32 to vector<256x16xf32>
    %select_n3A_2645 = arith.select %eq3A_2642, %broadcast_in_dim3A_2644, %select_n3A_2623 : vector<256x16xi1>, vector<256x16xf32>
    %reduce_min3A_2646 = arith.constant dense<0x7F800000> : vector<256xf32>
    %reduce_min3A_2647 = vector.multi_reduction <minimumf>, %select_n3A_2645, %reduce_min3A_2646 [1] : vector<256x16xf32> to vector<256xf32>
    %broadcast_in_dim3A_2648 = vector.shape_cast %reduce_min3A_2647 : vector<256xf32> to vector<256x1xf32>
    %eq3A_2649 = vector.broadcast %broadcast_in_dim3A_2648 : vector<256x1xf32> to vector<256x16xf32>
    %eq3A_2650 = arith.cmpf oeq, %select_n3A_2645, %eq3A_2649 : vector<256x16xf32>
    %jit3A_2651 = arith.constant 16 : i32
    %broadcast_in_dim3A_2652 = vector.broadcast %jit3A_2651 : i32 to vector<256x16xi32>
    %select_n3A_2653 = arith.select %eq3A_2650, %iota3A, %broadcast_in_dim3A_2652 : vector<256x16xi1>, vector<256x16xi32>
    %reduce_min3A_2654 = arith.constant dense<2147483647> : vector<256xi32>
    %reduce_min3A_2655 = vector.multi_reduction <minsi>, %select_n3A_2653, %reduce_min3A_2654 [1] : vector<256x16xi32> to vector<256xi32>
    %broadcast_in_dim3A_2656 = vector.shape_cast %reduce_min3A_2655 : vector<256xi32> to vector<256x1xi32>
    %swap3A_2657 = arith.constant 0 : index
    %swap3A_2658 = arith.constant 0 : index
    %swap3A_2659 = arith.constant 107 : index
    %swap3A_2660 = vector.load %arg4[%swap3A_2657, %swap3A_2658, %swap3A_2659] : memref<1x256x120xi32, #tpu.memory_space<vmem>>, vector<1x256x1xi32>
    %swap3A_2661 = vector.shape_cast %swap3A_2660 : vector<1x256x1xi32> to vector<256x1xi32>
    %swap3A_2662 = vector.shape_cast %broadcast_in_dim3A_2656 : vector<256x1xi32> to vector<1x256x1xi32>
    tpu.vector_store %arg4[%swap3A_2657, %swap3A_2658, %swap3A_2659], %swap3A_2662 {strides = array<i32>} : memref<1x256x120xi32, #tpu.memory_space<vmem>>, vector<1x256x1xi32>,
    %sub3A_2663 = arith.constant -7.500000e-02 : f32
    %sub3A_2664 = vector.broadcast %sub3A_2663 : f32 to vector<256x16xf32>
    %sub3A_2665 = arith.subf %sub3A_2664, %get3A_3 : vector<256x16xf32>
    %sub3A_2666 = arith.constant -6.5567085E-9 : f32
    %sub3A_2667 = vector.broadcast %sub3A_2666 : f32 to vector<256x16xf32>
    %sub3A_2668 = arith.subf %sub3A_2667, %get3A_8 : vector<256x16xf32>
    %mul3A_2669 = arith.mulf %sub3A_2665, %sub3A_2665 : vector<256x16xf32>
    %mul3A_2670 = arith.mulf %sub3A_2668, %sub3A_2668 : vector<256x16xf32>
    %add3A_2671 = arith.addf %mul3A_2669, %mul3A_2670 : vector<256x16xf32>
    %add3A_2672 = arith.constant 1.000000e-16 : f32
    %add3A_2673 = vector.broadcast %add3A_2672 : f32 to vector<256x16xf32>
    %add3A_2674 = arith.addf %add3A_2671, %add3A_2673 : vector<256x16xf32>
    %sqrt3A_2675 = math.sqrt %add3A_2674 : vector<256x16xf32>
    %reduce_min3A_2676 = arith.constant dense<0x7F800000> : vector<256xf32>
    %reduce_min3A_2677 = vector.multi_reduction <minimumf>, %sqrt3A_2675, %reduce_min3A_2676 [1] : vector<256x16xf32> to vector<256xf32>
    %broadcast_in_dim3A_2678 = vector.shape_cast %reduce_min3A_2677 : vector<256xf32> to vector<256x1xf32>
    %eq3A_2679 = vector.broadcast %broadcast_in_dim3A_2678 : vector<256x1xf32> to vector<256x16xf32>
    %eq3A_2680 = arith.cmpf oeq, %sqrt3A_2675, %eq3A_2679 : vector<256x16xf32>
    %jit3A_2681 = arith.constant 16 : i32
    %broadcast_in_dim3A_2682 = vector.broadcast %jit3A_2681 : i32 to vector<256x16xi32>
    %select_n3A_2683 = arith.select %eq3A_2680, %iota3A, %broadcast_in_dim3A_2682 : vector<256x16xi1>, vector<256x16xi32>
    %reduce_min3A_2684 = arith.constant dense<2147483647> : vector<256xi32>
    %reduce_min3A_2685 = vector.multi_reduction <minsi>, %select_n3A_2683, %reduce_min3A_2684 [1] : vector<256x16xi32> to vector<256xi32>
    %broadcast_in_dim3A_2686 = vector.shape_cast %reduce_min3A_2685 : vector<256xi32> to vector<256x1xi32>
    %swap3A_2687 = arith.constant 0 : index
    %swap3A_2688 = arith.constant 0 : index
    %swap3A_2689 = arith.constant 108 : index
    %swap3A_2690 = vector.load %arg4[%swap3A_2687, %swap3A_2688, %swap3A_2689] : memref<1x256x120xi32, #tpu.memory_space<vmem>>, vector<1x256x1xi32>
    %swap3A_2691 = vector.shape_cast %swap3A_2690 : vector<1x256x1xi32> to vector<256x1xi32>
    %swap3A_2692 = vector.shape_cast %broadcast_in_dim3A_2686 : vector<256x1xi32> to vector<1x256x1xi32>
    tpu.vector_store %arg4[%swap3A_2687, %swap3A_2688, %swap3A_2689], %swap3A_2692 {strides = array<i32>} : memref<1x256x120xi32, #tpu.memory_space<vmem>>, vector<1x256x1xi32>,
    %eq3A_2693 = vector.broadcast %broadcast_in_dim3A_2686 : vector<256x1xi32> to vector<256x16xi32>
    %eq3A_2694 = arith.cmpi eq, %iota3A, %eq3A_2693 : vector<256x16xi32>
    %jit3A_2695 = arith.constant 0x7F800000 : f32
    %broadcast_in_dim3A_2696 = vector.broadcast %jit3A_2695 : f32 to vector<256x16xf32>
    %select_n3A_2697 = arith.select %eq3A_2694, %broadcast_in_dim3A_2696, %sqrt3A_2675 : vector<256x16xi1>, vector<256x16xf32>
    %reduce_min3A_2698 = arith.constant dense<0x7F800000> : vector<256xf32>
    %reduce_min3A_2699 = vector.multi_reduction <minimumf>, %select_n3A_2697, %reduce_min3A_2698 [1] : vector<256x16xf32> to vector<256xf32>
    %broadcast_in_dim3A_2700 = vector.shape_cast %reduce_min3A_2699 : vector<256xf32> to vector<256x1xf32>
    %eq3A_2701 = vector.broadcast %broadcast_in_dim3A_2700 : vector<256x1xf32> to vector<256x16xf32>
    %eq3A_2702 = arith.cmpf oeq, %select_n3A_2697, %eq3A_2701 : vector<256x16xf32>
    %jit3A_2703 = arith.constant 16 : i32
    %broadcast_in_dim3A_2704 = vector.broadcast %jit3A_2703 : i32 to vector<256x16xi32>
    %select_n3A_2705 = arith.select %eq3A_2702, %iota3A, %broadcast_in_dim3A_2704 : vector<256x16xi1>, vector<256x16xi32>
    %reduce_min3A_2706 = arith.constant dense<2147483647> : vector<256xi32>
    %reduce_min3A_2707 = vector.multi_reduction <minsi>, %select_n3A_2705, %reduce_min3A_2706 [1] : vector<256x16xi32> to vector<256xi32>
    %broadcast_in_dim3A_2708 = vector.shape_cast %reduce_min3A_2707 : vector<256xi32> to vector<256x1xi32>
    %swap3A_2709 = arith.constant 0 : index
    %swap3A_2710 = arith.constant 0 : index
    %swap3A_2711 = arith.constant 109 : index
    %swap3A_2712 = vector.load %arg4[%swap3A_2709, %swap3A_2710, %swap3A_2711] : memref<1x256x120xi32, #tpu.memory_space<vmem>>, vector<1x256x1xi32>
    %swap3A_2713 = vector.shape_cast %swap3A_2712 : vector<1x256x1xi32> to vector<256x1xi32>
    %swap3A_2714 = vector.shape_cast %broadcast_in_dim3A_2708 : vector<256x1xi32> to vector<1x256x1xi32>
    tpu.vector_store %arg4[%swap3A_2709, %swap3A_2710, %swap3A_2711], %swap3A_2714 {strides = array<i32>} : memref<1x256x120xi32, #tpu.memory_space<vmem>>, vector<1x256x1xi32>,
    %eq3A_2715 = vector.broadcast %broadcast_in_dim3A_2708 : vector<256x1xi32> to vector<256x16xi32>
    %eq3A_2716 = arith.cmpi eq, %iota3A, %eq3A_2715 : vector<256x16xi32>
    %jit3A_2717 = arith.constant 0x7F800000 : f32
    %broadcast_in_dim3A_2718 = vector.broadcast %jit3A_2717 : f32 to vector<256x16xf32>
    %select_n3A_2719 = arith.select %eq3A_2716, %broadcast_in_dim3A_2718, %select_n3A_2697 : vector<256x16xi1>, vector<256x16xf32>
    %reduce_min3A_2720 = arith.constant dense<0x7F800000> : vector<256xf32>
    %reduce_min3A_2721 = vector.multi_reduction <minimumf>, %select_n3A_2719, %reduce_min3A_2720 [1] : vector<256x16xf32> to vector<256xf32>
    %broadcast_in_dim3A_2722 = vector.shape_cast %reduce_min3A_2721 : vector<256xf32> to vector<256x1xf32>
    %eq3A_2723 = vector.broadcast %broadcast_in_dim3A_2722 : vector<256x1xf32> to vector<256x16xf32>
    %eq3A_2724 = arith.cmpf oeq, %select_n3A_2719, %eq3A_2723 : vector<256x16xf32>
    %jit3A_2725 = arith.constant 16 : i32
    %broadcast_in_dim3A_2726 = vector.broadcast %jit3A_2725 : i32 to vector<256x16xi32>
    %select_n3A_2727 = arith.select %eq3A_2724, %iota3A, %broadcast_in_dim3A_2726 : vector<256x16xi1>, vector<256x16xi32>
    %reduce_min3A_2728 = arith.constant dense<2147483647> : vector<256xi32>
    %reduce_min3A_2729 = vector.multi_reduction <minsi>, %select_n3A_2727, %reduce_min3A_2728 [1] : vector<256x16xi32> to vector<256xi32>
    %broadcast_in_dim3A_2730 = vector.shape_cast %reduce_min3A_2729 : vector<256xi32> to vector<256x1xi32>
    %swap3A_2731 = arith.constant 0 : index
    %swap3A_2732 = arith.constant 0 : index
    %swap3A_2733 = arith.constant 110 : index
    %swap3A_2734 = vector.load %arg4[%swap3A_2731, %swap3A_2732, %swap3A_2733] : memref<1x256x120xi32, #tpu.memory_space<vmem>>, vector<1x256x1xi32>
    %swap3A_2735 = vector.shape_cast %swap3A_2734 : vector<1x256x1xi32> to vector<256x1xi32>
    %swap3A_2736 = vector.shape_cast %broadcast_in_dim3A_2730 : vector<256x1xi32> to vector<1x256x1xi32>
    tpu.vector_store %arg4[%swap3A_2731, %swap3A_2732, %swap3A_2733], %swap3A_2736 {strides = array<i32>} : memref<1x256x120xi32, #tpu.memory_space<vmem>>, vector<1x256x1xi32>,
    %sub3A_2737 = arith.constant -0.0530330129 : f32
    %sub3A_2738 = vector.broadcast %sub3A_2737 : f32 to vector<256x16xf32>
    %sub3A_2739 = arith.subf %sub3A_2738, %get3A_3 : vector<256x16xf32>
    %sub3A_2740 = arith.constant -0.0530330054 : f32
    %sub3A_2741 = vector.broadcast %sub3A_2740 : f32 to vector<256x16xf32>
    %sub3A_2742 = arith.subf %sub3A_2741, %get3A_8 : vector<256x16xf32>
    %mul3A_2743 = arith.mulf %sub3A_2739, %sub3A_2739 : vector<256x16xf32>
    %mul3A_2744 = arith.mulf %sub3A_2742, %sub3A_2742 : vector<256x16xf32>
    %add3A_2745 = arith.addf %mul3A_2743, %mul3A_2744 : vector<256x16xf32>
    %add3A_2746 = arith.constant 1.000000e-16 : f32
    %add3A_2747 = vector.broadcast %add3A_2746 : f32 to vector<256x16xf32>
    %add3A_2748 = arith.addf %add3A_2745, %add3A_2747 : vector<256x16xf32>
    %sqrt3A_2749 = math.sqrt %add3A_2748 : vector<256x16xf32>
    %reduce_min3A_2750 = arith.constant dense<0x7F800000> : vector<256xf32>
    %reduce_min3A_2751 = vector.multi_reduction <minimumf>, %sqrt3A_2749, %reduce_min3A_2750 [1] : vector<256x16xf32> to vector<256xf32>
    %broadcast_in_dim3A_2752 = vector.shape_cast %reduce_min3A_2751 : vector<256xf32> to vector<256x1xf32>
    %eq3A_2753 = vector.broadcast %broadcast_in_dim3A_2752 : vector<256x1xf32> to vector<256x16xf32>
    %eq3A_2754 = arith.cmpf oeq, %sqrt3A_2749, %eq3A_2753 : vector<256x16xf32>
    %jit3A_2755 = arith.constant 16 : i32
    %broadcast_in_dim3A_2756 = vector.broadcast %jit3A_2755 : i32 to vector<256x16xi32>
    %select_n3A_2757 = arith.select %eq3A_2754, %iota3A, %broadcast_in_dim3A_2756 : vector<256x16xi1>, vector<256x16xi32>
    %reduce_min3A_2758 = arith.constant dense<2147483647> : vector<256xi32>
    %reduce_min3A_2759 = vector.multi_reduction <minsi>, %select_n3A_2757, %reduce_min3A_2758 [1] : vector<256x16xi32> to vector<256xi32>
    %broadcast_in_dim3A_2760 = vector.shape_cast %reduce_min3A_2759 : vector<256xi32> to vector<256x1xi32>
    %swap3A_2761 = arith.constant 0 : index
    %swap3A_2762 = arith.constant 0 : index
    %swap3A_2763 = arith.constant 111 : index
    %swap3A_2764 = vector.load %arg4[%swap3A_2761, %swap3A_2762, %swap3A_2763] : memref<1x256x120xi32, #tpu.memory_space<vmem>>, vector<1x256x1xi32>
    %swap3A_2765 = vector.shape_cast %swap3A_2764 : vector<1x256x1xi32> to vector<256x1xi32>
    %swap3A_2766 = vector.shape_cast %broadcast_in_dim3A_2760 : vector<256x1xi32> to vector<1x256x1xi32>
    tpu.vector_store %arg4[%swap3A_2761, %swap3A_2762, %swap3A_2763], %swap3A_2766 {strides = array<i32>} : memref<1x256x120xi32, #tpu.memory_space<vmem>>, vector<1x256x1xi32>,
    %eq3A_2767 = vector.broadcast %broadcast_in_dim3A_2760 : vector<256x1xi32> to vector<256x16xi32>
    %eq3A_2768 = arith.cmpi eq, %iota3A, %eq3A_2767 : vector<256x16xi32>
    %jit3A_2769 = arith.constant 0x7F800000 : f32
    %broadcast_in_dim3A_2770 = vector.broadcast %jit3A_2769 : f32 to vector<256x16xf32>
    %select_n3A_2771 = arith.select %eq3A_2768, %broadcast_in_dim3A_2770, %sqrt3A_2749 : vector<256x16xi1>, vector<256x16xf32>
    %reduce_min3A_2772 = arith.constant dense<0x7F800000> : vector<256xf32>
    %reduce_min3A_2773 = vector.multi_reduction <minimumf>, %select_n3A_2771, %reduce_min3A_2772 [1] : vector<256x16xf32> to vector<256xf32>
    %broadcast_in_dim3A_2774 = vector.shape_cast %reduce_min3A_2773 : vector<256xf32> to vector<256x1xf32>
    %eq3A_2775 = vector.broadcast %broadcast_in_dim3A_2774 : vector<256x1xf32> to vector<256x16xf32>
    %eq3A_2776 = arith.cmpf oeq, %select_n3A_2771, %eq3A_2775 : vector<256x16xf32>
    %jit3A_2777 = arith.constant 16 : i32
    %broadcast_in_dim3A_2778 = vector.broadcast %jit3A_2777 : i32 to vector<256x16xi32>
    %select_n3A_2779 = arith.select %eq3A_2776, %iota3A, %broadcast_in_dim3A_2778 : vector<256x16xi1>, vector<256x16xi32>
    %reduce_min3A_2780 = arith.constant dense<2147483647> : vector<256xi32>
    %reduce_min3A_2781 = vector.multi_reduction <minsi>, %select_n3A_2779, %reduce_min3A_2780 [1] : vector<256x16xi32> to vector<256xi32>
    %broadcast_in_dim3A_2782 = vector.shape_cast %reduce_min3A_2781 : vector<256xi32> to vector<256x1xi32>
    %swap3A_2783 = arith.constant 0 : index
    %swap3A_2784 = arith.constant 0 : index
    %swap3A_2785 = arith.constant 112 : index
    %swap3A_2786 = vector.load %arg4[%swap3A_2783, %swap3A_2784, %swap3A_2785] : memref<1x256x120xi32, #tpu.memory_space<vmem>>, vector<1x256x1xi32>
    %swap3A_2787 = vector.shape_cast %swap3A_2786 : vector<1x256x1xi32> to vector<256x1xi32>
    %swap3A_2788 = vector.shape_cast %broadcast_in_dim3A_2782 : vector<256x1xi32> to vector<1x256x1xi32>
    tpu.vector_store %arg4[%swap3A_2783, %swap3A_2784, %swap3A_2785], %swap3A_2788 {strides = array<i32>} : memref<1x256x120xi32, #tpu.memory_space<vmem>>, vector<1x256x1xi32>,
    %eq3A_2789 = vector.broadcast %broadcast_in_dim3A_2782 : vector<256x1xi32> to vector<256x16xi32>
    %eq3A_2790 = arith.cmpi eq, %iota3A, %eq3A_2789 : vector<256x16xi32>
    %jit3A_2791 = arith.constant 0x7F800000 : f32
    %broadcast_in_dim3A_2792 = vector.broadcast %jit3A_2791 : f32 to vector<256x16xf32>
    %select_n3A_2793 = arith.select %eq3A_2790, %broadcast_in_dim3A_2792, %select_n3A_2771 : vector<256x16xi1>, vector<256x16xf32>
    %reduce_min3A_2794 = arith.constant dense<0x7F800000> : vector<256xf32>
    %reduce_min3A_2795 = vector.multi_reduction <minimumf>, %select_n3A_2793, %reduce_min3A_2794 [1] : vector<256x16xf32> to vector<256xf32>
    %broadcast_in_dim3A_2796 = vector.shape_cast %reduce_min3A_2795 : vector<256xf32> to vector<256x1xf32>
    %eq3A_2797 = vector.broadcast %broadcast_in_dim3A_2796 : vector<256x1xf32> to vector<256x16xf32>
    %eq3A_2798 = arith.cmpf oeq, %select_n3A_2793, %eq3A_2797 : vector<256x16xf32>
    %jit3A_2799 = arith.constant 16 : i32
    %broadcast_in_dim3A_2800 = vector.broadcast %jit3A_2799 : i32 to vector<256x16xi32>
    %select_n3A_2801 = arith.select %eq3A_2798, %iota3A, %broadcast_in_dim3A_2800 : vector<256x16xi1>, vector<256x16xi32>
    %reduce_min3A_2802 = arith.constant dense<2147483647> : vector<256xi32>
    %reduce_min3A_2803 = vector.multi_reduction <minsi>, %select_n3A_2801, %reduce_min3A_2802 [1] : vector<256x16xi32> to vector<256xi32>
    %broadcast_in_dim3A_2804 = vector.shape_cast %reduce_min3A_2803 : vector<256xi32> to vector<256x1xi32>
    %swap3A_2805 = arith.constant 0 : index
    %swap3A_2806 = arith.constant 0 : index
    %swap3A_2807 = arith.constant 113 : index
    %swap3A_2808 = vector.load %arg4[%swap3A_2805, %swap3A_2806, %swap3A_2807] : memref<1x256x120xi32, #tpu.memory_space<vmem>>, vector<1x256x1xi32>
    %swap3A_2809 = vector.shape_cast %swap3A_2808 : vector<1x256x1xi32> to vector<256x1xi32>
    %swap3A_2810 = vector.shape_cast %broadcast_in_dim3A_2804 : vector<256x1xi32> to vector<1x256x1xi32>
    tpu.vector_store %arg4[%swap3A_2805, %swap3A_2806, %swap3A_2807], %swap3A_2810 {strides = array<i32>} : memref<1x256x120xi32, #tpu.memory_space<vmem>>, vector<1x256x1xi32>,
    %sub3A_2811 = arith.constant 8.94366081E-10 : f32
    %sub3A_2812 = vector.broadcast %sub3A_2811 : f32 to vector<256x16xf32>
    %sub3A_2813 = arith.subf %sub3A_2812, %get3A_3 : vector<256x16xf32>
    %sub3A_2814 = arith.constant -7.500000e-02 : f32
    %sub3A_2815 = vector.broadcast %sub3A_2814 : f32 to vector<256x16xf32>
    %sub3A_2816 = arith.subf %sub3A_2815, %get3A_8 : vector<256x16xf32>
    %mul3A_2817 = arith.mulf %sub3A_2813, %sub3A_2813 : vector<256x16xf32>
    %mul3A_2818 = arith.mulf %sub3A_2816, %sub3A_2816 : vector<256x16xf32>
    %add3A_2819 = arith.addf %mul3A_2817, %mul3A_2818 : vector<256x16xf32>
    %add3A_2820 = arith.constant 1.000000e-16 : f32
    %add3A_2821 = vector.broadcast %add3A_2820 : f32 to vector<256x16xf32>
    %add3A_2822 = arith.addf %add3A_2819, %add3A_2821 : vector<256x16xf32>
    %sqrt3A_2823 = math.sqrt %add3A_2822 : vector<256x16xf32>
    %reduce_min3A_2824 = arith.constant dense<0x7F800000> : vector<256xf32>
    %reduce_min3A_2825 = vector.multi_reduction <minimumf>, %sqrt3A_2823, %reduce_min3A_2824 [1] : vector<256x16xf32> to vector<256xf32>
    %broadcast_in_dim3A_2826 = vector.shape_cast %reduce_min3A_2825 : vector<256xf32> to vector<256x1xf32>
    %eq3A_2827 = vector.broadcast %broadcast_in_dim3A_2826 : vector<256x1xf32> to vector<256x16xf32>
    %eq3A_2828 = arith.cmpf oeq, %sqrt3A_2823, %eq3A_2827 : vector<256x16xf32>
    %jit3A_2829 = arith.constant 16 : i32
    %broadcast_in_dim3A_2830 = vector.broadcast %jit3A_2829 : i32 to vector<256x16xi32>
    %select_n3A_2831 = arith.select %eq3A_2828, %iota3A, %broadcast_in_dim3A_2830 : vector<256x16xi1>, vector<256x16xi32>
    %reduce_min3A_2832 = arith.constant dense<2147483647> : vector<256xi32>
    %reduce_min3A_2833 = vector.multi_reduction <minsi>, %select_n3A_2831, %reduce_min3A_2832 [1] : vector<256x16xi32> to vector<256xi32>
    %broadcast_in_dim3A_2834 = vector.shape_cast %reduce_min3A_2833 : vector<256xi32> to vector<256x1xi32>
    %swap3A_2835 = arith.constant 0 : index
    %swap3A_2836 = arith.constant 0 : index
    %swap3A_2837 = arith.constant 114 : index
    %swap3A_2838 = vector.load %arg4[%swap3A_2835, %swap3A_2836, %swap3A_2837] : memref<1x256x120xi32, #tpu.memory_space<vmem>>, vector<1x256x1xi32>
    %swap3A_2839 = vector.shape_cast %swap3A_2838 : vector<1x256x1xi32> to vector<256x1xi32>
    %swap3A_2840 = vector.shape_cast %broadcast_in_dim3A_2834 : vector<256x1xi32> to vector<1x256x1xi32>
    tpu.vector_store %arg4[%swap3A_2835, %swap3A_2836, %swap3A_2837], %swap3A_2840 {strides = array<i32>} : memref<1x256x120xi32, #tpu.memory_space<vmem>>, vector<1x256x1xi32>,
    %eq3A_2841 = vector.broadcast %broadcast_in_dim3A_2834 : vector<256x1xi32> to vector<256x16xi32>
    %eq3A_2842 = arith.cmpi eq, %iota3A, %eq3A_2841 : vector<256x16xi32>
    %jit3A_2843 = arith.constant 0x7F800000 : f32
    %broadcast_in_dim3A_2844 = vector.broadcast %jit3A_2843 : f32 to vector<256x16xf32>
    %select_n3A_2845 = arith.select %eq3A_2842, %broadcast_in_dim3A_2844, %sqrt3A_2823 : vector<256x16xi1>, vector<256x16xf32>
    %reduce_min3A_2846 = arith.constant dense<0x7F800000> : vector<256xf32>
    %reduce_min3A_2847 = vector.multi_reduction <minimumf>, %select_n3A_2845, %reduce_min3A_2846 [1] : vector<256x16xf32> to vector<256xf32>
    %broadcast_in_dim3A_2848 = vector.shape_cast %reduce_min3A_2847 : vector<256xf32> to vector<256x1xf32>
    %eq3A_2849 = vector.broadcast %broadcast_in_dim3A_2848 : vector<256x1xf32> to vector<256x16xf32>
    %eq3A_2850 = arith.cmpf oeq, %select_n3A_2845, %eq3A_2849 : vector<256x16xf32>
    %jit3A_2851 = arith.constant 16 : i32
    %broadcast_in_dim3A_2852 = vector.broadcast %jit3A_2851 : i32 to vector<256x16xi32>
    %select_n3A_2853 = arith.select %eq3A_2850, %iota3A, %broadcast_in_dim3A_2852 : vector<256x16xi1>, vector<256x16xi32>
    %reduce_min3A_2854 = arith.constant dense<2147483647> : vector<256xi32>
    %reduce_min3A_2855 = vector.multi_reduction <minsi>, %select_n3A_2853, %reduce_min3A_2854 [1] : vector<256x16xi32> to vector<256xi32>
    %broadcast_in_dim3A_2856 = vector.shape_cast %reduce_min3A_2855 : vector<256xi32> to vector<256x1xi32>
    %swap3A_2857 = arith.constant 0 : index
    %swap3A_2858 = arith.constant 0 : index
    %swap3A_2859 = arith.constant 115 : index
    %swap3A_2860 = vector.load %arg4[%swap3A_2857, %swap3A_2858, %swap3A_2859] : memref<1x256x120xi32, #tpu.memory_space<vmem>>, vector<1x256x1xi32>
    %swap3A_2861 = vector.shape_cast %swap3A_2860 : vector<1x256x1xi32> to vector<256x1xi32>
    %swap3A_2862 = vector.shape_cast %broadcast_in_dim3A_2856 : vector<256x1xi32> to vector<1x256x1xi32>
    tpu.vector_store %arg4[%swap3A_2857, %swap3A_2858, %swap3A_2859], %swap3A_2862 {strides = array<i32>} : memref<1x256x120xi32, #tpu.memory_space<vmem>>, vector<1x256x1xi32>,
    %eq3A_2863 = vector.broadcast %broadcast_in_dim3A_2856 : vector<256x1xi32> to vector<256x16xi32>
    %eq3A_2864 = arith.cmpi eq, %iota3A, %eq3A_2863 : vector<256x16xi32>
    %jit3A_2865 = arith.constant 0x7F800000 : f32
    %broadcast_in_dim3A_2866 = vector.broadcast %jit3A_2865 : f32 to vector<256x16xf32>
    %select_n3A_2867 = arith.select %eq3A_2864, %broadcast_in_dim3A_2866, %select_n3A_2845 : vector<256x16xi1>, vector<256x16xf32>
    %reduce_min3A_2868 = arith.constant dense<0x7F800000> : vector<256xf32>
    %reduce_min3A_2869 = vector.multi_reduction <minimumf>, %select_n3A_2867, %reduce_min3A_2868 [1] : vector<256x16xf32> to vector<256xf32>
    %broadcast_in_dim3A_2870 = vector.shape_cast %reduce_min3A_2869 : vector<256xf32> to vector<256x1xf32>
    %eq3A_2871 = vector.broadcast %broadcast_in_dim3A_2870 : vector<256x1xf32> to vector<256x16xf32>
    %eq3A_2872 = arith.cmpf oeq, %select_n3A_2867, %eq3A_2871 : vector<256x16xf32>
    %jit3A_2873 = arith.constant 16 : i32
    %broadcast_in_dim3A_2874 = vector.broadcast %jit3A_2873 : i32 to vector<256x16xi32>
    %select_n3A_2875 = arith.select %eq3A_2872, %iota3A, %broadcast_in_dim3A_2874 : vector<256x16xi1>, vector<256x16xi32>
    %reduce_min3A_2876 = arith.constant dense<2147483647> : vector<256xi32>
    %reduce_min3A_2877 = vector.multi_reduction <minsi>, %select_n3A_2875, %reduce_min3A_2876 [1] : vector<256x16xi32> to vector<256xi32>
    %broadcast_in_dim3A_2878 = vector.shape_cast %reduce_min3A_2877 : vector<256xi32> to vector<256x1xi32>
    %swap3A_2879 = arith.constant 0 : index
    %swap3A_2880 = arith.constant 0 : index
    %swap3A_2881 = arith.constant 116 : index
    %swap3A_2882 = vector.load %arg4[%swap3A_2879, %swap3A_2880, %swap3A_2881] : memref<1x256x120xi32, #tpu.memory_space<vmem>>, vector<1x256x1xi32>
    %swap3A_2883 = vector.shape_cast %swap3A_2882 : vector<1x256x1xi32> to vector<256x1xi32>
    %swap3A_2884 = vector.shape_cast %broadcast_in_dim3A_2878 : vector<256x1xi32> to vector<1x256x1xi32>
    tpu.vector_store %arg4[%swap3A_2879, %swap3A_2880, %swap3A_2881], %swap3A_2884 {strides = array<i32>} : memref<1x256x120xi32, #tpu.memory_space<vmem>>, vector<1x256x1xi32>,
    %sub3A_2885 = arith.constant 5.303300e-02 : f32
    %sub3A_2886 = vector.broadcast %sub3A_2885 : f32 to vector<256x16xf32>
    %sub3A_2887 = arith.subf %sub3A_2886, %get3A_3 : vector<256x16xf32>
    %sub3A_2888 = arith.constant -0.0530330203 : f32
    %sub3A_2889 = vector.broadcast %sub3A_2888 : f32 to vector<256x16xf32>
    %sub3A_2890 = arith.subf %sub3A_2889, %get3A_8 : vector<256x16xf32>
    %mul3A_2891 = arith.mulf %sub3A_2887, %sub3A_2887 : vector<256x16xf32>
    %mul3A_2892 = arith.mulf %sub3A_2890, %sub3A_2890 : vector<256x16xf32>
    %add3A_2893 = arith.addf %mul3A_2891, %mul3A_2892 : vector<256x16xf32>
    %add3A_2894 = arith.constant 1.000000e-16 : f32
    %add3A_2895 = vector.broadcast %add3A_2894 : f32 to vector<256x16xf32>
    %add3A_2896 = arith.addf %add3A_2893, %add3A_2895 : vector<256x16xf32>
    %sqrt3A_2897 = math.sqrt %add3A_2896 : vector<256x16xf32>
    %reduce_min3A_2898 = arith.constant dense<0x7F800000> : vector<256xf32>
    %reduce_min3A_2899 = vector.multi_reduction <minimumf>, %sqrt3A_2897, %reduce_min3A_2898 [1] : vector<256x16xf32> to vector<256xf32>
    %broadcast_in_dim3A_2900 = vector.shape_cast %reduce_min3A_2899 : vector<256xf32> to vector<256x1xf32>
    %eq3A_2901 = vector.broadcast %broadcast_in_dim3A_2900 : vector<256x1xf32> to vector<256x16xf32>
    %eq3A_2902 = arith.cmpf oeq, %sqrt3A_2897, %eq3A_2901 : vector<256x16xf32>
    %jit3A_2903 = arith.constant 16 : i32
    %broadcast_in_dim3A_2904 = vector.broadcast %jit3A_2903 : i32 to vector<256x16xi32>
    %select_n3A_2905 = arith.select %eq3A_2902, %iota3A, %broadcast_in_dim3A_2904 : vector<256x16xi1>, vector<256x16xi32>
    %reduce_min3A_2906 = arith.constant dense<2147483647> : vector<256xi32>
    %reduce_min3A_2907 = vector.multi_reduction <minsi>, %select_n3A_2905, %reduce_min3A_2906 [1] : vector<256x16xi32> to vector<256xi32>
    %broadcast_in_dim3A_2908 = vector.shape_cast %reduce_min3A_2907 : vector<256xi32> to vector<256x1xi32>
    %swap3A_2909 = arith.constant 0 : index
    %swap3A_2910 = arith.constant 0 : index
    %swap3A_2911 = arith.constant 117 : index
    %swap3A_2912 = vector.load %arg4[%swap3A_2909, %swap3A_2910, %swap3A_2911] : memref<1x256x120xi32, #tpu.memory_space<vmem>>, vector<1x256x1xi32>
    %swap3A_2913 = vector.shape_cast %swap3A_2912 : vector<1x256x1xi32> to vector<256x1xi32>
    %swap3A_2914 = vector.shape_cast %broadcast_in_dim3A_2908 : vector<256x1xi32> to vector<1x256x1xi32>
    tpu.vector_store %arg4[%swap3A_2909, %swap3A_2910, %swap3A_2911], %swap3A_2914 {strides = array<i32>} : memref<1x256x120xi32, #tpu.memory_space<vmem>>, vector<1x256x1xi32>,
    %eq3A_2915 = vector.broadcast %broadcast_in_dim3A_2908 : vector<256x1xi32> to vector<256x16xi32>
    %eq3A_2916 = arith.cmpi eq, %iota3A, %eq3A_2915 : vector<256x16xi32>
    %jit3A_2917 = arith.constant 0x7F800000 : f32
    %broadcast_in_dim3A_2918 = vector.broadcast %jit3A_2917 : f32 to vector<256x16xf32>
    %select_n3A_2919 = arith.select %eq3A_2916, %broadcast_in_dim3A_2918, %sqrt3A_2897 : vector<256x16xi1>, vector<256x16xf32>
    %reduce_min3A_2920 = arith.constant dense<0x7F800000> : vector<256xf32>
    %reduce_min3A_2921 = vector.multi_reduction <minimumf>, %select_n3A_2919, %reduce_min3A_2920 [1] : vector<256x16xf32> to vector<256xf32>
    %broadcast_in_dim3A_2922 = vector.shape_cast %reduce_min3A_2921 : vector<256xf32> to vector<256x1xf32>
    %eq3A_2923 = vector.broadcast %broadcast_in_dim3A_2922 : vector<256x1xf32> to vector<256x16xf32>
    %eq3A_2924 = arith.cmpf oeq, %select_n3A_2919, %eq3A_2923 : vector<256x16xf32>
    %jit3A_2925 = arith.constant 16 : i32
    %broadcast_in_dim3A_2926 = vector.broadcast %jit3A_2925 : i32 to vector<256x16xi32>
    %select_n3A_2927 = arith.select %eq3A_2924, %iota3A, %broadcast_in_dim3A_2926 : vector<256x16xi1>, vector<256x16xi32>
    %reduce_min3A_2928 = arith.constant dense<2147483647> : vector<256xi32>
    %reduce_min3A_2929 = vector.multi_reduction <minsi>, %select_n3A_2927, %reduce_min3A_2928 [1] : vector<256x16xi32> to vector<256xi32>
    %broadcast_in_dim3A_2930 = vector.shape_cast %reduce_min3A_2929 : vector<256xi32> to vector<256x1xi32>
    %swap3A_2931 = arith.constant 0 : index
    %swap3A_2932 = arith.constant 0 : index
    %swap3A_2933 = arith.constant 118 : index
    %swap3A_2934 = vector.load %arg4[%swap3A_2931, %swap3A_2932, %swap3A_2933] : memref<1x256x120xi32, #tpu.memory_space<vmem>>, vector<1x256x1xi32>
    %swap3A_2935 = vector.shape_cast %swap3A_2934 : vector<1x256x1xi32> to vector<256x1xi32>
    %swap3A_2936 = vector.shape_cast %broadcast_in_dim3A_2930 : vector<256x1xi32> to vector<1x256x1xi32>
    tpu.vector_store %arg4[%swap3A_2931, %swap3A_2932, %swap3A_2933], %swap3A_2936 {strides = array<i32>} : memref<1x256x120xi32, #tpu.memory_space<vmem>>, vector<1x256x1xi32>,
    %eq3A_2937 = vector.broadcast %broadcast_in_dim3A_2930 : vector<256x1xi32> to vector<256x16xi32>
    %eq3A_2938 = arith.cmpi eq, %iota3A, %eq3A_2937 : vector<256x16xi32>
    %jit3A_2939 = arith.constant 0x7F800000 : f32
    %broadcast_in_dim3A_2940 = vector.broadcast %jit3A_2939 : f32 to vector<256x16xf32>
    %select_n3A_2941 = arith.select %eq3A_2938, %broadcast_in_dim3A_2940, %select_n3A_2919 : vector<256x16xi1>, vector<256x16xf32>
    %reduce_min3A_2942 = arith.constant dense<0x7F800000> : vector<256xf32>
    %reduce_min3A_2943 = vector.multi_reduction <minimumf>, %select_n3A_2941, %reduce_min3A_2942 [1] : vector<256x16xf32> to vector<256xf32>
    %broadcast_in_dim3A_2944 = vector.shape_cast %reduce_min3A_2943 : vector<256xf32> to vector<256x1xf32>
    %eq3A_2945 = vector.broadcast %broadcast_in_dim3A_2944 : vector<256x1xf32> to vector<256x16xf32>
    %eq3A_2946 = arith.cmpf oeq, %select_n3A_2941, %eq3A_2945 : vector<256x16xf32>
    %jit3A_2947 = arith.constant 16 : i32
    %broadcast_in_dim3A_2948 = vector.broadcast %jit3A_2947 : i32 to vector<256x16xi32>
    %select_n3A_2949 = arith.select %eq3A_2946, %iota3A, %broadcast_in_dim3A_2948 : vector<256x16xi1>, vector<256x16xi32>
    %reduce_min3A_2950 = arith.constant dense<2147483647> : vector<256xi32>
    %reduce_min3A_2951 = vector.multi_reduction <minsi>, %select_n3A_2949, %reduce_min3A_2950 [1] : vector<256x16xi32> to vector<256xi32>
    %broadcast_in_dim3A_2952 = vector.shape_cast %reduce_min3A_2951 : vector<256xi32> to vector<256x1xi32>
    %swap3A_2953 = arith.constant 0 : index
    %swap3A_2954 = arith.constant 0 : index
    %swap3A_2955 = arith.constant 119 : index
    %swap3A_2956 = vector.load %arg4[%swap3A_2953, %swap3A_2954, %swap3A_2955] : memref<1x256x120xi32, #tpu.memory_space<vmem>>, vector<1x256x1xi32>
    %swap3A_2957 = vector.shape_cast %swap3A_2956 : vector<1x256x1xi32> to vector<256x1xi32>
    %swap3A_2958 = vector.shape_cast %broadcast_in_dim3A_2952 : vector<256x1xi32> to vector<1x256x1xi32>
    tpu.vector_store %arg4[%swap3A_2953, %swap3A_2954, %swap3A_2955], %swap3A_2958 {strides = array<i32>} : memref<1x256x120xi32, #tpu.memory_space<vmem>>, vector<1x256x1xi32>,
    return
  }
  func.func @transform_0(%arg0: i32, %arg1: i32) -> (i32, i32, i32) {
    %c0_i32 = arith.constant 0 : i32
    %c0_i32_0 = arith.constant 0 : i32
    return %arg0, %arg1, %c0_i32 : i32, i32, i32
  }
  func.func @transform_1(%arg0: i32, %arg1: i32) -> (i32, i32, i32) {
    %c0_i32 = arith.constant 0 : i32
    %c0_i32_0 = arith.constant 0 : i32
    return %arg0, %arg1, %c0_i32 : i32, i32, i32
  }
  func.func @transform_2(%arg0: i32, %arg1: i32) -> (i32, i32, i32) {
    %c0_i32 = arith.constant 0 : i32
    %c0_i32_0 = arith.constant 0 : i32
    return %arg0, %arg1, %c0_i32 : i32, i32, i32
  }
}

</mosaic_0001>

<sc_bundles>
// kernel: gather_offload_async_start.1
scs
__scs_entry_jumppad:
0x0: {  	(pc) =	sbr.rel $0x88, $3  }
0x1: {  	(tag) =	ssettag $0x0;
	lr =	simm.s32 $0x1  }
0x2: {  	[smem:$0x3FA0] =	sst lr;
	_ =	strace $0xD0000000  }
0x3: {  	_ = 	snop  }
0x4: {  	_ = 	snop  }
0x5: {  	_ = 	snop  }
0x6: {  	_ = 	snop  }
0x7: {  	_ = 	snop  }
__scs_overlays_trampoline_lowered:
0x8: {  	[smem:$0x3FAF] =	sst s0  }
0x9: {  	[smem:$0x3FB0] =	sst s1  }
0xa: {  	[smem:$0x3FB1] =	sst s2  }
0xb: {  	[smem:$0x3FB2] =	sst s3  }
0xc: {  	[smem:$0x3FB3] =	sst s4  }
0xd: {  	[smem:$0x3FB4] =	sst s5  }
0xe: {  	[smem:$0x3FB5] =	sst s6  }
0xf: {  	[smem:$0x3FB6] =	sst s7  }
0x10: {  	[smem:$0x3FB7] =	sst s8  }
0x11: {  	[smem:$0x3FB8] =	sst s9;
	s0 =	simm.s32 @!p0 $0x0  }
0x12: {  	s1 =	sld [smem:$0x3F9E];
	s0 =	simm.s32 @p0 $0x1  }
0x13: {  	[smem:$0x3FB9] =	sst s0;
	s0 =	simm.s32 @!p1 $0x0  }
0x14: {  	s2 =	sld [smem:$0x3F9D];
	s0 =	simm.s32 @p1 $0x1  }
0x15: {  	[smem:$0x3FBA] =	sst s0;
	s0 =	simm.s32 @!p2 $0x0  }
0x16: {  	s3 =	sld [smem:$0x3FDB];
	s0 =	simm.s32 @p2 $0x1  }
0x17: {  	s4 =	simm.s32 $0x1BF5;
	[smem:$0x3FBC] =	sst s0  }
0x18: {  	s0 =	sld [smem:$0x3F9F];
	_ =	swait.ge [sflag:s4], $0x0  }
0x19: {  	s7 =	sld [smem:$0x3FA0]  }
0x1a: {  	s8 =	sadd.s32 $0xFFFFE003, lr  }
0x1b: {  	s9 =	sadd.s32 $0xFFFFFEF7, lr;
	s5 =	simm.s32 $0xFFFFFFFF;
	p2 =	slt.u32 s8, $0xFFFFF086  }
0x1c: {  	p1 =	slt.u32 s9, $0xF7A;
	s5 =	simm.s32 @!p2 $0x0  }
0x1d: {  	s5 =	simm.s32 @p1 $0x1;
	p0 =	seq.s32 s7, s2  }
0x1e: {  	s7 =	smul.u32 @!p0 $0xF7A, s2;
	p2 =	seq.s32 @!p0 s5, $0x0  }
0x1f: {  	s9 =	smul.u32 $0xF7A, s1;
	s8 =	simm.s32 @!p0 $0x1BF5;
	p2 =	por !p2, p0  }
0x20: {  	[sflag:s8] =	ssyncset.s32 @!p0 $0xFFFFF086;
	s6 =	sadd.s32 @!p0 s3, s7;
	s7 =	simm.s32 @!p0 $0x108  }
0x21: {  	s3 =	sadd.s32 s3, s9;
	s6 =	sadd.s32 @!p0 $0x88, s6;
	s7 =	simm.s32 @p2 $0x1082  }
0x22: {  	[simem:s7], [sflag:s8] =	dma.local @!p0 [hbm:s6], $0xF7A  }
0x23: {  	s9 =	sor.u32 $0xD0000000, s2;
	s6 =	simm.s32 $0x108;
	_ =	swait.ge @!p0 [sflag:s8], $0x0  }
0x24: {  	s3 =	sadd.s32 $0x88, s3;
	s6 =	simm.s32 @!p1 $0x1082;
	[sflag:s4] =	ssyncset.s32 $0xFFFFF086  }
0x25: {  	[simem:s6], [sflag:s4] =	dma.local [hbm:s3], $0xF7A  }
0x26: {  	[smem:$0x3FA0] =	sst s1;
	(tag) =	ssettag s2;
	_ =	strace s9  }
0x27: {  	s1 =	sld [smem:$0x3FB0]  }
0x28: {  	s2 =	sld [smem:$0x3FB1]  }
0x29: {  	s4 =	sld [smem:$0x3FB3]  }
0x2a: {  	p0 =	seq.s32 s5, $0x0;
	s5 =	sld [smem:$0x3FB4]  }
0x2b: {  	s6 =	sld [smem:$0x3FB5]  }
0x2c: {  	s7 =	sld [smem:$0x3FB6]  }
0x2d: {  	s3 =	simm.s32 $0x108;
	s8 =	sld [smem:$0x3FB7]  }
0x2e: {  	s3 =	simm.s32 @!p0 $0x1082;
	s9 =	sld [smem:$0x3FB8]  }
0x2f: {  	lr =	sadd.s32 s0, s3;
	s0 =	sld [smem:$0x3FAF]  }
0x30: {  	s3 =	sld [smem:$0x3FB2]  }
0x31: {  	[smem:$0x3FBB] =	sst s10  }
0x32: {  	s10 =	sld [smem:$0x3FB9];
	_ =	sdelay $0x3  }
0x33: {  	p0 =	seq.s32 s10, $0x1;
	s10 =	sld [smem:$0x3FBB];
	_ =	sdelay $0x3  }
0x34: {  	[smem:$0x3FBB] =	sst s10  }
0x35: {  	s10 =	sld [smem:$0x3FBA];
	_ =	sdelay $0x3  }
0x36: {  	p1 =	seq.s32 s10, $0x1;
	s10 =	sld [smem:$0x3FBB];
	_ =	sdelay $0x3  }
0x37: {  	[smem:$0x3FBB] =	sst s10  }
0x38: {  	s10 =	sld [smem:$0x3FBC]  }
0x39: {  	_ = 	snop;
	(pc) =	sbr.ind lr, $3  }
0x3a: {  	_ = 	snop  }
0x3b: {  	_ = 	snop  }
0x3c: {  	p2 =	seq.s32 s10, $0x1;
	s10 =	sld [smem:$0x3FBB]  }
0x3d: {  	_ =	shalt  }
0x3e: {  	_ =	shalt  }
0x3f: {  	_ =	shalt  }
0x40: {  	_ =	shalt  }
0x41: {  	_ =	shalt  }
0x42: {  	_ =	shalt  }
0x43: {  	_ =	shalt  }
0x44: {  	_ =	shalt  }
0x45: {  	_ =	shalt  }
0x46: {  	_ =	shalt  }
0x47: {  	_ =	shalt  }
0x48: {  	_ =	shalt  }
0x49: {  	_ =	shalt  }
0x4a: {  	_ =	shalt  }
0x4b: {  	_ =	shalt  }
0x4c: {  	_ =	shalt  }
0x4d: {  	_ =	shalt  }
0x4e: {  	_ =	shalt  }
0x4f: {  	_ =	shalt  }
0x50: {  	_ =	shalt  }
0x51: {  	_ =	shalt  }
0x52: {  	_ =	shalt  }
0x53: {  	_ =	shalt  }
0x54: {  	_ =	shalt  }
0x55: {  	_ =	shalt  }
0x56: {  	_ =	shalt  }
0x57: {  	_ =	shalt  }
0x58: {  	_ =	shalt  }
0x59: {  	_ =	shalt  }
0x5a: {  	_ =	shalt  }
0x5b: {  	_ =	shalt  }
0x5c: {  	_ =	shalt  }
0x5d: {  	_ =	shalt  }
0x5e: {  	_ =	shalt  }
0x5f: {  	_ =	shalt  }
0x60: {  	_ =	shalt  }
0x61: {  	_ =	shalt  }
0x62: {  	_ =	shalt  }
0x63: {  	_ =	shalt  }
0x64: {  	_ =	shalt  }
0x65: {  	_ =	shalt  }
0x66: {  	_ =	shalt  }
0x67: {  	_ =	shalt  }
0x68: {  	_ =	shalt  }
0x69: {  	_ =	shalt  }
0x6a: {  	_ =	shalt  }
0x6b: {  	_ =	shalt  }
0x6c: {  	_ =	shalt  }
0x6d: {  	_ =	shalt  }
0x6e: {  	_ =	shalt  }
0x6f: {  	_ =	shalt  }
0x70: {  	_ =	shalt  }
0x71: {  	_ =	shalt  }
0x72: {  	_ =	shalt  }
0x73: {  	_ =	shalt  }
0x74: {  	_ =	shalt  }
0x75: {  	_ =	shalt  }
0x76: {  	_ =	shalt  }
0x77: {  	_ =	shalt  }
0x78: {  	_ =	shalt  }
0x79: {  	_ =	shalt  }
0x7a: {  	_ =	shalt  }
0x7b: {  	_ =	shalt  }
0x7c: {  	_ =	shalt  }
0x7d: {  	_ =	shalt  }
0x7e: {  	_ =	shalt  }
0x7f: {  	_ =	shalt  }
0x80: {  	_ =	shalt  }
0x81: {  	_ =	shalt  }
0x82: {  	_ =	shalt  }
0x83: {  	_ =	shalt  }
0x84: {  	_ =	shalt  }
0x85: {  	_ =	shalt  }
0x86: {  	_ =	shalt  }
0x87: {  	_ =	shalt  }
.Lfunc_end0:
.L_simem_size_0:
called_computation.1_lowered:
.L_overlay_start_0:
0x88: {  	s2 =	sld [smem:$0x3FD9]  }
0x89: {  	s3 =	sld [smem:$0x3FFE];
	_ =	sdelay $0x1  }
0x8a: {  	s1 =	srdreg.scid  }
0x8b: {  	s0 =	sand.u32 $0x1, s1  }
0x8c: {  	s16 =	sshll.u32 s0, $0xA;
	s2 =	sadd.s32 s3, s2  }
0x8d: {  	s2 =	sadd.s32 s2, s16  }
0x8e: {  	[smem:$0x3FC7] =	sst s2  }
0x8f: {  	_ = 	snop  }
0x90: {  	(tm) =	ssettm $0x1  }
0x91: {  	s17 =	sld [smem:$0x3FFB];
	_ =	sdelay $0x3  }
0x92: {  	_ =	strace s17  }
0x93: {  	s2 =	sld [smem:$0x3FFC];
	_ =	sdelay $0x3  }
0x94: {  	_ =	strace s2  }
0x95: {  	s2 =	sld [smem:$0x3FFD];
	_ =	sdelay $0x3  }
0x96: {  	_ =	strace s2  }
0x97: {  	_ =	strace $0x8FFFFFFF  }
0x98: {  	s18 =	sld [smem:$0x3FDB];
	_ =	sdelay $0x1  }
0x99: {  	s19 =	simm.s32 $_scs_section_size  }
0x9a: {  	s4 =	simm.s32 $_size__tile_overlayer_lowered;
	s5 =	simm.s32 $_tile_overlayer_lowered  }
0x9b: {  	s22 =	simm.s32 $0x1BFF;
	s21 =	sshll.u32 s5, $0x1;
	s2 =	sadd.s32 s19, s18  }
0x9c: {  	s6 =	simm.s32 $0x0;
	s20 =	sshll.u32 s4, $0x1;
	s4 =	sadd.s32 s21, s2  }
0x9d: {  	[timem:s6], [sflag:s22] =	dma.local [hbm:s4], s20  }
0x9e: {  	_ =	swait.ge [sflag:s22], s20  }
0x9f: {  	s3 =	ssub.s32 $0x0, s20;
	[sflag:s22] =	ssyncset.done $0x0  }
0xa0: {  	[sflag:s22] =	ssyncadd.s32 s3;
	_ =	sdelay $0x1  }
0xa1: {  	s23 =	simm.s32 $0x1B8B  }
0xa2: {  	_ =	swait.ge [sflag:s23], $0x1  }
0xa3: {  	[sflag:s23] =	ssyncset.done $0x0  }
0xa4: {  	s25 =	simm.s32 $0x1B8E;
	s24 =	sld [smem:$0x3FFE];
	[sflag:s23] =	ssyncadd.s32 $0xFFFFFFFF  }
0xa5: {  	s26 =	simm.s32 $execute0_lowered;
	[smem:$0x3FD2] =	sst s25  }
0xa6: {  	s4 =	sshll.u32 s26, $0x1;
	_ =	strace $0x80000049;
	[dreg:$0x1] =	wrdreg $0xFFFFFFFF  }
0xa7: {  	s28 =	simm.s32 $_size_execute0_lowered;
	s2 =	sadd.s32 s2, s4;
	[dreg:$0x0] =	wrdreg $0x0  }
0xa8: {  	s4 =	sshll.u32 s28, $0x1;
	[dreg:$0x2] =	wrdreg s2  }
0xa9: {  	[dreg:$0x3] =	wrdreg s4  }
0xaa: {  	[dreg:$0x4] =	wrdreg $0xC0  }
0xab: {  	_ =	task [dreg:s6], $0x5FFFF  }
0xac: {  	[dreg:$0x1] =	wrdreg $0xFFFFFFFF  }
0xad: {  	[dreg:$0x0] =	wrdreg $0x60  }
0xae: {  	[dreg:$0x2] =	wrdreg s24  }
0xaf: {  	[dreg:$0x3] =	wrdreg $0x9  }
0xb0: {  	_ =	task.clear_ibuf [dreg:s6], $0x4FFFF;
	_ =	strace $0x90000049  }
0xb1: {  	s29 =	simm.s32 $0x9;
	_ =	strace $0x8000004B  }
0xb2: {  	_ =	swait.ge [sflag:s29], $0x1  }
0xb3: {  	[sflag:s29] =	ssyncadd.s32 $0xFFFFFFFF  }
0xb4: {  	_ =	strace $0x9000004B  }
0xb5: {  	_ =	sfence  }
0xb6: {  	s30 =	sld [smem:$0x0];
	_ =	sdelay $0x2  }
0xb7: {  	s31 =	sshll.u32 s1, $0xD;
	s1 =	sshrl.u32 s1, $0x2  }
0xb8: {  	s3 =	sand.u32 $0x4000, s31;
	s1 =	sadd.s32 s1, s30  }
0xb9: {  	s0 =	sor.u32 s3, s0;
	s1 =	sshll.u32 s1, $0x11  }
0xba: {  	s0 =	sor.u32 s1, s0  }
0xbb: {  	s0 =	sadd.s32 $0x8F2B, s0  }
0xbc: {  	[sflag:s0] =	ssyncadd.remote.s32 $0x1  }
0xbd: {  	_ =	sfence.sel $0xFFFF  }
0xbe: {  	[dreg:$0x0] =	wrdreg $0xFFFFFFFF;
	(pc) =	sbr.abs _section_cstart, $3  }
0xbf: {  	[dreg:$0x1] =	wrdreg $0xFFFFFFFF  }
0xc0: {  	_ =	task.clear_ibuf [dreg:s6], $0x2FFFF;
	_ =	strace $0x9FFFFFFF  }
0xc1: {  	(tm) =	ssettm $0x7FFFFFFF  }
tec
execute0_lowered:
.L_overlay_start_1:
0x0: {  	(tag) =	ssettag $0x1  }
0x1: {  	s7 =	rddreg [dreg:$0x0]  }
0x2: {  	s1 =	srdreg.scid;
	s0 =	rddreg [dreg:$0x1]  }
0x3: {  	_ =	strace $0x8000004A;
	s3 =	simm.s32 $0x1;
	s5 =	simm.s32 $0x2  }
0x4: {  	s9 =	simm.s32 $0x3;
	s11 =	simm.s32 $0x0;
	s2 =	sshll.u32 s1, $0x4  }
.Ltmp0:
0x5: {  	s1 =	stileid.u32;
	s4 =	sand.u32 $0x10, s2;
	(pc) =	sbr.rel .LBB2_1-.Ltmp0, $4  }
0x6: {  	p0 =	por $0x0, $0x0;
	[sflag:s3] =	ssyncpa.u1 $0x0;
	s4 =	sor.u32 s1, s4  }
0x7: {  	s6 =	sadd.s32 $0x105A00, s7;
	[sflag:s5] =	ssyncpa.u1 $0x0;
	s4 =	smul.u32 $0x300, s4  }
0x8: {  	s2 =	sadd.s32 $0x12A400, s7;
	s7 =	sadd.s32 $0x18A400, s7;
	[sflag:s9] =	ssyncpa.u1 $0x0  }
0x9: {  	v0 =	vimm.s32 $0x0;
	vm0 =	vmmov $0xff;
	vm1 =	vcmask $0x3F20;
	s9 =	simm.s32 $0x0;
	s8 =	sadd.s32 $0x300, s4;
	s10 =	smov.u32 s4  }
.LBB2_6:
0xa: {  	[hbm:s15] =	stream.linear.scatter [tilespmem:s12], [sflag:$0x3], $0x400, $0x38;
	[tilespmem:$0x18300] =	vst v63  }
.LBB2_7:
0xb: {  	p1 =	slt.u32 s9, $0x2;
	s11 =	sadd.s32 $0x180, s10  }
0xc: {  	s13 =	smov.u32 s4;
	s9 =	sadd.s32 $0x1, s9;
	p2 =	slt.s32 s11, s8  }
0xd: {  	s13 =	smov.u32 @p2 s11;
	p2 =	sne.s32 s9, $0x4  }
.Ltmp1:
0xe: {  	_ = 	snop;
	(pc) =	sbr.rel @!p2 .LBB2_8-.Ltmp1, $4  }
0xf: {  	s12 =	simm.s32 @!p1 $0x3  }
0x10: {  	_ =	swait.ge @!p1 [sflag:s12], $0xC000  }
0x11: {  	p0 =	por !p0, !p0;
	[sflag:s12] =	ssyncset.done @!p1 $0x0  }
0x12: {  	s11 =	smov.u32 s10;
	s10 =	smov.u32 s13;
	[sflag:s12] =	ssyncadd.s32 @!p1 $0xFFFF4000  }
.LBB2_1:
0x13: {  	p1 =	sgt.u32 s9, $0x1  }
0x14: {  	s12 =	sxor.u32 @!p1 $0x1, s9  }
0x15: {  	s12 =	smul.u32 @!p1 $0x600, s12  }
0x16: {  	s31 =	sadd.s32 $0xFFFFFFFF, s9;
	s13 =	sshrl.u32 @!p1 s10, $0x3  }
0x17: {  	s14 =	sand.u32 @!p1 $0x7, s10;
	s13 =	sadd.s32 @!p1 s6, s13;
	s12 =	sshra.s32 @!p1 s12, $0x2  }
0x18: {  	[tilespmem:s12], [sflag:$0x2] =	stream.linear.gather @!p1 [hbm4b:s13+s14], $0x180, $0x38;
	[tilespmem:$0x18300] =	vst v63  }
0x19: {  	p1 =	sgt.u32 s31, $0x1  }
.Ltmp2:
0x1a: {  	_ = 	snop;
	(pc) =	sbr.rel @p1 .LBB2_7-.Ltmp2, $1  }
0x1b: {  	_ =	sdelay $0x3  }
0x1c: {  	s12 =	simm.s32 $0x1  }
0x1d: {  	s12 =	simm.s32 @!p0 $0x0  }
0x1e: {  	s13 =	smul.u32 $0x600, s12  }
0x1f: {  	_ =	swait.ge [sflag:s5], $0x180  }
0x20: {  	[sflag:s5] =	ssyncset.done $0x0;
	s14 =	sshrl.u32 s13, $0x2  }
0x21: {  	[sflag:s5] =	ssyncadd.s32 $0xFFFFFE80;
	s13 =	sadd.s32 $0x0, s14  }
0x22: {  	v1 =	vld.msk [tilespmem:s13+$0x0 ss:$0x1], $0xffff;
	_ =	sdelay $0x4  }
0x23: {  	v2 =	vand.u32 $0x1, v1  }
0x24: {  	vm2 =	veq.s32 v1, $0x80000000;
	v1 =	vshll.u32 v1, $0x6;
	vm3 =	veq.s32 v2, $0x1  }
0x25: {  	v3 =	vand.u32 $0x180000, v1;
	v1 =	vand.u32 $0x7FF80, v1;
	v2 =	vsel vm3, $0x180000, v0  }
0x26: {  	v1 =	vsel vm2, $0xFFFFFF80, v1;
	v2 =	vadd.s32 v3, v2  }
0x27: {  	v3 =	vand.u32 $0xFFFFFC00, v1;
	v2 =	vsel vm2, $0xFFE00000, v2  }
0x28: {  	v1 =	vand.u32 $0x380, v1;
	v2 =	vadd.s32 v3, v2  }
0x29: {  	v1 =	vor.u32 v1, v2  }
0x2a: {  	v1 =	vshrl.u32 v1, $0x3  }
0x2b: {  	s12 =	smul.u32 $0x30000, s12;
	_ =	sdelay $0x1  }
0x2c: {  	s12 =	sshrl.u32 s12, $0x2  }
0x2d: {  	s12 =	sor.u32 $0x300, s12  }
0x2e: {  	[tilespmem:s12], [sflag:$0x1] =	stream.indirect_vreg.gather [hbm:s2], $0x80, v1, vm0, $0x38;
	[tilespmem:$0x18300] =	vst v63  }
0x2f: {  	s15 =	sadd.s32 $0x10, s14;
	s13 =	sadd.s32 $0x400, s12  }
0x30: {  	[tilespmem:s13], [sflag:$0x1] =	stream.indirect_vreg.gather [hbm:s2], $0x80, v1, vm1, $0x38;
	[tilespmem:$0x18300] =	vst v63  }
0x31: {  	s16 =	simm.s32 $0x80;
	v1 =	vld.msk [tilespmem:s15+$0x0 ss:$0x1], $0xffff;
	s15 =	smov.u32 s12  }
.LBB2_3:
0x32: {  	p1 =	sne.s32 s16, $0x5C0;
	_ =	sdelay $0x4  }
0x33: {  	v2 =	vand.u32 $0x1, v1  }
0x34: {  	vm2 =	veq.s32 v1, $0x80000000;
	v1 =	vshll.u32 v1, $0x6;
	vm3 =	veq.s32 v2, $0x1  }
0x35: {  	v3 =	vand.u32 $0x180000, v1;
	v1 =	vand.u32 $0x7FF80, v1;
	v2 =	vsel vm3, $0x180000, v0  }
0x36: {  	v1 =	vsel vm2, $0xFFFFFF80, v1;
	v2 =	vadd.s32 v3, v2  }
0x37: {  	v3 =	vand.u32 $0xFFFFFC00, v1;
	v2 =	vsel vm2, $0xFFE00000, v2  }
0x38: {  	v1 =	vand.u32 $0x380, v1;
	v2 =	vadd.s32 v3, v2  }
0x39: {  	v1 =	vor.u32 v1, v2  }
0x3a: {  	v1 =	vshrl.u32 v1, $0x3;
	_ =	sdelay $0x3  }
.Ltmp3:
0x3b: {  	s17 =	sshra.s32 s16, $0x2;
	s15 =	sadd.s32 $0x800, s15;
	(pc) =	sbr.rel @p1 .LBB2_3-.Ltmp3, $4  }
0x3c: {  	[tilespmem:s15], [sflag:$0x1] =	stream.indirect_vreg.gather [hbm:s2], $0x80, v1, vm0, $0x38;
	[tilespmem:$0x18300] =	vst v63  }
0x3d: {  	s17 =	sadd.s32 s17, s14;
	s18 =	sadd.s32 $0x400, s15  }
0x3e: {  	[tilespmem:s18], [sflag:$0x1] =	stream.indirect_vreg.gather [hbm:s2], $0x80, v1, vm1, $0x38;
	[tilespmem:$0x18300] =	vst v63  }
0x3f: {  	s16 =	sadd.s32 $0x40, s16;
	v1 =	vld.msk [tilespmem:s17+$0x0 ss:$0x1], $0xffff  }
0x40: {  	_ =	sdelay $0x3  }
0x41: {  	v2 =	vand.u32 $0x1, v1  }
0x42: {  	vm2 =	veq.s32 v1, $0x80000000;
	v1 =	vshll.u32 v1, $0x6;
	vm3 =	veq.s32 v2, $0x1  }
0x43: {  	v3 =	vand.u32 $0x180000, v1;
	v1 =	vand.u32 $0x7FF80, v1;
	v2 =	vsel vm3, $0x180000, v0  }
0x44: {  	v1 =	vsel vm2, $0xFFFFFF80, v1;
	v2 =	vadd.s32 v3, v2  }
0x45: {  	v3 =	vand.u32 $0xFFFFFC00, v1;
	v2 =	vsel vm2, $0xFFE00000, v2  }
0x46: {  	v1 =	vand.u32 $0x380, v1;
	v2 =	vadd.s32 v3, v2  }
0x47: {  	v1 =	vor.u32 v1, v2  }
0x48: {  	v1 =	vshrl.u32 v1, $0x3;
	_ =	sdelay $0x3  }
0x49: {  	s14 =	sadd.s32 $0x800, s15  }
0x4a: {  	[tilespmem:s14], [sflag:$0x1] =	stream.indirect_vreg.gather [hbm:s2], $0x80, v1, vm0, $0x38;
	[tilespmem:$0x18300] =	vst v63  }
0x4b: {  	s14 =	sadd.s32 $0x400, s14  }
0x4c: {  	[tilespmem:s14], [sflag:$0x1] =	stream.indirect_vreg.gather [hbm:s2], $0x80, v1, vm1, $0x38;
	[tilespmem:$0x18300] =	vst v63  }
0x4d: {  	s11 =	sshll.u32 s11, $0x4;
	_ =	swait.ge [sflag:s3], $0xC000  }
0x4e: {  	s11 =	sadd.s32 s11, s7;
	[sflag:s3] =	ssyncset.done $0x0  }
0x4f: {  	s15 =	sadd.s32 $0x0, s11;
	s14 =	simm.s32 $0x80;
	[sflag:s3] =	ssyncadd.s32 $0xFFFF4000  }
.LBB2_5:
0x50: {  	[hbm:s15] =	stream.linear.scatter [tilespmem:s12], [sflag:$0x3], $0x400, $0x38;
	[tilespmem:$0x18300] =	vst v63  }
0x51: {  	s15 =	smov.u32 s14;
	s12 =	smov.u32 s13;
	p1 =	sne.s32 s14, $0x1780  }
.Ltmp4:
0x52: {  	s14 =	sadd.s32 $0x80, s14;
	(pc) =	sbr.rel @p1 .LBB2_5-.Ltmp4, $2  }
0x53: {  	_ =	sdelay $0x2  }
0x54: {  	s13 =	sadd.s32 $0x400, s13;
	s15 =	sadd.s32 s15, s11  }
.Ltmp5:
0x55: {  	_ = 	snop;
	(pc) =	sbr.rel .LBB2_6-.Ltmp5, $1  }
0x56: {  	_ =	sdelay $0x3  }
.LBB2_8:
0x57: {  	_ =	sfence.sel $0x180000  }
0x58: {  	s2 =	simm.s32 $0x2;
	[bflag:$0x0] =	sbarrier.arrive $0xFFFF  }
0x59: {  	s30 =	simm.s32 $0x3;
	[sflag:s2] =	ssyncpa.u1 $0x1  }
0x5a: {  	s31 =	simm.s32 $0x1;
	[sflag:s30] =	ssyncpa.u1 $0x1  }
0x5b: {  	[sflag:s31] =	ssyncpa.u1 $0x1  }
0x5c: {  	p0 =	sne.s32 s1, $0x0;
	_ =	strace $0x9000004A  }
0x5d: {  	s0 =	sadd.s32 @!p0 $0x100000, s0;
	[bflag:$0x2] =	sbarrier.arrive $0xFFFF  }
0x5e: {  	[sflag:s0] =	ssyncadd.tile.s32 @!p0 $0x1;
	_ =	shalt  }
.Lfunc_end2:
_tile_overlayer_lowered:
.L_overlay_start_2:
0x5f: {  	(tag) =	ssettag $0x2  }
0x60: {  	s0 =	rddreg [dreg:$0x0];
	s2 =	stileid.u32  }
0x61: {  	s1 =	rddreg [dreg:$0x1];
	p0 =	sne.s32 s2, $0x0  }
0x62: {  	s3 =	rddreg [dreg:$0x2];
	[bflag:$0x3] =	sbarrier.arrive $0xFFFF;
	s2 =	simm.s32 @!p0 $0x1C01  }
0x63: {  	[timem:s3], [sflag:s2] =	dma.local @!p0 [hbm:s0], s1  }
0x64: {  	s0 =	simm.s32 @!p0 $0x1  }
0x65: {  	_ =	swait.ge @!p0 [sflag:s0], s1  }
0x66: {  	s1 =	ssub.s32 @!p0 $0x0, s1;
	[sflag:s0] =	ssyncset.done @!p0 $0x0  }
0x67: {  	[sflag:s0] =	ssyncadd.s32 @!p0 s1  }
0x68: {  	[bflag:$0x3] =	sbarrier.arrive $0xFFFF  }
0x69: {  	_ =	shalt  }

// kernel: gather_offload_async_start
scs
__scs_entry_jumppad:
0x0: {  	(pc) =	sbr.rel $0x88, $3  }
0x1: {  	(tag) =	ssettag $0x0;
	lr =	simm.s32 $0x1  }
0x2: {  	[smem:$0x3FA0] =	sst lr;
	_ =	strace $0xD0000000  }
0x3: {  	_ = 	snop  }
0x4: {  	_ = 	snop  }
0x5: {  	_ = 	snop  }
0x6: {  	_ = 	snop  }
0x7: {  	_ = 	snop  }
__scs_overlays_trampoline_lowered:
0x8: {  	[smem:$0x3FAF] =	sst s0  }
0x9: {  	[smem:$0x3FB0] =	sst s1  }
0xa: {  	[smem:$0x3FB1] =	sst s2  }
0xb: {  	[smem:$0x3FB2] =	sst s3  }
0xc: {  	[smem:$0x3FB3] =	sst s4  }
0xd: {  	[smem:$0x3FB4] =	sst s5  }
0xe: {  	[smem:$0x3FB5] =	sst s6  }
0xf: {  	[smem:$0x3FB6] =	sst s7  }
0x10: {  	[smem:$0x3FB7] =	sst s8  }
0x11: {  	[smem:$0x3FB8] =	sst s9;
	s0 =	simm.s32 @!p0 $0x0  }
0x12: {  	s1 =	sld [smem:$0x3F9E];
	s0 =	simm.s32 @p0 $0x1  }
0x13: {  	[smem:$0x3FB9] =	sst s0;
	s0 =	simm.s32 @!p1 $0x0  }
0x14: {  	s2 =	sld [smem:$0x3F9D];
	s0 =	simm.s32 @p1 $0x1  }
0x15: {  	[smem:$0x3FBA] =	sst s0;
	s0 =	simm.s32 @!p2 $0x0  }
0x16: {  	s3 =	sld [smem:$0x3FDB];
	s0 =	simm.s32 @p2 $0x1  }
0x17: {  	s4 =	simm.s32 $0x1BF5;
	[smem:$0x3FBC] =	sst s0  }
0x18: {  	s0 =	sld [smem:$0x3F9F];
	_ =	swait.ge [sflag:s4], $0x0  }
0x19: {  	s7 =	sld [smem:$0x3FA0]  }
0x1a: {  	s8 =	sadd.s32 $0xFFFFE003, lr  }
0x1b: {  	s9 =	sadd.s32 $0xFFFFFEF7, lr;
	s5 =	simm.s32 $0xFFFFFFFF;
	p2 =	slt.u32 s8, $0xFFFFF086  }
0x1c: {  	p1 =	slt.u32 s9, $0xF7A;
	s5 =	simm.s32 @!p2 $0x0  }
0x1d: {  	s5 =	simm.s32 @p1 $0x1;
	p0 =	seq.s32 s7, s2  }
0x1e: {  	s7 =	smul.u32 @!p0 $0xF7A, s2;
	p2 =	seq.s32 @!p0 s5, $0x0  }
0x1f: {  	s9 =	smul.u32 $0xF7A, s1;
	s8 =	simm.s32 @!p0 $0x1BF5;
	p2 =	por !p2, p0  }
0x20: {  	[sflag:s8] =	ssyncset.s32 @!p0 $0xFFFFF086;
	s6 =	sadd.s32 @!p0 s3, s7;
	s7 =	simm.s32 @!p0 $0x108  }
0x21: {  	s3 =	sadd.s32 s3, s9;
	s6 =	sadd.s32 @!p0 $0x88, s6;
	s7 =	simm.s32 @p2 $0x1082  }
0x22: {  	[simem:s7], [sflag:s8] =	dma.local @!p0 [hbm:s6], $0xF7A  }
0x23: {  	s9 =	sor.u32 $0xD0000000, s2;
	s6 =	simm.s32 $0x108;
	_ =	swait.ge @!p0 [sflag:s8], $0x0  }
0x24: {  	s3 =	sadd.s32 $0x88, s3;
	s6 =	simm.s32 @!p1 $0x1082;
	[sflag:s4] =	ssyncset.s32 $0xFFFFF086  }
0x25: {  	[simem:s6], [sflag:s4] =	dma.local [hbm:s3], $0xF7A  }
0x26: {  	[smem:$0x3FA0] =	sst s1;
	(tag) =	ssettag s2;
	_ =	strace s9  }
0x27: {  	s1 =	sld [smem:$0x3FB0]  }
0x28: {  	s2 =	sld [smem:$0x3FB1]  }
0x29: {  	s4 =	sld [smem:$0x3FB3]  }
0x2a: {  	p0 =	seq.s32 s5, $0x0;
	s5 =	sld [smem:$0x3FB4]  }
0x2b: {  	s6 =	sld [smem:$0x3FB5]  }
0x2c: {  	s7 =	sld [smem:$0x3FB6]  }
0x2d: {  	s3 =	simm.s32 $0x108;
	s8 =	sld [smem:$0x3FB7]  }
0x2e: {  	s3 =	simm.s32 @!p0 $0x1082;
	s9 =	sld [smem:$0x3FB8]  }
0x2f: {  	lr =	sadd.s32 s0, s3;
	s0 =	sld [smem:$0x3FAF]  }
0x30: {  	s3 =	sld [smem:$0x3FB2]  }
0x31: {  	[smem:$0x3FBB] =	sst s10  }
0x32: {  	s10 =	sld [smem:$0x3FB9];
	_ =	sdelay $0x3  }
0x33: {  	p0 =	seq.s32 s10, $0x1;
	s10 =	sld [smem:$0x3FBB];
	_ =	sdelay $0x3  }
0x34: {  	[smem:$0x3FBB] =	sst s10  }
0x35: {  	s10 =	sld [smem:$0x3FBA];
	_ =	sdelay $0x3  }
0x36: {  	p1 =	seq.s32 s10, $0x1;
	s10 =	sld [smem:$0x3FBB];
	_ =	sdelay $0x3  }
0x37: {  	[smem:$0x3FBB] =	sst s10  }
0x38: {  	s10 =	sld [smem:$0x3FBC]  }
0x39: {  	_ = 	snop;
	(pc) =	sbr.ind lr, $3  }
0x3a: {  	_ = 	snop  }
0x3b: {  	_ = 	snop  }
0x3c: {  	p2 =	seq.s32 s10, $0x1;
	s10 =	sld [smem:$0x3FBB]  }
0x3d: {  	_ =	shalt  }
0x3e: {  	_ =	shalt  }
0x3f: {  	_ =	shalt  }
0x40: {  	_ =	shalt  }
0x41: {  	_ =	shalt  }
0x42: {  	_ =	shalt  }
0x43: {  	_ =	shalt  }
0x44: {  	_ =	shalt  }
0x45: {  	_ =	shalt  }
0x46: {  	_ =	shalt  }
0x47: {  	_ =	shalt  }
0x48: {  	_ =	shalt  }
0x49: {  	_ =	shalt  }
0x4a: {  	_ =	shalt  }
0x4b: {  	_ =	shalt  }
0x4c: {  	_ =	shalt  }
0x4d: {  	_ =	shalt  }
0x4e: {  	_ =	shalt  }
0x4f: {  	_ =	shalt  }
0x50: {  	_ =	shalt  }
0x51: {  	_ =	shalt  }
0x52: {  	_ =	shalt  }
0x53: {  	_ =	shalt  }
0x54: {  	_ =	shalt  }
0x55: {  	_ =	shalt  }
0x56: {  	_ =	shalt  }
0x57: {  	_ =	shalt  }
0x58: {  	_ =	shalt  }
0x59: {  	_ =	shalt  }
0x5a: {  	_ =	shalt  }
0x5b: {  	_ =	shalt  }
0x5c: {  	_ =	shalt  }
0x5d: {  	_ =	shalt  }
0x5e: {  	_ =	shalt  }
0x5f: {  	_ =	shalt  }
0x60: {  	_ =	shalt  }
0x61: {  	_ =	shalt  }
0x62: {  	_ =	shalt  }
0x63: {  	_ =	shalt  }
0x64: {  	_ =	shalt  }
0x65: {  	_ =	shalt  }
0x66: {  	_ =	shalt  }
0x67: {  	_ =	shalt  }
0x68: {  	_ =	shalt  }
0x69: {  	_ =	shalt  }
0x6a: {  	_ =	shalt  }
0x6b: {  	_ =	shalt  }
0x6c: {  	_ =	shalt  }
0x6d: {  	_ =	shalt  }
0x6e: {  	_ =	shalt  }
0x6f: {  	_ =	shalt  }
0x70: {  	_ =	shalt  }
0x71: {  	_ =	shalt  }
0x72: {  	_ =	shalt  }
0x73: {  	_ =	shalt  }
0x74: {  	_ =	shalt  }
0x75: {  	_ =	shalt  }
0x76: {  	_ =	shalt  }
0x77: {  	_ =	shalt  }
0x78: {  	_ =	shalt  }
0x79: {  	_ =	shalt  }
0x7a: {  	_ =	shalt  }
0x7b: {  	_ =	shalt  }
0x7c: {  	_ =	shalt  }
0x7d: {  	_ =	shalt  }
0x7e: {  	_ =	shalt  }
0x7f: {  	_ =	shalt  }
0x80: {  	_ =	shalt  }
0x81: {  	_ =	shalt  }
0x82: {  	_ =	shalt  }
0x83: {  	_ =	shalt  }
0x84: {  	_ =	shalt  }
0x85: {  	_ =	shalt  }
0x86: {  	_ =	shalt  }
0x87: {  	_ =	shalt  }
.Lfunc_end0:
.L_simem_size_0:
called_computation_lowered:
.L_overlay_start_0:
0x88: {  	s2 =	sld [smem:$0x3FD9]  }
0x89: {  	s3 =	sld [smem:$0x3FFE];
	_ =	sdelay $0x1  }
0x8a: {  	s1 =	srdreg.scid  }
0x8b: {  	s0 =	sand.u32 $0x1, s1  }
0x8c: {  	s16 =	sshll.u32 s0, $0xA;
	s2 =	sadd.s32 s3, s2  }
0x8d: {  	s2 =	sadd.s32 s2, s16  }
0x8e: {  	[smem:$0x3FC7] =	sst s2  }
0x8f: {  	_ = 	snop  }
0x90: {  	(tm) =	ssettm $0x1  }
0x91: {  	s17 =	sld [smem:$0x3FFB];
	_ =	sdelay $0x3  }
0x92: {  	_ =	strace s17  }
0x93: {  	s2 =	sld [smem:$0x3FFC];
	_ =	sdelay $0x3  }
0x94: {  	_ =	strace s2  }
0x95: {  	s2 =	sld [smem:$0x3FFD];
	_ =	sdelay $0x3  }
0x96: {  	_ =	strace s2  }
0x97: {  	_ =	strace $0x8FFFFFFF  }
0x98: {  	s18 =	sld [smem:$0x3FDB];
	_ =	sdelay $0x1  }
0x99: {  	s19 =	simm.s32 $_scs_section_size  }
0x9a: {  	s4 =	simm.s32 $_size__tile_overlayer_lowered;
	s5 =	simm.s32 $_tile_overlayer_lowered  }
0x9b: {  	s22 =	simm.s32 $0x1BFF;
	s21 =	sshll.u32 s5, $0x1;
	s2 =	sadd.s32 s19, s18  }
0x9c: {  	s6 =	simm.s32 $0x0;
	s20 =	sshll.u32 s4, $0x1;
	s4 =	sadd.s32 s21, s2  }
0x9d: {  	[timem:s6], [sflag:s22] =	dma.local [hbm:s4], s20  }
0x9e: {  	_ =	swait.ge [sflag:s22], s20  }
0x9f: {  	s3 =	ssub.s32 $0x0, s20;
	[sflag:s22] =	ssyncset.done $0x0  }
0xa0: {  	[sflag:s22] =	ssyncadd.s32 s3;
	_ =	sdelay $0x1  }
0xa1: {  	s23 =	simm.s32 $0x1B8B  }
0xa2: {  	_ =	swait.ge [sflag:s23], $0x1  }
0xa3: {  	[sflag:s23] =	ssyncset.done $0x0  }
0xa4: {  	s25 =	simm.s32 $0x1B8E;
	s24 =	sld [smem:$0x3FFE];
	[sflag:s23] =	ssyncadd.s32 $0xFFFFFFFF  }
0xa5: {  	s26 =	simm.s32 $execute0_lowered;
	[smem:$0x3FD2] =	sst s25  }
0xa6: {  	s4 =	sshll.u32 s26, $0x1;
	_ =	strace $0x80000046;
	[dreg:$0x1] =	wrdreg $0xFFFFFFFF  }
0xa7: {  	s28 =	simm.s32 $_size_execute0_lowered;
	s2 =	sadd.s32 s2, s4;
	[dreg:$0x0] =	wrdreg $0x0  }
0xa8: {  	s4 =	sshll.u32 s28, $0x1;
	[dreg:$0x2] =	wrdreg s2  }
0xa9: {  	[dreg:$0x3] =	wrdreg s4  }
0xaa: {  	[dreg:$0x4] =	wrdreg $0xC0  }
0xab: {  	_ =	task [dreg:s6], $0x5FFFF  }
0xac: {  	[dreg:$0x1] =	wrdreg $0xFFFFFFFF  }
0xad: {  	[dreg:$0x0] =	wrdreg $0x60  }
0xae: {  	[dreg:$0x2] =	wrdreg s24  }
0xaf: {  	[dreg:$0x3] =	wrdreg $0x9  }
0xb0: {  	_ =	task.clear_ibuf [dreg:s6], $0x4FFFF;
	_ =	strace $0x90000046  }
0xb1: {  	s29 =	simm.s32 $0x9;
	_ =	strace $0x80000048  }
0xb2: {  	_ =	swait.ge [sflag:s29], $0x1  }
0xb3: {  	[sflag:s29] =	ssyncadd.s32 $0xFFFFFFFF  }
0xb4: {  	_ =	strace $0x90000048  }
0xb5: {  	_ =	sfence  }
0xb6: {  	s30 =	sld [smem:$0x0];
	_ =	sdelay $0x2  }
0xb7: {  	s31 =	sshll.u32 s1, $0xD;
	s1 =	sshrl.u32 s1, $0x2  }
0xb8: {  	s3 =	sand.u32 $0x4000, s31;
	s1 =	sadd.s32 s1, s30  }
0xb9: {  	s0 =	sor.u32 s3, s0;
	s1 =	sshll.u32 s1, $0x11  }
0xba: {  	s0 =	sor.u32 s1, s0  }
0xbb: {  	s0 =	sadd.s32 $0x8F2B, s0  }
0xbc: {  	[sflag:s0] =	ssyncadd.remote.s32 $0x1  }
0xbd: {  	_ =	sfence.sel $0xFFFF  }
0xbe: {  	[dreg:$0x0] =	wrdreg $0xFFFFFFFF;
	(pc) =	sbr.abs _section_cstart, $3  }
0xbf: {  	[dreg:$0x1] =	wrdreg $0xFFFFFFFF  }
0xc0: {  	_ =	task.clear_ibuf [dreg:s6], $0x2FFFF;
	_ =	strace $0x9FFFFFFF  }
0xc1: {  	(tm) =	ssettm $0x7FFFFFFF  }
tec
execute0_lowered:
.L_overlay_start_1:
0x0: {  	(tag) =	ssettag $0x1  }
0x1: {  	s0 =	srdreg.scid;
	s5 =	rddreg [dreg:$0x0]  }
0x2: {  	s1 =	stileid.u32;
	s6 =	simm.s32 $0x1;
	s9 =	simm.s32 $0x1  }
0x3: {  	s10 =	simm.s32 $0x3;
	s13 =	simm.s32 $0x0;
	s2 =	sshll.u32 s0, $0x9  }
0x4: {  	s12 =	simm.s32 $0x0;
	s3 =	sshll.u32 s1, $0xA;
	s4 =	sand.u32 $0x200, s2  }
0x5: {  	s0 =	rddreg [dreg:$0x1];
	_ =	strace $0x80000047;
	s3 =	sor.u32 s3, s4  }
0x6: {  	s2 =	sadd.s32 $0x109600, s5;
	[sflag:s6] =	ssyncpa.u1 $0x0;
	s8 =	ssub.s32 $0x6000, s3  }
.Ltmp0:
0x7: {  	s4 =	sadd.s32 $0x105A00, s5;
	s7 =	sand.u32 $0x3E00, s8;
	(pc) =	sbr.rel .LBB2_1-.Ltmp0, $4  }
0x8: {  	s5 =	sadd.s32 $0x129600, s5;
	s11 =	smov.u32 s3;
	p0 =	sne.s32 s7, $0x0  }
0x9: {  	s8 =	sshrl.u32 s8, $0xE;
	s7 =	simm.s32 $0x2;
	s9 =	simm.s32 @!p0 $0x0  }
0xa: {  	[sflag:s7] =	ssyncpa.u1 $0x0;
	p0 =	por $0x0, $0x0;
	s8 =	sadd.s32 s9, s8  }
0xb: {  	vm0 =	vmmov $0xffff;
	[sflag:s10] =	ssyncpa.u1 $0x0;
	s10 =	simm.s32 $0x0;
	s9 =	sadd.s32 $0x1, s8  }
.LBB2_4:
0xc: {  	v3 =	vshrl.u32 v0, $0xD;
	v62 =	vshll.u32 v0, $0x13;
	v2 =	vand.u32 $0x7FF80, v2  }
0xd: {  	v3 =	vand.u32 $0x3, v3;
	v0 =	vand.u32 $0x80000, v62;
	v2 =	vsel vm1, $0xFFFFFF80, v2  }
0xe: {  	v3 =	vsel vm1, $0xFFFFFFFF, v3;
	v0 =	vsel vm1, $0xFFF80000, v0;
	v4 =	vand.u32 $0xFFFFFC00, v2  }
0xf: {  	v0 =	vadd.s32 v0, v4;
	v63 =	vand.u32 $0xFFFFFC00, v3  }
0x10: {  	v2 =	vand.u32 $0x380, v2;
	v0 =	vadd.s32 v63, v0  }
0x11: {  	v3 =	vand.u32 $0x7F, v3;
	v0 =	vor.u32 v2, v0  }
0x12: {  	v0 =	vor.u32 v3, v0;
	_ =	sdelay $0x1  }
0x13: {  	(ifvalue) =	ssetifvalue $0x7FFFFFFF;
	s15 =	sadd.s32 $0x10, s15  }
0x14: {  	[tilespmem:s15], [sflag:$0x1] =	stream.indirect_vreg.gather [hbm4b:s2+s10], $0x1, v1, vm0, $0x4038;
	[tilespmem:$0x800] =	vst v63  }
0x15: {  	(ifvalue) =	ssetifvalue $0x7FFFFFFF;
	s15 =	sadd.s32 $0x10, s15  }
0x16: {  	[tilespmem:s15], [sflag:$0x1] =	stream.indirect_vreg.gather [hbm4b:s2+s10], $0x1, v0, vm0, $0x4038;
	[tilespmem:$0x800] =	vst v63  }
0x17: {  	_ =	swait.ge [sflag:s6], $0x200  }
0x18: {  	s30 =	sshrl.u32 s13, $0x3;
	[sflag:s6] =	ssyncset.done $0x0  }
0x19: {  	s31 =	sand.u32 $0x7, s13;
	s15 =	sadd.s32 s5, s30;
	[sflag:s6] =	ssyncadd.s32 $0xFFFFFE00  }
0x1a: {  	[hbm4b:s15+s31] =	stream.linear.scatter [tilespmem:s14], [sflag:$0x3], $0x200, $0x38;
	[tilespmem:$0x800] =	vst v63  }
.LBB2_5:
0x1b: {  	s15 =	sadd.s32 $0x4000, s11  }
0x1c: {  	p2 =	sgt.s32 s15, $0x5FFF  }
0x1d: {  	s15 =	smov.u32 @p2 s3;
	p2 =	sne.s32 s12, s9  }
.Ltmp1:
0x1e: {  	p1 =	slt.u32 s12, $0x2;
	(pc) =	sbr.rel @!p2 .LBB2_6-.Ltmp1, $4  }
0x1f: {  	s14 =	simm.s32 @!p1 $0x3  }
0x20: {  	s16 =	sadd.s32 $0x1, s12;
	_ =	swait.ge @!p1 [sflag:s14], $0x200  }
0x21: {  	s13 =	smov.u32 s11;
	p0 =	por !p0, !p0;
	[sflag:s14] =	ssyncset.done @!p1 $0x0  }
0x22: {  	s12 =	smov.u32 s16;
	s11 =	smov.u32 s15;
	[sflag:s14] =	ssyncadd.s32 @!p1 $0xFFFFFE00  }
.LBB2_1:
0x23: {  	p1 =	sge.u32 s12, s8  }
0x24: {  	s14 =	sxor.u32 @!p1 $0xFFFFFFFF, s12  }
0x25: {  	s31 =	sadd.s32 $0xFFFFFFFF, s12;
	s15 =	sshrl.u32 @!p1 s11, $0x3;
	s14 =	sshll.u32 @!p1 s14, $0x9  }
0x26: {  	s16 =	sand.u32 @!p1 $0x7, s11;
	s15 =	sadd.s32 @!p1 s4, s15;
	s14 =	sand.u32 @!p1 $0x200, s14  }
0x27: {  	[tilespmem:s14], [sflag:$0x2] =	stream.linear.gather @!p1 [hbm4b:s15+s16], $0x200, $0x38;
	[tilespmem:$0x800] =	vst v63  }
0x28: {  	p1 =	sge.u32 s31, s8  }
.Ltmp2:
0x29: {  	_ = 	snop;
	(pc) =	sbr.rel @p1 .LBB2_5-.Ltmp2, $1  }
0x2a: {  	_ =	sdelay $0x3  }
0x2b: {  	s14 =	simm.s32 $0x1  }
0x2c: {  	_ =	swait.ge [sflag:s7], $0x200;
	s14 =	simm.s32 @!p0 $0x0  }
0x2d: {  	[sflag:s7] =	ssyncset.done $0x0;
	s14 =	sshll.u32 s14, $0x9  }
0x2e: {  	[sflag:s7] =	ssyncadd.s32 $0xFFFFFE00;
	(ifvalue) =	ssetifvalue $0x7FFFFFFF;
	v0 =	vld.msk [tilespmem:s14+$0x0 ss:$0x1], $0xffff;
	_ =	sdelay $0x2  }
0x2f: {  	s15 =	sadd.s32 $0x10, s14  }
0x30: {  	v3 =	vld.msk [tilespmem:s15+$0x0 ss:$0x1], $0xffff  }
0x31: {  	vm1 =	veq.s32 v0, $0x80000000;
	v1 =	vshll.u32 v0, $0x6  }
0x32: {  	v2 =	vshrl.u32 v0, $0xD;
	v0 =	vshll.u32 v0, $0x13;
	v1 =	vand.u32 $0x7FF80, v1  }
0x33: {  	v2 =	vand.u32 $0x3, v2;
	v0 =	vand.u32 $0x80000, v0;
	v1 =	vsel vm1, $0xFFFFFF80, v1  }
0x34: {  	v2 =	vsel vm1, $0xFFFFFFFF, v2;
	v0 =	vsel vm1, $0xFFF80000, v0;
	v4 =	vand.u32 $0xFFFFFC00, v1  }
0x35: {  	v62 =	vshrl.u32 v3, $0xD;
	v61 =	vand.u32 $0xFFFFFC00, v2;
	v0 =	vadd.s32 v0, v4  }
0x36: {  	vm1 =	veq.s32 v3, $0x80000000;
	v1 =	vand.u32 $0x380, v1;
	v0 =	vadd.s32 v61, v0  }
0x37: {  	v2 =	vand.u32 $0x7F, v2;
	v0 =	vor.u32 v1, v0;
	v1 =	vshll.u32 v3, $0x6  }
0x38: {  	s17 =	sadd.s32 $0x10, s15;
	v4 =	vand.u32 $0x3, v62;
	v3 =	vshll.u32 v3, $0x13;
	v1 =	vand.u32 $0x7FF80, v1  }
0x39: {  	v2 =	vor.u32 v2, v0;
	v0 =	vld.msk [tilespmem:s17+$0x0 ss:$0x1], $0xffff;
	v3 =	vand.u32 $0x80000, v3;
	v1 =	vsel vm1, $0xFFFFFF80, v1  }
0x3a: {  	v4 =	vsel vm1, $0xFFFFFFFF, v4;
	v3 =	vsel vm1, $0xFFF80000, v3;
	v5 =	vand.u32 $0xFFFFFC00, v1  }
0x3b: {  	s31 =	sshll.u32 s12, $0x9;
	v63 =	vand.u32 $0xFFFFFC00, v4;
	v3 =	vadd.s32 v3, v5  }
0x3c: {  	s16 =	simm.s32 $0x20;
	s15 =	sor.u32 $0x400, s14;
	s14 =	sand.u32 $0x200, s31;
	v1 =	vand.u32 $0x380, v1;
	v3 =	vadd.s32 v63, v3  }
0x3d: {  	s14 =	sor.u32 $0x400, s14;
	v4 =	vand.u32 $0x7F, v4;
	(ifvalue) =	ssetifvalue $0x7FFFFFFF;
	s17 =	sadd.s32 $0x10, s17;
	v1 =	vor.u32 v1, v3  }
0x3e: {  	[tilespmem:s15], [sflag:$0x1] =	stream.indirect_vreg.gather [hbm4b:s2+s10], $0x1, v2, vm0, $0x4038;
	vm1 =	veq.s32 v0, $0x80000000;
	v2 =	vshll.u32 v0, $0x6;
	v1 =	vor.u32 v4, v1;
	[tilespmem:$0x800] =	vst v63  }
.LBB2_3:
0x3f: {  	s16 =	sadd.s32 $0x10, s16;
	v3 =	vshrl.u32 v0, $0xD;
	v4 =	vshll.u32 v0, $0x13;
	v0 =	vld.msk [tilespmem:s17+$0x0 ss:$0x1], $0xffff;
	v2 =	vand.u32 $0x7FF80, v2  }
0x40: {  	p1 =	slt.u32 s16, $0x1F0;
	v3 =	vand.u32 $0x3, v3;
	v4 =	vand.u32 $0x80000, v4;
	v2 =	vsel vm1, $0xFFFFFF80, v2  }
.Ltmp3:
0x41: {  	v3 =	vsel vm1, $0xFFFFFFFF, v3;
	v4 =	vsel vm1, $0xFFF80000, v4;
	v5 =	vand.u32 $0xFFFFFC00, v2;
	(pc) =	sbr.rel @p1 .LBB2_3-.Ltmp3, $4  }
0x42: {  	s15 =	sadd.s32 $0x10, s15;
	v4 =	vadd.s32 v4, v5;
	v5 =	vand.u32 $0xFFFFFC00, v3;
	(ifvalue) =	ssetifvalue $0x7FFFFFFF  }
0x43: {  	v2 =	vand.u32 $0x380, v2;
	v4 =	vadd.s32 v5, v4;
	[tilespmem:s15], [sflag:$0x1] =	stream.indirect_vreg.gather [hbm4b:s2+s10], $0x1, v1, vm0, $0x4038;
	[tilespmem:$0x800] =	vst v63  }
0x44: {  	v1 =	vand.u32 $0x7F, v3;
	v3 =	vor.u32 v2, v4  }
0x45: {  	s17 =	sadd.s32 $0x10, s17;
	vm1 =	veq.s32 v0, $0x80000000;
	v2 =	vshll.u32 v0, $0x6;
	v1 =	vor.u32 v1, v3  }
.Ltmp4:
0x46: {  	_ = 	snop;
	(pc) =	sbr.rel .LBB2_4-.Ltmp4, $1  }
0x47: {  	_ =	sdelay $0x3  }
.LBB2_6:
0x48: {  	_ =	sfence.sel $0x180000  }
0x49: {  	s2 =	simm.s32 $0x2;
	[bflag:$0x0] =	sbarrier.arrive $0xFFFF  }
0x4a: {  	s30 =	simm.s32 $0x3;
	[sflag:s2] =	ssyncpa.u1 $0x1  }
0x4b: {  	s31 =	simm.s32 $0x1;
	[sflag:s30] =	ssyncpa.u1 $0x1  }
0x4c: {  	[sflag:s31] =	ssyncpa.u1 $0x1  }
0x4d: {  	p0 =	sne.s32 s1, $0x0;
	_ =	strace $0x90000047  }
0x4e: {  	s0 =	sadd.s32 @!p0 $0x100000, s0;
	[bflag:$0x2] =	sbarrier.arrive $0xFFFF  }
0x4f: {  	[sflag:s0] =	ssyncadd.tile.s32 @!p0 $0x1;
	_ =	shalt  }
.Lfunc_end2:
_tile_overlayer_lowered:
.L_overlay_start_2:
0x50: {  	(tag) =	ssettag $0x2  }
0x51: {  	s0 =	rddreg [dreg:$0x0];
	s2 =	stileid.u32  }
0x52: {  	s1 =	rddreg [dreg:$0x1];
	p0 =	sne.s32 s2, $0x0  }
0x53: {  	s3 =	rddreg [dreg:$0x2];
	[bflag:$0x3] =	sbarrier.arrive $0xFFFF;
	s2 =	simm.s32 @!p0 $0x1C01  }
0x54: {  	[timem:s3], [sflag:s2] =	dma.local @!p0 [hbm:s0], s1  }
0x55: {  	s0 =	simm.s32 @!p0 $0x1  }
0x56: {  	_ =	swait.ge @!p0 [sflag:s0], s1  }
0x57: {  	s1 =	ssub.s32 @!p0 $0x0, s1;
	[sflag:s0] =	ssyncset.done @!p0 $0x0  }
0x58: {  	[sflag:s0] =	ssyncadd.s32 @!p0 s1  }
0x59: {  	[bflag:$0x3] =	sbarrier.arrive $0xFFFF  }
0x5a: {  	_ =	shalt  }

// kernel: kernel.5.cloned.1.call-start
scs
__scs_entry_jumppad:
0x0: {  	(pc) =	sbr.rel $0x88, $3  }
0x1: {  	(tag) =	ssettag $0x0;
	lr =	simm.s32 $0x1  }
0x2: {  	[smem:$0x3FA0] =	sst lr;
	_ =	strace $0xD0000000  }
0x3: {  	_ = 	snop  }
0x4: {  	_ = 	snop  }
0x5: {  	_ = 	snop  }
0x6: {  	_ = 	snop  }
0x7: {  	_ = 	snop  }
__scs_overlays_trampoline_lowered:
0x8: {  	[smem:$0x3FAF] =	sst s0  }
0x9: {  	[smem:$0x3FB0] =	sst s1  }
0xa: {  	[smem:$0x3FB1] =	sst s2  }
0xb: {  	[smem:$0x3FB2] =	sst s3  }
0xc: {  	[smem:$0x3FB3] =	sst s4  }
0xd: {  	[smem:$0x3FB4] =	sst s5  }
0xe: {  	[smem:$0x3FB5] =	sst s6  }
0xf: {  	[smem:$0x3FB6] =	sst s7  }
0x10: {  	[smem:$0x3FB7] =	sst s8  }
0x11: {  	[smem:$0x3FB8] =	sst s9;
	s0 =	simm.s32 @!p0 $0x0  }
0x12: {  	s1 =	sld [smem:$0x3F9E];
	s0 =	simm.s32 @p0 $0x1  }
0x13: {  	[smem:$0x3FB9] =	sst s0;
	s0 =	simm.s32 @!p1 $0x0  }
0x14: {  	s2 =	sld [smem:$0x3F9D];
	s0 =	simm.s32 @p1 $0x1  }
0x15: {  	[smem:$0x3FBA] =	sst s0;
	s0 =	simm.s32 @!p2 $0x0  }
0x16: {  	s3 =	sld [smem:$0x3FDB];
	s0 =	simm.s32 @p2 $0x1  }
0x17: {  	s4 =	simm.s32 $0x1BF5;
	[smem:$0x3FBC] =	sst s0  }
0x18: {  	s0 =	sld [smem:$0x3F9F];
	_ =	swait.ge [sflag:s4], $0x0  }
0x19: {  	s7 =	sld [smem:$0x3FA0]  }
0x1a: {  	s8 =	sadd.s32 $0xFFFFE003, lr  }
0x1b: {  	s9 =	sadd.s32 $0xFFFFFEF7, lr;
	s5 =	simm.s32 $0xFFFFFFFF;
	p2 =	slt.u32 s8, $0xFFFFF086  }
0x1c: {  	p1 =	slt.u32 s9, $0xF7A;
	s5 =	simm.s32 @!p2 $0x0  }
0x1d: {  	s5 =	simm.s32 @p1 $0x1;
	p0 =	seq.s32 s7, s2  }
0x1e: {  	s7 =	smul.u32 @!p0 $0xF7A, s2;
	p2 =	seq.s32 @!p0 s5, $0x0  }
0x1f: {  	s9 =	smul.u32 $0xF7A, s1;
	s8 =	simm.s32 @!p0 $0x1BF5;
	p2 =	por !p2, p0  }
0x20: {  	[sflag:s8] =	ssyncset.s32 @!p0 $0xFFFFF086;
	s6 =	sadd.s32 @!p0 s3, s7;
	s7 =	simm.s32 @!p0 $0x108  }
0x21: {  	s3 =	sadd.s32 s3, s9;
	s6 =	sadd.s32 @!p0 $0x88, s6;
	s7 =	simm.s32 @p2 $0x1082  }
0x22: {  	[simem:s7], [sflag:s8] =	dma.local @!p0 [hbm:s6], $0xF7A  }
0x23: {  	s9 =	sor.u32 $0xD0000000, s2;
	s6 =	simm.s32 $0x108;
	_ =	swait.ge @!p0 [sflag:s8], $0x0  }
0x24: {  	s3 =	sadd.s32 $0x88, s3;
	s6 =	simm.s32 @!p1 $0x1082;
	[sflag:s4] =	ssyncset.s32 $0xFFFFF086  }
0x25: {  	[simem:s6], [sflag:s4] =	dma.local [hbm:s3], $0xF7A  }
0x26: {  	[smem:$0x3FA0] =	sst s1;
	(tag) =	ssettag s2;
	_ =	strace s9  }
0x27: {  	s1 =	sld [smem:$0x3FB0]  }
0x28: {  	s2 =	sld [smem:$0x3FB1]  }
0x29: {  	s4 =	sld [smem:$0x3FB3]  }
0x2a: {  	p0 =	seq.s32 s5, $0x0;
	s5 =	sld [smem:$0x3FB4]  }
0x2b: {  	s6 =	sld [smem:$0x3FB5]  }
0x2c: {  	s7 =	sld [smem:$0x3FB6]  }
0x2d: {  	s3 =	simm.s32 $0x108;
	s8 =	sld [smem:$0x3FB7]  }
0x2e: {  	s3 =	simm.s32 @!p0 $0x1082;
	s9 =	sld [smem:$0x3FB8]  }
0x2f: {  	lr =	sadd.s32 s0, s3;
	s0 =	sld [smem:$0x3FAF]  }
0x30: {  	s3 =	sld [smem:$0x3FB2]  }
0x31: {  	[smem:$0x3FBB] =	sst s10  }
0x32: {  	s10 =	sld [smem:$0x3FB9];
	_ =	sdelay $0x3  }
0x33: {  	p0 =	seq.s32 s10, $0x1;
	s10 =	sld [smem:$0x3FBB];
	_ =	sdelay $0x3  }
0x34: {  	[smem:$0x3FBB] =	sst s10  }
0x35: {  	s10 =	sld [smem:$0x3FBA];
	_ =	sdelay $0x3  }
0x36: {  	p1 =	seq.s32 s10, $0x1;
	s10 =	sld [smem:$0x3FBB];
	_ =	sdelay $0x3  }
0x37: {  	[smem:$0x3FBB] =	sst s10  }
0x38: {  	s10 =	sld [smem:$0x3FBC]  }
0x39: {  	_ = 	snop;
	(pc) =	sbr.ind lr, $3  }
0x3a: {  	_ = 	snop  }
0x3b: {  	_ = 	snop  }
0x3c: {  	p2 =	seq.s32 s10, $0x1;
	s10 =	sld [smem:$0x3FBB]  }
0x3d: {  	_ =	shalt  }
0x3e: {  	_ =	shalt  }
0x3f: {  	_ =	shalt  }
0x40: {  	_ =	shalt  }
0x41: {  	_ =	shalt  }
0x42: {  	_ =	shalt  }
0x43: {  	_ =	shalt  }
0x44: {  	_ =	shalt  }
0x45: {  	_ =	shalt  }
0x46: {  	_ =	shalt  }
0x47: {  	_ =	shalt  }
0x48: {  	_ =	shalt  }
0x49: {  	_ =	shalt  }
0x4a: {  	_ =	shalt  }
0x4b: {  	_ =	shalt  }
0x4c: {  	_ =	shalt  }
0x4d: {  	_ =	shalt  }
0x4e: {  	_ =	shalt  }
0x4f: {  	_ =	shalt  }
0x50: {  	_ =	shalt  }
0x51: {  	_ =	shalt  }
0x52: {  	_ =	shalt  }
0x53: {  	_ =	shalt  }
0x54: {  	_ =	shalt  }
0x55: {  	_ =	shalt  }
0x56: {  	_ =	shalt  }
0x57: {  	_ =	shalt  }
0x58: {  	_ =	shalt  }
0x59: {  	_ =	shalt  }
0x5a: {  	_ =	shalt  }
0x5b: {  	_ =	shalt  }
0x5c: {  	_ =	shalt  }
0x5d: {  	_ =	shalt  }
0x5e: {  	_ =	shalt  }
0x5f: {  	_ =	shalt  }
0x60: {  	_ =	shalt  }
0x61: {  	_ =	shalt  }
0x62: {  	_ =	shalt  }
0x63: {  	_ =	shalt  }
0x64: {  	_ =	shalt  }
0x65: {  	_ =	shalt  }
0x66: {  	_ =	shalt  }
0x67: {  	_ =	shalt  }
0x68: {  	_ =	shalt  }
0x69: {  	_ =	shalt  }
0x6a: {  	_ =	shalt  }
0x6b: {  	_ =	shalt  }
0x6c: {  	_ =	shalt  }
0x6d: {  	_ =	shalt  }
0x6e: {  	_ =	shalt  }
0x6f: {  	_ =	shalt  }
0x70: {  	_ =	shalt  }
0x71: {  	_ =	shalt  }
0x72: {  	_ =	shalt  }
0x73: {  	_ =	shalt  }
0x74: {  	_ =	shalt  }
0x75: {  	_ =	shalt  }
0x76: {  	_ =	shalt  }
0x77: {  	_ =	shalt  }
0x78: {  	_ =	shalt  }
0x79: {  	_ =	shalt  }
0x7a: {  	_ =	shalt  }
0x7b: {  	_ =	shalt  }
0x7c: {  	_ =	shalt  }
0x7d: {  	_ =	shalt  }
0x7e: {  	_ =	shalt  }
0x7f: {  	_ =	shalt  }
0x80: {  	_ =	shalt  }
0x81: {  	_ =	shalt  }
0x82: {  	_ =	shalt  }
0x83: {  	_ =	shalt  }
0x84: {  	_ =	shalt  }
0x85: {  	_ =	shalt  }
0x86: {  	_ =	shalt  }
0x87: {  	_ =	shalt  }
.Lfunc_end0:
.L_simem_size_0:
called_computation.2_lowered:
.L_overlay_start_0:
0x88: {  	s2 =	sld [smem:$0x3FD9]  }
0x89: {  	s3 =	sld [smem:$0x3FFE];
	_ =	sdelay $0x1  }
0x8a: {  	s1 =	srdreg.scid  }
0x8b: {  	s0 =	sand.u32 $0x1, s1  }
0x8c: {  	s17 =	sshll.u32 s0, $0xA;
	s2 =	sadd.s32 s3, s2  }
0x8d: {  	s2 =	sadd.s32 s2, s17  }
0x8e: {  	[smem:$0x3FC7] =	sst s2  }
0x8f: {  	_ = 	snop  }
0x90: {  	s2 =	sld [smem:$0x3FD0];
	(tm) =	ssettm $0x1  }
0x91: {  	s18 =	sld [smem:$0x3FFB];
	_ =	sdelay $0x3  }
0x92: {  	_ =	strace s18  }
0x93: {  	s3 =	sld [smem:$0x3FFC];
	_ =	sdelay $0x3  }
0x94: {  	_ =	strace s3  }
0x95: {  	s3 =	sld [smem:$0x3FFD];
	_ =	sdelay $0x3  }
0x96: {  	_ =	strace s3  }
0x97: {  	_ =	strace $0x8FFFFFFF  }
0x98: {  	s19 =	sld [smem:$0x3FDB];
	_ =	sdelay $0x1  }
0x99: {  	s4 =	simm.s32 $_scs_section_size  }
0x9a: {  	s5 =	simm.s32 $_size__tile_overlayer_lowered;
	s6 =	simm.s32 $_tile_overlayer_lowered  }
0x9b: {  	s22 =	simm.s32 $0x1BFF;
	s21 =	sshll.u32 s6, $0x1;
	s3 =	sadd.s32 s4, s19  }
0x9c: {  	s7 =	simm.s32 $0x0;
	s20 =	sshll.u32 s5, $0x1;
	s5 =	sadd.s32 s21, s3  }
0x9d: {  	[timem:s7], [sflag:s22] =	dma.local [hbm:s5], s20  }
0x9e: {  	_ =	swait.ge [sflag:s22], s20  }
0x9f: {  	s4 =	ssub.s32 $0x0, s20;
	[sflag:s22] =	ssyncset.done $0x0  }
0xa0: {  	[sflag:s22] =	ssyncadd.s32 s4;
	_ =	sdelay $0x1  }
0xa1: {  	s23 =	simm.s32 $0x1B8B  }
0xa2: {  	_ =	swait.ge [sflag:s23], $0x1  }
0xa3: {  	[sflag:s23] =	ssyncset.done $0x0  }
0xa4: {  	s25 =	simm.s32 $0x1B8E;
	s24 =	sld [smem:$0x3FFE];
	[sflag:s23] =	ssyncadd.s32 $0xFFFFFFFF  }
0xa5: {  	s26 =	simm.s32 $execute0_lowered;
	[smem:$0x3FD2] =	sst s25  }
0xa6: {  	s5 =	sshll.u32 s26, $0x1;
	_ =	strace $0x8000004C;
	[dreg:$0x1] =	wrdreg $0xFFFFFFFF  }
0xa7: {  	s28 =	simm.s32 $_size_execute0_lowered;
	s3 =	sadd.s32 s3, s5;
	[dreg:$0x0] =	wrdreg $0x0  }
0xa8: {  	s5 =	sshll.u32 s28, $0x1;
	[dreg:$0x2] =	wrdreg s3  }
0xa9: {  	[dreg:$0x3] =	wrdreg s5  }
0xaa: {  	[dreg:$0x4] =	wrdreg $0xC0  }
0xab: {  	_ =	task [dreg:s7], $0x5FFFF  }
0xac: {  	[dreg:$0x1] =	wrdreg $0xFFFFFFFF  }
0xad: {  	[dreg:$0x0] =	wrdreg $0x60  }
0xae: {  	[dreg:$0x2] =	wrdreg s24  }
0xaf: {  	[dreg:$0x3] =	wrdreg s2  }
0xb0: {  	[dreg:$0x4] =	wrdreg $0x9  }
0xb1: {  	_ =	task.clear_ibuf [dreg:s7], $0x5FFFF;
	_ =	strace $0x9000004C  }
0xb2: {  	s29 =	simm.s32 $0x9;
	_ =	strace $0x8000004E  }
0xb3: {  	_ =	swait.ge [sflag:s29], $0x1  }
0xb4: {  	[sflag:s29] =	ssyncadd.s32 $0xFFFFFFFF  }
0xb5: {  	_ =	strace $0x9000004E  }
0xb6: {  	_ =	sfence  }
0xb7: {  	s30 =	sld [smem:$0x0];
	_ =	sdelay $0x2  }
0xb8: {  	s31 =	sshll.u32 s1, $0xD;
	s1 =	sshrl.u32 s1, $0x2  }
0xb9: {  	s3 =	sand.u32 $0x4000, s31;
	s1 =	sadd.s32 s1, s30  }
0xba: {  	s0 =	sor.u32 s3, s0;
	s1 =	sshll.u32 s1, $0x11  }
0xbb: {  	s0 =	sor.u32 s1, s0  }
0xbc: {  	s0 =	sadd.s32 $0x8F2B, s0  }
0xbd: {  	[sflag:s0] =	ssyncadd.remote.s32 $0x1  }
0xbe: {  	_ =	sfence.sel $0xFFFF  }
0xbf: {  	[dreg:$0x0] =	wrdreg $0xFFFFFFFF;
	(pc) =	sbr.abs _section_cstart, $3  }
0xc0: {  	[dreg:$0x1] =	wrdreg $0xFFFFFFFF  }
0xc1: {  	_ =	task.clear_ibuf [dreg:s7], $0x2FFFF;
	_ =	strace $0x9FFFFFFF  }
0xc2: {  	(tm) =	ssettm $0x7FFFFFFF  }
0xc3: {  	_ =	shalt  }
tec
execute0_lowered:
.L_overlay_start_1:
0x0: {  	(tag) =	ssettag $0x1  }
0x1: {  	s3 =	rddreg [dreg:$0x0]  }
0x2: {  	s7 =	rddreg [dreg:$0x1]  }
0x3: {  	s0 =	rddreg [dreg:$0x2]  }
0x4: {  	s2 =	simm.s32 $0x0;
	s4 =	srdreg.scid;
	s1 =	stileid.u32  }
0x5: {  	s13 =	simm.s32 $0x0;
	[smem:$0x7FF] =	sst s2;
	s4 =	sand.u32 $0x1, s4  }
0x6: {  	s5 =	sshll.u32 s1, $0x1;
	s6 =	sadd.s32 $0x21800, s3;
	s8 =	sadd.s32 $0x1800, s3  }
0x7: {  	_ =	strace $0x8000004D;
	s5 =	sor.u32 s4, s5;
	s29 =	ssub.s32 $0x2, s4  }
0x8: {  	s30 =	sshll.u32 s5, $0x7;
	s9 =	sshrl.u32 s29, $0x1;
	s10 =	smul.u32 $0x780, s5  }
0x9: {  	s31 =	sshll.u32 s5, $0x8;
	s11 =	sor.u32 $0x1000, s30;
	s9 =	ssub.s32 s29, s9  }
0xa: {  	s3 =	sadd.s32 s6, s31;
	s12 =	smul.u32 $0xF, s11;
	s4 =	sadd.s32 s7, s10  }
0xb: {  	s11 =	sshll.u32 s11, $0x1;
	s5 =	sadd.s32 s8, s10;
	s9 =	smax.u32 s9, $0x1  }
0xc: {  	s10 =	simm.s32 $0x1;
	s6 =	sadd.s32 s6, s11;
	s11 =	simm.s32 $0x800  }
0xd: {  	s7 =	sadd.s32 s7, s12;
	s8 =	sadd.s32 s8, s12;
	s12 =	simm.s32 $0x4400  }
.LBB2_1:
0xe: {  	[tilespmem:s2], [sflag:$0x1] =	stream.linear.gather [hbm4b:s3+s2], $0x800, $0x38;
	[tilespmem:$0x8000] =	vst v63  }
0xf: {  	_ =	swait.ge [sflag:s10], $0x800  }
0x10: {  	[sflag:s10] =	ssyncset.done $0x0  }
0x11: {  	[sflag:s10] =	ssyncadd.s32 $0xFFFFF800  }
0x12: {  	[tilespmem:s11], [sflag:$0x1] =	stream.linear.gather [hbm4b:s4+s2], $0x3C00, $0x38;
	[tilespmem:$0x8000] =	vst v63  }
0x13: {  	_ =	swait.ge [sflag:s10], $0x3C00  }
0x14: {  	s14 =	simm.s32 $0x840;
	[sflag:s10] =	ssyncset.done $0x0  }
0x15: {  	s15 =	simm.s32 $0x4440;
	s16 =	simm.s32 $0x0;
	[sflag:s10] =	ssyncadd.s32 $0xFFFFC400  }
.LBB2_2:
0x16: {  	v0 =	vld [tilespmem:s14+$0xFFFFFFC0];
	_ =	sdelay $0x4  }
0x17: {  	v0 =	vadd.s32 s16, v0;
	_ =	sdelay $0x4  }
0x18: {  	v0 =	vld.idx.msk [tilespmem:v0+s2+$0x0], $0xffff;
	_ =	sdelay $0x4  }
0x19: {  	[tilespmem:s15+$0xFFFFFFC0] =	vst v0  }
0x1a: {  	v0 =	vld [tilespmem:s14+$0xFFFFFFD0];
	_ =	sdelay $0x4  }
0x1b: {  	v0 =	vadd.s32 s16, v0;
	_ =	sdelay $0x4  }
0x1c: {  	v0 =	vld.idx.msk [tilespmem:v0+s2+$0x0], $0xffff;
	_ =	sdelay $0x4  }
0x1d: {  	[tilespmem:s15+$0xFFFFFFD0] =	vst v0  }
0x1e: {  	v0 =	vld [tilespmem:s14+$0xFFFFFFE0];
	_ =	sdelay $0x4  }
0x1f: {  	v0 =	vadd.s32 s16, v0;
	_ =	sdelay $0x4  }
0x20: {  	v0 =	vld.idx.msk [tilespmem:v0+s2+$0x0], $0xffff;
	_ =	sdelay $0x4  }
0x21: {  	[tilespmem:s15+$0xFFFFFFE0] =	vst v0  }
0x22: {  	v0 =	vld [tilespmem:s14+$0xFFFFFFF0];
	_ =	sdelay $0x4  }
0x23: {  	v0 =	vadd.s32 s16, v0;
	_ =	sdelay $0x4  }
0x24: {  	v0 =	vld.idx.msk [tilespmem:v0+s2+$0x0], $0xffff;
	_ =	sdelay $0x4  }
0x25: {  	[tilespmem:s15+$0xFFFFFFF0] =	vst v0  }
0x26: {  	v0 =	vld [tilespmem:s14+$0x0];
	_ =	sdelay $0x4  }
0x27: {  	v0 =	vadd.s32 s16, v0;
	_ =	sdelay $0x4  }
0x28: {  	v0 =	vld.idx.msk [tilespmem:v0+s2+$0x0], $0xffff;
	_ =	sdelay $0x4  }
0x29: {  	[tilespmem:s15+$0x0] =	vst v0  }
0x2a: {  	v0 =	vld [tilespmem:s14+$0x10];
	_ =	sdelay $0x4  }
0x2b: {  	v0 =	vadd.s32 s16, v0;
	_ =	sdelay $0x4  }
0x2c: {  	v0 =	vld.idx.msk [tilespmem:v0+s2+$0x0], $0xffff;
	_ =	sdelay $0x4  }
0x2d: {  	[tilespmem:s15+$0x10] =	vst v0  }
0x2e: {  	v0 =	vld [tilespmem:s14+$0x20];
	_ =	sdelay $0x4  }
0x2f: {  	v0 =	vadd.s32 s16, v0;
	_ =	sdelay $0x4  }
0x30: {  	v0 =	vld.idx.msk [tilespmem:v0+s2+$0x0], $0xffff;
	_ =	sdelay $0x4  }
0x31: {  	[tilespmem:s15+$0x20] =	vst v0  }
0x32: {  	v0 =	vld [tilespmem:s14+$0x28];
	_ =	sdelay $0x4  }
0x33: {  	v0 =	vadd.s32 s16, v0;
	_ =	sdelay $0x4  }
0x34: {  	p0 =	sne.s32 s16, $0x7F0;
	v0 =	vld.idx.msk [tilespmem:v0+s2+$0x0], $0xffff  }
.Ltmp0:
0x35: {  	_ = 	snop;
	(pc) =	sbr.rel @p0 .LBB2_2-.Ltmp0, $2  }
0x36: {  	_ =	sdelay $0x2  }
0x37: {  	s14 =	sadd.s32 $0x78, s14;
	s16 =	sadd.s32 $0x10, s16;
	[tilespmem:s15+$0x28] =	vst v0;
	s15 =	sadd.s32 $0x78, s15  }
0x38: {  	s14 =	simm.s32 $0x0  }
0x39: {  	[hbm4b:s5+s14] =	stream.linear.scatter [tilespmem:s12], [sflag:$0x1], $0x3C00, $0x38;
	[tilespmem:$0x8000] =	vst v63  }
0x3a: {  	_ =	swait.ge [sflag:s10], $0x3C00  }
0x3b: {  	[sflag:s10] =	ssyncset.done $0x0  }
0x3c: {  	[sflag:s10] =	ssyncadd.s32 $0xFFFFC400  }
0x3d: {  	[tilespmem:s14], [sflag:$0x1] =	stream.linear.gather [hbm4b:s6+s14], $0x800, $0x38;
	[tilespmem:$0x8000] =	vst v63  }
0x3e: {  	_ =	swait.ge [sflag:s10], $0x800  }
0x3f: {  	[sflag:s10] =	ssyncset.done $0x0  }
0x40: {  	[sflag:s10] =	ssyncadd.s32 $0xFFFFF800  }
0x41: {  	[tilespmem:s11], [sflag:$0x1] =	stream.linear.gather [hbm4b:s7+s14], $0x3C00, $0x38;
	[tilespmem:$0x8000] =	vst v63  }
0x42: {  	_ =	swait.ge [sflag:s10], $0x3C00  }
0x43: {  	[sflag:s10] =	ssyncset.done $0x0  }
0x44: {  	s15 =	simm.s32 $0x840;
	s16 =	simm.s32 $0x4440;
	[sflag:s10] =	ssyncadd.s32 $0xFFFFC400  }
.LBB2_4:
0x45: {  	v0 =	vld [tilespmem:s15+$0xFFFFFFC0];
	_ =	sdelay $0x4  }
0x46: {  	v0 =	vadd.s32 s14, v0;
	_ =	sdelay $0x4  }
0x47: {  	v0 =	vld.idx.msk [tilespmem:v0+s2+$0x0], $0xffff;
	_ =	sdelay $0x4  }
0x48: {  	[tilespmem:s16+$0xFFFFFFC0] =	vst v0  }
0x49: {  	v0 =	vld [tilespmem:s15+$0xFFFFFFD0];
	_ =	sdelay $0x4  }
0x4a: {  	v0 =	vadd.s32 s14, v0;
	_ =	sdelay $0x4  }
0x4b: {  	v0 =	vld.idx.msk [tilespmem:v0+s2+$0x0], $0xffff;
	_ =	sdelay $0x4  }
0x4c: {  	[tilespmem:s16+$0xFFFFFFD0] =	vst v0  }
0x4d: {  	v0 =	vld [tilespmem:s15+$0xFFFFFFE0];
	_ =	sdelay $0x4  }
0x4e: {  	v0 =	vadd.s32 s14, v0;
	_ =	sdelay $0x4  }
0x4f: {  	v0 =	vld.idx.msk [tilespmem:v0+s2+$0x0], $0xffff;
	_ =	sdelay $0x4  }
0x50: {  	[tilespmem:s16+$0xFFFFFFE0] =	vst v0  }
0x51: {  	v0 =	vld [tilespmem:s15+$0xFFFFFFF0];
	_ =	sdelay $0x4  }
0x52: {  	v0 =	vadd.s32 s14, v0;
	_ =	sdelay $0x4  }
0x53: {  	v0 =	vld.idx.msk [tilespmem:v0+s2+$0x0], $0xffff;
	_ =	sdelay $0x4  }
0x54: {  	[tilespmem:s16+$0xFFFFFFF0] =	vst v0  }
0x55: {  	v0 =	vld [tilespmem:s15+$0x0];
	_ =	sdelay $0x4  }
0x56: {  	v0 =	vadd.s32 s14, v0;
	_ =	sdelay $0x4  }
0x57: {  	v0 =	vld.idx.msk [tilespmem:v0+s2+$0x0], $0xffff;
	_ =	sdelay $0x4  }
0x58: {  	[tilespmem:s16+$0x0] =	vst v0  }
0x59: {  	v0 =	vld [tilespmem:s15+$0x10];
	_ =	sdelay $0x4  }
0x5a: {  	v0 =	vadd.s32 s14, v0;
	_ =	sdelay $0x4  }
0x5b: {  	v0 =	vld.idx.msk [tilespmem:v0+s2+$0x0], $0xffff;
	_ =	sdelay $0x4  }
0x5c: {  	[tilespmem:s16+$0x10] =	vst v0  }
0x5d: {  	v0 =	vld [tilespmem:s15+$0x20];
	_ =	sdelay $0x4  }
0x5e: {  	v0 =	vadd.s32 s14, v0;
	_ =	sdelay $0x4  }
0x5f: {  	v0 =	vld.idx.msk [tilespmem:v0+s2+$0x0], $0xffff;
	_ =	sdelay $0x4  }
0x60: {  	[tilespmem:s16+$0x20] =	vst v0  }
0x61: {  	v0 =	vld [tilespmem:s15+$0x28];
	_ =	sdelay $0x4  }
0x62: {  	v0 =	vadd.s32 s14, v0;
	_ =	sdelay $0x4  }
0x63: {  	p0 =	sne.s32 s14, $0x7F0;
	v0 =	vld.idx.msk [tilespmem:v0+s2+$0x0], $0xffff  }
.Ltmp1:
0x64: {  	_ = 	snop;
	(pc) =	sbr.rel @p0 .LBB2_4-.Ltmp1, $2  }
0x65: {  	_ =	sdelay $0x2  }
0x66: {  	s15 =	sadd.s32 $0x78, s15;
	s14 =	sadd.s32 $0x10, s14;
	[tilespmem:s16+$0x28] =	vst v0;
	s16 =	sadd.s32 $0x78, s16  }
0x67: {  	s13 =	sadd.s32 $0x1, s13  }
0x68: {  	p0 =	sne.s32 s13, s9  }
.Ltmp2:
0x69: {  	_ = 	snop;
	(pc) =	sbr.rel @p0 .LBB2_1-.Ltmp2, $4  }
0x6a: {  	[hbm4b:s8+s2] =	stream.linear.scatter [tilespmem:s12], [sflag:$0x1], $0x3C00, $0x38;
	[tilespmem:$0x8000] =	vst v63  }
0x6b: {  	_ =	swait.ge [sflag:s10], $0x3C00  }
0x6c: {  	[sflag:s10] =	ssyncset.done $0x0  }
0x6d: {  	[sflag:s10] =	ssyncadd.s32 $0xFFFFC400  }
0x6e: {  	_ =	sfence.sel $0x180000  }
0x6f: {  	[bflag:$0x0] =	sbarrier.arrive $0xFFFF  }
0x70: {  	p0 =	sne.s32 s1, $0x0;
	_ =	strace $0x9000004D  }
0x71: {  	s0 =	sadd.s32 @!p0 $0x100000, s0;
	[bflag:$0x2] =	sbarrier.arrive $0xFFFF  }
0x72: {  	[sflag:s0] =	ssyncadd.tile.s32 @!p0 $0x1;
	_ =	shalt  }
.Lfunc_end2:
_tile_overlayer_lowered:
.L_overlay_start_2:
0x73: {  	(tag) =	ssettag $0x2  }
0x74: {  	s0 =	rddreg [dreg:$0x0];
	s2 =	stileid.u32  }
0x75: {  	s1 =	rddreg [dreg:$0x1];
	p0 =	sne.s32 s2, $0x0  }
0x76: {  	s3 =	rddreg [dreg:$0x2];
	[bflag:$0x3] =	sbarrier.arrive $0xFFFF;
	s2 =	simm.s32 @!p0 $0x1C01  }
0x77: {  	[timem:s3], [sflag:s2] =	dma.local @!p0 [hbm:s0], s1  }
0x78: {  	s0 =	simm.s32 @!p0 $0x1  }
0x79: {  	_ =	swait.ge @!p0 [sflag:s0], s1  }
0x7a: {  	s1 =	ssub.s32 @!p0 $0x0, s1;
	[sflag:s0] =	ssyncset.done @!p0 $0x0  }
0x7b: {  	[sflag:s0] =	ssyncadd.s32 @!p0 s1  }
0x7c: {  	[bflag:$0x3] =	sbarrier.arrive $0xFFFF  }
0x7d: {  	_ =	shalt  }

</sc_bundles>
